<compile_context>
chip_gen: v7x
topology: tpu7x:2x2x1
jax: 0.10.2.dev20260603
libtpu: 0.0.44.dev20260713+nightly
codegen_flags: <defaults>
</compile_context>

<pallas_src>
import jax
import jax.numpy as jnp
from jax import lax
from jax.experimental import pallas as pl
from jax.experimental.pallas import tpu as pltpu
from jax.experimental.pallas import tpu_sc as plsc

T = 2048
D = 1024
F = 256
E = 64
K = 2
FS = 2048
TM = 64
NT = (T * K) // TM + E
NP = NT * TM
DP = D // 2

NC, NS = 2, 16
NW = NC * NS


def _cumsum_rows(a):
    n = a.shape[0]
    s = 1
    while s < n:
        a = a + jnp.concatenate(
            [jnp.zeros((s, a.shape[1]), a.dtype), a[:-s]], axis=0)
        s *= 2
    return a


def _route_body(x_ref, gw_ref, pos_ref, w_ref, texp_ref, xp_ref):
    xf = x_ref[...]
    gw = gw_ref[...]
    logits = lax.dot_general(xf, gw, (((1,), (1,)), ((), ())),
                             preferred_element_type=jnp.float32)
    m = jnp.max(logits, axis=-1, keepdims=True)
    ex = jnp.exp(logits - m)
    sc = ex / jnp.sum(ex, axis=-1, keepdims=True)

    lane = lax.broadcasted_iota(jnp.int32, (T, E), 1)
    m1 = jnp.max(sc, axis=-1, keepdims=True)
    i1 = jnp.min(jnp.where(sc == m1, lane, E), axis=-1, keepdims=True)
    sc2 = jnp.where(lane == i1, -1.0, sc)
    m2 = jnp.max(sc2, axis=-1, keepdims=True)
    i2 = jnp.min(jnp.where(sc2 == m2, lane, E), axis=-1, keepdims=True)

    d = jnp.exp(m2 - m1)
    w1 = 1.0 / (1.0 + d)
    w2 = d / (1.0 + d)

    oh1 = (lane == i1).astype(jnp.float32)
    oh2 = (lane == i2).astype(jnp.float32)
    cum1 = _cumsum_rows(oh1)
    cum2 = _cumsum_rows(oh2)
    c1 = cum1[T - 1:T, :]
    counts = c1 + cum2[T - 1:T, :]

    rank1 = jnp.sum(oh1 * cum1, axis=-1, keepdims=True) - 1.0
    rank2 = jnp.sum(oh2 * (cum2 + c1), axis=-1, keepdims=True) - 1.0

    nt = (counts.astype(jnp.int32) + (TM - 1)) // TM
    a64 = lax.broadcasted_iota(jnp.int32, (E, E), 0)
    b64 = lax.broadcasted_iota(jnp.int32, (E, E), 1)
    tri = (a64 < b64).astype(jnp.float32)
    po_f = lax.dot_general(nt.astype(jnp.float32), tri,
                           (((1,), (0,)), ((), ())),
                           preferred_element_type=jnp.float32) * TM

    pos1 = (jnp.sum(oh1 * po_f, axis=-1, keepdims=True)
            + rank1).astype(jnp.int32)
    pos2 = (jnp.sum(oh2 * po_f, axis=-1, keepdims=True)
            + rank2).astype(jnp.int32)

    pos_ref[...] = jnp.concatenate([pos1, pos2], axis=1)
    w_ref[...] = jnp.concatenate([w1, w2], axis=1)

    u = lax.bitcast_convert_type(xf, jnp.uint32)
    r = (u + 0x7FFF + ((u >> 16) & 1)) >> 16
    xp_ref[...] = r[:, :DP] | (r[:, DP:] << 16)

    jt = lax.broadcasted_iota(jnp.int32, (NT, E), 0)
    start = po_f.astype(jnp.int32) // TM
    ind = (jt >= start) & (jt < start + nt)
    lane2 = lax.broadcasted_iota(jnp.int32, (NT, E), 1)
    texp_ref[...] = jnp.sum(jnp.where(ind, lane2, 0), axis=1,
                            keepdims=True)


def _route(xf, gate_w):
    return pl.pallas_call(
        _route_body,
        out_shape=[
            jax.ShapeDtypeStruct((T, K), jnp.int32),
            jax.ShapeDtypeStruct((T, K), jnp.float32),
            jax.ShapeDtypeStruct((NT, 1), jnp.int32),
            jax.ShapeDtypeStruct((T, DP), jnp.uint32),
        ],
    )(xf, gate_w)


def _scatter_body(pos_hbm, wp_hbm, src_hbm, wrow_hbm,
                  posv, wpv, srcv, wrv, sem):
    wid = lax.axis_index("s") * NC + lax.axis_index("c")

    @pl.when(wid == 0)
    def _():
        pltpu.sync_copy(pos_hbm, posv)
        pltpu.sync_copy(wp_hbm, wpv)

        def init(i, _):
            srcv[pl.ds(i * 16, 16)] = jnp.zeros((16,), jnp.int32)
            wrv[pl.ds(i * 16, 16)] = jnp.zeros((16,), jnp.float32)
            return 0
        lax.fori_loop(0, NP // 16, init, 0)

        iota = lax.iota(jnp.int32, 16)

        def scat(i, _):
            off = i * 16
            idx = posv[pl.ds(off, 16)]
            tok = (off + iota) >> 1
            wv16 = wpv[pl.ds(off, 16)]
            plsc.store_scatter(srcv, [idx], tok)
            plsc.store_scatter(wrv, [idx], wv16)
            return 0
        lax.fori_loop(0, (T * K) // 16, scat, 0)

        pltpu.sync_copy(srcv, src_hbm)
        pltpu.sync_copy(wrv, wrow_hbm)


def _scatter(posf, wf):
    mesh = plsc.VectorSubcoreMesh(core_axis_name="c", subcore_axis_name="s")
    return pl.kernel(
        _scatter_body,
        out_type=[
            jax.ShapeDtypeStruct((NP,), jnp.int32),
            jax.ShapeDtypeStruct((NP,), jnp.float32),
        ],
        mesh=mesh,
        compiler_params=pltpu.CompilerParams(needs_layout_passes=False),
        scratch_types=[
            pltpu.VMEM((T * K,), jnp.int32),
            pltpu.VMEM((T * K,), jnp.float32),
            pltpu.VMEM((NP,), jnp.int32),
            pltpu.VMEM((NP,), jnp.float32),
            pltpu.SemaphoreType.DMA,
        ],
    )(posf, wf)


_GCH = 32
NPH = NP // 2
_GPW = NPH // NW
_GNC = _GPW // _GCH
_GNB = 4


def _make_gather_body(off):
  def _gather_body(src_hbm, x_hbm, xs_hbm, idxv, r0, r1, r2, r3,
                   s0, s1, s2, s3, osem):
    wid = lax.axis_index("s") * NC + lax.axis_index("c")
    base = wid * _GPW
    pltpu.sync_copy(src_hbm.at[pl.ds(off + base, _GPW)], idxv)
    bufs = (r0, r1, r2, r3)
    sems = (s0, s1, s2, s3)

    def fire(g):
        return pltpu.async_copy(
            x_hbm.at[idxv.at[pl.ds(g * _GCH, _GCH)]], bufs[g % _GNB],
            sems[g % _GNB])

    copies = [fire(g) for g in range(_GNB)]
    outs = []
    for g in range(_GNC):
        copies[g].wait()
        outs.append(pltpu.async_copy(
            bufs[g % _GNB], xs_hbm.at[pl.ds(base + g * _GCH, _GCH)], osem))
        if g + _GNB < _GNC:
            outs[g].wait()
            copies.append(fire(g + _GNB))
    for g in range(max(0, _GNC - _GNB), _GNC):
        outs[g].wait()
  return _gather_body


def _gather(src, xf, off):
    mesh = plsc.VectorSubcoreMesh(core_axis_name="c", subcore_axis_name="s")
    return pl.kernel(
        _make_gather_body(off),
        out_type=jax.ShapeDtypeStruct((NPH, DP), jnp.uint32),
        mesh=mesh,
        compiler_params=pltpu.CompilerParams(needs_layout_passes=False),
        scratch_types=[
            pltpu.VMEM((_GPW,), jnp.int32),
            pltpu.VMEM((_GCH, DP), jnp.uint32),
            pltpu.VMEM((_GCH, DP), jnp.uint32),
            pltpu.VMEM((_GCH, DP), jnp.uint32),
            pltpu.VMEM((_GCH, DP), jnp.uint32),
            pltpu.SemaphoreType.DMA,
            pltpu.SemaphoreType.DMA,
            pltpu.SemaphoreType.DMA,
            pltpu.SemaphoreType.DMA,
            pltpu.SemaphoreType.DMA,
        ],
    )(src, xf)


def _ffn_body(texp_ref, xs_ref, w_ref, w1_ref, b1_ref, w2_ref, b2_ref,
              w3_ref, b3_ref, ys_ref):
    xw = xs_ref[...]
    x_lo = lax.bitcast_convert_type(xw << 16, jnp.float32)
    x_hi = lax.bitcast_convert_type(xw & jnp.uint32(0xFFFF0000), jnp.float32)

    def two_dot(wr):
        w = wr[0]
        return (lax.dot_general(x_lo, w[:, :DP], (((1,), (1,)), ((), ())),
                                preferred_element_type=jnp.float32)
                + lax.dot_general(x_hi, w[:, DP:], (((1,), (1,)), ((), ())),
                                  preferred_element_type=jnp.float32))

    h1 = two_dot(w1_ref) + b1_ref[0]
    h3 = two_dot(w3_ref) + b3_ref[0]
    p = h1 * h3
    h = p / (1.0 + jnp.exp(-p))
    out = lax.dot_general(h, w2_ref[0], (((1,), (1,)), ((), ())),
                          preferred_element_type=jnp.float32) + b2_ref[0]
    ys_ref[...] = out * w_ref[...]


def _ffn_body_alias(texp_ref, xs_ref, w_ref, w1_ref, b1_ref, w2_ref,
                    b2_ref, w3_ref, b3_ref, ysin_ref, ys_ref):
    _ffn_body(texp_ref, xs_ref, w_ref, w1_ref, b1_ref, w2_ref, b2_ref,
              w3_ref, b3_ref, ys_ref)


NTH = NT // 2


def _grouped_ffn_half1(texp, xs1, wrow, W1, b1, W2, b2, W3, b3):
    grid_spec = pltpu.PrefetchScalarGridSpec(
        num_scalar_prefetch=1,
        grid=(NTH,),
        in_specs=[
            pl.BlockSpec((TM, DP), lambda j, te: (j, 0)),
            pl.BlockSpec((TM, 1), lambda j, te: (j, 0)),
            pl.BlockSpec((1, F, D), lambda j, te: (te[j], 0, 0)),
            pl.BlockSpec((1, 1, F), lambda j, te: (te[j], 0, 0)),
            pl.BlockSpec((1, D, F), lambda j, te: (te[j], 0, 0)),
            pl.BlockSpec((1, 1, D), lambda j, te: (te[j], 0, 0)),
            pl.BlockSpec((1, F, D), lambda j, te: (te[j], 0, 0)),
            pl.BlockSpec((1, 1, F), lambda j, te: (te[j], 0, 0)),
        ],
        out_specs=pl.BlockSpec((TM, D), lambda j, te: (j, 0)),
    )
    return pl.pallas_call(
        _ffn_body,
        grid_spec=grid_spec,
        out_shape=jax.ShapeDtypeStruct((NP, D), jnp.float32),
    )(texp, xs1, wrow, W1, b1, W2, b2, W3, b3)


def _grouped_ffn_half2(texp, xs2, wrow, W1, b1, W2, b2, W3, b3, ys1):
    grid_spec = pltpu.PrefetchScalarGridSpec(
        num_scalar_prefetch=1,
        grid=(NTH,),
        in_specs=[
            pl.BlockSpec((TM, DP), lambda j, te: (j, 0)),
            pl.BlockSpec((TM, 1), lambda j, te: (j + NTH, 0)),
            pl.BlockSpec((1, F, D), lambda j, te: (te[j + NTH], 0, 0)),
            pl.BlockSpec((1, 1, F), lambda j, te: (te[j + NTH], 0, 0)),
            pl.BlockSpec((1, D, F), lambda j, te: (te[j + NTH], 0, 0)),
            pl.BlockSpec((1, 1, D), lambda j, te: (te[j + NTH], 0, 0)),
            pl.BlockSpec((1, F, D), lambda j, te: (te[j + NTH], 0, 0)),
            pl.BlockSpec((1, 1, F), lambda j, te: (te[j + NTH], 0, 0)),
            pl.BlockSpec((TM, D), lambda j, te: (j + NTH, 0)),
        ],
        out_specs=pl.BlockSpec((TM, D), lambda j, te: (j + NTH, 0)),
    )
    return pl.pallas_call(
        _ffn_body_alias,
        grid_spec=grid_spec,
        out_shape=jax.ShapeDtypeStruct((NP, D), jnp.float32),
        input_output_aliases={9: 0},
    )(texp, xs2, wrow, W1, b1, W2, b2, W3, b3, ys1)


def _shared_body(x_ref, w1_ref, b1_ref, w2_ref, b2_ref, w3_ref, b3_ref,
                 s_ref):
    xt = x_ref[...]
    h1 = lax.dot_general(xt, w1_ref[...], (((1,), (1,)), ((), ())),
                         preferred_element_type=jnp.float32) + b1_ref[...]
    h3 = lax.dot_general(xt, w3_ref[...], (((1,), (1,)), ((), ())),
                         preferred_element_type=jnp.float32) + b3_ref[...]
    p = h1 * h3
    h = p / (1.0 + jnp.exp(-p))
    s_ref[...] = lax.dot_general(h, w2_ref[...], (((1,), (1,)), ((), ())),
                                 preferred_element_type=jnp.float32) \
        + b2_ref[...]


_ET = 128


def _shared_ffn(xf, Ws1, bs1, Ws2, bs2, Ws3, bs3):
    return pl.pallas_call(
        _shared_body,
        grid=(T // _ET,),
        in_specs=[
            pl.BlockSpec((_ET, D), lambda i: (i, 0)),
            pl.BlockSpec((FS, D), lambda i: (0, 0)),
            pl.BlockSpec((FS,), lambda i: (0,)),
            pl.BlockSpec((D, FS), lambda i: (0, 0)),
            pl.BlockSpec((D,), lambda i: (0,)),
            pl.BlockSpec((FS, D), lambda i: (0, 0)),
            pl.BlockSpec((FS,), lambda i: (0,)),
        ],
        out_specs=pl.BlockSpec((_ET, D), lambda i: (i, 0)),
        out_shape=jax.ShapeDtypeStruct((T, D), jnp.float32),
    )(xf, Ws1, bs1, Ws2, bs2, Ws3, bs3)


_CTOK = 8
_TPW = T // NW


_FNC = _TPW // _CTOK


def _combine_body(pos_hbm, ys_hbm, s_hbm, y_hbm,
                  idxv, g0, g1, s0, s1, gs0, gs1, ss0, ss1):
    wid = lax.axis_index("s") * NC + lax.axis_index("c")
    tb0 = wid * _TPW
    pltpu.sync_copy(pos_hbm.at[pl.ds(tb0 * K, _TPW * K)], idxv)
    gb, sb = (g0, g1), (s0, s1)
    gsem, ssem = (gs0, gs1), (ss0, ss1)
    gcop, scop = [], []

    def combine_chunk(c):
        gcop[c].wait()
        scop[c].wait()
        gv, sv = gb[c % 2], sb[c % 2]
        for r in range(_CTOK):
            def body(c2, _, r=r, gv=gv, sv=sv):
                off = c2 * 16
                yv = (gv[2 * r, pl.ds(off, 16)]
                      + gv[2 * r + 1, pl.ds(off, 16)]
                      + sv[r, pl.ds(off, 16)])
                sv[r, pl.ds(off, 16)] = yv
                return 0
            lax.fori_loop(0, D // 16, body, 0)
        pltpu.sync_copy(sv, y_hbm.at[pl.ds(tb0 + c * _CTOK, _CTOK)])

    for ch in range(_FNC):
        gcop.append(pltpu.async_copy(
            ys_hbm.at[idxv.at[pl.ds(ch * _CTOK * K, _CTOK * K)]],
            gb[ch % 2], gsem[ch % 2]))
        scop.append(pltpu.async_copy(
            s_hbm.at[pl.ds(tb0 + ch * _CTOK, _CTOK)],
            sb[ch % 2], ssem[ch % 2]))
        if ch > 0:
            combine_chunk(ch - 1)
    combine_chunk(_FNC - 1)


def _combine(posf, ys, s):
    mesh = plsc.VectorSubcoreMesh(core_axis_name="c", subcore_axis_name="s")
    return pl.kernel(
        _combine_body,
        out_type=jax.ShapeDtypeStruct((T, D), jnp.float32),
        mesh=mesh,
        compiler_params=pltpu.CompilerParams(needs_layout_passes=False),
        scratch_types=[
            pltpu.VMEM((_TPW * K,), jnp.int32),
            pltpu.VMEM((_CTOK * K, D), jnp.float32),
            pltpu.VMEM((_CTOK * K, D), jnp.float32),
            pltpu.VMEM((_CTOK, D), jnp.float32),
            pltpu.VMEM((_CTOK, D), jnp.float32),
            pltpu.SemaphoreType.DMA,
            pltpu.SemaphoreType.DMA,
            pltpu.SemaphoreType.DMA,
            pltpu.SemaphoreType.DMA,
        ],
    )(posf, ys, s)


def kernel(x, gate_w, W1, b1, W2, b2, W3, b3, Ws1, bs1, Ws2, bs2, Ws3, bs3):
    shape = x.shape
    xf = x.reshape(-1, shape[-1])

    pos, wpair, texp2, xpack = _route(xf, gate_w)
    texp = texp2.reshape(NT)
    posf = pos.reshape(T * K)
    wf = wpair.reshape(T * K)

    srcv, wrow = _scatter(posf, wf)
    wrow2 = wrow.reshape(NP, 1)
    b1r, b2r, b3r = b1.reshape(E, 1, F), b2.reshape(E, 1, D), b3.reshape(E, 1, F)
    xs1 = _gather(srcv, xpack, 0)
    xs2 = _gather(srcv, xpack, NPH)
    ys1 = _grouped_ffn_half1(texp, xs1, wrow2, W1, b1r, W2, b2r, W3, b3r)
    ys = _grouped_ffn_half2(texp, xs2, wrow2, W1, b1r, W2, b2r, W3, b3r, ys1)
    s = _shared_ffn(xf, Ws1, bs1, Ws2, bs2, Ws3, bs3)
    y = _combine(posf, ys, s)
    return y.reshape(shape)

# --- scband reference (transcript-rebuilt; emitter-appended) ---
"""Pipeline reference for scband-tmoe-32684701123233 (READ-ONLY COPY).

The authoritative reference and input builder live on the scoring server;
editing this copy changes nothing except your own understanding.
"""

import jax, jax.numpy as jnp
import numpy as np

D_MODEL = 1024
D_FF = 256
NUM_EXPERTS = 64
TOP_K = 2
SHARED_MULT = 8
BATCH = 1
SEQ = 2048


def setup_inputs(seed: int = 0) -> dict:
    key = jax.random.key(seed)
    ks = jax.random.split(key, 16)
    s = 0.02
    x = jax.random.normal(ks[0], (BATCH, SEQ, D_MODEL), dtype=jnp.float32)
    gate_w = jax.random.normal(ks[1], (NUM_EXPERTS, D_MODEL), dtype=jnp.float32) * s
    W1 = jax.random.normal(ks[2], (NUM_EXPERTS, D_FF, D_MODEL), dtype=jnp.float32) * s
    b1 = jnp.zeros((NUM_EXPERTS, D_FF), dtype=jnp.float32)
    W2 = jax.random.normal(ks[3], (NUM_EXPERTS, D_MODEL, D_FF), dtype=jnp.float32) * s
    b2 = jnp.zeros((NUM_EXPERTS, D_MODEL), dtype=jnp.float32)
    W3 = jax.random.normal(ks[4], (NUM_EXPERTS, D_FF, D_MODEL), dtype=jnp.float32) * s
    b3 = jnp.zeros((NUM_EXPERTS, D_FF), dtype=jnp.float32)
    ffs = D_FF * SHARED_MULT
    Ws1 = jax.random.normal(ks[5], (ffs, D_MODEL), dtype=jnp.float32) * s
    bs1 = jnp.zeros((ffs,), dtype=jnp.float32)
    Ws2 = jax.random.normal(ks[6], (D_MODEL, ffs), dtype=jnp.float32) * s
    bs2 = jnp.zeros((D_MODEL,), dtype=jnp.float32)
    Ws3 = jax.random.normal(ks[7], (ffs, D_MODEL), dtype=jnp.float32) * s
    bs3 = jnp.zeros((ffs,), dtype=jnp.float32)
    return {"x": x, "gate_w": gate_w, "W1": W1, "b1": b1, "W2": W2, "b2": b2,
            "W3": W3, "b3": b3, "Ws1": Ws1, "bs1": bs1, "Ws2": Ws2, "bs2": bs2,
            "Ws3": Ws3, "bs3": bs3}


def reference(x, gate_w, W1, b1, W2, b2, W3, b3, Ws1, bs1, Ws2, bs2, Ws3, bs3):
    # Faithful JAX translation of MoELayer.forward (torch):
    #   scores = softmax(gate(x)); topk; renormalize topk weights with softmax;
    #   each token processed by its selected experts; expert FFN is
    #   linear2(silu(linear1(x) * linear3(x))); plus shared expert on identity.
    shape = x.shape
    xf = x.reshape(-1, shape[-1])
    T = xf.shape[0]
    E = gate_w.shape[0]
    scores = jax.nn.softmax(xf @ gate_w.T, axis=-1)
    ew, ei = jax.lax.top_k(scores, TOP_K)  # [T, k]
    ew = jax.nn.softmax(ew, axis=-1)
    # combine weights per (token, expert) via scatter-add; topk indices are
    # distinct per token, so this equals the torch per-slot weighted sum.
    comb = jnp.zeros((T, E), dtype=xf.dtype).at[jnp.arange(T)[:, None], ei].add(ew)
    y = jnp.zeros_like(xf)
    for e in range(E):
        h = jax.nn.silu((xf @ W1[e].T + b1[e]) * (xf @ W3[e].T + b3[e]))
        y = y + comb[:, e:e + 1] * (h @ W2[e].T + b2[e])
    # shared expert applied to the identity input
    hs = jax.nn.silu((xf @ Ws1.T + bs1) * (xf @ Ws3.T + bs3))
    y = y + (hs @ Ws2.T + bs2)
    return y.reshape(shape)

if __name__ == "__main__":
    import jax
    _d = setup_inputs()
    print(jax.jit(kernel)(*tuple(_d.values())))

</pallas_src>

<mosaic_0001>
#map = affine_map<(d0, d1) -> (0)>
#map1 = affine_map<(d0, d1) -> (0, 0)>
module attributes {stable_mosaic.version = 14 : i64} {
  func.func @_gather_body(%arg0: i32, %arg1: i32, %arg2: memref<8192xi32, #tpu.memory_space<hbm>>, %arg3: memref<2048x512xi32, #tpu.memory_space<hbm>>, %arg4: memref<4096x512xi32, #tpu.memory_space<hbm>>, %arg5: memref<128xi32, #tpu.memory_space<vmem>>, %arg6: memref<32x512xi32, #tpu.memory_space<vmem>>, %arg7: memref<32x512xi32, #tpu.memory_space<vmem>>, %arg8: memref<32x512xi32, #tpu.memory_space<vmem>>, %arg9: memref<32x512xi32, #tpu.memory_space<vmem>>, %arg10: memref<!tpu.dma_semaphore, #tpu.memory_space<semaphore_mem>>, %arg11: memref<!tpu.dma_semaphore, #tpu.memory_space<semaphore_mem>>, %arg12: memref<!tpu.dma_semaphore, #tpu.memory_space<semaphore_mem>>, %arg13: memref<!tpu.dma_semaphore, #tpu.memory_space<semaphore_mem>>, %arg14: memref<!tpu.dma_semaphore, #tpu.memory_space<semaphore_mem>>) attributes {dimension_semantics = [#tpu.dimension_semantics<core_parallel>, #tpu.dimension_semantics<subcore_parallel>], iteration_bounds = array<i64: 2, 16>, scalar_prefetch = 0 : i64, scratch_operands = 10 : i64, tpu.core_type = #tpu.core_type<sc_vector_subcore>, window_params = [{transform_indices = #map}, {transform_indices = #map1}, {transform_indices = #map1}]} {
    %mul3A = arith.constant 2 : i32
    %mul3A_0 = arith.muli %arg1, %mul3A : i32
    %add3A = arith.addi %mul3A_0, %arg0 : i32
    %mul3A_1 = arith.constant 128 : i32
    %mul3A_2 = arith.muli %add3A, %mul3A_1 : i32
    %add3A_3 = arith.constant 0 : i32
    %add3A_4 = arith.addi %add3A_3, %mul3A_2 : i32
    "tpu.region"() ({
      %run_scoped3A = tpu.sem_alloc : memref<!tpu.dma_semaphore, #tpu.memory_space<semaphore_mem>>
      %dma_start3A_83 = tpu.memref_slice %arg2[%add3A_4] : memref<8192xi32, #tpu.memory_space<hbm>> -> memref<128xi32, #tpu.memory_space<hbm>>
      %dma_start3A_84 = tpu.memref_slice %arg2[%add3A_4] : memref<8192xi32, #tpu.memory_space<hbm>> -> memref<128xi32, #tpu.memory_space<hbm>>
      tpu.enqueue_dma source(%dma_start3A_84 : memref<128xi32, #tpu.memory_space<hbm>>) target(%arg5 : memref<128xi32, #tpu.memory_space<vmem>>) target_semaphore(%run_scoped3A : memref<!tpu.dma_semaphore, #tpu.memory_space<semaphore_mem>>)
      %dma_wait3A_85 = tpu.memref_slice %arg2[%add3A_4] : memref<8192xi32, #tpu.memory_space<hbm>> -> memref<128xi32, #tpu.memory_space<hbm>>
      %dma_wait3A_86 = tpu.memref_slice %arg2[%add3A_4] : memref<8192xi32, #tpu.memory_space<hbm>> -> memref<128xi32, #tpu.memory_space<hbm>>
      tpu.wait_dma2 semaphore(%run_scoped3A : memref<!tpu.dma_semaphore, #tpu.memory_space<semaphore_mem>>) src(%dma_wait3A_86 : memref<128xi32, #tpu.memory_space<hbm>>) dst(%arg5 : memref<128xi32, #tpu.memory_space<vmem>>)
      tpu.yield
    }) : () -> ()
    %dma_start3A = arith.constant 0 : i32
    %dma_start3A_5 = tpu.memref_slice %arg5[%dma_start3A] : memref<128xi32, #tpu.memory_space<vmem>> -> memref<32xi32, #tpu.memory_space<vmem>>
    %dma_start3A_6 = arith.constant 0 : i32
    %dma_start3A_7 = arith.constant 0 : i32
    %dma_start3A_8 = tpu.memref_slice %arg3[%dma_start3A_6, %dma_start3A_7] : memref<2048x512xi32, #tpu.memory_space<hbm>> -> memref<2048x512xi32, #tpu.memory_space<hbm>>
    tpu.enqueue_indirect_dma source(%dma_start3A_8 : memref<2048x512xi32, #tpu.memory_space<hbm>>) target(%arg6 : memref<32x512xi32, #tpu.memory_space<vmem>>) offsets(%dma_start3A_5 : memref<32xi32, #tpu.memory_space<vmem>>) semaphore(%arg10 : memref<!tpu.dma_semaphore, #tpu.memory_space<semaphore_mem>>)
    %dma_start3A_9 = arith.constant 32 : i32
    %dma_start3A_10 = tpu.memref_slice %arg5[%dma_start3A_9] : memref<128xi32, #tpu.memory_space<vmem>> -> memref<32xi32, #tpu.memory_space<vmem>>
    %dma_start3A_11 = arith.constant 0 : i32
    %dma_start3A_12 = arith.constant 0 : i32
    %dma_start3A_13 = tpu.memref_slice %arg3[%dma_start3A_11, %dma_start3A_12] : memref<2048x512xi32, #tpu.memory_space<hbm>> -> memref<2048x512xi32, #tpu.memory_space<hbm>>
    tpu.enqueue_indirect_dma source(%dma_start3A_13 : memref<2048x512xi32, #tpu.memory_space<hbm>>) target(%arg7 : memref<32x512xi32, #tpu.memory_space<vmem>>) offsets(%dma_start3A_10 : memref<32xi32, #tpu.memory_space<vmem>>) semaphore(%arg11 : memref<!tpu.dma_semaphore, #tpu.memory_space<semaphore_mem>>)
    %dma_start3A_14 = arith.constant 64 : i32
    %dma_start3A_15 = tpu.memref_slice %arg5[%dma_start3A_14] : memref<128xi32, #tpu.memory_space<vmem>> -> memref<32xi32, #tpu.memory_space<vmem>>
    %dma_start3A_16 = arith.constant 0 : i32
    %dma_start3A_17 = arith.constant 0 : i32
    %dma_start3A_18 = tpu.memref_slice %arg3[%dma_start3A_16, %dma_start3A_17] : memref<2048x512xi32, #tpu.memory_space<hbm>> -> memref<2048x512xi32, #tpu.memory_space<hbm>>
    tpu.enqueue_indirect_dma source(%dma_start3A_18 : memref<2048x512xi32, #tpu.memory_space<hbm>>) target(%arg8 : memref<32x512xi32, #tpu.memory_space<vmem>>) offsets(%dma_start3A_15 : memref<32xi32, #tpu.memory_space<vmem>>) semaphore(%arg12 : memref<!tpu.dma_semaphore, #tpu.memory_space<semaphore_mem>>)
    %dma_start3A_19 = arith.constant 96 : i32
    %dma_start3A_20 = tpu.memref_slice %arg5[%dma_start3A_19] : memref<128xi32, #tpu.memory_space<vmem>> -> memref<32xi32, #tpu.memory_space<vmem>>
    %dma_start3A_21 = arith.constant 0 : i32
    %dma_start3A_22 = arith.constant 0 : i32
    %dma_start3A_23 = tpu.memref_slice %arg3[%dma_start3A_21, %dma_start3A_22] : memref<2048x512xi32, #tpu.memory_space<hbm>> -> memref<2048x512xi32, #tpu.memory_space<hbm>>
    tpu.enqueue_indirect_dma source(%dma_start3A_23 : memref<2048x512xi32, #tpu.memory_space<hbm>>) target(%arg9 : memref<32x512xi32, #tpu.memory_space<vmem>>) offsets(%dma_start3A_20 : memref<32xi32, #tpu.memory_space<vmem>>) semaphore(%arg13 : memref<!tpu.dma_semaphore, #tpu.memory_space<semaphore_mem>>)
    %dma_wait3A = arith.constant 0 : i32
    %dma_wait3A_24 = tpu.memref_slice %arg5[%dma_wait3A] : memref<128xi32, #tpu.memory_space<vmem>> -> memref<32xi32, #tpu.memory_space<vmem>>
    %dma_wait3A_25 = arith.constant 0 : i32
    %dma_wait3A_26 = arith.constant 0 : i32
    %dma_wait3A_27 = tpu.memref_slice %arg3[%dma_wait3A_25, %dma_wait3A_26] : memref<2048x512xi32, #tpu.memory_space<hbm>> -> memref<2048x512xi32, #tpu.memory_space<hbm>>
    tpu.wait_indirect_dma semaphore(%arg10 : memref<!tpu.dma_semaphore, #tpu.memory_space<semaphore_mem>>) src(%dma_wait3A_27 : memref<2048x512xi32, #tpu.memory_space<hbm>>) dst(%arg6 : memref<32x512xi32, #tpu.memory_space<vmem>>)
    %add3A_28 = arith.constant 0 : i32
    %add3A_29 = arith.addi %mul3A_2, %add3A_28 : i32
    %dma_start3A_30 = arith.constant 0 : i32
    %dma_start3A_31 = tpu.memref_slice %arg4[%add3A_29, %dma_start3A_30] : memref<4096x512xi32, #tpu.memory_space<hbm>> -> memref<32x512xi32, #tpu.memory_space<hbm>>
    %dma_start3A_32 = arith.constant 0 : i32
    %dma_start3A_33 = tpu.memref_slice %arg4[%add3A_29, %dma_start3A_32] : memref<4096x512xi32, #tpu.memory_space<hbm>> -> memref<32x512xi32, #tpu.memory_space<hbm>>
    tpu.enqueue_dma source(%arg6 : memref<32x512xi32, #tpu.memory_space<vmem>>) target(%dma_start3A_33 : memref<32x512xi32, #tpu.memory_space<hbm>>) target_semaphore(%arg14 : memref<!tpu.dma_semaphore, #tpu.memory_space<semaphore_mem>>)
    %dma_wait3A_34 = arith.constant 32 : i32
    %dma_wait3A_35 = tpu.memref_slice %arg5[%dma_wait3A_34] : memref<128xi32, #tpu.memory_space<vmem>> -> memref<32xi32, #tpu.memory_space<vmem>>
    %dma_wait3A_36 = arith.constant 0 : i32
    %dma_wait3A_37 = arith.constant 0 : i32
    %dma_wait3A_38 = tpu.memref_slice %arg3[%dma_wait3A_36, %dma_wait3A_37] : memref<2048x512xi32, #tpu.memory_space<hbm>> -> memref<2048x512xi32, #tpu.memory_space<hbm>>
    tpu.wait_indirect_dma semaphore(%arg11 : memref<!tpu.dma_semaphore, #tpu.memory_space<semaphore_mem>>) src(%dma_wait3A_38 : memref<2048x512xi32, #tpu.memory_space<hbm>>) dst(%arg7 : memref<32x512xi32, #tpu.memory_space<vmem>>)
    %add3A_39 = arith.constant 32 : i32
    %add3A_40 = arith.addi %mul3A_2, %add3A_39 : i32
    %dma_start3A_41 = arith.constant 0 : i32
    %dma_start3A_42 = tpu.memref_slice %arg4[%add3A_40, %dma_start3A_41] : memref<4096x512xi32, #tpu.memory_space<hbm>> -> memref<32x512xi32, #tpu.memory_space<hbm>>
    %dma_start3A_43 = arith.constant 0 : i32
    %dma_start3A_44 = tpu.memref_slice %arg4[%add3A_40, %dma_start3A_43] : memref<4096x512xi32, #tpu.memory_space<hbm>> -> memref<32x512xi32, #tpu.memory_space<hbm>>
    tpu.enqueue_dma source(%arg7 : memref<32x512xi32, #tpu.memory_space<vmem>>) target(%dma_start3A_44 : memref<32x512xi32, #tpu.memory_space<hbm>>) target_semaphore(%arg14 : memref<!tpu.dma_semaphore, #tpu.memory_space<semaphore_mem>>)
    %dma_wait3A_45 = arith.constant 64 : i32
    %dma_wait3A_46 = tpu.memref_slice %arg5[%dma_wait3A_45] : memref<128xi32, #tpu.memory_space<vmem>> -> memref<32xi32, #tpu.memory_space<vmem>>
    %dma_wait3A_47 = arith.constant 0 : i32
    %dma_wait3A_48 = arith.constant 0 : i32
    %dma_wait3A_49 = tpu.memref_slice %arg3[%dma_wait3A_47, %dma_wait3A_48] : memref<2048x512xi32, #tpu.memory_space<hbm>> -> memref<2048x512xi32, #tpu.memory_space<hbm>>
    tpu.wait_indirect_dma semaphore(%arg12 : memref<!tpu.dma_semaphore, #tpu.memory_space<semaphore_mem>>) src(%dma_wait3A_49 : memref<2048x512xi32, #tpu.memory_space<hbm>>) dst(%arg8 : memref<32x512xi32, #tpu.memory_space<vmem>>)
    %add3A_50 = arith.constant 64 : i32
    %add3A_51 = arith.addi %mul3A_2, %add3A_50 : i32
    %dma_start3A_52 = arith.constant 0 : i32
    %dma_start3A_53 = tpu.memref_slice %arg4[%add3A_51, %dma_start3A_52] : memref<4096x512xi32, #tpu.memory_space<hbm>> -> memref<32x512xi32, #tpu.memory_space<hbm>>
    %dma_start3A_54 = arith.constant 0 : i32
    %dma_start3A_55 = tpu.memref_slice %arg4[%add3A_51, %dma_start3A_54] : memref<4096x512xi32, #tpu.memory_space<hbm>> -> memref<32x512xi32, #tpu.memory_space<hbm>>
    tpu.enqueue_dma source(%arg8 : memref<32x512xi32, #tpu.memory_space<vmem>>) target(%dma_start3A_55 : memref<32x512xi32, #tpu.memory_space<hbm>>) target_semaphore(%arg14 : memref<!tpu.dma_semaphore, #tpu.memory_space<semaphore_mem>>)
    %dma_wait3A_56 = arith.constant 96 : i32
    %dma_wait3A_57 = tpu.memref_slice %arg5[%dma_wait3A_56] : memref<128xi32, #tpu.memory_space<vmem>> -> memref<32xi32, #tpu.memory_space<vmem>>
    %dma_wait3A_58 = arith.constant 0 : i32
    %dma_wait3A_59 = arith.constant 0 : i32
    %dma_wait3A_60 = tpu.memref_slice %arg3[%dma_wait3A_58, %dma_wait3A_59] : memref<2048x512xi32, #tpu.memory_space<hbm>> -> memref<2048x512xi32, #tpu.memory_space<hbm>>
    tpu.wait_indirect_dma semaphore(%arg13 : memref<!tpu.dma_semaphore, #tpu.memory_space<semaphore_mem>>) src(%dma_wait3A_60 : memref<2048x512xi32, #tpu.memory_space<hbm>>) dst(%arg9 : memref<32x512xi32, #tpu.memory_space<vmem>>)
    %add3A_61 = arith.constant 96 : i32
    %add3A_62 = arith.addi %mul3A_2, %add3A_61 : i32
    %dma_start3A_63 = arith.constant 0 : i32
    %dma_start3A_64 = tpu.memref_slice %arg4[%add3A_62, %dma_start3A_63] : memref<4096x512xi32, #tpu.memory_space<hbm>> -> memref<32x512xi32, #tpu.memory_space<hbm>>
    %dma_start3A_65 = arith.constant 0 : i32
    %dma_start3A_66 = tpu.memref_slice %arg4[%add3A_62, %dma_start3A_65] : memref<4096x512xi32, #tpu.memory_space<hbm>> -> memref<32x512xi32, #tpu.memory_space<hbm>>
    tpu.enqueue_dma source(%arg9 : memref<32x512xi32, #tpu.memory_space<vmem>>) target(%dma_start3A_66 : memref<32x512xi32, #tpu.memory_space<hbm>>) target_semaphore(%arg14 : memref<!tpu.dma_semaphore, #tpu.memory_space<semaphore_mem>>)
    %dma_wait3A_67 = arith.constant 0 : i32
    %dma_wait3A_68 = tpu.memref_slice %arg4[%add3A_29, %dma_wait3A_67] : memref<4096x512xi32, #tpu.memory_space<hbm>> -> memref<32x512xi32, #tpu.memory_space<hbm>>
    %dma_wait3A_69 = arith.constant 0 : i32
    %dma_wait3A_70 = tpu.memref_slice %arg4[%add3A_29, %dma_wait3A_69] : memref<4096x512xi32, #tpu.memory_space<hbm>> -> memref<32x512xi32, #tpu.memory_space<hbm>>
    tpu.wait_dma2 semaphore(%arg14 : memref<!tpu.dma_semaphore, #tpu.memory_space<semaphore_mem>>) src(%arg6 : memref<32x512xi32, #tpu.memory_space<vmem>>) dst(%dma_wait3A_70 : memref<32x512xi32, #tpu.memory_space<hbm>>)
    %dma_wait3A_71 = arith.constant 0 : i32
    %dma_wait3A_72 = tpu.memref_slice %arg4[%add3A_40, %dma_wait3A_71] : memref<4096x512xi32, #tpu.memory_space<hbm>> -> memref<32x512xi32, #tpu.memory_space<hbm>>
    %dma_wait3A_73 = arith.constant 0 : i32
    %dma_wait3A_74 = tpu.memref_slice %arg4[%add3A_40, %dma_wait3A_73] : memref<4096x512xi32, #tpu.memory_space<hbm>> -> memref<32x512xi32, #tpu.memory_space<hbm>>
    tpu.wait_dma2 semaphore(%arg14 : memref<!tpu.dma_semaphore, #tpu.memory_space<semaphore_mem>>) src(%arg7 : memref<32x512xi32, #tpu.memory_space<vmem>>) dst(%dma_wait3A_74 : memref<32x512xi32, #tpu.memory_space<hbm>>)
    %dma_wait3A_75 = arith.constant 0 : i32
    %dma_wait3A_76 = tpu.memref_slice %arg4[%add3A_51, %dma_wait3A_75] : memref<4096x512xi32, #tpu.memory_space<hbm>> -> memref<32x512xi32, #tpu.memory_space<hbm>>
    %dma_wait3A_77 = arith.constant 0 : i32
    %dma_wait3A_78 = tpu.memref_slice %arg4[%add3A_51, %dma_wait3A_77] : memref<4096x512xi32, #tpu.memory_space<hbm>> -> memref<32x512xi32, #tpu.memory_space<hbm>>
    tpu.wait_dma2 semaphore(%arg14 : memref<!tpu.dma_semaphore, #tpu.memory_space<semaphore_mem>>) src(%arg8 : memref<32x512xi32, #tpu.memory_space<vmem>>) dst(%dma_wait3A_78 : memref<32x512xi32, #tpu.memory_space<hbm>>)
    %dma_wait3A_79 = arith.constant 0 : i32
    %dma_wait3A_80 = tpu.memref_slice %arg4[%add3A_62, %dma_wait3A_79] : memref<4096x512xi32, #tpu.memory_space<hbm>> -> memref<32x512xi32, #tpu.memory_space<hbm>>
    %dma_wait3A_81 = arith.constant 0 : i32
    %dma_wait3A_82 = tpu.memref_slice %arg4[%add3A_62, %dma_wait3A_81] : memref<4096x512xi32, #tpu.memory_space<hbm>> -> memref<32x512xi32, #tpu.memory_space<hbm>>
    tpu.wait_dma2 semaphore(%arg14 : memref<!tpu.dma_semaphore, #tpu.memory_space<semaphore_mem>>) src(%arg9 : memref<32x512xi32, #tpu.memory_space<vmem>>) dst(%dma_wait3A_82 : memref<32x512xi32, #tpu.memory_space<hbm>>)
    return
  }
}

#map = affine_map<(d0, d1) -> (0)>
module attributes {stable_mosaic.version = 14 : i64} {
  func.func @_scatter_body(%arg0: i32, %arg1: i32, %arg2: memref<4096xi32, #tpu.memory_space<hbm>>, %arg3: memref<4096xf32, #tpu.memory_space<hbm>>, %arg4: memref<8192xi32, #tpu.memory_space<hbm>>, %arg5: memref<8192xf32, #tpu.memory_space<hbm>>, %arg6: memref<4096xi32, #tpu.memory_space<vmem>>, %arg7: memref<4096xf32, #tpu.memory_space<vmem>>, %arg8: memref<8192xi32, #tpu.memory_space<vmem>>, %arg9: memref<8192xf32, #tpu.memory_space<vmem>>, %arg10: memref<!tpu.dma_semaphore, #tpu.memory_space<semaphore_mem>>) attributes {dimension_semantics = [#tpu.dimension_semantics<core_parallel>, #tpu.dimension_semantics<subcore_parallel>], iteration_bounds = array<i64: 2, 16>, scalar_prefetch = 0 : i64, scratch_operands = 5 : i64, tpu.core_type = #tpu.core_type<sc_vector_subcore>, window_params = [{transform_indices = #map}, {transform_indices = #map}, {transform_indices = #map}, {transform_indices = #map}]} {
    %mul3A = arith.constant 2 : i32
    %mul3A_0 = arith.muli %arg1, %mul3A : i32
    %add3A = arith.addi %mul3A_0, %arg0 : i32
    %eq3A = arith.constant 0 : i32
    %eq3A_1 = arith.cmpi eq, %add3A, %eq3A : i32
    %convert_element_type3A = arith.extui %eq3A_1 : i1 to i32
    %cond3A = arith.constant 0 : i32
    %cond3A_2 = arith.cmpi ne, %convert_element_type3A, %cond3A : i32
    scf.if %cond3A_2 {
      "tpu.region"() ({
        %run_scoped3A = tpu.sem_alloc : memref<!tpu.dma_semaphore, #tpu.memory_space<semaphore_mem>>
        tpu.enqueue_dma source(%arg2 : memref<4096xi32, #tpu.memory_space<hbm>>) target(%arg6 : memref<4096xi32, #tpu.memory_space<vmem>>) target_semaphore(%run_scoped3A : memref<!tpu.dma_semaphore, #tpu.memory_space<semaphore_mem>>)
        tpu.wait_dma2 semaphore(%run_scoped3A : memref<!tpu.dma_semaphore, #tpu.memory_space<semaphore_mem>>) src(%arg2 : memref<4096xi32, #tpu.memory_space<hbm>>) dst(%arg6 : memref<4096xi32, #tpu.memory_space<vmem>>)
        tpu.yield
      }) : () -> ()
      "tpu.region"() ({
        %run_scoped3A = tpu.sem_alloc : memref<!tpu.dma_semaphore, #tpu.memory_space<semaphore_mem>>
        tpu.enqueue_dma source(%arg3 : memref<4096xf32, #tpu.memory_space<hbm>>) target(%arg7 : memref<4096xf32, #tpu.memory_space<vmem>>) target_semaphore(%run_scoped3A : memref<!tpu.dma_semaphore, #tpu.memory_space<semaphore_mem>>)
        tpu.wait_dma2 semaphore(%run_scoped3A : memref<!tpu.dma_semaphore, #tpu.memory_space<semaphore_mem>>) src(%arg3 : memref<4096xf32, #tpu.memory_space<hbm>>) dst(%arg7 : memref<4096xf32, #tpu.memory_space<vmem>>)
        tpu.yield
      }) : () -> ()
      %scan3A = arith.constant 0 : i32
      %scan3A_3 = arith.constant 0 : i32
      %scan3A_4 = arith.constant 512 : i32
      %scan3A_5 = arith.addi %scan3A_3, %scan3A_4 : i32
      %scan3A_6 = arith.constant 1 : i32
      %scan3A_7 = scf.for %scan3A_16 = %scan3A_3 to %scan3A_5 step %scan3A_6 iter_args(%scan3A_17 = %scan3A) -> (i32)  : i32 {
        %broadcast_in_dim3A = arith.constant 0 : i32
        %broadcast_in_dim3A_18 = vector.broadcast %broadcast_in_dim3A : i32 to vector<16xi32>
        %mul3A_19 = arith.constant 16 : i32
        %mul3A_20 = arith.muli %scan3A_16, %mul3A_19 : i32
        %swap3A = arith.index_cast %mul3A_20 : i32 to index
        %swap3A_21 = tpu.vector_load %arg8[%swap3A] {strides = array<i32>} : memref<8192xi32, #tpu.memory_space<vmem>>, vector<16xi32>,
        tpu.vector_store %arg8[%swap3A], %broadcast_in_dim3A_18 {strides = array<i32>} : memref<8192xi32, #tpu.memory_space<vmem>>, vector<16xi32>,
        %broadcast_in_dim3A_22 = arith.constant 0.000000e+00 : f32
        %broadcast_in_dim3A_23 = vector.broadcast %broadcast_in_dim3A_22 : f32 to vector<16xf32>
        %mul3A_24 = arith.constant 16 : i32
        %mul3A_25 = arith.muli %scan3A_16, %mul3A_24 : i32
        %swap3A_26 = arith.index_cast %mul3A_25 : i32 to index
        %swap3A_27 = tpu.vector_load %arg9[%swap3A_26] {strides = array<i32>} : memref<8192xf32, #tpu.memory_space<vmem>>, vector<16xf32>,
        tpu.vector_store %arg9[%swap3A_26], %broadcast_in_dim3A_23 {strides = array<i32>} : memref<8192xf32, #tpu.memory_space<vmem>>, vector<16xf32>,
        %scan3A_28 = arith.constant 0 : i32
        scf.yield %scan3A_28 : i32
      }
      %scan3A_8 = arith.constant 512 : i32
      %iota3A = tpu.iota {dimensions = array<i32: 0>} : vector<16xi32>
      %scan3A_9 = arith.constant 0 : i32
      %scan3A_10 = arith.constant 0 : i32
      %scan3A_11 = arith.constant 256 : i32
      %scan3A_12 = arith.addi %scan3A_10, %scan3A_11 : i32
      %scan3A_13 = arith.constant 1 : i32
      %scan3A_14 = scf.for %scan3A_16 = %scan3A_10 to %scan3A_12 step %scan3A_13 iter_args(%scan3A_17 = %scan3A_9) -> (i32)  : i32 {
        %mul3A_18 = arith.constant 16 : i32
        %mul3A_19 = arith.muli %scan3A_16, %mul3A_18 : i32
        %get3A = arith.index_cast %mul3A_19 : i32 to index
        %get3A_20 = tpu.vector_load %arg6[%get3A] {strides = array<i32>} : memref<4096xi32, #tpu.memory_space<vmem>>, vector<16xi32>,
        %add3A_21 = vector.broadcast %mul3A_19 : i32 to vector<16xi32>
        %add3A_22 = arith.addi %add3A_21, %iota3A : vector<16xi32>
        %shift_right_arithmetic3A = arith.constant 1 : i32
        %shift_right_arithmetic3A_23 = vector.broadcast %shift_right_arithmetic3A : i32 to vector<16xi32>
        %shift_right_arithmetic3A_24 = arith.shrsi %add3A_22, %shift_right_arithmetic3A_23 : vector<16xi32>
        %get3A_25 = arith.index_cast %mul3A_19 : i32 to index
        %get3A_26 = tpu.vector_load %arg7[%get3A_25] {strides = array<i32>} : memref<4096xf32, #tpu.memory_space<vmem>>, vector<16xf32>,
        tpu.vector_store_idx %arg8[%get3A_20], %shift_right_arithmetic3A_24 : memref<8192xi32, #tpu.memory_space<vmem>>[vector<16xi32>], vector<16xi32>,
        tpu.vector_store_idx %arg9[%get3A_20], %get3A_26 : memref<8192xf32, #tpu.memory_space<vmem>>[vector<16xi32>], vector<16xf32>,
        %scan3A_27 = arith.constant 0 : i32
        scf.yield %scan3A_27 : i32
      }
      %scan3A_15 = arith.constant 256 : i32
      "tpu.region"() ({
        %run_scoped3A = tpu.sem_alloc : memref<!tpu.dma_semaphore, #tpu.memory_space<semaphore_mem>>
        tpu.enqueue_dma source(%arg8 : memref<8192xi32, #tpu.memory_space<vmem>>) target(%arg4 : memref<8192xi32, #tpu.memory_space<hbm>>) target_semaphore(%run_scoped3A : memref<!tpu.dma_semaphore, #tpu.memory_space<semaphore_mem>>)
        tpu.wait_dma2 semaphore(%run_scoped3A : memref<!tpu.dma_semaphore, #tpu.memory_space<semaphore_mem>>) src(%arg8 : memref<8192xi32, #tpu.memory_space<vmem>>) dst(%arg4 : memref<8192xi32, #tpu.memory_space<hbm>>)
        tpu.yield
      }) : () -> ()
      "tpu.region"() ({
        %run_scoped3A = tpu.sem_alloc : memref<!tpu.dma_semaphore, #tpu.memory_space<semaphore_mem>>
        tpu.enqueue_dma source(%arg9 : memref<8192xf32, #tpu.memory_space<vmem>>) target(%arg5 : memref<8192xf32, #tpu.memory_space<hbm>>) target_semaphore(%run_scoped3A : memref<!tpu.dma_semaphore, #tpu.memory_space<semaphore_mem>>)
        tpu.wait_dma2 semaphore(%run_scoped3A : memref<!tpu.dma_semaphore, #tpu.memory_space<semaphore_mem>>) src(%arg9 : memref<8192xf32, #tpu.memory_space<vmem>>) dst(%arg5 : memref<8192xf32, #tpu.memory_space<hbm>>)
        tpu.yield
      }) : () -> ()
    } else {
    }
    return
  }
}

#map = affine_map<(d0, d1) -> (0)>
#map1 = affine_map<(d0, d1) -> (0, 0)>
module attributes {stable_mosaic.version = 14 : i64} {
  func.func @_gather_body(%arg0: i32, %arg1: i32, %arg2: memref<8192xi32, #tpu.memory_space<hbm>>, %arg3: memref<2048x512xi32, #tpu.memory_space<hbm>>, %arg4: memref<4096x512xi32, #tpu.memory_space<hbm>>, %arg5: memref<128xi32, #tpu.memory_space<vmem>>, %arg6: memref<32x512xi32, #tpu.memory_space<vmem>>, %arg7: memref<32x512xi32, #tpu.memory_space<vmem>>, %arg8: memref<32x512xi32, #tpu.memory_space<vmem>>, %arg9: memref<32x512xi32, #tpu.memory_space<vmem>>, %arg10: memref<!tpu.dma_semaphore, #tpu.memory_space<semaphore_mem>>, %arg11: memref<!tpu.dma_semaphore, #tpu.memory_space<semaphore_mem>>, %arg12: memref<!tpu.dma_semaphore, #tpu.memory_space<semaphore_mem>>, %arg13: memref<!tpu.dma_semaphore, #tpu.memory_space<semaphore_mem>>, %arg14: memref<!tpu.dma_semaphore, #tpu.memory_space<semaphore_mem>>) attributes {dimension_semantics = [#tpu.dimension_semantics<core_parallel>, #tpu.dimension_semantics<subcore_parallel>], iteration_bounds = array<i64: 2, 16>, scalar_prefetch = 0 : i64, scratch_operands = 10 : i64, tpu.core_type = #tpu.core_type<sc_vector_subcore>, window_params = [{transform_indices = #map}, {transform_indices = #map1}, {transform_indices = #map1}]} {
    %mul3A = arith.constant 2 : i32
    %mul3A_0 = arith.muli %arg1, %mul3A : i32
    %add3A = arith.addi %mul3A_0, %arg0 : i32
    %mul3A_1 = arith.constant 128 : i32
    %mul3A_2 = arith.muli %add3A, %mul3A_1 : i32
    %add3A_3 = arith.constant 4096 : i32
    %add3A_4 = arith.addi %add3A_3, %mul3A_2 : i32
    "tpu.region"() ({
      %run_scoped3A = tpu.sem_alloc : memref<!tpu.dma_semaphore, #tpu.memory_space<semaphore_mem>>
      %dma_start3A_83 = tpu.memref_slice %arg2[%add3A_4] : memref<8192xi32, #tpu.memory_space<hbm>> -> memref<128xi32, #tpu.memory_space<hbm>>
      %dma_start3A_84 = tpu.memref_slice %arg2[%add3A_4] : memref<8192xi32, #tpu.memory_space<hbm>> -> memref<128xi32, #tpu.memory_space<hbm>>
      tpu.enqueue_dma source(%dma_start3A_84 : memref<128xi32, #tpu.memory_space<hbm>>) target(%arg5 : memref<128xi32, #tpu.memory_space<vmem>>) target_semaphore(%run_scoped3A : memref<!tpu.dma_semaphore, #tpu.memory_space<semaphore_mem>>)
      %dma_wait3A_85 = tpu.memref_slice %arg2[%add3A_4] : memref<8192xi32, #tpu.memory_space<hbm>> -> memref<128xi32, #tpu.memory_space<hbm>>
      %dma_wait3A_86 = tpu.memref_slice %arg2[%add3A_4] : memref<8192xi32, #tpu.memory_space<hbm>> -> memref<128xi32, #tpu.memory_space<hbm>>
      tpu.wait_dma2 semaphore(%run_scoped3A : memref<!tpu.dma_semaphore, #tpu.memory_space<semaphore_mem>>) src(%dma_wait3A_86 : memref<128xi32, #tpu.memory_space<hbm>>) dst(%arg5 : memref<128xi32, #tpu.memory_space<vmem>>)
      tpu.yield
    }) : () -> ()
    %dma_start3A = arith.constant 0 : i32
    %dma_start3A_5 = tpu.memref_slice %arg5[%dma_start3A] : memref<128xi32, #tpu.memory_space<vmem>> -> memref<32xi32, #tpu.memory_space<vmem>>
    %dma_start3A_6 = arith.constant 0 : i32
    %dma_start3A_7 = arith.constant 0 : i32
    %dma_start3A_8 = tpu.memref_slice %arg3[%dma_start3A_6, %dma_start3A_7] : memref<2048x512xi32, #tpu.memory_space<hbm>> -> memref<2048x512xi32, #tpu.memory_space<hbm>>
    tpu.enqueue_indirect_dma source(%dma_start3A_8 : memref<2048x512xi32, #tpu.memory_space<hbm>>) target(%arg6 : memref<32x512xi32, #tpu.memory_space<vmem>>) offsets(%dma_start3A_5 : memref<32xi32, #tpu.memory_space<vmem>>) semaphore(%arg10 : memref<!tpu.dma_semaphore, #tpu.memory_space<semaphore_mem>>)
    %dma_start3A_9 = arith.constant 32 : i32
    %dma_start3A_10 = tpu.memref_slice %arg5[%dma_start3A_9] : memref<128xi32, #tpu.memory_space<vmem>> -> memref<32xi32, #tpu.memory_space<vmem>>
    %dma_start3A_11 = arith.constant 0 : i32
    %dma_start3A_12 = arith.constant 0 : i32
    %dma_start3A_13 = tpu.memref_slice %arg3[%dma_start3A_11, %dma_start3A_12] : memref<2048x512xi32, #tpu.memory_space<hbm>> -> memref<2048x512xi32, #tpu.memory_space<hbm>>
    tpu.enqueue_indirect_dma source(%dma_start3A_13 : memref<2048x512xi32, #tpu.memory_space<hbm>>) target(%arg7 : memref<32x512xi32, #tpu.memory_space<vmem>>) offsets(%dma_start3A_10 : memref<32xi32, #tpu.memory_space<vmem>>) semaphore(%arg11 : memref<!tpu.dma_semaphore, #tpu.memory_space<semaphore_mem>>)
    %dma_start3A_14 = arith.constant 64 : i32
    %dma_start3A_15 = tpu.memref_slice %arg5[%dma_start3A_14] : memref<128xi32, #tpu.memory_space<vmem>> -> memref<32xi32, #tpu.memory_space<vmem>>
    %dma_start3A_16 = arith.constant 0 : i32
    %dma_start3A_17 = arith.constant 0 : i32
    %dma_start3A_18 = tpu.memref_slice %arg3[%dma_start3A_16, %dma_start3A_17] : memref<2048x512xi32, #tpu.memory_space<hbm>> -> memref<2048x512xi32, #tpu.memory_space<hbm>>
    tpu.enqueue_indirect_dma source(%dma_start3A_18 : memref<2048x512xi32, #tpu.memory_space<hbm>>) target(%arg8 : memref<32x512xi32, #tpu.memory_space<vmem>>) offsets(%dma_start3A_15 : memref<32xi32, #tpu.memory_space<vmem>>) semaphore(%arg12 : memref<!tpu.dma_semaphore, #tpu.memory_space<semaphore_mem>>)
    %dma_start3A_19 = arith.constant 96 : i32
    %dma_start3A_20 = tpu.memref_slice %arg5[%dma_start3A_19] : memref<128xi32, #tpu.memory_space<vmem>> -> memref<32xi32, #tpu.memory_space<vmem>>
    %dma_start3A_21 = arith.constant 0 : i32
    %dma_start3A_22 = arith.constant 0 : i32
    %dma_start3A_23 = tpu.memref_slice %arg3[%dma_start3A_21, %dma_start3A_22] : memref<2048x512xi32, #tpu.memory_space<hbm>> -> memref<2048x512xi32, #tpu.memory_space<hbm>>
    tpu.enqueue_indirect_dma source(%dma_start3A_23 : memref<2048x512xi32, #tpu.memory_space<hbm>>) target(%arg9 : memref<32x512xi32, #tpu.memory_space<vmem>>) offsets(%dma_start3A_20 : memref<32xi32, #tpu.memory_space<vmem>>) semaphore(%arg13 : memref<!tpu.dma_semaphore, #tpu.memory_space<semaphore_mem>>)
    %dma_wait3A = arith.constant 0 : i32
    %dma_wait3A_24 = tpu.memref_slice %arg5[%dma_wait3A] : memref<128xi32, #tpu.memory_space<vmem>> -> memref<32xi32, #tpu.memory_space<vmem>>
    %dma_wait3A_25 = arith.constant 0 : i32
    %dma_wait3A_26 = arith.constant 0 : i32
    %dma_wait3A_27 = tpu.memref_slice %arg3[%dma_wait3A_25, %dma_wait3A_26] : memref<2048x512xi32, #tpu.memory_space<hbm>> -> memref<2048x512xi32, #tpu.memory_space<hbm>>
    tpu.wait_indirect_dma semaphore(%arg10 : memref<!tpu.dma_semaphore, #tpu.memory_space<semaphore_mem>>) src(%dma_wait3A_27 : memref<2048x512xi32, #tpu.memory_space<hbm>>) dst(%arg6 : memref<32x512xi32, #tpu.memory_space<vmem>>)
    %add3A_28 = arith.constant 0 : i32
    %add3A_29 = arith.addi %mul3A_2, %add3A_28 : i32
    %dma_start3A_30 = arith.constant 0 : i32
    %dma_start3A_31 = tpu.memref_slice %arg4[%add3A_29, %dma_start3A_30] : memref<4096x512xi32, #tpu.memory_space<hbm>> -> memref<32x512xi32, #tpu.memory_space<hbm>>
    %dma_start3A_32 = arith.constant 0 : i32
    %dma_start3A_33 = tpu.memref_slice %arg4[%add3A_29, %dma_start3A_32] : memref<4096x512xi32, #tpu.memory_space<hbm>> -> memref<32x512xi32, #tpu.memory_space<hbm>>
    tpu.enqueue_dma source(%arg6 : memref<32x512xi32, #tpu.memory_space<vmem>>) target(%dma_start3A_33 : memref<32x512xi32, #tpu.memory_space<hbm>>) target_semaphore(%arg14 : memref<!tpu.dma_semaphore, #tpu.memory_space<semaphore_mem>>)
    %dma_wait3A_34 = arith.constant 32 : i32
    %dma_wait3A_35 = tpu.memref_slice %arg5[%dma_wait3A_34] : memref<128xi32, #tpu.memory_space<vmem>> -> memref<32xi32, #tpu.memory_space<vmem>>
    %dma_wait3A_36 = arith.constant 0 : i32
    %dma_wait3A_37 = arith.constant 0 : i32
    %dma_wait3A_38 = tpu.memref_slice %arg3[%dma_wait3A_36, %dma_wait3A_37] : memref<2048x512xi32, #tpu.memory_space<hbm>> -> memref<2048x512xi32, #tpu.memory_space<hbm>>
    tpu.wait_indirect_dma semaphore(%arg11 : memref<!tpu.dma_semaphore, #tpu.memory_space<semaphore_mem>>) src(%dma_wait3A_38 : memref<2048x512xi32, #tpu.memory_space<hbm>>) dst(%arg7 : memref<32x512xi32, #tpu.memory_space<vmem>>)
    %add3A_39 = arith.constant 32 : i32
    %add3A_40 = arith.addi %mul3A_2, %add3A_39 : i32
    %dma_start3A_41 = arith.constant 0 : i32
    %dma_start3A_42 = tpu.memref_slice %arg4[%add3A_40, %dma_start3A_41] : memref<4096x512xi32, #tpu.memory_space<hbm>> -> memref<32x512xi32, #tpu.memory_space<hbm>>
    %dma_start3A_43 = arith.constant 0 : i32
    %dma_start3A_44 = tpu.memref_slice %arg4[%add3A_40, %dma_start3A_43] : memref<4096x512xi32, #tpu.memory_space<hbm>> -> memref<32x512xi32, #tpu.memory_space<hbm>>
    tpu.enqueue_dma source(%arg7 : memref<32x512xi32, #tpu.memory_space<vmem>>) target(%dma_start3A_44 : memref<32x512xi32, #tpu.memory_space<hbm>>) target_semaphore(%arg14 : memref<!tpu.dma_semaphore, #tpu.memory_space<semaphore_mem>>)
    %dma_wait3A_45 = arith.constant 64 : i32
    %dma_wait3A_46 = tpu.memref_slice %arg5[%dma_wait3A_45] : memref<128xi32, #tpu.memory_space<vmem>> -> memref<32xi32, #tpu.memory_space<vmem>>
    %dma_wait3A_47 = arith.constant 0 : i32
    %dma_wait3A_48 = arith.constant 0 : i32
    %dma_wait3A_49 = tpu.memref_slice %arg3[%dma_wait3A_47, %dma_wait3A_48] : memref<2048x512xi32, #tpu.memory_space<hbm>> -> memref<2048x512xi32, #tpu.memory_space<hbm>>
    tpu.wait_indirect_dma semaphore(%arg12 : memref<!tpu.dma_semaphore, #tpu.memory_space<semaphore_mem>>) src(%dma_wait3A_49 : memref<2048x512xi32, #tpu.memory_space<hbm>>) dst(%arg8 : memref<32x512xi32, #tpu.memory_space<vmem>>)
    %add3A_50 = arith.constant 64 : i32
    %add3A_51 = arith.addi %mul3A_2, %add3A_50 : i32
    %dma_start3A_52 = arith.constant 0 : i32
    %dma_start3A_53 = tpu.memref_slice %arg4[%add3A_51, %dma_start3A_52] : memref<4096x512xi32, #tpu.memory_space<hbm>> -> memref<32x512xi32, #tpu.memory_space<hbm>>
    %dma_start3A_54 = arith.constant 0 : i32
    %dma_start3A_55 = tpu.memref_slice %arg4[%add3A_51, %dma_start3A_54] : memref<4096x512xi32, #tpu.memory_space<hbm>> -> memref<32x512xi32, #tpu.memory_space<hbm>>
    tpu.enqueue_dma source(%arg8 : memref<32x512xi32, #tpu.memory_space<vmem>>) target(%dma_start3A_55 : memref<32x512xi32, #tpu.memory_space<hbm>>) target_semaphore(%arg14 : memref<!tpu.dma_semaphore, #tpu.memory_space<semaphore_mem>>)
    %dma_wait3A_56 = arith.constant 96 : i32
    %dma_wait3A_57 = tpu.memref_slice %arg5[%dma_wait3A_56] : memref<128xi32, #tpu.memory_space<vmem>> -> memref<32xi32, #tpu.memory_space<vmem>>
    %dma_wait3A_58 = arith.constant 0 : i32
    %dma_wait3A_59 = arith.constant 0 : i32
    %dma_wait3A_60 = tpu.memref_slice %arg3[%dma_wait3A_58, %dma_wait3A_59] : memref<2048x512xi32, #tpu.memory_space<hbm>> -> memref<2048x512xi32, #tpu.memory_space<hbm>>
    tpu.wait_indirect_dma semaphore(%arg13 : memref<!tpu.dma_semaphore, #tpu.memory_space<semaphore_mem>>) src(%dma_wait3A_60 : memref<2048x512xi32, #tpu.memory_space<hbm>>) dst(%arg9 : memref<32x512xi32, #tpu.memory_space<vmem>>)
    %add3A_61 = arith.constant 96 : i32
    %add3A_62 = arith.addi %mul3A_2, %add3A_61 : i32
    %dma_start3A_63 = arith.constant 0 : i32
    %dma_start3A_64 = tpu.memref_slice %arg4[%add3A_62, %dma_start3A_63] : memref<4096x512xi32, #tpu.memory_space<hbm>> -> memref<32x512xi32, #tpu.memory_space<hbm>>
    %dma_start3A_65 = arith.constant 0 : i32
    %dma_start3A_66 = tpu.memref_slice %arg4[%add3A_62, %dma_start3A_65] : memref<4096x512xi32, #tpu.memory_space<hbm>> -> memref<32x512xi32, #tpu.memory_space<hbm>>
    tpu.enqueue_dma source(%arg9 : memref<32x512xi32, #tpu.memory_space<vmem>>) target(%dma_start3A_66 : memref<32x512xi32, #tpu.memory_space<hbm>>) target_semaphore(%arg14 : memref<!tpu.dma_semaphore, #tpu.memory_space<semaphore_mem>>)
    %dma_wait3A_67 = arith.constant 0 : i32
    %dma_wait3A_68 = tpu.memref_slice %arg4[%add3A_29, %dma_wait3A_67] : memref<4096x512xi32, #tpu.memory_space<hbm>> -> memref<32x512xi32, #tpu.memory_space<hbm>>
    %dma_wait3A_69 = arith.constant 0 : i32
    %dma_wait3A_70 = tpu.memref_slice %arg4[%add3A_29, %dma_wait3A_69] : memref<4096x512xi32, #tpu.memory_space<hbm>> -> memref<32x512xi32, #tpu.memory_space<hbm>>
    tpu.wait_dma2 semaphore(%arg14 : memref<!tpu.dma_semaphore, #tpu.memory_space<semaphore_mem>>) src(%arg6 : memref<32x512xi32, #tpu.memory_space<vmem>>) dst(%dma_wait3A_70 : memref<32x512xi32, #tpu.memory_space<hbm>>)
    %dma_wait3A_71 = arith.constant 0 : i32
    %dma_wait3A_72 = tpu.memref_slice %arg4[%add3A_40, %dma_wait3A_71] : memref<4096x512xi32, #tpu.memory_space<hbm>> -> memref<32x512xi32, #tpu.memory_space<hbm>>
    %dma_wait3A_73 = arith.constant 0 : i32
    %dma_wait3A_74 = tpu.memref_slice %arg4[%add3A_40, %dma_wait3A_73] : memref<4096x512xi32, #tpu.memory_space<hbm>> -> memref<32x512xi32, #tpu.memory_space<hbm>>
    tpu.wait_dma2 semaphore(%arg14 : memref<!tpu.dma_semaphore, #tpu.memory_space<semaphore_mem>>) src(%arg7 : memref<32x512xi32, #tpu.memory_space<vmem>>) dst(%dma_wait3A_74 : memref<32x512xi32, #tpu.memory_space<hbm>>)
    %dma_wait3A_75 = arith.constant 0 : i32
    %dma_wait3A_76 = tpu.memref_slice %arg4[%add3A_51, %dma_wait3A_75] : memref<4096x512xi32, #tpu.memory_space<hbm>> -> memref<32x512xi32, #tpu.memory_space<hbm>>
    %dma_wait3A_77 = arith.constant 0 : i32
    %dma_wait3A_78 = tpu.memref_slice %arg4[%add3A_51, %dma_wait3A_77] : memref<4096x512xi32, #tpu.memory_space<hbm>> -> memref<32x512xi32, #tpu.memory_space<hbm>>
    tpu.wait_dma2 semaphore(%arg14 : memref<!tpu.dma_semaphore, #tpu.memory_space<semaphore_mem>>) src(%arg8 : memref<32x512xi32, #tpu.memory_space<vmem>>) dst(%dma_wait3A_78 : memref<32x512xi32, #tpu.memory_space<hbm>>)
    %dma_wait3A_79 = arith.constant 0 : i32
    %dma_wait3A_80 = tpu.memref_slice %arg4[%add3A_62, %dma_wait3A_79] : memref<4096x512xi32, #tpu.memory_space<hbm>> -> memref<32x512xi32, #tpu.memory_space<hbm>>
    %dma_wait3A_81 = arith.constant 0 : i32
    %dma_wait3A_82 = tpu.memref_slice %arg4[%add3A_62, %dma_wait3A_81] : memref<4096x512xi32, #tpu.memory_space<hbm>> -> memref<32x512xi32, #tpu.memory_space<hbm>>
    tpu.wait_dma2 semaphore(%arg14 : memref<!tpu.dma_semaphore, #tpu.memory_space<semaphore_mem>>) src(%arg9 : memref<32x512xi32, #tpu.memory_space<vmem>>) dst(%dma_wait3A_82 : memref<32x512xi32, #tpu.memory_space<hbm>>)
    return
  }
}

#map = affine_map<(d0, d1) -> (0)>
#map1 = affine_map<(d0, d1) -> (0, 0)>
module attributes {stable_mosaic.version = 14 : i64} {
  func.func @_combine_body(%arg0: i32, %arg1: i32, %arg2: memref<4096xi32, #tpu.memory_space<hbm>>, %arg3: memref<8192x1024xf32, #tpu.memory_space<hbm>>, %arg4: memref<2048x1024xf32, #tpu.memory_space<hbm>>, %arg5: memref<2048x1024xf32, #tpu.memory_space<hbm>>, %arg6: memref<128xi32, #tpu.memory_space<vmem>>, %arg7: memref<16x1024xf32, #tpu.memory_space<vmem>>, %arg8: memref<16x1024xf32, #tpu.memory_space<vmem>>, %arg9: memref<8x1024xf32, #tpu.memory_space<vmem>>, %arg10: memref<8x1024xf32, #tpu.memory_space<vmem>>, %arg11: memref<!tpu.dma_semaphore, #tpu.memory_space<semaphore_mem>>, %arg12: memref<!tpu.dma_semaphore, #tpu.memory_space<semaphore_mem>>, %arg13: memref<!tpu.dma_semaphore, #tpu.memory_space<semaphore_mem>>, %arg14: memref<!tpu.dma_semaphore, #tpu.memory_space<semaphore_mem>>) attributes {dimension_semantics = [#tpu.dimension_semantics<core_parallel>, #tpu.dimension_semantics<subcore_parallel>], iteration_bounds = array<i64: 2, 16>, scalar_prefetch = 0 : i64, scratch_operands = 9 : i64, tpu.core_type = #tpu.core_type<sc_vector_subcore>, window_params = [{transform_indices = #map}, {transform_indices = #map1}, {transform_indices = #map1}, {transform_indices = #map1}]} {
    %mul3A = arith.constant 2 : i32
    %mul3A_0 = arith.muli %arg1, %mul3A : i32
    %add3A = arith.addi %mul3A_0, %arg0 : i32
    %mul3A_1 = arith.constant 64 : i32
    %mul3A_2 = arith.muli %add3A, %mul3A_1 : i32
    %mul3A_3 = arith.constant 2 : i32
    %mul3A_4 = arith.muli %mul3A_2, %mul3A_3 : i32
    "tpu.region"() ({
      %run_scoped3A = tpu.sem_alloc : memref<!tpu.dma_semaphore, #tpu.memory_space<semaphore_mem>>
      %dma_start3A_626 = tpu.memref_slice %arg2[%mul3A_4] : memref<4096xi32, #tpu.memory_space<hbm>> -> memref<128xi32, #tpu.memory_space<hbm>>
      %dma_start3A_627 = tpu.memref_slice %arg2[%mul3A_4] : memref<4096xi32, #tpu.memory_space<hbm>> -> memref<128xi32, #tpu.memory_space<hbm>>
      tpu.enqueue_dma source(%dma_start3A_627 : memref<128xi32, #tpu.memory_space<hbm>>) target(%arg6 : memref<128xi32, #tpu.memory_space<vmem>>) target_semaphore(%run_scoped3A : memref<!tpu.dma_semaphore, #tpu.memory_space<semaphore_mem>>)
      %dma_wait3A_628 = tpu.memref_slice %arg2[%mul3A_4] : memref<4096xi32, #tpu.memory_space<hbm>> -> memref<128xi32, #tpu.memory_space<hbm>>
      %dma_wait3A_629 = tpu.memref_slice %arg2[%mul3A_4] : memref<4096xi32, #tpu.memory_space<hbm>> -> memref<128xi32, #tpu.memory_space<hbm>>
      tpu.wait_dma2 semaphore(%run_scoped3A : memref<!tpu.dma_semaphore, #tpu.memory_space<semaphore_mem>>) src(%dma_wait3A_629 : memref<128xi32, #tpu.memory_space<hbm>>) dst(%arg6 : memref<128xi32, #tpu.memory_space<vmem>>)
      tpu.yield
    }) : () -> ()
    %dma_start3A = arith.constant 0 : i32
    %dma_start3A_5 = tpu.memref_slice %arg6[%dma_start3A] : memref<128xi32, #tpu.memory_space<vmem>> -> memref<16xi32, #tpu.memory_space<vmem>>
    %dma_start3A_6 = arith.constant 0 : i32
    %dma_start3A_7 = arith.constant 0 : i32
    %dma_start3A_8 = tpu.memref_slice %arg3[%dma_start3A_6, %dma_start3A_7] : memref<8192x1024xf32, #tpu.memory_space<hbm>> -> memref<8192x1024xf32, #tpu.memory_space<hbm>>
    tpu.enqueue_indirect_dma source(%dma_start3A_8 : memref<8192x1024xf32, #tpu.memory_space<hbm>>) target(%arg7 : memref<16x1024xf32, #tpu.memory_space<vmem>>) offsets(%dma_start3A_5 : memref<16xi32, #tpu.memory_space<vmem>>) semaphore(%arg11 : memref<!tpu.dma_semaphore, #tpu.memory_space<semaphore_mem>>)
    %add3A_9 = arith.constant 0 : i32
    %add3A_10 = arith.addi %mul3A_2, %add3A_9 : i32
    %dma_start3A_11 = arith.constant 0 : i32
    %dma_start3A_12 = tpu.memref_slice %arg4[%add3A_10, %dma_start3A_11] : memref<2048x1024xf32, #tpu.memory_space<hbm>> -> memref<8x1024xf32, #tpu.memory_space<hbm>>
    %dma_start3A_13 = arith.constant 0 : i32
    %dma_start3A_14 = tpu.memref_slice %arg4[%add3A_10, %dma_start3A_13] : memref<2048x1024xf32, #tpu.memory_space<hbm>> -> memref<8x1024xf32, #tpu.memory_space<hbm>>
    tpu.enqueue_dma source(%dma_start3A_14 : memref<8x1024xf32, #tpu.memory_space<hbm>>) target(%arg9 : memref<8x1024xf32, #tpu.memory_space<vmem>>) target_semaphore(%arg13 : memref<!tpu.dma_semaphore, #tpu.memory_space<semaphore_mem>>)
    %dma_start3A_15 = arith.constant 16 : i32
    %dma_start3A_16 = tpu.memref_slice %arg6[%dma_start3A_15] : memref<128xi32, #tpu.memory_space<vmem>> -> memref<16xi32, #tpu.memory_space<vmem>>
    %dma_start3A_17 = arith.constant 0 : i32
    %dma_start3A_18 = arith.constant 0 : i32
    %dma_start3A_19 = tpu.memref_slice %arg3[%dma_start3A_17, %dma_start3A_18] : memref<8192x1024xf32, #tpu.memory_space<hbm>> -> memref<8192x1024xf32, #tpu.memory_space<hbm>>
    tpu.enqueue_indirect_dma source(%dma_start3A_19 : memref<8192x1024xf32, #tpu.memory_space<hbm>>) target(%arg8 : memref<16x1024xf32, #tpu.memory_space<vmem>>) offsets(%dma_start3A_16 : memref<16xi32, #tpu.memory_space<vmem>>) semaphore(%arg12 : memref<!tpu.dma_semaphore, #tpu.memory_space<semaphore_mem>>)
    %add3A_20 = arith.constant 8 : i32
    %add3A_21 = arith.addi %mul3A_2, %add3A_20 : i32
    %dma_start3A_22 = arith.constant 0 : i32
    %dma_start3A_23 = tpu.memref_slice %arg4[%add3A_21, %dma_start3A_22] : memref<2048x1024xf32, #tpu.memory_space<hbm>> -> memref<8x1024xf32, #tpu.memory_space<hbm>>
    %dma_start3A_24 = arith.constant 0 : i32
    %dma_start3A_25 = tpu.memref_slice %arg4[%add3A_21, %dma_start3A_24] : memref<2048x1024xf32, #tpu.memory_space<hbm>> -> memref<8x1024xf32, #tpu.memory_space<hbm>>
    tpu.enqueue_dma source(%dma_start3A_25 : memref<8x1024xf32, #tpu.memory_space<hbm>>) target(%arg10 : memref<8x1024xf32, #tpu.memory_space<vmem>>) target_semaphore(%arg14 : memref<!tpu.dma_semaphore, #tpu.memory_space<semaphore_mem>>)
    %dma_wait3A = arith.constant 0 : i32
    %dma_wait3A_26 = tpu.memref_slice %arg6[%dma_wait3A] : memref<128xi32, #tpu.memory_space<vmem>> -> memref<16xi32, #tpu.memory_space<vmem>>
    %dma_wait3A_27 = arith.constant 0 : i32
    %dma_wait3A_28 = arith.constant 0 : i32
    %dma_wait3A_29 = tpu.memref_slice %arg3[%dma_wait3A_27, %dma_wait3A_28] : memref<8192x1024xf32, #tpu.memory_space<hbm>> -> memref<8192x1024xf32, #tpu.memory_space<hbm>>
    tpu.wait_indirect_dma semaphore(%arg11 : memref<!tpu.dma_semaphore, #tpu.memory_space<semaphore_mem>>) src(%dma_wait3A_29 : memref<8192x1024xf32, #tpu.memory_space<hbm>>) dst(%arg7 : memref<16x1024xf32, #tpu.memory_space<vmem>>)
    %dma_wait3A_30 = arith.constant 0 : i32
    %dma_wait3A_31 = tpu.memref_slice %arg4[%add3A_10, %dma_wait3A_30] : memref<2048x1024xf32, #tpu.memory_space<hbm>> -> memref<8x1024xf32, #tpu.memory_space<hbm>>
    %dma_wait3A_32 = arith.constant 0 : i32
    %dma_wait3A_33 = tpu.memref_slice %arg4[%add3A_10, %dma_wait3A_32] : memref<2048x1024xf32, #tpu.memory_space<hbm>> -> memref<8x1024xf32, #tpu.memory_space<hbm>>
    tpu.wait_dma2 semaphore(%arg13 : memref<!tpu.dma_semaphore, #tpu.memory_space<semaphore_mem>>) src(%dma_wait3A_33 : memref<8x1024xf32, #tpu.memory_space<hbm>>) dst(%arg9 : memref<8x1024xf32, #tpu.memory_space<vmem>>)
    %scan3A = arith.constant 0 : i32
    %scan3A_34 = arith.constant 0 : i32
    %scan3A_35 = arith.constant 64 : i32
    %scan3A_36 = arith.addi %scan3A_34, %scan3A_35 : i32
    %scan3A_37 = arith.constant 1 : i32
    %scan3A_38 = scf.for %scan3A_626 = %scan3A_34 to %scan3A_36 step %scan3A_37 iter_args(%scan3A_627 = %scan3A) -> (i32)  : i32 {
      %mul3A_628 = arith.constant 16 : i32
      %mul3A_629 = arith.muli %scan3A_626, %mul3A_628 : i32
      %get3A = arith.constant 0 : i32
      %get3A_630 = arith.index_cast %get3A : i32 to index
      %get3A_631 = arith.index_cast %mul3A_629 : i32 to index
      %get3A_632 = tpu.vector_load %arg7[%get3A_630, %get3A_631] {strides = array<i32>} : memref<16x1024xf32, #tpu.memory_space<vmem>>, vector<16xf32>,
      %get3A_633 = arith.constant 1 : i32
      %get3A_634 = arith.index_cast %get3A_633 : i32 to index
      %get3A_635 = arith.index_cast %mul3A_629 : i32 to index
      %get3A_636 = tpu.vector_load %arg7[%get3A_634, %get3A_635] {strides = array<i32>} : memref<16x1024xf32, #tpu.memory_space<vmem>>, vector<16xf32>,
      %add3A_637 = arith.addf %get3A_632, %get3A_636 : vector<16xf32>
      %get3A_638 = arith.constant 0 : i32
      %get3A_639 = arith.index_cast %get3A_638 : i32 to index
      %get3A_640 = arith.index_cast %mul3A_629 : i32 to index
      %get3A_641 = tpu.vector_load %arg9[%get3A_639, %get3A_640] {strides = array<i32>} : memref<8x1024xf32, #tpu.memory_space<vmem>>, vector<16xf32>,
      %add3A_642 = arith.addf %add3A_637, %get3A_641 : vector<16xf32>
      %swap3A = arith.constant 0 : i32
      %swap3A_643 = arith.index_cast %swap3A : i32 to index
      %swap3A_644 = arith.index_cast %mul3A_629 : i32 to index
      %swap3A_645 = tpu.vector_load %arg9[%swap3A_643, %swap3A_644] {strides = array<i32>} : memref<8x1024xf32, #tpu.memory_space<vmem>>, vector<16xf32>,
      tpu.vector_store %arg9[%swap3A_643, %swap3A_644], %add3A_642 {strides = array<i32>} : memref<8x1024xf32, #tpu.memory_space<vmem>>, vector<16xf32>,
      %scan3A_646 = arith.constant 0 : i32
      scf.yield %scan3A_646 : i32
    }
    %scan3A_39 = arith.constant 64 : i32
    %scan3A_40 = arith.constant 0 : i32
    %scan3A_41 = arith.constant 0 : i32
    %scan3A_42 = arith.constant 64 : i32
    %scan3A_43 = arith.addi %scan3A_41, %scan3A_42 : i32
    %scan3A_44 = arith.constant 1 : i32
    %scan3A_45 = scf.for %scan3A_626 = %scan3A_41 to %scan3A_43 step %scan3A_44 iter_args(%scan3A_627 = %scan3A_40) -> (i32)  : i32 {
      %mul3A_628 = arith.constant 16 : i32
      %mul3A_629 = arith.muli %scan3A_626, %mul3A_628 : i32
      %get3A = arith.constant 2 : i32
      %get3A_630 = arith.index_cast %get3A : i32 to index
      %get3A_631 = arith.index_cast %mul3A_629 : i32 to index
      %get3A_632 = tpu.vector_load %arg7[%get3A_630, %get3A_631] {strides = array<i32>} : memref<16x1024xf32, #tpu.memory_space<vmem>>, vector<16xf32>,
      %get3A_633 = arith.constant 3 : i32
      %get3A_634 = arith.index_cast %get3A_633 : i32 to index
      %get3A_635 = arith.index_cast %mul3A_629 : i32 to index
      %get3A_636 = tpu.vector_load %arg7[%get3A_634, %get3A_635] {strides = array<i32>} : memref<16x1024xf32, #tpu.memory_space<vmem>>, vector<16xf32>,
      %add3A_637 = arith.addf %get3A_632, %get3A_636 : vector<16xf32>
      %get3A_638 = arith.constant 1 : i32
      %get3A_639 = arith.index_cast %get3A_638 : i32 to index
      %get3A_640 = arith.index_cast %mul3A_629 : i32 to index
      %get3A_641 = tpu.vector_load %arg9[%get3A_639, %get3A_640] {strides = array<i32>} : memref<8x1024xf32, #tpu.memory_space<vmem>>, vector<16xf32>,
      %add3A_642 = arith.addf %add3A_637, %get3A_641 : vector<16xf32>
      %swap3A = arith.constant 1 : i32
      %swap3A_643 = arith.index_cast %swap3A : i32 to index
      %swap3A_644 = arith.index_cast %mul3A_629 : i32 to index
      %swap3A_645 = tpu.vector_load %arg9[%swap3A_643, %swap3A_644] {strides = array<i32>} : memref<8x1024xf32, #tpu.memory_space<vmem>>, vector<16xf32>,
      tpu.vector_store %arg9[%swap3A_643, %swap3A_644], %add3A_642 {strides = array<i32>} : memref<8x1024xf32, #tpu.memory_space<vmem>>, vector<16xf32>,
      %scan3A_646 = arith.constant 0 : i32
      scf.yield %scan3A_646 : i32
    }
    %scan3A_46 = arith.constant 64 : i32
    %scan3A_47 = arith.constant 0 : i32
    %scan3A_48 = arith.constant 0 : i32
    %scan3A_49 = arith.constant 64 : i32
    %scan3A_50 = arith.addi %scan3A_48, %scan3A_49 : i32
    %scan3A_51 = arith.constant 1 : i32
    %scan3A_52 = scf.for %scan3A_626 = %scan3A_48 to %scan3A_50 step %scan3A_51 iter_args(%scan3A_627 = %scan3A_47) -> (i32)  : i32 {
      %mul3A_628 = arith.constant 16 : i32
      %mul3A_629 = arith.muli %scan3A_626, %mul3A_628 : i32
      %get3A = arith.constant 4 : i32
      %get3A_630 = arith.index_cast %get3A : i32 to index
      %get3A_631 = arith.index_cast %mul3A_629 : i32 to index
      %get3A_632 = tpu.vector_load %arg7[%get3A_630, %get3A_631] {strides = array<i32>} : memref<16x1024xf32, #tpu.memory_space<vmem>>, vector<16xf32>,
      %get3A_633 = arith.constant 5 : i32
      %get3A_634 = arith.index_cast %get3A_633 : i32 to index
      %get3A_635 = arith.index_cast %mul3A_629 : i32 to index
      %get3A_636 = tpu.vector_load %arg7[%get3A_634, %get3A_635] {strides = array<i32>} : memref<16x1024xf32, #tpu.memory_space<vmem>>, vector<16xf32>,
      %add3A_637 = arith.addf %get3A_632, %get3A_636 : vector<16xf32>
      %get3A_638 = arith.constant 2 : i32
      %get3A_639 = arith.index_cast %get3A_638 : i32 to index
      %get3A_640 = arith.index_cast %mul3A_629 : i32 to index
      %get3A_641 = tpu.vector_load %arg9[%get3A_639, %get3A_640] {strides = array<i32>} : memref<8x1024xf32, #tpu.memory_space<vmem>>, vector<16xf32>,
      %add3A_642 = arith.addf %add3A_637, %get3A_641 : vector<16xf32>
      %swap3A = arith.constant 2 : i32
      %swap3A_643 = arith.index_cast %swap3A : i32 to index
      %swap3A_644 = arith.index_cast %mul3A_629 : i32 to index
      %swap3A_645 = tpu.vector_load %arg9[%swap3A_643, %swap3A_644] {strides = array<i32>} : memref<8x1024xf32, #tpu.memory_space<vmem>>, vector<16xf32>,
      tpu.vector_store %arg9[%swap3A_643, %swap3A_644], %add3A_642 {strides = array<i32>} : memref<8x1024xf32, #tpu.memory_space<vmem>>, vector<16xf32>,
      %scan3A_646 = arith.constant 0 : i32
      scf.yield %scan3A_646 : i32
    }
    %scan3A_53 = arith.constant 64 : i32
    %scan3A_54 = arith.constant 0 : i32
    %scan3A_55 = arith.constant 0 : i32
    %scan3A_56 = arith.constant 64 : i32
    %scan3A_57 = arith.addi %scan3A_55, %scan3A_56 : i32
    %scan3A_58 = arith.constant 1 : i32
    %scan3A_59 = scf.for %scan3A_626 = %scan3A_55 to %scan3A_57 step %scan3A_58 iter_args(%scan3A_627 = %scan3A_54) -> (i32)  : i32 {
      %mul3A_628 = arith.constant 16 : i32
      %mul3A_629 = arith.muli %scan3A_626, %mul3A_628 : i32
      %get3A = arith.constant 6 : i32
      %get3A_630 = arith.index_cast %get3A : i32 to index
      %get3A_631 = arith.index_cast %mul3A_629 : i32 to index
      %get3A_632 = tpu.vector_load %arg7[%get3A_630, %get3A_631] {strides = array<i32>} : memref<16x1024xf32, #tpu.memory_space<vmem>>, vector<16xf32>,
      %get3A_633 = arith.constant 7 : i32
      %get3A_634 = arith.index_cast %get3A_633 : i32 to index
      %get3A_635 = arith.index_cast %mul3A_629 : i32 to index
      %get3A_636 = tpu.vector_load %arg7[%get3A_634, %get3A_635] {strides = array<i32>} : memref<16x1024xf32, #tpu.memory_space<vmem>>, vector<16xf32>,
      %add3A_637 = arith.addf %get3A_632, %get3A_636 : vector<16xf32>
      %get3A_638 = arith.constant 3 : i32
      %get3A_639 = arith.index_cast %get3A_638 : i32 to index
      %get3A_640 = arith.index_cast %mul3A_629 : i32 to index
      %get3A_641 = tpu.vector_load %arg9[%get3A_639, %get3A_640] {strides = array<i32>} : memref<8x1024xf32, #tpu.memory_space<vmem>>, vector<16xf32>,
      %add3A_642 = arith.addf %add3A_637, %get3A_641 : vector<16xf32>
      %swap3A = arith.constant 3 : i32
      %swap3A_643 = arith.index_cast %swap3A : i32 to index
      %swap3A_644 = arith.index_cast %mul3A_629 : i32 to index
      %swap3A_645 = tpu.vector_load %arg9[%swap3A_643, %swap3A_644] {strides = array<i32>} : memref<8x1024xf32, #tpu.memory_space<vmem>>, vector<16xf32>,
      tpu.vector_store %arg9[%swap3A_643, %swap3A_644], %add3A_642 {strides = array<i32>} : memref<8x1024xf32, #tpu.memory_space<vmem>>, vector<16xf32>,
      %scan3A_646 = arith.constant 0 : i32
      scf.yield %scan3A_646 : i32
    }
    %scan3A_60 = arith.constant 64 : i32
    %scan3A_61 = arith.constant 0 : i32
    %scan3A_62 = arith.constant 0 : i32
    %scan3A_63 = arith.constant 64 : i32
    %scan3A_64 = arith.addi %scan3A_62, %scan3A_63 : i32
    %scan3A_65 = arith.constant 1 : i32
    %scan3A_66 = scf.for %scan3A_626 = %scan3A_62 to %scan3A_64 step %scan3A_65 iter_args(%scan3A_627 = %scan3A_61) -> (i32)  : i32 {
      %mul3A_628 = arith.constant 16 : i32
      %mul3A_629 = arith.muli %scan3A_626, %mul3A_628 : i32
      %get3A = arith.constant 8 : i32
      %get3A_630 = arith.index_cast %get3A : i32 to index
      %get3A_631 = arith.index_cast %mul3A_629 : i32 to index
      %get3A_632 = tpu.vector_load %arg7[%get3A_630, %get3A_631] {strides = array<i32>} : memref<16x1024xf32, #tpu.memory_space<vmem>>, vector<16xf32>,
      %get3A_633 = arith.constant 9 : i32
      %get3A_634 = arith.index_cast %get3A_633 : i32 to index
      %get3A_635 = arith.index_cast %mul3A_629 : i32 to index
      %get3A_636 = tpu.vector_load %arg7[%get3A_634, %get3A_635] {strides = array<i32>} : memref<16x1024xf32, #tpu.memory_space<vmem>>, vector<16xf32>,
      %add3A_637 = arith.addf %get3A_632, %get3A_636 : vector<16xf32>
      %get3A_638 = arith.constant 4 : i32
      %get3A_639 = arith.index_cast %get3A_638 : i32 to index
      %get3A_640 = arith.index_cast %mul3A_629 : i32 to index
      %get3A_641 = tpu.vector_load %arg9[%get3A_639, %get3A_640] {strides = array<i32>} : memref<8x1024xf32, #tpu.memory_space<vmem>>, vector<16xf32>,
      %add3A_642 = arith.addf %add3A_637, %get3A_641 : vector<16xf32>
      %swap3A = arith.constant 4 : i32
      %swap3A_643 = arith.index_cast %swap3A : i32 to index
      %swap3A_644 = arith.index_cast %mul3A_629 : i32 to index
      %swap3A_645 = tpu.vector_load %arg9[%swap3A_643, %swap3A_644] {strides = array<i32>} : memref<8x1024xf32, #tpu.memory_space<vmem>>, vector<16xf32>,
      tpu.vector_store %arg9[%swap3A_643, %swap3A_644], %add3A_642 {strides = array<i32>} : memref<8x1024xf32, #tpu.memory_space<vmem>>, vector<16xf32>,
      %scan3A_646 = arith.constant 0 : i32
      scf.yield %scan3A_646 : i32
    }
    %scan3A_67 = arith.constant 64 : i32
    %scan3A_68 = arith.constant 0 : i32
    %scan3A_69 = arith.constant 0 : i32
    %scan3A_70 = arith.constant 64 : i32
    %scan3A_71 = arith.addi %scan3A_69, %scan3A_70 : i32
    %scan3A_72 = arith.constant 1 : i32
    %scan3A_73 = scf.for %scan3A_626 = %scan3A_69 to %scan3A_71 step %scan3A_72 iter_args(%scan3A_627 = %scan3A_68) -> (i32)  : i32 {
      %mul3A_628 = arith.constant 16 : i32
      %mul3A_629 = arith.muli %scan3A_626, %mul3A_628 : i32
      %get3A = arith.constant 10 : i32
      %get3A_630 = arith.index_cast %get3A : i32 to index
      %get3A_631 = arith.index_cast %mul3A_629 : i32 to index
      %get3A_632 = tpu.vector_load %arg7[%get3A_630, %get3A_631] {strides = array<i32>} : memref<16x1024xf32, #tpu.memory_space<vmem>>, vector<16xf32>,
      %get3A_633 = arith.constant 11 : i32
      %get3A_634 = arith.index_cast %get3A_633 : i32 to index
      %get3A_635 = arith.index_cast %mul3A_629 : i32 to index
      %get3A_636 = tpu.vector_load %arg7[%get3A_634, %get3A_635] {strides = array<i32>} : memref<16x1024xf32, #tpu.memory_space<vmem>>, vector<16xf32>,
      %add3A_637 = arith.addf %get3A_632, %get3A_636 : vector<16xf32>
      %get3A_638 = arith.constant 5 : i32
      %get3A_639 = arith.index_cast %get3A_638 : i32 to index
      %get3A_640 = arith.index_cast %mul3A_629 : i32 to index
      %get3A_641 = tpu.vector_load %arg9[%get3A_639, %get3A_640] {strides = array<i32>} : memref<8x1024xf32, #tpu.memory_space<vmem>>, vector<16xf32>,
      %add3A_642 = arith.addf %add3A_637, %get3A_641 : vector<16xf32>
      %swap3A = arith.constant 5 : i32
      %swap3A_643 = arith.index_cast %swap3A : i32 to index
      %swap3A_644 = arith.index_cast %mul3A_629 : i32 to index
      %swap3A_645 = tpu.vector_load %arg9[%swap3A_643, %swap3A_644] {strides = array<i32>} : memref<8x1024xf32, #tpu.memory_space<vmem>>, vector<16xf32>,
      tpu.vector_store %arg9[%swap3A_643, %swap3A_644], %add3A_642 {strides = array<i32>} : memref<8x1024xf32, #tpu.memory_space<vmem>>, vector<16xf32>,
      %scan3A_646 = arith.constant 0 : i32
      scf.yield %scan3A_646 : i32
    }
    %scan3A_74 = arith.constant 64 : i32
    %scan3A_75 = arith.constant 0 : i32
    %scan3A_76 = arith.constant 0 : i32
    %scan3A_77 = arith.constant 64 : i32
    %scan3A_78 = arith.addi %scan3A_76, %scan3A_77 : i32
    %scan3A_79 = arith.constant 1 : i32
    %scan3A_80 = scf.for %scan3A_626 = %scan3A_76 to %scan3A_78 step %scan3A_79 iter_args(%scan3A_627 = %scan3A_75) -> (i32)  : i32 {
      %mul3A_628 = arith.constant 16 : i32
      %mul3A_629 = arith.muli %scan3A_626, %mul3A_628 : i32
      %get3A = arith.constant 12 : i32
      %get3A_630 = arith.index_cast %get3A : i32 to index
      %get3A_631 = arith.index_cast %mul3A_629 : i32 to index
      %get3A_632 = tpu.vector_load %arg7[%get3A_630, %get3A_631] {strides = array<i32>} : memref<16x1024xf32, #tpu.memory_space<vmem>>, vector<16xf32>,
      %get3A_633 = arith.constant 13 : i32
      %get3A_634 = arith.index_cast %get3A_633 : i32 to index
      %get3A_635 = arith.index_cast %mul3A_629 : i32 to index
      %get3A_636 = tpu.vector_load %arg7[%get3A_634, %get3A_635] {strides = array<i32>} : memref<16x1024xf32, #tpu.memory_space<vmem>>, vector<16xf32>,
      %add3A_637 = arith.addf %get3A_632, %get3A_636 : vector<16xf32>
      %get3A_638 = arith.constant 6 : i32
      %get3A_639 = arith.index_cast %get3A_638 : i32 to index
      %get3A_640 = arith.index_cast %mul3A_629 : i32 to index
      %get3A_641 = tpu.vector_load %arg9[%get3A_639, %get3A_640] {strides = array<i32>} : memref<8x1024xf32, #tpu.memory_space<vmem>>, vector<16xf32>,
      %add3A_642 = arith.addf %add3A_637, %get3A_641 : vector<16xf32>
      %swap3A = arith.constant 6 : i32
      %swap3A_643 = arith.index_cast %swap3A : i32 to index
      %swap3A_644 = arith.index_cast %mul3A_629 : i32 to index
      %swap3A_645 = tpu.vector_load %arg9[%swap3A_643, %swap3A_644] {strides = array<i32>} : memref<8x1024xf32, #tpu.memory_space<vmem>>, vector<16xf32>,
      tpu.vector_store %arg9[%swap3A_643, %swap3A_644], %add3A_642 {strides = array<i32>} : memref<8x1024xf32, #tpu.memory_space<vmem>>, vector<16xf32>,
      %scan3A_646 = arith.constant 0 : i32
      scf.yield %scan3A_646 : i32
    }
    %scan3A_81 = arith.constant 64 : i32
    %scan3A_82 = arith.constant 0 : i32
    %scan3A_83 = arith.constant 0 : i32
    %scan3A_84 = arith.constant 64 : i32
    %scan3A_85 = arith.addi %scan3A_83, %scan3A_84 : i32
    %scan3A_86 = arith.constant 1 : i32
    %scan3A_87 = scf.for %scan3A_626 = %scan3A_83 to %scan3A_85 step %scan3A_86 iter_args(%scan3A_627 = %scan3A_82) -> (i32)  : i32 {
      %mul3A_628 = arith.constant 16 : i32
      %mul3A_629 = arith.muli %scan3A_626, %mul3A_628 : i32
      %get3A = arith.constant 14 : i32
      %get3A_630 = arith.index_cast %get3A : i32 to index
      %get3A_631 = arith.index_cast %mul3A_629 : i32 to index
      %get3A_632 = tpu.vector_load %arg7[%get3A_630, %get3A_631] {strides = array<i32>} : memref<16x1024xf32, #tpu.memory_space<vmem>>, vector<16xf32>,
      %get3A_633 = arith.constant 15 : i32
      %get3A_634 = arith.index_cast %get3A_633 : i32 to index
      %get3A_635 = arith.index_cast %mul3A_629 : i32 to index
      %get3A_636 = tpu.vector_load %arg7[%get3A_634, %get3A_635] {strides = array<i32>} : memref<16x1024xf32, #tpu.memory_space<vmem>>, vector<16xf32>,
      %add3A_637 = arith.addf %get3A_632, %get3A_636 : vector<16xf32>
      %get3A_638 = arith.constant 7 : i32
      %get3A_639 = arith.index_cast %get3A_638 : i32 to index
      %get3A_640 = arith.index_cast %mul3A_629 : i32 to index
      %get3A_641 = tpu.vector_load %arg9[%get3A_639, %get3A_640] {strides = array<i32>} : memref<8x1024xf32, #tpu.memory_space<vmem>>, vector<16xf32>,
      %add3A_642 = arith.addf %add3A_637, %get3A_641 : vector<16xf32>
      %swap3A = arith.constant 7 : i32
      %swap3A_643 = arith.index_cast %swap3A : i32 to index
      %swap3A_644 = arith.index_cast %mul3A_629 : i32 to index
      %swap3A_645 = tpu.vector_load %arg9[%swap3A_643, %swap3A_644] {strides = array<i32>} : memref<8x1024xf32, #tpu.memory_space<vmem>>, vector<16xf32>,
      tpu.vector_store %arg9[%swap3A_643, %swap3A_644], %add3A_642 {strides = array<i32>} : memref<8x1024xf32, #tpu.memory_space<vmem>>, vector<16xf32>,
      %scan3A_646 = arith.constant 0 : i32
      scf.yield %scan3A_646 : i32
    }
    %scan3A_88 = arith.constant 64 : i32
    %add3A_89 = arith.constant 0 : i32
    %add3A_90 = arith.addi %mul3A_2, %add3A_89 : i32
    "tpu.region"() ({
      %run_scoped3A = tpu.sem_alloc : memref<!tpu.dma_semaphore, #tpu.memory_space<semaphore_mem>>
      %dma_start3A_626 = arith.constant 0 : i32
      %dma_start3A_627 = tpu.memref_slice %arg5[%add3A_90, %dma_start3A_626] : memref<2048x1024xf32, #tpu.memory_space<hbm>> -> memref<8x1024xf32, #tpu.memory_space<hbm>>
      %dma_start3A_628 = arith.constant 0 : i32
      %dma_start3A_629 = tpu.memref_slice %arg5[%add3A_90, %dma_start3A_628] : memref<2048x1024xf32, #tpu.memory_space<hbm>> -> memref<8x1024xf32, #tpu.memory_space<hbm>>
      tpu.enqueue_dma source(%arg9 : memref<8x1024xf32, #tpu.memory_space<vmem>>) target(%dma_start3A_629 : memref<8x1024xf32, #tpu.memory_space<hbm>>) target_semaphore(%run_scoped3A : memref<!tpu.dma_semaphore, #tpu.memory_space<semaphore_mem>>)
      %dma_wait3A_630 = arith.constant 0 : i32
      %dma_wait3A_631 = tpu.memref_slice %arg5[%add3A_90, %dma_wait3A_630] : memref<2048x1024xf32, #tpu.memory_space<hbm>> -> memref<8x1024xf32, #tpu.memory_space<hbm>>
      %dma_wait3A_632 = arith.constant 0 : i32
      %dma_wait3A_633 = tpu.memref_slice %arg5[%add3A_90, %dma_wait3A_632] : memref<2048x1024xf32, #tpu.memory_space<hbm>> -> memref<8x1024xf32, #tpu.memory_space<hbm>>
      tpu.wait_dma2 semaphore(%run_scoped3A : memref<!tpu.dma_semaphore, #tpu.memory_space<semaphore_mem>>) src(%arg9 : memref<8x1024xf32, #tpu.memory_space<vmem>>) dst(%dma_wait3A_633 : memref<8x1024xf32, #tpu.memory_space<hbm>>)
      tpu.yield
    }) : () -> ()
    %dma_start3A_91 = arith.constant 32 : i32
    %dma_start3A_92 = tpu.memref_slice %arg6[%dma_start3A_91] : memref<128xi32, #tpu.memory_space<vmem>> -> memref<16xi32, #tpu.memory_space<vmem>>
    %dma_start3A_93 = arith.constant 0 : i32
    %dma_start3A_94 = arith.constant 0 : i32
    %dma_start3A_95 = tpu.memref_slice %arg3[%dma_start3A_93, %dma_start3A_94] : memref<8192x1024xf32, #tpu.memory_space<hbm>> -> memref<8192x1024xf32, #tpu.memory_space<hbm>>
    tpu.enqueue_indirect_dma source(%dma_start3A_95 : memref<8192x1024xf32, #tpu.memory_space<hbm>>) target(%arg7 : memref<16x1024xf32, #tpu.memory_space<vmem>>) offsets(%dma_start3A_92 : memref<16xi32, #tpu.memory_space<vmem>>) semaphore(%arg11 : memref<!tpu.dma_semaphore, #tpu.memory_space<semaphore_mem>>)
    %add3A_96 = arith.constant 16 : i32
    %add3A_97 = arith.addi %mul3A_2, %add3A_96 : i32
    %dma_start3A_98 = arith.constant 0 : i32
    %dma_start3A_99 = tpu.memref_slice %arg4[%add3A_97, %dma_start3A_98] : memref<2048x1024xf32, #tpu.memory_space<hbm>> -> memref<8x1024xf32, #tpu.memory_space<hbm>>
    %dma_start3A_100 = arith.constant 0 : i32
    %dma_start3A_101 = tpu.memref_slice %arg4[%add3A_97, %dma_start3A_100] : memref<2048x1024xf32, #tpu.memory_space<hbm>> -> memref<8x1024xf32, #tpu.memory_space<hbm>>
    tpu.enqueue_dma source(%dma_start3A_101 : memref<8x1024xf32, #tpu.memory_space<hbm>>) target(%arg9 : memref<8x1024xf32, #tpu.memory_space<vmem>>) target_semaphore(%arg13 : memref<!tpu.dma_semaphore, #tpu.memory_space<semaphore_mem>>)
    %dma_wait3A_102 = arith.constant 16 : i32
    %dma_wait3A_103 = tpu.memref_slice %arg6[%dma_wait3A_102] : memref<128xi32, #tpu.memory_space<vmem>> -> memref<16xi32, #tpu.memory_space<vmem>>
    %dma_wait3A_104 = arith.constant 0 : i32
    %dma_wait3A_105 = arith.constant 0 : i32
    %dma_wait3A_106 = tpu.memref_slice %arg3[%dma_wait3A_104, %dma_wait3A_105] : memref<8192x1024xf32, #tpu.memory_space<hbm>> -> memref<8192x1024xf32, #tpu.memory_space<hbm>>
    tpu.wait_indirect_dma semaphore(%arg12 : memref<!tpu.dma_semaphore, #tpu.memory_space<semaphore_mem>>) src(%dma_wait3A_106 : memref<8192x1024xf32, #tpu.memory_space<hbm>>) dst(%arg8 : memref<16x1024xf32, #tpu.memory_space<vmem>>)
    %dma_wait3A_107 = arith.constant 0 : i32
    %dma_wait3A_108 = tpu.memref_slice %arg4[%add3A_21, %dma_wait3A_107] : memref<2048x1024xf32, #tpu.memory_space<hbm>> -> memref<8x1024xf32, #tpu.memory_space<hbm>>
    %dma_wait3A_109 = arith.constant 0 : i32
    %dma_wait3A_110 = tpu.memref_slice %arg4[%add3A_21, %dma_wait3A_109] : memref<2048x1024xf32, #tpu.memory_space<hbm>> -> memref<8x1024xf32, #tpu.memory_space<hbm>>
    tpu.wait_dma2 semaphore(%arg14 : memref<!tpu.dma_semaphore, #tpu.memory_space<semaphore_mem>>) src(%dma_wait3A_110 : memref<8x1024xf32, #tpu.memory_space<hbm>>) dst(%arg10 : memref<8x1024xf32, #tpu.memory_space<vmem>>)
    %scan3A_111 = arith.constant 0 : i32
    %scan3A_112 = arith.constant 0 : i32
    %scan3A_113 = arith.constant 64 : i32
    %scan3A_114 = arith.addi %scan3A_112, %scan3A_113 : i32
    %scan3A_115 = arith.constant 1 : i32
    %scan3A_116 = scf.for %scan3A_626 = %scan3A_112 to %scan3A_114 step %scan3A_115 iter_args(%scan3A_627 = %scan3A_111) -> (i32)  : i32 {
      %mul3A_628 = arith.constant 16 : i32
      %mul3A_629 = arith.muli %scan3A_626, %mul3A_628 : i32
      %get3A = arith.constant 0 : i32
      %get3A_630 = arith.index_cast %get3A : i32 to index
      %get3A_631 = arith.index_cast %mul3A_629 : i32 to index
      %get3A_632 = tpu.vector_load %arg8[%get3A_630, %get3A_631] {strides = array<i32>} : memref<16x1024xf32, #tpu.memory_space<vmem>>, vector<16xf32>,
      %get3A_633 = arith.constant 1 : i32
      %get3A_634 = arith.index_cast %get3A_633 : i32 to index
      %get3A_635 = arith.index_cast %mul3A_629 : i32 to index
      %get3A_636 = tpu.vector_load %arg8[%get3A_634, %get3A_635] {strides = array<i32>} : memref<16x1024xf32, #tpu.memory_space<vmem>>, vector<16xf32>,
      %add3A_637 = arith.addf %get3A_632, %get3A_636 : vector<16xf32>
      %get3A_638 = arith.constant 0 : i32
      %get3A_639 = arith.index_cast %get3A_638 : i32 to index
      %get3A_640 = arith.index_cast %mul3A_629 : i32 to index
      %get3A_641 = tpu.vector_load %arg10[%get3A_639, %get3A_640] {strides = array<i32>} : memref<8x1024xf32, #tpu.memory_space<vmem>>, vector<16xf32>,
      %add3A_642 = arith.addf %add3A_637, %get3A_641 : vector<16xf32>
      %swap3A = arith.constant 0 : i32
      %swap3A_643 = arith.index_cast %swap3A : i32 to index
      %swap3A_644 = arith.index_cast %mul3A_629 : i32 to index
      %swap3A_645 = tpu.vector_load %arg10[%swap3A_643, %swap3A_644] {strides = array<i32>} : memref<8x1024xf32, #tpu.memory_space<vmem>>, vector<16xf32>,
      tpu.vector_store %arg10[%swap3A_643, %swap3A_644], %add3A_642 {strides = array<i32>} : memref<8x1024xf32, #tpu.memory_space<vmem>>, vector<16xf32>,
      %scan3A_646 = arith.constant 0 : i32
      scf.yield %scan3A_646 : i32
    }
    %scan3A_117 = arith.constant 64 : i32
    %scan3A_118 = arith.constant 0 : i32
    %scan3A_119 = arith.constant 0 : i32
    %scan3A_120 = arith.constant 64 : i32
    %scan3A_121 = arith.addi %scan3A_119, %scan3A_120 : i32
    %scan3A_122 = arith.constant 1 : i32
    %scan3A_123 = scf.for %scan3A_626 = %scan3A_119 to %scan3A_121 step %scan3A_122 iter_args(%scan3A_627 = %scan3A_118) -> (i32)  : i32 {
      %mul3A_628 = arith.constant 16 : i32
      %mul3A_629 = arith.muli %scan3A_626, %mul3A_628 : i32
      %get3A = arith.constant 2 : i32
      %get3A_630 = arith.index_cast %get3A : i32 to index
      %get3A_631 = arith.index_cast %mul3A_629 : i32 to index
      %get3A_632 = tpu.vector_load %arg8[%get3A_630, %get3A_631] {strides = array<i32>} : memref<16x1024xf32, #tpu.memory_space<vmem>>, vector<16xf32>,
      %get3A_633 = arith.constant 3 : i32
      %get3A_634 = arith.index_cast %get3A_633 : i32 to index
      %get3A_635 = arith.index_cast %mul3A_629 : i32 to index
      %get3A_636 = tpu.vector_load %arg8[%get3A_634, %get3A_635] {strides = array<i32>} : memref<16x1024xf32, #tpu.memory_space<vmem>>, vector<16xf32>,
      %add3A_637 = arith.addf %get3A_632, %get3A_636 : vector<16xf32>
      %get3A_638 = arith.constant 1 : i32
      %get3A_639 = arith.index_cast %get3A_638 : i32 to index
      %get3A_640 = arith.index_cast %mul3A_629 : i32 to index
      %get3A_641 = tpu.vector_load %arg10[%get3A_639, %get3A_640] {strides = array<i32>} : memref<8x1024xf32, #tpu.memory_space<vmem>>, vector<16xf32>,
      %add3A_642 = arith.addf %add3A_637, %get3A_641 : vector<16xf32>
      %swap3A = arith.constant 1 : i32
      %swap3A_643 = arith.index_cast %swap3A : i32 to index
      %swap3A_644 = arith.index_cast %mul3A_629 : i32 to index
      %swap3A_645 = tpu.vector_load %arg10[%swap3A_643, %swap3A_644] {strides = array<i32>} : memref<8x1024xf32, #tpu.memory_space<vmem>>, vector<16xf32>,
      tpu.vector_store %arg10[%swap3A_643, %swap3A_644], %add3A_642 {strides = array<i32>} : memref<8x1024xf32, #tpu.memory_space<vmem>>, vector<16xf32>,
      %scan3A_646 = arith.constant 0 : i32
      scf.yield %scan3A_646 : i32
    }
    %scan3A_124 = arith.constant 64 : i32
    %scan3A_125 = arith.constant 0 : i32
    %scan3A_126 = arith.constant 0 : i32
    %scan3A_127 = arith.constant 64 : i32
    %scan3A_128 = arith.addi %scan3A_126, %scan3A_127 : i32
    %scan3A_129 = arith.constant 1 : i32
    %scan3A_130 = scf.for %scan3A_626 = %scan3A_126 to %scan3A_128 step %scan3A_129 iter_args(%scan3A_627 = %scan3A_125) -> (i32)  : i32 {
      %mul3A_628 = arith.constant 16 : i32
      %mul3A_629 = arith.muli %scan3A_626, %mul3A_628 : i32
      %get3A = arith.constant 4 : i32
      %get3A_630 = arith.index_cast %get3A : i32 to index
      %get3A_631 = arith.index_cast %mul3A_629 : i32 to index
      %get3A_632 = tpu.vector_load %arg8[%get3A_630, %get3A_631] {strides = array<i32>} : memref<16x1024xf32, #tpu.memory_space<vmem>>, vector<16xf32>,
      %get3A_633 = arith.constant 5 : i32
      %get3A_634 = arith.index_cast %get3A_633 : i32 to index
      %get3A_635 = arith.index_cast %mul3A_629 : i32 to index
      %get3A_636 = tpu.vector_load %arg8[%get3A_634, %get3A_635] {strides = array<i32>} : memref<16x1024xf32, #tpu.memory_space<vmem>>, vector<16xf32>,
      %add3A_637 = arith.addf %get3A_632, %get3A_636 : vector<16xf32>
      %get3A_638 = arith.constant 2 : i32
      %get3A_639 = arith.index_cast %get3A_638 : i32 to index
      %get3A_640 = arith.index_cast %mul3A_629 : i32 to index
      %get3A_641 = tpu.vector_load %arg10[%get3A_639, %get3A_640] {strides = array<i32>} : memref<8x1024xf32, #tpu.memory_space<vmem>>, vector<16xf32>,
      %add3A_642 = arith.addf %add3A_637, %get3A_641 : vector<16xf32>
      %swap3A = arith.constant 2 : i32
      %swap3A_643 = arith.index_cast %swap3A : i32 to index
      %swap3A_644 = arith.index_cast %mul3A_629 : i32 to index
      %swap3A_645 = tpu.vector_load %arg10[%swap3A_643, %swap3A_644] {strides = array<i32>} : memref<8x1024xf32, #tpu.memory_space<vmem>>, vector<16xf32>,
      tpu.vector_store %arg10[%swap3A_643, %swap3A_644], %add3A_642 {strides = array<i32>} : memref<8x1024xf32, #tpu.memory_space<vmem>>, vector<16xf32>,
      %scan3A_646 = arith.constant 0 : i32
      scf.yield %scan3A_646 : i32
    }
    %scan3A_131 = arith.constant 64 : i32
    %scan3A_132 = arith.constant 0 : i32
    %scan3A_133 = arith.constant 0 : i32
    %scan3A_134 = arith.constant 64 : i32
    %scan3A_135 = arith.addi %scan3A_133, %scan3A_134 : i32
    %scan3A_136 = arith.constant 1 : i32
    %scan3A_137 = scf.for %scan3A_626 = %scan3A_133 to %scan3A_135 step %scan3A_136 iter_args(%scan3A_627 = %scan3A_132) -> (i32)  : i32 {
      %mul3A_628 = arith.constant 16 : i32
      %mul3A_629 = arith.muli %scan3A_626, %mul3A_628 : i32
      %get3A = arith.constant 6 : i32
      %get3A_630 = arith.index_cast %get3A : i32 to index
      %get3A_631 = arith.index_cast %mul3A_629 : i32 to index
      %get3A_632 = tpu.vector_load %arg8[%get3A_630, %get3A_631] {strides = array<i32>} : memref<16x1024xf32, #tpu.memory_space<vmem>>, vector<16xf32>,
      %get3A_633 = arith.constant 7 : i32
      %get3A_634 = arith.index_cast %get3A_633 : i32 to index
      %get3A_635 = arith.index_cast %mul3A_629 : i32 to index
      %get3A_636 = tpu.vector_load %arg8[%get3A_634, %get3A_635] {strides = array<i32>} : memref<16x1024xf32, #tpu.memory_space<vmem>>, vector<16xf32>,
      %add3A_637 = arith.addf %get3A_632, %get3A_636 : vector<16xf32>
      %get3A_638 = arith.constant 3 : i32
      %get3A_639 = arith.index_cast %get3A_638 : i32 to index
      %get3A_640 = arith.index_cast %mul3A_629 : i32 to index
      %get3A_641 = tpu.vector_load %arg10[%get3A_639, %get3A_640] {strides = array<i32>} : memref<8x1024xf32, #tpu.memory_space<vmem>>, vector<16xf32>,
      %add3A_642 = arith.addf %add3A_637, %get3A_641 : vector<16xf32>
      %swap3A = arith.constant 3 : i32
      %swap3A_643 = arith.index_cast %swap3A : i32 to index
      %swap3A_644 = arith.index_cast %mul3A_629 : i32 to index
      %swap3A_645 = tpu.vector_load %arg10[%swap3A_643, %swap3A_644] {strides = array<i32>} : memref<8x1024xf32, #tpu.memory_space<vmem>>, vector<16xf32>,
      tpu.vector_store %arg10[%swap3A_643, %swap3A_644], %add3A_642 {strides = array<i32>} : memref<8x1024xf32, #tpu.memory_space<vmem>>, vector<16xf32>,
      %scan3A_646 = arith.constant 0 : i32
      scf.yield %scan3A_646 : i32
    }
    %scan3A_138 = arith.constant 64 : i32
    %scan3A_139 = arith.constant 0 : i32
    %scan3A_140 = arith.constant 0 : i32
    %scan3A_141 = arith.constant 64 : i32
    %scan3A_142 = arith.addi %scan3A_140, %scan3A_141 : i32
    %scan3A_143 = arith.constant 1 : i32
    %scan3A_144 = scf.for %scan3A_626 = %scan3A_140 to %scan3A_142 step %scan3A_143 iter_args(%scan3A_627 = %scan3A_139) -> (i32)  : i32 {
      %mul3A_628 = arith.constant 16 : i32
      %mul3A_629 = arith.muli %scan3A_626, %mul3A_628 : i32
      %get3A = arith.constant 8 : i32
      %get3A_630 = arith.index_cast %get3A : i32 to index
      %get3A_631 = arith.index_cast %mul3A_629 : i32 to index
      %get3A_632 = tpu.vector_load %arg8[%get3A_630, %get3A_631] {strides = array<i32>} : memref<16x1024xf32, #tpu.memory_space<vmem>>, vector<16xf32>,
      %get3A_633 = arith.constant 9 : i32
      %get3A_634 = arith.index_cast %get3A_633 : i32 to index
      %get3A_635 = arith.index_cast %mul3A_629 : i32 to index
      %get3A_636 = tpu.vector_load %arg8[%get3A_634, %get3A_635] {strides = array<i32>} : memref<16x1024xf32, #tpu.memory_space<vmem>>, vector<16xf32>,
      %add3A_637 = arith.addf %get3A_632, %get3A_636 : vector<16xf32>
      %get3A_638 = arith.constant 4 : i32
      %get3A_639 = arith.index_cast %get3A_638 : i32 to index
      %get3A_640 = arith.index_cast %mul3A_629 : i32 to index
      %get3A_641 = tpu.vector_load %arg10[%get3A_639, %get3A_640] {strides = array<i32>} : memref<8x1024xf32, #tpu.memory_space<vmem>>, vector<16xf32>,
      %add3A_642 = arith.addf %add3A_637, %get3A_641 : vector<16xf32>
      %swap3A = arith.constant 4 : i32
      %swap3A_643 = arith.index_cast %swap3A : i32 to index
      %swap3A_644 = arith.index_cast %mul3A_629 : i32 to index
      %swap3A_645 = tpu.vector_load %arg10[%swap3A_643, %swap3A_644] {strides = array<i32>} : memref<8x1024xf32, #tpu.memory_space<vmem>>, vector<16xf32>,
      tpu.vector_store %arg10[%swap3A_643, %swap3A_644], %add3A_642 {strides = array<i32>} : memref<8x1024xf32, #tpu.memory_space<vmem>>, vector<16xf32>,
      %scan3A_646 = arith.constant 0 : i32
      scf.yield %scan3A_646 : i32
    }
    %scan3A_145 = arith.constant 64 : i32
    %scan3A_146 = arith.constant 0 : i32
    %scan3A_147 = arith.constant 0 : i32
    %scan3A_148 = arith.constant 64 : i32
    %scan3A_149 = arith.addi %scan3A_147, %scan3A_148 : i32
    %scan3A_150 = arith.constant 1 : i32
    %scan3A_151 = scf.for %scan3A_626 = %scan3A_147 to %scan3A_149 step %scan3A_150 iter_args(%scan3A_627 = %scan3A_146) -> (i32)  : i32 {
      %mul3A_628 = arith.constant 16 : i32
      %mul3A_629 = arith.muli %scan3A_626, %mul3A_628 : i32
      %get3A = arith.constant 10 : i32
      %get3A_630 = arith.index_cast %get3A : i32 to index
      %get3A_631 = arith.index_cast %mul3A_629 : i32 to index
      %get3A_632 = tpu.vector_load %arg8[%get3A_630, %get3A_631] {strides = array<i32>} : memref<16x1024xf32, #tpu.memory_space<vmem>>, vector<16xf32>,
      %get3A_633 = arith.constant 11 : i32
      %get3A_634 = arith.index_cast %get3A_633 : i32 to index
      %get3A_635 = arith.index_cast %mul3A_629 : i32 to index
      %get3A_636 = tpu.vector_load %arg8[%get3A_634, %get3A_635] {strides = array<i32>} : memref<16x1024xf32, #tpu.memory_space<vmem>>, vector<16xf32>,
      %add3A_637 = arith.addf %get3A_632, %get3A_636 : vector<16xf32>
      %get3A_638 = arith.constant 5 : i32
      %get3A_639 = arith.index_cast %get3A_638 : i32 to index
      %get3A_640 = arith.index_cast %mul3A_629 : i32 to index
      %get3A_641 = tpu.vector_load %arg10[%get3A_639, %get3A_640] {strides = array<i32>} : memref<8x1024xf32, #tpu.memory_space<vmem>>, vector<16xf32>,
      %add3A_642 = arith.addf %add3A_637, %get3A_641 : vector<16xf32>
      %swap3A = arith.constant 5 : i32
      %swap3A_643 = arith.index_cast %swap3A : i32 to index
      %swap3A_644 = arith.index_cast %mul3A_629 : i32 to index
      %swap3A_645 = tpu.vector_load %arg10[%swap3A_643, %swap3A_644] {strides = array<i32>} : memref<8x1024xf32, #tpu.memory_space<vmem>>, vector<16xf32>,
      tpu.vector_store %arg10[%swap3A_643, %swap3A_644], %add3A_642 {strides = array<i32>} : memref<8x1024xf32, #tpu.memory_space<vmem>>, vector<16xf32>,
      %scan3A_646 = arith.constant 0 : i32
      scf.yield %scan3A_646 : i32
    }
    %scan3A_152 = arith.constant 64 : i32
    %scan3A_153 = arith.constant 0 : i32
    %scan3A_154 = arith.constant 0 : i32
    %scan3A_155 = arith.constant 64 : i32
    %scan3A_156 = arith.addi %scan3A_154, %scan3A_155 : i32
    %scan3A_157 = arith.constant 1 : i32
    %scan3A_158 = scf.for %scan3A_626 = %scan3A_154 to %scan3A_156 step %scan3A_157 iter_args(%scan3A_627 = %scan3A_153) -> (i32)  : i32 {
      %mul3A_628 = arith.constant 16 : i32
      %mul3A_629 = arith.muli %scan3A_626, %mul3A_628 : i32
      %get3A = arith.constant 12 : i32
      %get3A_630 = arith.index_cast %get3A : i32 to index
      %get3A_631 = arith.index_cast %mul3A_629 : i32 to index
      %get3A_632 = tpu.vector_load %arg8[%get3A_630, %get3A_631] {strides = array<i32>} : memref<16x1024xf32, #tpu.memory_space<vmem>>, vector<16xf32>,
      %get3A_633 = arith.constant 13 : i32
      %get3A_634 = arith.index_cast %get3A_633 : i32 to index
      %get3A_635 = arith.index_cast %mul3A_629 : i32 to index
      %get3A_636 = tpu.vector_load %arg8[%get3A_634, %get3A_635] {strides = array<i32>} : memref<16x1024xf32, #tpu.memory_space<vmem>>, vector<16xf32>,
      %add3A_637 = arith.addf %get3A_632, %get3A_636 : vector<16xf32>
      %get3A_638 = arith.constant 6 : i32
      %get3A_639 = arith.index_cast %get3A_638 : i32 to index
      %get3A_640 = arith.index_cast %mul3A_629 : i32 to index
      %get3A_641 = tpu.vector_load %arg10[%get3A_639, %get3A_640] {strides = array<i32>} : memref<8x1024xf32, #tpu.memory_space<vmem>>, vector<16xf32>,
      %add3A_642 = arith.addf %add3A_637, %get3A_641 : vector<16xf32>
      %swap3A = arith.constant 6 : i32
      %swap3A_643 = arith.index_cast %swap3A : i32 to index
      %swap3A_644 = arith.index_cast %mul3A_629 : i32 to index
      %swap3A_645 = tpu.vector_load %arg10[%swap3A_643, %swap3A_644] {strides = array<i32>} : memref<8x1024xf32, #tpu.memory_space<vmem>>, vector<16xf32>,
      tpu.vector_store %arg10[%swap3A_643, %swap3A_644], %add3A_642 {strides = array<i32>} : memref<8x1024xf32, #tpu.memory_space<vmem>>, vector<16xf32>,
      %scan3A_646 = arith.constant 0 : i32
      scf.yield %scan3A_646 : i32
    }
    %scan3A_159 = arith.constant 64 : i32
    %scan3A_160 = arith.constant 0 : i32
    %scan3A_161 = arith.constant 0 : i32
    %scan3A_162 = arith.constant 64 : i32
    %scan3A_163 = arith.addi %scan3A_161, %scan3A_162 : i32
    %scan3A_164 = arith.constant 1 : i32
    %scan3A_165 = scf.for %scan3A_626 = %scan3A_161 to %scan3A_163 step %scan3A_164 iter_args(%scan3A_627 = %scan3A_160) -> (i32)  : i32 {
      %mul3A_628 = arith.constant 16 : i32
      %mul3A_629 = arith.muli %scan3A_626, %mul3A_628 : i32
      %get3A = arith.constant 14 : i32
      %get3A_630 = arith.index_cast %get3A : i32 to index
      %get3A_631 = arith.index_cast %mul3A_629 : i32 to index
      %get3A_632 = tpu.vector_load %arg8[%get3A_630, %get3A_631] {strides = array<i32>} : memref<16x1024xf32, #tpu.memory_space<vmem>>, vector<16xf32>,
      %get3A_633 = arith.constant 15 : i32
      %get3A_634 = arith.index_cast %get3A_633 : i32 to index
      %get3A_635 = arith.index_cast %mul3A_629 : i32 to index
      %get3A_636 = tpu.vector_load %arg8[%get3A_634, %get3A_635] {strides = array<i32>} : memref<16x1024xf32, #tpu.memory_space<vmem>>, vector<16xf32>,
      %add3A_637 = arith.addf %get3A_632, %get3A_636 : vector<16xf32>
      %get3A_638 = arith.constant 7 : i32
      %get3A_639 = arith.index_cast %get3A_638 : i32 to index
      %get3A_640 = arith.index_cast %mul3A_629 : i32 to index
      %get3A_641 = tpu.vector_load %arg10[%get3A_639, %get3A_640] {strides = array<i32>} : memref<8x1024xf32, #tpu.memory_space<vmem>>, vector<16xf32>,
      %add3A_642 = arith.addf %add3A_637, %get3A_641 : vector<16xf32>
      %swap3A = arith.constant 7 : i32
      %swap3A_643 = arith.index_cast %swap3A : i32 to index
      %swap3A_644 = arith.index_cast %mul3A_629 : i32 to index
      %swap3A_645 = tpu.vector_load %arg10[%swap3A_643, %swap3A_644] {strides = array<i32>} : memref<8x1024xf32, #tpu.memory_space<vmem>>, vector<16xf32>,
      tpu.vector_store %arg10[%swap3A_643, %swap3A_644], %add3A_642 {strides = array<i32>} : memref<8x1024xf32, #tpu.memory_space<vmem>>, vector<16xf32>,
      %scan3A_646 = arith.constant 0 : i32
      scf.yield %scan3A_646 : i32
    }
    %scan3A_166 = arith.constant 64 : i32
    %add3A_167 = arith.constant 8 : i32
    %add3A_168 = arith.addi %mul3A_2, %add3A_167 : i32
    "tpu.region"() ({
      %run_scoped3A = tpu.sem_alloc : memref<!tpu.dma_semaphore, #tpu.memory_space<semaphore_mem>>
      %dma_start3A_626 = arith.constant 0 : i32
      %dma_start3A_627 = tpu.memref_slice %arg5[%add3A_168, %dma_start3A_626] : memref<2048x1024xf32, #tpu.memory_space<hbm>> -> memref<8x1024xf32, #tpu.memory_space<hbm>>
      %dma_start3A_628 = arith.constant 0 : i32
      %dma_start3A_629 = tpu.memref_slice %arg5[%add3A_168, %dma_start3A_628] : memref<2048x1024xf32, #tpu.memory_space<hbm>> -> memref<8x1024xf32, #tpu.memory_space<hbm>>
      tpu.enqueue_dma source(%arg10 : memref<8x1024xf32, #tpu.memory_space<vmem>>) target(%dma_start3A_629 : memref<8x1024xf32, #tpu.memory_space<hbm>>) target_semaphore(%run_scoped3A : memref<!tpu.dma_semaphore, #tpu.memory_space<semaphore_mem>>)
      %dma_wait3A_630 = arith.constant 0 : i32
      %dma_wait3A_631 = tpu.memref_slice %arg5[%add3A_168, %dma_wait3A_630] : memref<2048x1024xf32, #tpu.memory_space<hbm>> -> memref<8x1024xf32, #tpu.memory_space<hbm>>
      %dma_wait3A_632 = arith.constant 0 : i32
      %dma_wait3A_633 = tpu.memref_slice %arg5[%add3A_168, %dma_wait3A_632] : memref<2048x1024xf32, #tpu.memory_space<hbm>> -> memref<8x1024xf32, #tpu.memory_space<hbm>>
      tpu.wait_dma2 semaphore(%run_scoped3A : memref<!tpu.dma_semaphore, #tpu.memory_space<semaphore_mem>>) src(%arg10 : memref<8x1024xf32, #tpu.memory_space<vmem>>) dst(%dma_wait3A_633 : memref<8x1024xf32, #tpu.memory_space<hbm>>)
      tpu.yield
    }) : () -> ()
    %dma_start3A_169 = arith.constant 48 : i32
    %dma_start3A_170 = tpu.memref_slice %arg6[%dma_start3A_169] : memref<128xi32, #tpu.memory_space<vmem>> -> memref<16xi32, #tpu.memory_space<vmem>>
    %dma_start3A_171 = arith.constant 0 : i32
    %dma_start3A_172 = arith.constant 0 : i32
    %dma_start3A_173 = tpu.memref_slice %arg3[%dma_start3A_171, %dma_start3A_172] : memref<8192x1024xf32, #tpu.memory_space<hbm>> -> memref<8192x1024xf32, #tpu.memory_space<hbm>>
    tpu.enqueue_indirect_dma source(%dma_start3A_173 : memref<8192x1024xf32, #tpu.memory_space<hbm>>) target(%arg8 : memref<16x1024xf32, #tpu.memory_space<vmem>>) offsets(%dma_start3A_170 : memref<16xi32, #tpu.memory_space<vmem>>) semaphore(%arg12 : memref<!tpu.dma_semaphore, #tpu.memory_space<semaphore_mem>>)
    %add3A_174 = arith.constant 24 : i32
    %add3A_175 = arith.addi %mul3A_2, %add3A_174 : i32
    %dma_start3A_176 = arith.constant 0 : i32
    %dma_start3A_177 = tpu.memref_slice %arg4[%add3A_175, %dma_start3A_176] : memref<2048x1024xf32, #tpu.memory_space<hbm>> -> memref<8x1024xf32, #tpu.memory_space<hbm>>
    %dma_start3A_178 = arith.constant 0 : i32
    %dma_start3A_179 = tpu.memref_slice %arg4[%add3A_175, %dma_start3A_178] : memref<2048x1024xf32, #tpu.memory_space<hbm>> -> memref<8x1024xf32, #tpu.memory_space<hbm>>
    tpu.enqueue_dma source(%dma_start3A_179 : memref<8x1024xf32, #tpu.memory_space<hbm>>) target(%arg10 : memref<8x1024xf32, #tpu.memory_space<vmem>>) target_semaphore(%arg14 : memref<!tpu.dma_semaphore, #tpu.memory_space<semaphore_mem>>)
    %dma_wait3A_180 = arith.constant 32 : i32
    %dma_wait3A_181 = tpu.memref_slice %arg6[%dma_wait3A_180] : memref<128xi32, #tpu.memory_space<vmem>> -> memref<16xi32, #tpu.memory_space<vmem>>
    %dma_wait3A_182 = arith.constant 0 : i32
    %dma_wait3A_183 = arith.constant 0 : i32
    %dma_wait3A_184 = tpu.memref_slice %arg3[%dma_wait3A_182, %dma_wait3A_183] : memref<8192x1024xf32, #tpu.memory_space<hbm>> -> memref<8192x1024xf32, #tpu.memory_space<hbm>>
    tpu.wait_indirect_dma semaphore(%arg11 : memref<!tpu.dma_semaphore, #tpu.memory_space<semaphore_mem>>) src(%dma_wait3A_184 : memref<8192x1024xf32, #tpu.memory_space<hbm>>) dst(%arg7 : memref<16x1024xf32, #tpu.memory_space<vmem>>)
    %dma_wait3A_185 = arith.constant 0 : i32
    %dma_wait3A_186 = tpu.memref_slice %arg4[%add3A_97, %dma_wait3A_185] : memref<2048x1024xf32, #tpu.memory_space<hbm>> -> memref<8x1024xf32, #tpu.memory_space<hbm>>
    %dma_wait3A_187 = arith.constant 0 : i32
    %dma_wait3A_188 = tpu.memref_slice %arg4[%add3A_97, %dma_wait3A_187] : memref<2048x1024xf32, #tpu.memory_space<hbm>> -> memref<8x1024xf32, #tpu.memory_space<hbm>>
    tpu.wait_dma2 semaphore(%arg13 : memref<!tpu.dma_semaphore, #tpu.memory_space<semaphore_mem>>) src(%dma_wait3A_188 : memref<8x1024xf32, #tpu.memory_space<hbm>>) dst(%arg9 : memref<8x1024xf32, #tpu.memory_space<vmem>>)
    %scan3A_189 = arith.constant 0 : i32
    %scan3A_190 = arith.constant 0 : i32
    %scan3A_191 = arith.constant 64 : i32
    %scan3A_192 = arith.addi %scan3A_190, %scan3A_191 : i32
    %scan3A_193 = arith.constant 1 : i32
    %scan3A_194 = scf.for %scan3A_626 = %scan3A_190 to %scan3A_192 step %scan3A_193 iter_args(%scan3A_627 = %scan3A_189) -> (i32)  : i32 {
      %mul3A_628 = arith.constant 16 : i32
      %mul3A_629 = arith.muli %scan3A_626, %mul3A_628 : i32
      %get3A = arith.constant 0 : i32
      %get3A_630 = arith.index_cast %get3A : i32 to index
      %get3A_631 = arith.index_cast %mul3A_629 : i32 to index
      %get3A_632 = tpu.vector_load %arg7[%get3A_630, %get3A_631] {strides = array<i32>} : memref<16x1024xf32, #tpu.memory_space<vmem>>, vector<16xf32>,
      %get3A_633 = arith.constant 1 : i32
      %get3A_634 = arith.index_cast %get3A_633 : i32 to index
      %get3A_635 = arith.index_cast %mul3A_629 : i32 to index
      %get3A_636 = tpu.vector_load %arg7[%get3A_634, %get3A_635] {strides = array<i32>} : memref<16x1024xf32, #tpu.memory_space<vmem>>, vector<16xf32>,
      %add3A_637 = arith.addf %get3A_632, %get3A_636 : vector<16xf32>
      %get3A_638 = arith.constant 0 : i32
      %get3A_639 = arith.index_cast %get3A_638 : i32 to index
      %get3A_640 = arith.index_cast %mul3A_629 : i32 to index
      %get3A_641 = tpu.vector_load %arg9[%get3A_639, %get3A_640] {strides = array<i32>} : memref<8x1024xf32, #tpu.memory_space<vmem>>, vector<16xf32>,
      %add3A_642 = arith.addf %add3A_637, %get3A_641 : vector<16xf32>
      %swap3A = arith.constant 0 : i32
      %swap3A_643 = arith.index_cast %swap3A : i32 to index
      %swap3A_644 = arith.index_cast %mul3A_629 : i32 to index
      %swap3A_645 = tpu.vector_load %arg9[%swap3A_643, %swap3A_644] {strides = array<i32>} : memref<8x1024xf32, #tpu.memory_space<vmem>>, vector<16xf32>,
      tpu.vector_store %arg9[%swap3A_643, %swap3A_644], %add3A_642 {strides = array<i32>} : memref<8x1024xf32, #tpu.memory_space<vmem>>, vector<16xf32>,
      %scan3A_646 = arith.constant 0 : i32
      scf.yield %scan3A_646 : i32
    }
    %scan3A_195 = arith.constant 64 : i32
    %scan3A_196 = arith.constant 0 : i32
    %scan3A_197 = arith.constant 0 : i32
    %scan3A_198 = arith.constant 64 : i32
    %scan3A_199 = arith.addi %scan3A_197, %scan3A_198 : i32
    %scan3A_200 = arith.constant 1 : i32
    %scan3A_201 = scf.for %scan3A_626 = %scan3A_197 to %scan3A_199 step %scan3A_200 iter_args(%scan3A_627 = %scan3A_196) -> (i32)  : i32 {
      %mul3A_628 = arith.constant 16 : i32
      %mul3A_629 = arith.muli %scan3A_626, %mul3A_628 : i32
      %get3A = arith.constant 2 : i32
      %get3A_630 = arith.index_cast %get3A : i32 to index
      %get3A_631 = arith.index_cast %mul3A_629 : i32 to index
      %get3A_632 = tpu.vector_load %arg7[%get3A_630, %get3A_631] {strides = array<i32>} : memref<16x1024xf32, #tpu.memory_space<vmem>>, vector<16xf32>,
      %get3A_633 = arith.constant 3 : i32
      %get3A_634 = arith.index_cast %get3A_633 : i32 to index
      %get3A_635 = arith.index_cast %mul3A_629 : i32 to index
      %get3A_636 = tpu.vector_load %arg7[%get3A_634, %get3A_635] {strides = array<i32>} : memref<16x1024xf32, #tpu.memory_space<vmem>>, vector<16xf32>,
      %add3A_637 = arith.addf %get3A_632, %get3A_636 : vector<16xf32>
      %get3A_638 = arith.constant 1 : i32
      %get3A_639 = arith.index_cast %get3A_638 : i32 to index
      %get3A_640 = arith.index_cast %mul3A_629 : i32 to index
      %get3A_641 = tpu.vector_load %arg9[%get3A_639, %get3A_640] {strides = array<i32>} : memref<8x1024xf32, #tpu.memory_space<vmem>>, vector<16xf32>,
      %add3A_642 = arith.addf %add3A_637, %get3A_641 : vector<16xf32>
      %swap3A = arith.constant 1 : i32
      %swap3A_643 = arith.index_cast %swap3A : i32 to index
      %swap3A_644 = arith.index_cast %mul3A_629 : i32 to index
      %swap3A_645 = tpu.vector_load %arg9[%swap3A_643, %swap3A_644] {strides = array<i32>} : memref<8x1024xf32, #tpu.memory_space<vmem>>, vector<16xf32>,
      tpu.vector_store %arg9[%swap3A_643, %swap3A_644], %add3A_642 {strides = array<i32>} : memref<8x1024xf32, #tpu.memory_space<vmem>>, vector<16xf32>,
      %scan3A_646 = arith.constant 0 : i32
      scf.yield %scan3A_646 : i32
    }
    %scan3A_202 = arith.constant 64 : i32
    %scan3A_203 = arith.constant 0 : i32
    %scan3A_204 = arith.constant 0 : i32
    %scan3A_205 = arith.constant 64 : i32
    %scan3A_206 = arith.addi %scan3A_204, %scan3A_205 : i32
    %scan3A_207 = arith.constant 1 : i32
    %scan3A_208 = scf.for %scan3A_626 = %scan3A_204 to %scan3A_206 step %scan3A_207 iter_args(%scan3A_627 = %scan3A_203) -> (i32)  : i32 {
      %mul3A_628 = arith.constant 16 : i32
      %mul3A_629 = arith.muli %scan3A_626, %mul3A_628 : i32
      %get3A = arith.constant 4 : i32
      %get3A_630 = arith.index_cast %get3A : i32 to index
      %get3A_631 = arith.index_cast %mul3A_629 : i32 to index
      %get3A_632 = tpu.vector_load %arg7[%get3A_630, %get3A_631] {strides = array<i32>} : memref<16x1024xf32, #tpu.memory_space<vmem>>, vector<16xf32>,
      %get3A_633 = arith.constant 5 : i32
      %get3A_634 = arith.index_cast %get3A_633 : i32 to index
      %get3A_635 = arith.index_cast %mul3A_629 : i32 to index
      %get3A_636 = tpu.vector_load %arg7[%get3A_634, %get3A_635] {strides = array<i32>} : memref<16x1024xf32, #tpu.memory_space<vmem>>, vector<16xf32>,
      %add3A_637 = arith.addf %get3A_632, %get3A_636 : vector<16xf32>
      %get3A_638 = arith.constant 2 : i32
      %get3A_639 = arith.index_cast %get3A_638 : i32 to index
      %get3A_640 = arith.index_cast %mul3A_629 : i32 to index
      %get3A_641 = tpu.vector_load %arg9[%get3A_639, %get3A_640] {strides = array<i32>} : memref<8x1024xf32, #tpu.memory_space<vmem>>, vector<16xf32>,
      %add3A_642 = arith.addf %add3A_637, %get3A_641 : vector<16xf32>
      %swap3A = arith.constant 2 : i32
      %swap3A_643 = arith.index_cast %swap3A : i32 to index
      %swap3A_644 = arith.index_cast %mul3A_629 : i32 to index
      %swap3A_645 = tpu.vector_load %arg9[%swap3A_643, %swap3A_644] {strides = array<i32>} : memref<8x1024xf32, #tpu.memory_space<vmem>>, vector<16xf32>,
      tpu.vector_store %arg9[%swap3A_643, %swap3A_644], %add3A_642 {strides = array<i32>} : memref<8x1024xf32, #tpu.memory_space<vmem>>, vector<16xf32>,
      %scan3A_646 = arith.constant 0 : i32
      scf.yield %scan3A_646 : i32
    }
    %scan3A_209 = arith.constant 64 : i32
    %scan3A_210 = arith.constant 0 : i32
    %scan3A_211 = arith.constant 0 : i32
    %scan3A_212 = arith.constant 64 : i32
    %scan3A_213 = arith.addi %scan3A_211, %scan3A_212 : i32
    %scan3A_214 = arith.constant 1 : i32
    %scan3A_215 = scf.for %scan3A_626 = %scan3A_211 to %scan3A_213 step %scan3A_214 iter_args(%scan3A_627 = %scan3A_210) -> (i32)  : i32 {
      %mul3A_628 = arith.constant 16 : i32
      %mul3A_629 = arith.muli %scan3A_626, %mul3A_628 : i32
      %get3A = arith.constant 6 : i32
      %get3A_630 = arith.index_cast %get3A : i32 to index
      %get3A_631 = arith.index_cast %mul3A_629 : i32 to index
      %get3A_632 = tpu.vector_load %arg7[%get3A_630, %get3A_631] {strides = array<i32>} : memref<16x1024xf32, #tpu.memory_space<vmem>>, vector<16xf32>,
      %get3A_633 = arith.constant 7 : i32
      %get3A_634 = arith.index_cast %get3A_633 : i32 to index
      %get3A_635 = arith.index_cast %mul3A_629 : i32 to index
      %get3A_636 = tpu.vector_load %arg7[%get3A_634, %get3A_635] {strides = array<i32>} : memref<16x1024xf32, #tpu.memory_space<vmem>>, vector<16xf32>,
      %add3A_637 = arith.addf %get3A_632, %get3A_636 : vector<16xf32>
      %get3A_638 = arith.constant 3 : i32
      %get3A_639 = arith.index_cast %get3A_638 : i32 to index
      %get3A_640 = arith.index_cast %mul3A_629 : i32 to index
      %get3A_641 = tpu.vector_load %arg9[%get3A_639, %get3A_640] {strides = array<i32>} : memref<8x1024xf32, #tpu.memory_space<vmem>>, vector<16xf32>,
      %add3A_642 = arith.addf %add3A_637, %get3A_641 : vector<16xf32>
      %swap3A = arith.constant 3 : i32
      %swap3A_643 = arith.index_cast %swap3A : i32 to index
      %swap3A_644 = arith.index_cast %mul3A_629 : i32 to index
      %swap3A_645 = tpu.vector_load %arg9[%swap3A_643, %swap3A_644] {strides = array<i32>} : memref<8x1024xf32, #tpu.memory_space<vmem>>, vector<16xf32>,
      tpu.vector_store %arg9[%swap3A_643, %swap3A_644], %add3A_642 {strides = array<i32>} : memref<8x1024xf32, #tpu.memory_space<vmem>>, vector<16xf32>,
      %scan3A_646 = arith.constant 0 : i32
      scf.yield %scan3A_646 : i32
    }
    %scan3A_216 = arith.constant 64 : i32
    %scan3A_217 = arith.constant 0 : i32
    %scan3A_218 = arith.constant 0 : i32
    %scan3A_219 = arith.constant 64 : i32
    %scan3A_220 = arith.addi %scan3A_218, %scan3A_219 : i32
    %scan3A_221 = arith.constant 1 : i32
    %scan3A_222 = scf.for %scan3A_626 = %scan3A_218 to %scan3A_220 step %scan3A_221 iter_args(%scan3A_627 = %scan3A_217) -> (i32)  : i32 {
      %mul3A_628 = arith.constant 16 : i32
      %mul3A_629 = arith.muli %scan3A_626, %mul3A_628 : i32
      %get3A = arith.constant 8 : i32
      %get3A_630 = arith.index_cast %get3A : i32 to index
      %get3A_631 = arith.index_cast %mul3A_629 : i32 to index
      %get3A_632 = tpu.vector_load %arg7[%get3A_630, %get3A_631] {strides = array<i32>} : memref<16x1024xf32, #tpu.memory_space<vmem>>, vector<16xf32>,
      %get3A_633 = arith.constant 9 : i32
      %get3A_634 = arith.index_cast %get3A_633 : i32 to index
      %get3A_635 = arith.index_cast %mul3A_629 : i32 to index
      %get3A_636 = tpu.vector_load %arg7[%get3A_634, %get3A_635] {strides = array<i32>} : memref<16x1024xf32, #tpu.memory_space<vmem>>, vector<16xf32>,
      %add3A_637 = arith.addf %get3A_632, %get3A_636 : vector<16xf32>
      %get3A_638 = arith.constant 4 : i32
      %get3A_639 = arith.index_cast %get3A_638 : i32 to index
      %get3A_640 = arith.index_cast %mul3A_629 : i32 to index
      %get3A_641 = tpu.vector_load %arg9[%get3A_639, %get3A_640] {strides = array<i32>} : memref<8x1024xf32, #tpu.memory_space<vmem>>, vector<16xf32>,
      %add3A_642 = arith.addf %add3A_637, %get3A_641 : vector<16xf32>
      %swap3A = arith.constant 4 : i32
      %swap3A_643 = arith.index_cast %swap3A : i32 to index
      %swap3A_644 = arith.index_cast %mul3A_629 : i32 to index
      %swap3A_645 = tpu.vector_load %arg9[%swap3A_643, %swap3A_644] {strides = array<i32>} : memref<8x1024xf32, #tpu.memory_space<vmem>>, vector<16xf32>,
      tpu.vector_store %arg9[%swap3A_643, %swap3A_644], %add3A_642 {strides = array<i32>} : memref<8x1024xf32, #tpu.memory_space<vmem>>, vector<16xf32>,
      %scan3A_646 = arith.constant 0 : i32
      scf.yield %scan3A_646 : i32
    }
    %scan3A_223 = arith.constant 64 : i32
    %scan3A_224 = arith.constant 0 : i32
    %scan3A_225 = arith.constant 0 : i32
    %scan3A_226 = arith.constant 64 : i32
    %scan3A_227 = arith.addi %scan3A_225, %scan3A_226 : i32
    %scan3A_228 = arith.constant 1 : i32
    %scan3A_229 = scf.for %scan3A_626 = %scan3A_225 to %scan3A_227 step %scan3A_228 iter_args(%scan3A_627 = %scan3A_224) -> (i32)  : i32 {
      %mul3A_628 = arith.constant 16 : i32
      %mul3A_629 = arith.muli %scan3A_626, %mul3A_628 : i32
      %get3A = arith.constant 10 : i32
      %get3A_630 = arith.index_cast %get3A : i32 to index
      %get3A_631 = arith.index_cast %mul3A_629 : i32 to index
      %get3A_632 = tpu.vector_load %arg7[%get3A_630, %get3A_631] {strides = array<i32>} : memref<16x1024xf32, #tpu.memory_space<vmem>>, vector<16xf32>,
      %get3A_633 = arith.constant 11 : i32
      %get3A_634 = arith.index_cast %get3A_633 : i32 to index
      %get3A_635 = arith.index_cast %mul3A_629 : i32 to index
      %get3A_636 = tpu.vector_load %arg7[%get3A_634, %get3A_635] {strides = array<i32>} : memref<16x1024xf32, #tpu.memory_space<vmem>>, vector<16xf32>,
      %add3A_637 = arith.addf %get3A_632, %get3A_636 : vector<16xf32>
      %get3A_638 = arith.constant 5 : i32
      %get3A_639 = arith.index_cast %get3A_638 : i32 to index
      %get3A_640 = arith.index_cast %mul3A_629 : i32 to index
      %get3A_641 = tpu.vector_load %arg9[%get3A_639, %get3A_640] {strides = array<i32>} : memref<8x1024xf32, #tpu.memory_space<vmem>>, vector<16xf32>,
      %add3A_642 = arith.addf %add3A_637, %get3A_641 : vector<16xf32>
      %swap3A = arith.constant 5 : i32
      %swap3A_643 = arith.index_cast %swap3A : i32 to index
      %swap3A_644 = arith.index_cast %mul3A_629 : i32 to index
      %swap3A_645 = tpu.vector_load %arg9[%swap3A_643, %swap3A_644] {strides = array<i32>} : memref<8x1024xf32, #tpu.memory_space<vmem>>, vector<16xf32>,
      tpu.vector_store %arg9[%swap3A_643, %swap3A_644], %add3A_642 {strides = array<i32>} : memref<8x1024xf32, #tpu.memory_space<vmem>>, vector<16xf32>,
      %scan3A_646 = arith.constant 0 : i32
      scf.yield %scan3A_646 : i32
    }
    %scan3A_230 = arith.constant 64 : i32
    %scan3A_231 = arith.constant 0 : i32
    %scan3A_232 = arith.constant 0 : i32
    %scan3A_233 = arith.constant 64 : i32
    %scan3A_234 = arith.addi %scan3A_232, %scan3A_233 : i32
    %scan3A_235 = arith.constant 1 : i32
    %scan3A_236 = scf.for %scan3A_626 = %scan3A_232 to %scan3A_234 step %scan3A_235 iter_args(%scan3A_627 = %scan3A_231) -> (i32)  : i32 {
      %mul3A_628 = arith.constant 16 : i32
      %mul3A_629 = arith.muli %scan3A_626, %mul3A_628 : i32
      %get3A = arith.constant 12 : i32
      %get3A_630 = arith.index_cast %get3A : i32 to index
      %get3A_631 = arith.index_cast %mul3A_629 : i32 to index
      %get3A_632 = tpu.vector_load %arg7[%get3A_630, %get3A_631] {strides = array<i32>} : memref<16x1024xf32, #tpu.memory_space<vmem>>, vector<16xf32>,
      %get3A_633 = arith.constant 13 : i32
      %get3A_634 = arith.index_cast %get3A_633 : i32 to index
      %get3A_635 = arith.index_cast %mul3A_629 : i32 to index
      %get3A_636 = tpu.vector_load %arg7[%get3A_634, %get3A_635] {strides = array<i32>} : memref<16x1024xf32, #tpu.memory_space<vmem>>, vector<16xf32>,
      %add3A_637 = arith.addf %get3A_632, %get3A_636 : vector<16xf32>
      %get3A_638 = arith.constant 6 : i32
      %get3A_639 = arith.index_cast %get3A_638 : i32 to index
      %get3A_640 = arith.index_cast %mul3A_629 : i32 to index
      %get3A_641 = tpu.vector_load %arg9[%get3A_639, %get3A_640] {strides = array<i32>} : memref<8x1024xf32, #tpu.memory_space<vmem>>, vector<16xf32>,
      %add3A_642 = arith.addf %add3A_637, %get3A_641 : vector<16xf32>
      %swap3A = arith.constant 6 : i32
      %swap3A_643 = arith.index_cast %swap3A : i32 to index
      %swap3A_644 = arith.index_cast %mul3A_629 : i32 to index
      %swap3A_645 = tpu.vector_load %arg9[%swap3A_643, %swap3A_644] {strides = array<i32>} : memref<8x1024xf32, #tpu.memory_space<vmem>>, vector<16xf32>,
      tpu.vector_store %arg9[%swap3A_643, %swap3A_644], %add3A_642 {strides = array<i32>} : memref<8x1024xf32, #tpu.memory_space<vmem>>, vector<16xf32>,
      %scan3A_646 = arith.constant 0 : i32
      scf.yield %scan3A_646 : i32
    }
    %scan3A_237 = arith.constant 64 : i32
    %scan3A_238 = arith.constant 0 : i32
    %scan3A_239 = arith.constant 0 : i32
    %scan3A_240 = arith.constant 64 : i32
    %scan3A_241 = arith.addi %scan3A_239, %scan3A_240 : i32
    %scan3A_242 = arith.constant 1 : i32
    %scan3A_243 = scf.for %scan3A_626 = %scan3A_239 to %scan3A_241 step %scan3A_242 iter_args(%scan3A_627 = %scan3A_238) -> (i32)  : i32 {
      %mul3A_628 = arith.constant 16 : i32
      %mul3A_629 = arith.muli %scan3A_626, %mul3A_628 : i32
      %get3A = arith.constant 14 : i32
      %get3A_630 = arith.index_cast %get3A : i32 to index
      %get3A_631 = arith.index_cast %mul3A_629 : i32 to index
      %get3A_632 = tpu.vector_load %arg7[%get3A_630, %get3A_631] {strides = array<i32>} : memref<16x1024xf32, #tpu.memory_space<vmem>>, vector<16xf32>,
      %get3A_633 = arith.constant 15 : i32
      %get3A_634 = arith.index_cast %get3A_633 : i32 to index
      %get3A_635 = arith.index_cast %mul3A_629 : i32 to index
      %get3A_636 = tpu.vector_load %arg7[%get3A_634, %get3A_635] {strides = array<i32>} : memref<16x1024xf32, #tpu.memory_space<vmem>>, vector<16xf32>,
      %add3A_637 = arith.addf %get3A_632, %get3A_636 : vector<16xf32>
      %get3A_638 = arith.constant 7 : i32
      %get3A_639 = arith.index_cast %get3A_638 : i32 to index
      %get3A_640 = arith.index_cast %mul3A_629 : i32 to index
      %get3A_641 = tpu.vector_load %arg9[%get3A_639, %get3A_640] {strides = array<i32>} : memref<8x1024xf32, #tpu.memory_space<vmem>>, vector<16xf32>,
      %add3A_642 = arith.addf %add3A_637, %get3A_641 : vector<16xf32>
      %swap3A = arith.constant 7 : i32
      %swap3A_643 = arith.index_cast %swap3A : i32 to index
      %swap3A_644 = arith.index_cast %mul3A_629 : i32 to index
      %swap3A_645 = tpu.vector_load %arg9[%swap3A_643, %swap3A_644] {strides = array<i32>} : memref<8x1024xf32, #tpu.memory_space<vmem>>, vector<16xf32>,
      tpu.vector_store %arg9[%swap3A_643, %swap3A_644], %add3A_642 {strides = array<i32>} : memref<8x1024xf32, #tpu.memory_space<vmem>>, vector<16xf32>,
      %scan3A_646 = arith.constant 0 : i32
      scf.yield %scan3A_646 : i32
    }
    %scan3A_244 = arith.constant 64 : i32
    %add3A_245 = arith.constant 16 : i32
    %add3A_246 = arith.addi %mul3A_2, %add3A_245 : i32
    "tpu.region"() ({
      %run_scoped3A = tpu.sem_alloc : memref<!tpu.dma_semaphore, #tpu.memory_space<semaphore_mem>>
      %dma_start3A_626 = arith.constant 0 : i32
      %dma_start3A_627 = tpu.memref_slice %arg5[%add3A_246, %dma_start3A_626] : memref<2048x1024xf32, #tpu.memory_space<hbm>> -> memref<8x1024xf32, #tpu.memory_space<hbm>>
      %dma_start3A_628 = arith.constant 0 : i32
      %dma_start3A_629 = tpu.memref_slice %arg5[%add3A_246, %dma_start3A_628] : memref<2048x1024xf32, #tpu.memory_space<hbm>> -> memref<8x1024xf32, #tpu.memory_space<hbm>>
      tpu.enqueue_dma source(%arg9 : memref<8x1024xf32, #tpu.memory_space<vmem>>) target(%dma_start3A_629 : memref<8x1024xf32, #tpu.memory_space<hbm>>) target_semaphore(%run_scoped3A : memref<!tpu.dma_semaphore, #tpu.memory_space<semaphore_mem>>)
      %dma_wait3A_630 = arith.constant 0 : i32
      %dma_wait3A_631 = tpu.memref_slice %arg5[%add3A_246, %dma_wait3A_630] : memref<2048x1024xf32, #tpu.memory_space<hbm>> -> memref<8x1024xf32, #tpu.memory_space<hbm>>
      %dma_wait3A_632 = arith.constant 0 : i32
      %dma_wait3A_633 = tpu.memref_slice %arg5[%add3A_246, %dma_wait3A_632] : memref<2048x1024xf32, #tpu.memory_space<hbm>> -> memref<8x1024xf32, #tpu.memory_space<hbm>>
      tpu.wait_dma2 semaphore(%run_scoped3A : memref<!tpu.dma_semaphore, #tpu.memory_space<semaphore_mem>>) src(%arg9 : memref<8x1024xf32, #tpu.memory_space<vmem>>) dst(%dma_wait3A_633 : memref<8x1024xf32, #tpu.memory_space<hbm>>)
      tpu.yield
    }) : () -> ()
    %dma_start3A_247 = arith.constant 64 : i32
    %dma_start3A_248 = tpu.memref_slice %arg6[%dma_start3A_247] : memref<128xi32, #tpu.memory_space<vmem>> -> memref<16xi32, #tpu.memory_space<vmem>>
    %dma_start3A_249 = arith.constant 0 : i32
    %dma_start3A_250 = arith.constant 0 : i32
    %dma_start3A_251 = tpu.memref_slice %arg3[%dma_start3A_249, %dma_start3A_250] : memref<8192x1024xf32, #tpu.memory_space<hbm>> -> memref<8192x1024xf32, #tpu.memory_space<hbm>>
    tpu.enqueue_indirect_dma source(%dma_start3A_251 : memref<8192x1024xf32, #tpu.memory_space<hbm>>) target(%arg7 : memref<16x1024xf32, #tpu.memory_space<vmem>>) offsets(%dma_start3A_248 : memref<16xi32, #tpu.memory_space<vmem>>) semaphore(%arg11 : memref<!tpu.dma_semaphore, #tpu.memory_space<semaphore_mem>>)
    %add3A_252 = arith.constant 32 : i32
    %add3A_253 = arith.addi %mul3A_2, %add3A_252 : i32
    %dma_start3A_254 = arith.constant 0 : i32
    %dma_start3A_255 = tpu.memref_slice %arg4[%add3A_253, %dma_start3A_254] : memref<2048x1024xf32, #tpu.memory_space<hbm>> -> memref<8x1024xf32, #tpu.memory_space<hbm>>
    %dma_start3A_256 = arith.constant 0 : i32
    %dma_start3A_257 = tpu.memref_slice %arg4[%add3A_253, %dma_start3A_256] : memref<2048x1024xf32, #tpu.memory_space<hbm>> -> memref<8x1024xf32, #tpu.memory_space<hbm>>
    tpu.enqueue_dma source(%dma_start3A_257 : memref<8x1024xf32, #tpu.memory_space<hbm>>) target(%arg9 : memref<8x1024xf32, #tpu.memory_space<vmem>>) target_semaphore(%arg13 : memref<!tpu.dma_semaphore, #tpu.memory_space<semaphore_mem>>)
    %dma_wait3A_258 = arith.constant 48 : i32
    %dma_wait3A_259 = tpu.memref_slice %arg6[%dma_wait3A_258] : memref<128xi32, #tpu.memory_space<vmem>> -> memref<16xi32, #tpu.memory_space<vmem>>
    %dma_wait3A_260 = arith.constant 0 : i32
    %dma_wait3A_261 = arith.constant 0 : i32
    %dma_wait3A_262 = tpu.memref_slice %arg3[%dma_wait3A_260, %dma_wait3A_261] : memref<8192x1024xf32, #tpu.memory_space<hbm>> -> memref<8192x1024xf32, #tpu.memory_space<hbm>>
    tpu.wait_indirect_dma semaphore(%arg12 : memref<!tpu.dma_semaphore, #tpu.memory_space<semaphore_mem>>) src(%dma_wait3A_262 : memref<8192x1024xf32, #tpu.memory_space<hbm>>) dst(%arg8 : memref<16x1024xf32, #tpu.memory_space<vmem>>)
    %dma_wait3A_263 = arith.constant 0 : i32
    %dma_wait3A_264 = tpu.memref_slice %arg4[%add3A_175, %dma_wait3A_263] : memref<2048x1024xf32, #tpu.memory_space<hbm>> -> memref<8x1024xf32, #tpu.memory_space<hbm>>
    %dma_wait3A_265 = arith.constant 0 : i32
    %dma_wait3A_266 = tpu.memref_slice %arg4[%add3A_175, %dma_wait3A_265] : memref<2048x1024xf32, #tpu.memory_space<hbm>> -> memref<8x1024xf32, #tpu.memory_space<hbm>>
    tpu.wait_dma2 semaphore(%arg14 : memref<!tpu.dma_semaphore, #tpu.memory_space<semaphore_mem>>) src(%dma_wait3A_266 : memref<8x1024xf32, #tpu.memory_space<hbm>>) dst(%arg10 : memref<8x1024xf32, #tpu.memory_space<vmem>>)
    %scan3A_267 = arith.constant 0 : i32
    %scan3A_268 = arith.constant 0 : i32
    %scan3A_269 = arith.constant 64 : i32
    %scan3A_270 = arith.addi %scan3A_268, %scan3A_269 : i32
    %scan3A_271 = arith.constant 1 : i32
    %scan3A_272 = scf.for %scan3A_626 = %scan3A_268 to %scan3A_270 step %scan3A_271 iter_args(%scan3A_627 = %scan3A_267) -> (i32)  : i32 {
      %mul3A_628 = arith.constant 16 : i32
      %mul3A_629 = arith.muli %scan3A_626, %mul3A_628 : i32
      %get3A = arith.constant 0 : i32
      %get3A_630 = arith.index_cast %get3A : i32 to index
      %get3A_631 = arith.index_cast %mul3A_629 : i32 to index
      %get3A_632 = tpu.vector_load %arg8[%get3A_630, %get3A_631] {strides = array<i32>} : memref<16x1024xf32, #tpu.memory_space<vmem>>, vector<16xf32>,
      %get3A_633 = arith.constant 1 : i32
      %get3A_634 = arith.index_cast %get3A_633 : i32 to index
      %get3A_635 = arith.index_cast %mul3A_629 : i32 to index
      %get3A_636 = tpu.vector_load %arg8[%get3A_634, %get3A_635] {strides = array<i32>} : memref<16x1024xf32, #tpu.memory_space<vmem>>, vector<16xf32>,
      %add3A_637 = arith.addf %get3A_632, %get3A_636 : vector<16xf32>
      %get3A_638 = arith.constant 0 : i32
      %get3A_639 = arith.index_cast %get3A_638 : i32 to index
      %get3A_640 = arith.index_cast %mul3A_629 : i32 to index
      %get3A_641 = tpu.vector_load %arg10[%get3A_639, %get3A_640] {strides = array<i32>} : memref<8x1024xf32, #tpu.memory_space<vmem>>, vector<16xf32>,
      %add3A_642 = arith.addf %add3A_637, %get3A_641 : vector<16xf32>
      %swap3A = arith.constant 0 : i32
      %swap3A_643 = arith.index_cast %swap3A : i32 to index
      %swap3A_644 = arith.index_cast %mul3A_629 : i32 to index
      %swap3A_645 = tpu.vector_load %arg10[%swap3A_643, %swap3A_644] {strides = array<i32>} : memref<8x1024xf32, #tpu.memory_space<vmem>>, vector<16xf32>,
      tpu.vector_store %arg10[%swap3A_643, %swap3A_644], %add3A_642 {strides = array<i32>} : memref<8x1024xf32, #tpu.memory_space<vmem>>, vector<16xf32>,
      %scan3A_646 = arith.constant 0 : i32
      scf.yield %scan3A_646 : i32
    }
    %scan3A_273 = arith.constant 64 : i32
    %scan3A_274 = arith.constant 0 : i32
    %scan3A_275 = arith.constant 0 : i32
    %scan3A_276 = arith.constant 64 : i32
    %scan3A_277 = arith.addi %scan3A_275, %scan3A_276 : i32
    %scan3A_278 = arith.constant 1 : i32
    %scan3A_279 = scf.for %scan3A_626 = %scan3A_275 to %scan3A_277 step %scan3A_278 iter_args(%scan3A_627 = %scan3A_274) -> (i32)  : i32 {
      %mul3A_628 = arith.constant 16 : i32
      %mul3A_629 = arith.muli %scan3A_626, %mul3A_628 : i32
      %get3A = arith.constant 2 : i32
      %get3A_630 = arith.index_cast %get3A : i32 to index
      %get3A_631 = arith.index_cast %mul3A_629 : i32 to index
      %get3A_632 = tpu.vector_load %arg8[%get3A_630, %get3A_631] {strides = array<i32>} : memref<16x1024xf32, #tpu.memory_space<vmem>>, vector<16xf32>,
      %get3A_633 = arith.constant 3 : i32
      %get3A_634 = arith.index_cast %get3A_633 : i32 to index
      %get3A_635 = arith.index_cast %mul3A_629 : i32 to index
      %get3A_636 = tpu.vector_load %arg8[%get3A_634, %get3A_635] {strides = array<i32>} : memref<16x1024xf32, #tpu.memory_space<vmem>>, vector<16xf32>,
      %add3A_637 = arith.addf %get3A_632, %get3A_636 : vector<16xf32>
      %get3A_638 = arith.constant 1 : i32
      %get3A_639 = arith.index_cast %get3A_638 : i32 to index
      %get3A_640 = arith.index_cast %mul3A_629 : i32 to index
      %get3A_641 = tpu.vector_load %arg10[%get3A_639, %get3A_640] {strides = array<i32>} : memref<8x1024xf32, #tpu.memory_space<vmem>>, vector<16xf32>,
      %add3A_642 = arith.addf %add3A_637, %get3A_641 : vector<16xf32>
      %swap3A = arith.constant 1 : i32
      %swap3A_643 = arith.index_cast %swap3A : i32 to index
      %swap3A_644 = arith.index_cast %mul3A_629 : i32 to index
      %swap3A_645 = tpu.vector_load %arg10[%swap3A_643, %swap3A_644] {strides = array<i32>} : memref<8x1024xf32, #tpu.memory_space<vmem>>, vector<16xf32>,
      tpu.vector_store %arg10[%swap3A_643, %swap3A_644], %add3A_642 {strides = array<i32>} : memref<8x1024xf32, #tpu.memory_space<vmem>>, vector<16xf32>,
      %scan3A_646 = arith.constant 0 : i32
      scf.yield %scan3A_646 : i32
    }
    %scan3A_280 = arith.constant 64 : i32
    %scan3A_281 = arith.constant 0 : i32
    %scan3A_282 = arith.constant 0 : i32
    %scan3A_283 = arith.constant 64 : i32
    %scan3A_284 = arith.addi %scan3A_282, %scan3A_283 : i32
    %scan3A_285 = arith.constant 1 : i32
    %scan3A_286 = scf.for %scan3A_626 = %scan3A_282 to %scan3A_284 step %scan3A_285 iter_args(%scan3A_627 = %scan3A_281) -> (i32)  : i32 {
      %mul3A_628 = arith.constant 16 : i32
      %mul3A_629 = arith.muli %scan3A_626, %mul3A_628 : i32
      %get3A = arith.constant 4 : i32
      %get3A_630 = arith.index_cast %get3A : i32 to index
      %get3A_631 = arith.index_cast %mul3A_629 : i32 to index
      %get3A_632 = tpu.vector_load %arg8[%get3A_630, %get3A_631] {strides = array<i32>} : memref<16x1024xf32, #tpu.memory_space<vmem>>, vector<16xf32>,
      %get3A_633 = arith.constant 5 : i32
      %get3A_634 = arith.index_cast %get3A_633 : i32 to index
      %get3A_635 = arith.index_cast %mul3A_629 : i32 to index
      %get3A_636 = tpu.vector_load %arg8[%get3A_634, %get3A_635] {strides = array<i32>} : memref<16x1024xf32, #tpu.memory_space<vmem>>, vector<16xf32>,
      %add3A_637 = arith.addf %get3A_632, %get3A_636 : vector<16xf32>
      %get3A_638 = arith.constant 2 : i32
      %get3A_639 = arith.index_cast %get3A_638 : i32 to index
      %get3A_640 = arith.index_cast %mul3A_629 : i32 to index
      %get3A_641 = tpu.vector_load %arg10[%get3A_639, %get3A_640] {strides = array<i32>} : memref<8x1024xf32, #tpu.memory_space<vmem>>, vector<16xf32>,
      %add3A_642 = arith.addf %add3A_637, %get3A_641 : vector<16xf32>
      %swap3A = arith.constant 2 : i32
      %swap3A_643 = arith.index_cast %swap3A : i32 to index
      %swap3A_644 = arith.index_cast %mul3A_629 : i32 to index
      %swap3A_645 = tpu.vector_load %arg10[%swap3A_643, %swap3A_644] {strides = array<i32>} : memref<8x1024xf32, #tpu.memory_space<vmem>>, vector<16xf32>,
      tpu.vector_store %arg10[%swap3A_643, %swap3A_644], %add3A_642 {strides = array<i32>} : memref<8x1024xf32, #tpu.memory_space<vmem>>, vector<16xf32>,
      %scan3A_646 = arith.constant 0 : i32
      scf.yield %scan3A_646 : i32
    }
    %scan3A_287 = arith.constant 64 : i32
    %scan3A_288 = arith.constant 0 : i32
    %scan3A_289 = arith.constant 0 : i32
    %scan3A_290 = arith.constant 64 : i32
    %scan3A_291 = arith.addi %scan3A_289, %scan3A_290 : i32
    %scan3A_292 = arith.constant 1 : i32
    %scan3A_293 = scf.for %scan3A_626 = %scan3A_289 to %scan3A_291 step %scan3A_292 iter_args(%scan3A_627 = %scan3A_288) -> (i32)  : i32 {
      %mul3A_628 = arith.constant 16 : i32
      %mul3A_629 = arith.muli %scan3A_626, %mul3A_628 : i32
      %get3A = arith.constant 6 : i32
      %get3A_630 = arith.index_cast %get3A : i32 to index
      %get3A_631 = arith.index_cast %mul3A_629 : i32 to index
      %get3A_632 = tpu.vector_load %arg8[%get3A_630, %get3A_631] {strides = array<i32>} : memref<16x1024xf32, #tpu.memory_space<vmem>>, vector<16xf32>,
      %get3A_633 = arith.constant 7 : i32
      %get3A_634 = arith.index_cast %get3A_633 : i32 to index
      %get3A_635 = arith.index_cast %mul3A_629 : i32 to index
      %get3A_636 = tpu.vector_load %arg8[%get3A_634, %get3A_635] {strides = array<i32>} : memref<16x1024xf32, #tpu.memory_space<vmem>>, vector<16xf32>,
      %add3A_637 = arith.addf %get3A_632, %get3A_636 : vector<16xf32>
      %get3A_638 = arith.constant 3 : i32
      %get3A_639 = arith.index_cast %get3A_638 : i32 to index
      %get3A_640 = arith.index_cast %mul3A_629 : i32 to index
      %get3A_641 = tpu.vector_load %arg10[%get3A_639, %get3A_640] {strides = array<i32>} : memref<8x1024xf32, #tpu.memory_space<vmem>>, vector<16xf32>,
      %add3A_642 = arith.addf %add3A_637, %get3A_641 : vector<16xf32>
      %swap3A = arith.constant 3 : i32
      %swap3A_643 = arith.index_cast %swap3A : i32 to index
      %swap3A_644 = arith.index_cast %mul3A_629 : i32 to index
      %swap3A_645 = tpu.vector_load %arg10[%swap3A_643, %swap3A_644] {strides = array<i32>} : memref<8x1024xf32, #tpu.memory_space<vmem>>, vector<16xf32>,
      tpu.vector_store %arg10[%swap3A_643, %swap3A_644], %add3A_642 {strides = array<i32>} : memref<8x1024xf32, #tpu.memory_space<vmem>>, vector<16xf32>,
      %scan3A_646 = arith.constant 0 : i32
      scf.yield %scan3A_646 : i32
    }
    %scan3A_294 = arith.constant 64 : i32
    %scan3A_295 = arith.constant 0 : i32
    %scan3A_296 = arith.constant 0 : i32
    %scan3A_297 = arith.constant 64 : i32
    %scan3A_298 = arith.addi %scan3A_296, %scan3A_297 : i32
    %scan3A_299 = arith.constant 1 : i32
    %scan3A_300 = scf.for %scan3A_626 = %scan3A_296 to %scan3A_298 step %scan3A_299 iter_args(%scan3A_627 = %scan3A_295) -> (i32)  : i32 {
      %mul3A_628 = arith.constant 16 : i32
      %mul3A_629 = arith.muli %scan3A_626, %mul3A_628 : i32
      %get3A = arith.constant 8 : i32
      %get3A_630 = arith.index_cast %get3A : i32 to index
      %get3A_631 = arith.index_cast %mul3A_629 : i32 to index
      %get3A_632 = tpu.vector_load %arg8[%get3A_630, %get3A_631] {strides = array<i32>} : memref<16x1024xf32, #tpu.memory_space<vmem>>, vector<16xf32>,
      %get3A_633 = arith.constant 9 : i32
      %get3A_634 = arith.index_cast %get3A_633 : i32 to index
      %get3A_635 = arith.index_cast %mul3A_629 : i32 to index
      %get3A_636 = tpu.vector_load %arg8[%get3A_634, %get3A_635] {strides = array<i32>} : memref<16x1024xf32, #tpu.memory_space<vmem>>, vector<16xf32>,
      %add3A_637 = arith.addf %get3A_632, %get3A_636 : vector<16xf32>
      %get3A_638 = arith.constant 4 : i32
      %get3A_639 = arith.index_cast %get3A_638 : i32 to index
      %get3A_640 = arith.index_cast %mul3A_629 : i32 to index
      %get3A_641 = tpu.vector_load %arg10[%get3A_639, %get3A_640] {strides = array<i32>} : memref<8x1024xf32, #tpu.memory_space<vmem>>, vector<16xf32>,
      %add3A_642 = arith.addf %add3A_637, %get3A_641 : vector<16xf32>
      %swap3A = arith.constant 4 : i32
      %swap3A_643 = arith.index_cast %swap3A : i32 to index
      %swap3A_644 = arith.index_cast %mul3A_629 : i32 to index
      %swap3A_645 = tpu.vector_load %arg10[%swap3A_643, %swap3A_644] {strides = array<i32>} : memref<8x1024xf32, #tpu.memory_space<vmem>>, vector<16xf32>,
      tpu.vector_store %arg10[%swap3A_643, %swap3A_644], %add3A_642 {strides = array<i32>} : memref<8x1024xf32, #tpu.memory_space<vmem>>, vector<16xf32>,
      %scan3A_646 = arith.constant 0 : i32
      scf.yield %scan3A_646 : i32
    }
    %scan3A_301 = arith.constant 64 : i32
    %scan3A_302 = arith.constant 0 : i32
    %scan3A_303 = arith.constant 0 : i32
    %scan3A_304 = arith.constant 64 : i32
    %scan3A_305 = arith.addi %scan3A_303, %scan3A_304 : i32
    %scan3A_306 = arith.constant 1 : i32
    %scan3A_307 = scf.for %scan3A_626 = %scan3A_303 to %scan3A_305 step %scan3A_306 iter_args(%scan3A_627 = %scan3A_302) -> (i32)  : i32 {
      %mul3A_628 = arith.constant 16 : i32
      %mul3A_629 = arith.muli %scan3A_626, %mul3A_628 : i32
      %get3A = arith.constant 10 : i32
      %get3A_630 = arith.index_cast %get3A : i32 to index
      %get3A_631 = arith.index_cast %mul3A_629 : i32 to index
      %get3A_632 = tpu.vector_load %arg8[%get3A_630, %get3A_631] {strides = array<i32>} : memref<16x1024xf32, #tpu.memory_space<vmem>>, vector<16xf32>,
      %get3A_633 = arith.constant 11 : i32
      %get3A_634 = arith.index_cast %get3A_633 : i32 to index
      %get3A_635 = arith.index_cast %mul3A_629 : i32 to index
      %get3A_636 = tpu.vector_load %arg8[%get3A_634, %get3A_635] {strides = array<i32>} : memref<16x1024xf32, #tpu.memory_space<vmem>>, vector<16xf32>,
      %add3A_637 = arith.addf %get3A_632, %get3A_636 : vector<16xf32>
      %get3A_638 = arith.constant 5 : i32
      %get3A_639 = arith.index_cast %get3A_638 : i32 to index
      %get3A_640 = arith.index_cast %mul3A_629 : i32 to index
      %get3A_641 = tpu.vector_load %arg10[%get3A_639, %get3A_640] {strides = array<i32>} : memref<8x1024xf32, #tpu.memory_space<vmem>>, vector<16xf32>,
      %add3A_642 = arith.addf %add3A_637, %get3A_641 : vector<16xf32>
      %swap3A = arith.constant 5 : i32
      %swap3A_643 = arith.index_cast %swap3A : i32 to index
      %swap3A_644 = arith.index_cast %mul3A_629 : i32 to index
      %swap3A_645 = tpu.vector_load %arg10[%swap3A_643, %swap3A_644] {strides = array<i32>} : memref<8x1024xf32, #tpu.memory_space<vmem>>, vector<16xf32>,
      tpu.vector_store %arg10[%swap3A_643, %swap3A_644], %add3A_642 {strides = array<i32>} : memref<8x1024xf32, #tpu.memory_space<vmem>>, vector<16xf32>,
      %scan3A_646 = arith.constant 0 : i32
      scf.yield %scan3A_646 : i32
    }
    %scan3A_308 = arith.constant 64 : i32
    %scan3A_309 = arith.constant 0 : i32
    %scan3A_310 = arith.constant 0 : i32
    %scan3A_311 = arith.constant 64 : i32
    %scan3A_312 = arith.addi %scan3A_310, %scan3A_311 : i32
    %scan3A_313 = arith.constant 1 : i32
    %scan3A_314 = scf.for %scan3A_626 = %scan3A_310 to %scan3A_312 step %scan3A_313 iter_args(%scan3A_627 = %scan3A_309) -> (i32)  : i32 {
      %mul3A_628 = arith.constant 16 : i32
      %mul3A_629 = arith.muli %scan3A_626, %mul3A_628 : i32
      %get3A = arith.constant 12 : i32
      %get3A_630 = arith.index_cast %get3A : i32 to index
      %get3A_631 = arith.index_cast %mul3A_629 : i32 to index
      %get3A_632 = tpu.vector_load %arg8[%get3A_630, %get3A_631] {strides = array<i32>} : memref<16x1024xf32, #tpu.memory_space<vmem>>, vector<16xf32>,
      %get3A_633 = arith.constant 13 : i32
      %get3A_634 = arith.index_cast %get3A_633 : i32 to index
      %get3A_635 = arith.index_cast %mul3A_629 : i32 to index
      %get3A_636 = tpu.vector_load %arg8[%get3A_634, %get3A_635] {strides = array<i32>} : memref<16x1024xf32, #tpu.memory_space<vmem>>, vector<16xf32>,
      %add3A_637 = arith.addf %get3A_632, %get3A_636 : vector<16xf32>
      %get3A_638 = arith.constant 6 : i32
      %get3A_639 = arith.index_cast %get3A_638 : i32 to index
      %get3A_640 = arith.index_cast %mul3A_629 : i32 to index
      %get3A_641 = tpu.vector_load %arg10[%get3A_639, %get3A_640] {strides = array<i32>} : memref<8x1024xf32, #tpu.memory_space<vmem>>, vector<16xf32>,
      %add3A_642 = arith.addf %add3A_637, %get3A_641 : vector<16xf32>
      %swap3A = arith.constant 6 : i32
      %swap3A_643 = arith.index_cast %swap3A : i32 to index
      %swap3A_644 = arith.index_cast %mul3A_629 : i32 to index
      %swap3A_645 = tpu.vector_load %arg10[%swap3A_643, %swap3A_644] {strides = array<i32>} : memref<8x1024xf32, #tpu.memory_space<vmem>>, vector<16xf32>,
      tpu.vector_store %arg10[%swap3A_643, %swap3A_644], %add3A_642 {strides = array<i32>} : memref<8x1024xf32, #tpu.memory_space<vmem>>, vector<16xf32>,
      %scan3A_646 = arith.constant 0 : i32
      scf.yield %scan3A_646 : i32
    }
    %scan3A_315 = arith.constant 64 : i32
    %scan3A_316 = arith.constant 0 : i32
    %scan3A_317 = arith.constant 0 : i32
    %scan3A_318 = arith.constant 64 : i32
    %scan3A_319 = arith.addi %scan3A_317, %scan3A_318 : i32
    %scan3A_320 = arith.constant 1 : i32
    %scan3A_321 = scf.for %scan3A_626 = %scan3A_317 to %scan3A_319 step %scan3A_320 iter_args(%scan3A_627 = %scan3A_316) -> (i32)  : i32 {
      %mul3A_628 = arith.constant 16 : i32
      %mul3A_629 = arith.muli %scan3A_626, %mul3A_628 : i32
      %get3A = arith.constant 14 : i32
      %get3A_630 = arith.index_cast %get3A : i32 to index
      %get3A_631 = arith.index_cast %mul3A_629 : i32 to index
      %get3A_632 = tpu.vector_load %arg8[%get3A_630, %get3A_631] {strides = array<i32>} : memref<16x1024xf32, #tpu.memory_space<vmem>>, vector<16xf32>,
      %get3A_633 = arith.constant 15 : i32
      %get3A_634 = arith.index_cast %get3A_633 : i32 to index
      %get3A_635 = arith.index_cast %mul3A_629 : i32 to index
      %get3A_636 = tpu.vector_load %arg8[%get3A_634, %get3A_635] {strides = array<i32>} : memref<16x1024xf32, #tpu.memory_space<vmem>>, vector<16xf32>,
      %add3A_637 = arith.addf %get3A_632, %get3A_636 : vector<16xf32>
      %get3A_638 = arith.constant 7 : i32
      %get3A_639 = arith.index_cast %get3A_638 : i32 to index
      %get3A_640 = arith.index_cast %mul3A_629 : i32 to index
      %get3A_641 = tpu.vector_load %arg10[%get3A_639, %get3A_640] {strides = array<i32>} : memref<8x1024xf32, #tpu.memory_space<vmem>>, vector<16xf32>,
      %add3A_642 = arith.addf %add3A_637, %get3A_641 : vector<16xf32>
      %swap3A = arith.constant 7 : i32
      %swap3A_643 = arith.index_cast %swap3A : i32 to index
      %swap3A_644 = arith.index_cast %mul3A_629 : i32 to index
      %swap3A_645 = tpu.vector_load %arg10[%swap3A_643, %swap3A_644] {strides = array<i32>} : memref<8x1024xf32, #tpu.memory_space<vmem>>, vector<16xf32>,
      tpu.vector_store %arg10[%swap3A_643, %swap3A_644], %add3A_642 {strides = array<i32>} : memref<8x1024xf32, #tpu.memory_space<vmem>>, vector<16xf32>,
      %scan3A_646 = arith.constant 0 : i32
      scf.yield %scan3A_646 : i32
    }
    %scan3A_322 = arith.constant 64 : i32
    %add3A_323 = arith.constant 24 : i32
    %add3A_324 = arith.addi %mul3A_2, %add3A_323 : i32
    "tpu.region"() ({
      %run_scoped3A = tpu.sem_alloc : memref<!tpu.dma_semaphore, #tpu.memory_space<semaphore_mem>>
      %dma_start3A_626 = arith.constant 0 : i32
      %dma_start3A_627 = tpu.memref_slice %arg5[%add3A_324, %dma_start3A_626] : memref<2048x1024xf32, #tpu.memory_space<hbm>> -> memref<8x1024xf32, #tpu.memory_space<hbm>>
      %dma_start3A_628 = arith.constant 0 : i32
      %dma_start3A_629 = tpu.memref_slice %arg5[%add3A_324, %dma_start3A_628] : memref<2048x1024xf32, #tpu.memory_space<hbm>> -> memref<8x1024xf32, #tpu.memory_space<hbm>>
      tpu.enqueue_dma source(%arg10 : memref<8x1024xf32, #tpu.memory_space<vmem>>) target(%dma_start3A_629 : memref<8x1024xf32, #tpu.memory_space<hbm>>) target_semaphore(%run_scoped3A : memref<!tpu.dma_semaphore, #tpu.memory_space<semaphore_mem>>)
      %dma_wait3A_630 = arith.constant 0 : i32
      %dma_wait3A_631 = tpu.memref_slice %arg5[%add3A_324, %dma_wait3A_630] : memref<2048x1024xf32, #tpu.memory_space<hbm>> -> memref<8x1024xf32, #tpu.memory_space<hbm>>
      %dma_wait3A_632 = arith.constant 0 : i32
      %dma_wait3A_633 = tpu.memref_slice %arg5[%add3A_324, %dma_wait3A_632] : memref<2048x1024xf32, #tpu.memory_space<hbm>> -> memref<8x1024xf32, #tpu.memory_space<hbm>>
      tpu.wait_dma2 semaphore(%run_scoped3A : memref<!tpu.dma_semaphore, #tpu.memory_space<semaphore_mem>>) src(%arg10 : memref<8x1024xf32, #tpu.memory_space<vmem>>) dst(%dma_wait3A_633 : memref<8x1024xf32, #tpu.memory_space<hbm>>)
      tpu.yield
    }) : () -> ()
    %dma_start3A_325 = arith.constant 80 : i32
    %dma_start3A_326 = tpu.memref_slice %arg6[%dma_start3A_325] : memref<128xi32, #tpu.memory_space<vmem>> -> memref<16xi32, #tpu.memory_space<vmem>>
    %dma_start3A_327 = arith.constant 0 : i32
    %dma_start3A_328 = arith.constant 0 : i32
    %dma_start3A_329 = tpu.memref_slice %arg3[%dma_start3A_327, %dma_start3A_328] : memref<8192x1024xf32, #tpu.memory_space<hbm>> -> memref<8192x1024xf32, #tpu.memory_space<hbm>>
    tpu.enqueue_indirect_dma source(%dma_start3A_329 : memref<8192x1024xf32, #tpu.memory_space<hbm>>) target(%arg8 : memref<16x1024xf32, #tpu.memory_space<vmem>>) offsets(%dma_start3A_326 : memref<16xi32, #tpu.memory_space<vmem>>) semaphore(%arg12 : memref<!tpu.dma_semaphore, #tpu.memory_space<semaphore_mem>>)
    %add3A_330 = arith.constant 40 : i32
    %add3A_331 = arith.addi %mul3A_2, %add3A_330 : i32
    %dma_start3A_332 = arith.constant 0 : i32
    %dma_start3A_333 = tpu.memref_slice %arg4[%add3A_331, %dma_start3A_332] : memref<2048x1024xf32, #tpu.memory_space<hbm>> -> memref<8x1024xf32, #tpu.memory_space<hbm>>
    %dma_start3A_334 = arith.constant 0 : i32
    %dma_start3A_335 = tpu.memref_slice %arg4[%add3A_331, %dma_start3A_334] : memref<2048x1024xf32, #tpu.memory_space<hbm>> -> memref<8x1024xf32, #tpu.memory_space<hbm>>
    tpu.enqueue_dma source(%dma_start3A_335 : memref<8x1024xf32, #tpu.memory_space<hbm>>) target(%arg10 : memref<8x1024xf32, #tpu.memory_space<vmem>>) target_semaphore(%arg14 : memref<!tpu.dma_semaphore, #tpu.memory_space<semaphore_mem>>)
    %dma_wait3A_336 = arith.constant 64 : i32
    %dma_wait3A_337 = tpu.memref_slice %arg6[%dma_wait3A_336] : memref<128xi32, #tpu.memory_space<vmem>> -> memref<16xi32, #tpu.memory_space<vmem>>
    %dma_wait3A_338 = arith.constant 0 : i32
    %dma_wait3A_339 = arith.constant 0 : i32
    %dma_wait3A_340 = tpu.memref_slice %arg3[%dma_wait3A_338, %dma_wait3A_339] : memref<8192x1024xf32, #tpu.memory_space<hbm>> -> memref<8192x1024xf32, #tpu.memory_space<hbm>>
    tpu.wait_indirect_dma semaphore(%arg11 : memref<!tpu.dma_semaphore, #tpu.memory_space<semaphore_mem>>) src(%dma_wait3A_340 : memref<8192x1024xf32, #tpu.memory_space<hbm>>) dst(%arg7 : memref<16x1024xf32, #tpu.memory_space<vmem>>)
    %dma_wait3A_341 = arith.constant 0 : i32
    %dma_wait3A_342 = tpu.memref_slice %arg4[%add3A_253, %dma_wait3A_341] : memref<2048x1024xf32, #tpu.memory_space<hbm>> -> memref<8x1024xf32, #tpu.memory_space<hbm>>
    %dma_wait3A_343 = arith.constant 0 : i32
    %dma_wait3A_344 = tpu.memref_slice %arg4[%add3A_253, %dma_wait3A_343] : memref<2048x1024xf32, #tpu.memory_space<hbm>> -> memref<8x1024xf32, #tpu.memory_space<hbm>>
    tpu.wait_dma2 semaphore(%arg13 : memref<!tpu.dma_semaphore, #tpu.memory_space<semaphore_mem>>) src(%dma_wait3A_344 : memref<8x1024xf32, #tpu.memory_space<hbm>>) dst(%arg9 : memref<8x1024xf32, #tpu.memory_space<vmem>>)
    %scan3A_345 = arith.constant 0 : i32
    %scan3A_346 = arith.constant 0 : i32
    %scan3A_347 = arith.constant 64 : i32
    %scan3A_348 = arith.addi %scan3A_346, %scan3A_347 : i32
    %scan3A_349 = arith.constant 1 : i32
    %scan3A_350 = scf.for %scan3A_626 = %scan3A_346 to %scan3A_348 step %scan3A_349 iter_args(%scan3A_627 = %scan3A_345) -> (i32)  : i32 {
      %mul3A_628 = arith.constant 16 : i32
      %mul3A_629 = arith.muli %scan3A_626, %mul3A_628 : i32
      %get3A = arith.constant 0 : i32
      %get3A_630 = arith.index_cast %get3A : i32 to index
      %get3A_631 = arith.index_cast %mul3A_629 : i32 to index
      %get3A_632 = tpu.vector_load %arg7[%get3A_630, %get3A_631] {strides = array<i32>} : memref<16x1024xf32, #tpu.memory_space<vmem>>, vector<16xf32>,
      %get3A_633 = arith.constant 1 : i32
      %get3A_634 = arith.index_cast %get3A_633 : i32 to index
      %get3A_635 = arith.index_cast %mul3A_629 : i32 to index
      %get3A_636 = tpu.vector_load %arg7[%get3A_634, %get3A_635] {strides = array<i32>} : memref<16x1024xf32, #tpu.memory_space<vmem>>, vector<16xf32>,
      %add3A_637 = arith.addf %get3A_632, %get3A_636 : vector<16xf32>
      %get3A_638 = arith.constant 0 : i32
      %get3A_639 = arith.index_cast %get3A_638 : i32 to index
      %get3A_640 = arith.index_cast %mul3A_629 : i32 to index
      %get3A_641 = tpu.vector_load %arg9[%get3A_639, %get3A_640] {strides = array<i32>} : memref<8x1024xf32, #tpu.memory_space<vmem>>, vector<16xf32>,
      %add3A_642 = arith.addf %add3A_637, %get3A_641 : vector<16xf32>
      %swap3A = arith.constant 0 : i32
      %swap3A_643 = arith.index_cast %swap3A : i32 to index
      %swap3A_644 = arith.index_cast %mul3A_629 : i32 to index
      %swap3A_645 = tpu.vector_load %arg9[%swap3A_643, %swap3A_644] {strides = array<i32>} : memref<8x1024xf32, #tpu.memory_space<vmem>>, vector<16xf32>,
      tpu.vector_store %arg9[%swap3A_643, %swap3A_644], %add3A_642 {strides = array<i32>} : memref<8x1024xf32, #tpu.memory_space<vmem>>, vector<16xf32>,
      %scan3A_646 = arith.constant 0 : i32
      scf.yield %scan3A_646 : i32
    }
    %scan3A_351 = arith.constant 64 : i32
    %scan3A_352 = arith.constant 0 : i32
    %scan3A_353 = arith.constant 0 : i32
    %scan3A_354 = arith.constant 64 : i32
    %scan3A_355 = arith.addi %scan3A_353, %scan3A_354 : i32
    %scan3A_356 = arith.constant 1 : i32
    %scan3A_357 = scf.for %scan3A_626 = %scan3A_353 to %scan3A_355 step %scan3A_356 iter_args(%scan3A_627 = %scan3A_352) -> (i32)  : i32 {
      %mul3A_628 = arith.constant 16 : i32
      %mul3A_629 = arith.muli %scan3A_626, %mul3A_628 : i32
      %get3A = arith.constant 2 : i32
      %get3A_630 = arith.index_cast %get3A : i32 to index
      %get3A_631 = arith.index_cast %mul3A_629 : i32 to index
      %get3A_632 = tpu.vector_load %arg7[%get3A_630, %get3A_631] {strides = array<i32>} : memref<16x1024xf32, #tpu.memory_space<vmem>>, vector<16xf32>,
      %get3A_633 = arith.constant 3 : i32
      %get3A_634 = arith.index_cast %get3A_633 : i32 to index
      %get3A_635 = arith.index_cast %mul3A_629 : i32 to index
      %get3A_636 = tpu.vector_load %arg7[%get3A_634, %get3A_635] {strides = array<i32>} : memref<16x1024xf32, #tpu.memory_space<vmem>>, vector<16xf32>,
      %add3A_637 = arith.addf %get3A_632, %get3A_636 : vector<16xf32>
      %get3A_638 = arith.constant 1 : i32
      %get3A_639 = arith.index_cast %get3A_638 : i32 to index
      %get3A_640 = arith.index_cast %mul3A_629 : i32 to index
      %get3A_641 = tpu.vector_load %arg9[%get3A_639, %get3A_640] {strides = array<i32>} : memref<8x1024xf32, #tpu.memory_space<vmem>>, vector<16xf32>,
      %add3A_642 = arith.addf %add3A_637, %get3A_641 : vector<16xf32>
      %swap3A = arith.constant 1 : i32
      %swap3A_643 = arith.index_cast %swap3A : i32 to index
      %swap3A_644 = arith.index_cast %mul3A_629 : i32 to index
      %swap3A_645 = tpu.vector_load %arg9[%swap3A_643, %swap3A_644] {strides = array<i32>} : memref<8x1024xf32, #tpu.memory_space<vmem>>, vector<16xf32>,
      tpu.vector_store %arg9[%swap3A_643, %swap3A_644], %add3A_642 {strides = array<i32>} : memref<8x1024xf32, #tpu.memory_space<vmem>>, vector<16xf32>,
      %scan3A_646 = arith.constant 0 : i32
      scf.yield %scan3A_646 : i32
    }
    %scan3A_358 = arith.constant 64 : i32
    %scan3A_359 = arith.constant 0 : i32
    %scan3A_360 = arith.constant 0 : i32
    %scan3A_361 = arith.constant 64 : i32
    %scan3A_362 = arith.addi %scan3A_360, %scan3A_361 : i32
    %scan3A_363 = arith.constant 1 : i32
    %scan3A_364 = scf.for %scan3A_626 = %scan3A_360 to %scan3A_362 step %scan3A_363 iter_args(%scan3A_627 = %scan3A_359) -> (i32)  : i32 {
      %mul3A_628 = arith.constant 16 : i32
      %mul3A_629 = arith.muli %scan3A_626, %mul3A_628 : i32
      %get3A = arith.constant 4 : i32
      %get3A_630 = arith.index_cast %get3A : i32 to index
      %get3A_631 = arith.index_cast %mul3A_629 : i32 to index
      %get3A_632 = tpu.vector_load %arg7[%get3A_630, %get3A_631] {strides = array<i32>} : memref<16x1024xf32, #tpu.memory_space<vmem>>, vector<16xf32>,
      %get3A_633 = arith.constant 5 : i32
      %get3A_634 = arith.index_cast %get3A_633 : i32 to index
      %get3A_635 = arith.index_cast %mul3A_629 : i32 to index
      %get3A_636 = tpu.vector_load %arg7[%get3A_634, %get3A_635] {strides = array<i32>} : memref<16x1024xf32, #tpu.memory_space<vmem>>, vector<16xf32>,
      %add3A_637 = arith.addf %get3A_632, %get3A_636 : vector<16xf32>
      %get3A_638 = arith.constant 2 : i32
      %get3A_639 = arith.index_cast %get3A_638 : i32 to index
      %get3A_640 = arith.index_cast %mul3A_629 : i32 to index
      %get3A_641 = tpu.vector_load %arg9[%get3A_639, %get3A_640] {strides = array<i32>} : memref<8x1024xf32, #tpu.memory_space<vmem>>, vector<16xf32>,
      %add3A_642 = arith.addf %add3A_637, %get3A_641 : vector<16xf32>
      %swap3A = arith.constant 2 : i32
      %swap3A_643 = arith.index_cast %swap3A : i32 to index
      %swap3A_644 = arith.index_cast %mul3A_629 : i32 to index
      %swap3A_645 = tpu.vector_load %arg9[%swap3A_643, %swap3A_644] {strides = array<i32>} : memref<8x1024xf32, #tpu.memory_space<vmem>>, vector<16xf32>,
      tpu.vector_store %arg9[%swap3A_643, %swap3A_644], %add3A_642 {strides = array<i32>} : memref<8x1024xf32, #tpu.memory_space<vmem>>, vector<16xf32>,
      %scan3A_646 = arith.constant 0 : i32
      scf.yield %scan3A_646 : i32
    }
    %scan3A_365 = arith.constant 64 : i32
    %scan3A_366 = arith.constant 0 : i32
    %scan3A_367 = arith.constant 0 : i32
    %scan3A_368 = arith.constant 64 : i32
    %scan3A_369 = arith.addi %scan3A_367, %scan3A_368 : i32
    %scan3A_370 = arith.constant 1 : i32
    %scan3A_371 = scf.for %scan3A_626 = %scan3A_367 to %scan3A_369 step %scan3A_370 iter_args(%scan3A_627 = %scan3A_366) -> (i32)  : i32 {
      %mul3A_628 = arith.constant 16 : i32
      %mul3A_629 = arith.muli %scan3A_626, %mul3A_628 : i32
      %get3A = arith.constant 6 : i32
      %get3A_630 = arith.index_cast %get3A : i32 to index
      %get3A_631 = arith.index_cast %mul3A_629 : i32 to index
      %get3A_632 = tpu.vector_load %arg7[%get3A_630, %get3A_631] {strides = array<i32>} : memref<16x1024xf32, #tpu.memory_space<vmem>>, vector<16xf32>,
      %get3A_633 = arith.constant 7 : i32
      %get3A_634 = arith.index_cast %get3A_633 : i32 to index
      %get3A_635 = arith.index_cast %mul3A_629 : i32 to index
      %get3A_636 = tpu.vector_load %arg7[%get3A_634, %get3A_635] {strides = array<i32>} : memref<16x1024xf32, #tpu.memory_space<vmem>>, vector<16xf32>,
      %add3A_637 = arith.addf %get3A_632, %get3A_636 : vector<16xf32>
      %get3A_638 = arith.constant 3 : i32
      %get3A_639 = arith.index_cast %get3A_638 : i32 to index
      %get3A_640 = arith.index_cast %mul3A_629 : i32 to index
      %get3A_641 = tpu.vector_load %arg9[%get3A_639, %get3A_640] {strides = array<i32>} : memref<8x1024xf32, #tpu.memory_space<vmem>>, vector<16xf32>,
      %add3A_642 = arith.addf %add3A_637, %get3A_641 : vector<16xf32>
      %swap3A = arith.constant 3 : i32
      %swap3A_643 = arith.index_cast %swap3A : i32 to index
      %swap3A_644 = arith.index_cast %mul3A_629 : i32 to index
      %swap3A_645 = tpu.vector_load %arg9[%swap3A_643, %swap3A_644] {strides = array<i32>} : memref<8x1024xf32, #tpu.memory_space<vmem>>, vector<16xf32>,
      tpu.vector_store %arg9[%swap3A_643, %swap3A_644], %add3A_642 {strides = array<i32>} : memref<8x1024xf32, #tpu.memory_space<vmem>>, vector<16xf32>,
      %scan3A_646 = arith.constant 0 : i32
      scf.yield %scan3A_646 : i32
    }
    %scan3A_372 = arith.constant 64 : i32
    %scan3A_373 = arith.constant 0 : i32
    %scan3A_374 = arith.constant 0 : i32
    %scan3A_375 = arith.constant 64 : i32
    %scan3A_376 = arith.addi %scan3A_374, %scan3A_375 : i32
    %scan3A_377 = arith.constant 1 : i32
    %scan3A_378 = scf.for %scan3A_626 = %scan3A_374 to %scan3A_376 step %scan3A_377 iter_args(%scan3A_627 = %scan3A_373) -> (i32)  : i32 {
      %mul3A_628 = arith.constant 16 : i32
      %mul3A_629 = arith.muli %scan3A_626, %mul3A_628 : i32
      %get3A = arith.constant 8 : i32
      %get3A_630 = arith.index_cast %get3A : i32 to index
      %get3A_631 = arith.index_cast %mul3A_629 : i32 to index
      %get3A_632 = tpu.vector_load %arg7[%get3A_630, %get3A_631] {strides = array<i32>} : memref<16x1024xf32, #tpu.memory_space<vmem>>, vector<16xf32>,
      %get3A_633 = arith.constant 9 : i32
      %get3A_634 = arith.index_cast %get3A_633 : i32 to index
      %get3A_635 = arith.index_cast %mul3A_629 : i32 to index
      %get3A_636 = tpu.vector_load %arg7[%get3A_634, %get3A_635] {strides = array<i32>} : memref<16x1024xf32, #tpu.memory_space<vmem>>, vector<16xf32>,
      %add3A_637 = arith.addf %get3A_632, %get3A_636 : vector<16xf32>
      %get3A_638 = arith.constant 4 : i32
      %get3A_639 = arith.index_cast %get3A_638 : i32 to index
      %get3A_640 = arith.index_cast %mul3A_629 : i32 to index
      %get3A_641 = tpu.vector_load %arg9[%get3A_639, %get3A_640] {strides = array<i32>} : memref<8x1024xf32, #tpu.memory_space<vmem>>, vector<16xf32>,
      %add3A_642 = arith.addf %add3A_637, %get3A_641 : vector<16xf32>
      %swap3A = arith.constant 4 : i32
      %swap3A_643 = arith.index_cast %swap3A : i32 to index
      %swap3A_644 = arith.index_cast %mul3A_629 : i32 to index
      %swap3A_645 = tpu.vector_load %arg9[%swap3A_643, %swap3A_644] {strides = array<i32>} : memref<8x1024xf32, #tpu.memory_space<vmem>>, vector<16xf32>,
      tpu.vector_store %arg9[%swap3A_643, %swap3A_644], %add3A_642 {strides = array<i32>} : memref<8x1024xf32, #tpu.memory_space<vmem>>, vector<16xf32>,
      %scan3A_646 = arith.constant 0 : i32
      scf.yield %scan3A_646 : i32
    }
    %scan3A_379 = arith.constant 64 : i32
    %scan3A_380 = arith.constant 0 : i32
    %scan3A_381 = arith.constant 0 : i32
    %scan3A_382 = arith.constant 64 : i32
    %scan3A_383 = arith.addi %scan3A_381, %scan3A_382 : i32
    %scan3A_384 = arith.constant 1 : i32
    %scan3A_385 = scf.for %scan3A_626 = %scan3A_381 to %scan3A_383 step %scan3A_384 iter_args(%scan3A_627 = %scan3A_380) -> (i32)  : i32 {
      %mul3A_628 = arith.constant 16 : i32
      %mul3A_629 = arith.muli %scan3A_626, %mul3A_628 : i32
      %get3A = arith.constant 10 : i32
      %get3A_630 = arith.index_cast %get3A : i32 to index
      %get3A_631 = arith.index_cast %mul3A_629 : i32 to index
      %get3A_632 = tpu.vector_load %arg7[%get3A_630, %get3A_631] {strides = array<i32>} : memref<16x1024xf32, #tpu.memory_space<vmem>>, vector<16xf32>,
      %get3A_633 = arith.constant 11 : i32
      %get3A_634 = arith.index_cast %get3A_633 : i32 to index
      %get3A_635 = arith.index_cast %mul3A_629 : i32 to index
      %get3A_636 = tpu.vector_load %arg7[%get3A_634, %get3A_635] {strides = array<i32>} : memref<16x1024xf32, #tpu.memory_space<vmem>>, vector<16xf32>,
      %add3A_637 = arith.addf %get3A_632, %get3A_636 : vector<16xf32>
      %get3A_638 = arith.constant 5 : i32
      %get3A_639 = arith.index_cast %get3A_638 : i32 to index
      %get3A_640 = arith.index_cast %mul3A_629 : i32 to index
      %get3A_641 = tpu.vector_load %arg9[%get3A_639, %get3A_640] {strides = array<i32>} : memref<8x1024xf32, #tpu.memory_space<vmem>>, vector<16xf32>,
      %add3A_642 = arith.addf %add3A_637, %get3A_641 : vector<16xf32>
      %swap3A = arith.constant 5 : i32
      %swap3A_643 = arith.index_cast %swap3A : i32 to index
      %swap3A_644 = arith.index_cast %mul3A_629 : i32 to index
      %swap3A_645 = tpu.vector_load %arg9[%swap3A_643, %swap3A_644] {strides = array<i32>} : memref<8x1024xf32, #tpu.memory_space<vmem>>, vector<16xf32>,
      tpu.vector_store %arg9[%swap3A_643, %swap3A_644], %add3A_642 {strides = array<i32>} : memref<8x1024xf32, #tpu.memory_space<vmem>>, vector<16xf32>,
      %scan3A_646 = arith.constant 0 : i32
      scf.yield %scan3A_646 : i32
    }
    %scan3A_386 = arith.constant 64 : i32
    %scan3A_387 = arith.constant 0 : i32
    %scan3A_388 = arith.constant 0 : i32
    %scan3A_389 = arith.constant 64 : i32
    %scan3A_390 = arith.addi %scan3A_388, %scan3A_389 : i32
    %scan3A_391 = arith.constant 1 : i32
    %scan3A_392 = scf.for %scan3A_626 = %scan3A_388 to %scan3A_390 step %scan3A_391 iter_args(%scan3A_627 = %scan3A_387) -> (i32)  : i32 {
      %mul3A_628 = arith.constant 16 : i32
      %mul3A_629 = arith.muli %scan3A_626, %mul3A_628 : i32
      %get3A = arith.constant 12 : i32
      %get3A_630 = arith.index_cast %get3A : i32 to index
      %get3A_631 = arith.index_cast %mul3A_629 : i32 to index
      %get3A_632 = tpu.vector_load %arg7[%get3A_630, %get3A_631] {strides = array<i32>} : memref<16x1024xf32, #tpu.memory_space<vmem>>, vector<16xf32>,
      %get3A_633 = arith.constant 13 : i32
      %get3A_634 = arith.index_cast %get3A_633 : i32 to index
      %get3A_635 = arith.index_cast %mul3A_629 : i32 to index
      %get3A_636 = tpu.vector_load %arg7[%get3A_634, %get3A_635] {strides = array<i32>} : memref<16x1024xf32, #tpu.memory_space<vmem>>, vector<16xf32>,
      %add3A_637 = arith.addf %get3A_632, %get3A_636 : vector<16xf32>
      %get3A_638 = arith.constant 6 : i32
      %get3A_639 = arith.index_cast %get3A_638 : i32 to index
      %get3A_640 = arith.index_cast %mul3A_629 : i32 to index
      %get3A_641 = tpu.vector_load %arg9[%get3A_639, %get3A_640] {strides = array<i32>} : memref<8x1024xf32, #tpu.memory_space<vmem>>, vector<16xf32>,
      %add3A_642 = arith.addf %add3A_637, %get3A_641 : vector<16xf32>
      %swap3A = arith.constant 6 : i32
      %swap3A_643 = arith.index_cast %swap3A : i32 to index
      %swap3A_644 = arith.index_cast %mul3A_629 : i32 to index
      %swap3A_645 = tpu.vector_load %arg9[%swap3A_643, %swap3A_644] {strides = array<i32>} : memref<8x1024xf32, #tpu.memory_space<vmem>>, vector<16xf32>,
      tpu.vector_store %arg9[%swap3A_643, %swap3A_644], %add3A_642 {strides = array<i32>} : memref<8x1024xf32, #tpu.memory_space<vmem>>, vector<16xf32>,
      %scan3A_646 = arith.constant 0 : i32
      scf.yield %scan3A_646 : i32
    }
    %scan3A_393 = arith.constant 64 : i32
    %scan3A_394 = arith.constant 0 : i32
    %scan3A_395 = arith.constant 0 : i32
    %scan3A_396 = arith.constant 64 : i32
    %scan3A_397 = arith.addi %scan3A_395, %scan3A_396 : i32
    %scan3A_398 = arith.constant 1 : i32
    %scan3A_399 = scf.for %scan3A_626 = %scan3A_395 to %scan3A_397 step %scan3A_398 iter_args(%scan3A_627 = %scan3A_394) -> (i32)  : i32 {
      %mul3A_628 = arith.constant 16 : i32
      %mul3A_629 = arith.muli %scan3A_626, %mul3A_628 : i32
      %get3A = arith.constant 14 : i32
      %get3A_630 = arith.index_cast %get3A : i32 to index
      %get3A_631 = arith.index_cast %mul3A_629 : i32 to index
      %get3A_632 = tpu.vector_load %arg7[%get3A_630, %get3A_631] {strides = array<i32>} : memref<16x1024xf32, #tpu.memory_space<vmem>>, vector<16xf32>,
      %get3A_633 = arith.constant 15 : i32
      %get3A_634 = arith.index_cast %get3A_633 : i32 to index
      %get3A_635 = arith.index_cast %mul3A_629 : i32 to index
      %get3A_636 = tpu.vector_load %arg7[%get3A_634, %get3A_635] {strides = array<i32>} : memref<16x1024xf32, #tpu.memory_space<vmem>>, vector<16xf32>,
      %add3A_637 = arith.addf %get3A_632, %get3A_636 : vector<16xf32>
      %get3A_638 = arith.constant 7 : i32
      %get3A_639 = arith.index_cast %get3A_638 : i32 to index
      %get3A_640 = arith.index_cast %mul3A_629 : i32 to index
      %get3A_641 = tpu.vector_load %arg9[%get3A_639, %get3A_640] {strides = array<i32>} : memref<8x1024xf32, #tpu.memory_space<vmem>>, vector<16xf32>,
      %add3A_642 = arith.addf %add3A_637, %get3A_641 : vector<16xf32>
      %swap3A = arith.constant 7 : i32
      %swap3A_643 = arith.index_cast %swap3A : i32 to index
      %swap3A_644 = arith.index_cast %mul3A_629 : i32 to index
      %swap3A_645 = tpu.vector_load %arg9[%swap3A_643, %swap3A_644] {strides = array<i32>} : memref<8x1024xf32, #tpu.memory_space<vmem>>, vector<16xf32>,
      tpu.vector_store %arg9[%swap3A_643, %swap3A_644], %add3A_642 {strides = array<i32>} : memref<8x1024xf32, #tpu.memory_space<vmem>>, vector<16xf32>,
      %scan3A_646 = arith.constant 0 : i32
      scf.yield %scan3A_646 : i32
    }
    %scan3A_400 = arith.constant 64 : i32
    %add3A_401 = arith.constant 32 : i32
    %add3A_402 = arith.addi %mul3A_2, %add3A_401 : i32
    "tpu.region"() ({
      %run_scoped3A = tpu.sem_alloc : memref<!tpu.dma_semaphore, #tpu.memory_space<semaphore_mem>>
      %dma_start3A_626 = arith.constant 0 : i32
      %dma_start3A_627 = tpu.memref_slice %arg5[%add3A_402, %dma_start3A_626] : memref<2048x1024xf32, #tpu.memory_space<hbm>> -> memref<8x1024xf32, #tpu.memory_space<hbm>>
      %dma_start3A_628 = arith.constant 0 : i32
      %dma_start3A_629 = tpu.memref_slice %arg5[%add3A_402, %dma_start3A_628] : memref<2048x1024xf32, #tpu.memory_space<hbm>> -> memref<8x1024xf32, #tpu.memory_space<hbm>>
      tpu.enqueue_dma source(%arg9 : memref<8x1024xf32, #tpu.memory_space<vmem>>) target(%dma_start3A_629 : memref<8x1024xf32, #tpu.memory_space<hbm>>) target_semaphore(%run_scoped3A : memref<!tpu.dma_semaphore, #tpu.memory_space<semaphore_mem>>)
      %dma_wait3A_630 = arith.constant 0 : i32
      %dma_wait3A_631 = tpu.memref_slice %arg5[%add3A_402, %dma_wait3A_630] : memref<2048x1024xf32, #tpu.memory_space<hbm>> -> memref<8x1024xf32, #tpu.memory_space<hbm>>
      %dma_wait3A_632 = arith.constant 0 : i32
      %dma_wait3A_633 = tpu.memref_slice %arg5[%add3A_402, %dma_wait3A_632] : memref<2048x1024xf32, #tpu.memory_space<hbm>> -> memref<8x1024xf32, #tpu.memory_space<hbm>>
      tpu.wait_dma2 semaphore(%run_scoped3A : memref<!tpu.dma_semaphore, #tpu.memory_space<semaphore_mem>>) src(%arg9 : memref<8x1024xf32, #tpu.memory_space<vmem>>) dst(%dma_wait3A_633 : memref<8x1024xf32, #tpu.memory_space<hbm>>)
      tpu.yield
    }) : () -> ()
    %dma_start3A_403 = arith.constant 96 : i32
    %dma_start3A_404 = tpu.memref_slice %arg6[%dma_start3A_403] : memref<128xi32, #tpu.memory_space<vmem>> -> memref<16xi32, #tpu.memory_space<vmem>>
    %dma_start3A_405 = arith.constant 0 : i32
    %dma_start3A_406 = arith.constant 0 : i32
    %dma_start3A_407 = tpu.memref_slice %arg3[%dma_start3A_405, %dma_start3A_406] : memref<8192x1024xf32, #tpu.memory_space<hbm>> -> memref<8192x1024xf32, #tpu.memory_space<hbm>>
    tpu.enqueue_indirect_dma source(%dma_start3A_407 : memref<8192x1024xf32, #tpu.memory_space<hbm>>) target(%arg7 : memref<16x1024xf32, #tpu.memory_space<vmem>>) offsets(%dma_start3A_404 : memref<16xi32, #tpu.memory_space<vmem>>) semaphore(%arg11 : memref<!tpu.dma_semaphore, #tpu.memory_space<semaphore_mem>>)
    %add3A_408 = arith.constant 48 : i32
    %add3A_409 = arith.addi %mul3A_2, %add3A_408 : i32
    %dma_start3A_410 = arith.constant 0 : i32
    %dma_start3A_411 = tpu.memref_slice %arg4[%add3A_409, %dma_start3A_410] : memref<2048x1024xf32, #tpu.memory_space<hbm>> -> memref<8x1024xf32, #tpu.memory_space<hbm>>
    %dma_start3A_412 = arith.constant 0 : i32
    %dma_start3A_413 = tpu.memref_slice %arg4[%add3A_409, %dma_start3A_412] : memref<2048x1024xf32, #tpu.memory_space<hbm>> -> memref<8x1024xf32, #tpu.memory_space<hbm>>
    tpu.enqueue_dma source(%dma_start3A_413 : memref<8x1024xf32, #tpu.memory_space<hbm>>) target(%arg9 : memref<8x1024xf32, #tpu.memory_space<vmem>>) target_semaphore(%arg13 : memref<!tpu.dma_semaphore, #tpu.memory_space<semaphore_mem>>)
    %dma_wait3A_414 = arith.constant 80 : i32
    %dma_wait3A_415 = tpu.memref_slice %arg6[%dma_wait3A_414] : memref<128xi32, #tpu.memory_space<vmem>> -> memref<16xi32, #tpu.memory_space<vmem>>
    %dma_wait3A_416 = arith.constant 0 : i32
    %dma_wait3A_417 = arith.constant 0 : i32
    %dma_wait3A_418 = tpu.memref_slice %arg3[%dma_wait3A_416, %dma_wait3A_417] : memref<8192x1024xf32, #tpu.memory_space<hbm>> -> memref<8192x1024xf32, #tpu.memory_space<hbm>>
    tpu.wait_indirect_dma semaphore(%arg12 : memref<!tpu.dma_semaphore, #tpu.memory_space<semaphore_mem>>) src(%dma_wait3A_418 : memref<8192x1024xf32, #tpu.memory_space<hbm>>) dst(%arg8 : memref<16x1024xf32, #tpu.memory_space<vmem>>)
    %dma_wait3A_419 = arith.constant 0 : i32
    %dma_wait3A_420 = tpu.memref_slice %arg4[%add3A_331, %dma_wait3A_419] : memref<2048x1024xf32, #tpu.memory_space<hbm>> -> memref<8x1024xf32, #tpu.memory_space<hbm>>
    %dma_wait3A_421 = arith.constant 0 : i32
    %dma_wait3A_422 = tpu.memref_slice %arg4[%add3A_331, %dma_wait3A_421] : memref<2048x1024xf32, #tpu.memory_space<hbm>> -> memref<8x1024xf32, #tpu.memory_space<hbm>>
    tpu.wait_dma2 semaphore(%arg14 : memref<!tpu.dma_semaphore, #tpu.memory_space<semaphore_mem>>) src(%dma_wait3A_422 : memref<8x1024xf32, #tpu.memory_space<hbm>>) dst(%arg10 : memref<8x1024xf32, #tpu.memory_space<vmem>>)
    %scan3A_423 = arith.constant 0 : i32
    %scan3A_424 = arith.constant 0 : i32
    %scan3A_425 = arith.constant 64 : i32
    %scan3A_426 = arith.addi %scan3A_424, %scan3A_425 : i32
    %scan3A_427 = arith.constant 1 : i32
    %scan3A_428 = scf.for %scan3A_626 = %scan3A_424 to %scan3A_426 step %scan3A_427 iter_args(%scan3A_627 = %scan3A_423) -> (i32)  : i32 {
      %mul3A_628 = arith.constant 16 : i32
      %mul3A_629 = arith.muli %scan3A_626, %mul3A_628 : i32
      %get3A = arith.constant 0 : i32
      %get3A_630 = arith.index_cast %get3A : i32 to index
      %get3A_631 = arith.index_cast %mul3A_629 : i32 to index
      %get3A_632 = tpu.vector_load %arg8[%get3A_630, %get3A_631] {strides = array<i32>} : memref<16x1024xf32, #tpu.memory_space<vmem>>, vector<16xf32>,
      %get3A_633 = arith.constant 1 : i32
      %get3A_634 = arith.index_cast %get3A_633 : i32 to index
      %get3A_635 = arith.index_cast %mul3A_629 : i32 to index
      %get3A_636 = tpu.vector_load %arg8[%get3A_634, %get3A_635] {strides = array<i32>} : memref<16x1024xf32, #tpu.memory_space<vmem>>, vector<16xf32>,
      %add3A_637 = arith.addf %get3A_632, %get3A_636 : vector<16xf32>
      %get3A_638 = arith.constant 0 : i32
      %get3A_639 = arith.index_cast %get3A_638 : i32 to index
      %get3A_640 = arith.index_cast %mul3A_629 : i32 to index
      %get3A_641 = tpu.vector_load %arg10[%get3A_639, %get3A_640] {strides = array<i32>} : memref<8x1024xf32, #tpu.memory_space<vmem>>, vector<16xf32>,
      %add3A_642 = arith.addf %add3A_637, %get3A_641 : vector<16xf32>
      %swap3A = arith.constant 0 : i32
      %swap3A_643 = arith.index_cast %swap3A : i32 to index
      %swap3A_644 = arith.index_cast %mul3A_629 : i32 to index
      %swap3A_645 = tpu.vector_load %arg10[%swap3A_643, %swap3A_644] {strides = array<i32>} : memref<8x1024xf32, #tpu.memory_space<vmem>>, vector<16xf32>,
      tpu.vector_store %arg10[%swap3A_643, %swap3A_644], %add3A_642 {strides = array<i32>} : memref<8x1024xf32, #tpu.memory_space<vmem>>, vector<16xf32>,
      %scan3A_646 = arith.constant 0 : i32
      scf.yield %scan3A_646 : i32
    }
    %scan3A_429 = arith.constant 64 : i32
    %scan3A_430 = arith.constant 0 : i32
    %scan3A_431 = arith.constant 0 : i32
    %scan3A_432 = arith.constant 64 : i32
    %scan3A_433 = arith.addi %scan3A_431, %scan3A_432 : i32
    %scan3A_434 = arith.constant 1 : i32
    %scan3A_435 = scf.for %scan3A_626 = %scan3A_431 to %scan3A_433 step %scan3A_434 iter_args(%scan3A_627 = %scan3A_430) -> (i32)  : i32 {
      %mul3A_628 = arith.constant 16 : i32
      %mul3A_629 = arith.muli %scan3A_626, %mul3A_628 : i32
      %get3A = arith.constant 2 : i32
      %get3A_630 = arith.index_cast %get3A : i32 to index
      %get3A_631 = arith.index_cast %mul3A_629 : i32 to index
      %get3A_632 = tpu.vector_load %arg8[%get3A_630, %get3A_631] {strides = array<i32>} : memref<16x1024xf32, #tpu.memory_space<vmem>>, vector<16xf32>,
      %get3A_633 = arith.constant 3 : i32
      %get3A_634 = arith.index_cast %get3A_633 : i32 to index
      %get3A_635 = arith.index_cast %mul3A_629 : i32 to index
      %get3A_636 = tpu.vector_load %arg8[%get3A_634, %get3A_635] {strides = array<i32>} : memref<16x1024xf32, #tpu.memory_space<vmem>>, vector<16xf32>,
      %add3A_637 = arith.addf %get3A_632, %get3A_636 : vector<16xf32>
      %get3A_638 = arith.constant 1 : i32
      %get3A_639 = arith.index_cast %get3A_638 : i32 to index
      %get3A_640 = arith.index_cast %mul3A_629 : i32 to index
      %get3A_641 = tpu.vector_load %arg10[%get3A_639, %get3A_640] {strides = array<i32>} : memref<8x1024xf32, #tpu.memory_space<vmem>>, vector<16xf32>,
      %add3A_642 = arith.addf %add3A_637, %get3A_641 : vector<16xf32>
      %swap3A = arith.constant 1 : i32
      %swap3A_643 = arith.index_cast %swap3A : i32 to index
      %swap3A_644 = arith.index_cast %mul3A_629 : i32 to index
      %swap3A_645 = tpu.vector_load %arg10[%swap3A_643, %swap3A_644] {strides = array<i32>} : memref<8x1024xf32, #tpu.memory_space<vmem>>, vector<16xf32>,
      tpu.vector_store %arg10[%swap3A_643, %swap3A_644], %add3A_642 {strides = array<i32>} : memref<8x1024xf32, #tpu.memory_space<vmem>>, vector<16xf32>,
      %scan3A_646 = arith.constant 0 : i32
      scf.yield %scan3A_646 : i32
    }
    %scan3A_436 = arith.constant 64 : i32
    %scan3A_437 = arith.constant 0 : i32
    %scan3A_438 = arith.constant 0 : i32
    %scan3A_439 = arith.constant 64 : i32
    %scan3A_440 = arith.addi %scan3A_438, %scan3A_439 : i32
    %scan3A_441 = arith.constant 1 : i32
    %scan3A_442 = scf.for %scan3A_626 = %scan3A_438 to %scan3A_440 step %scan3A_441 iter_args(%scan3A_627 = %scan3A_437) -> (i32)  : i32 {
      %mul3A_628 = arith.constant 16 : i32
      %mul3A_629 = arith.muli %scan3A_626, %mul3A_628 : i32
      %get3A = arith.constant 4 : i32
      %get3A_630 = arith.index_cast %get3A : i32 to index
      %get3A_631 = arith.index_cast %mul3A_629 : i32 to index
      %get3A_632 = tpu.vector_load %arg8[%get3A_630, %get3A_631] {strides = array<i32>} : memref<16x1024xf32, #tpu.memory_space<vmem>>, vector<16xf32>,
      %get3A_633 = arith.constant 5 : i32
      %get3A_634 = arith.index_cast %get3A_633 : i32 to index
      %get3A_635 = arith.index_cast %mul3A_629 : i32 to index
      %get3A_636 = tpu.vector_load %arg8[%get3A_634, %get3A_635] {strides = array<i32>} : memref<16x1024xf32, #tpu.memory_space<vmem>>, vector<16xf32>,
      %add3A_637 = arith.addf %get3A_632, %get3A_636 : vector<16xf32>
      %get3A_638 = arith.constant 2 : i32
      %get3A_639 = arith.index_cast %get3A_638 : i32 to index
      %get3A_640 = arith.index_cast %mul3A_629 : i32 to index
      %get3A_641 = tpu.vector_load %arg10[%get3A_639, %get3A_640] {strides = array<i32>} : memref<8x1024xf32, #tpu.memory_space<vmem>>, vector<16xf32>,
      %add3A_642 = arith.addf %add3A_637, %get3A_641 : vector<16xf32>
      %swap3A = arith.constant 2 : i32
      %swap3A_643 = arith.index_cast %swap3A : i32 to index
      %swap3A_644 = arith.index_cast %mul3A_629 : i32 to index
      %swap3A_645 = tpu.vector_load %arg10[%swap3A_643, %swap3A_644] {strides = array<i32>} : memref<8x1024xf32, #tpu.memory_space<vmem>>, vector<16xf32>,
      tpu.vector_store %arg10[%swap3A_643, %swap3A_644], %add3A_642 {strides = array<i32>} : memref<8x1024xf32, #tpu.memory_space<vmem>>, vector<16xf32>,
      %scan3A_646 = arith.constant 0 : i32
      scf.yield %scan3A_646 : i32
    }
    %scan3A_443 = arith.constant 64 : i32
    %scan3A_444 = arith.constant 0 : i32
    %scan3A_445 = arith.constant 0 : i32
    %scan3A_446 = arith.constant 64 : i32
    %scan3A_447 = arith.addi %scan3A_445, %scan3A_446 : i32
    %scan3A_448 = arith.constant 1 : i32
    %scan3A_449 = scf.for %scan3A_626 = %scan3A_445 to %scan3A_447 step %scan3A_448 iter_args(%scan3A_627 = %scan3A_444) -> (i32)  : i32 {
      %mul3A_628 = arith.constant 16 : i32
      %mul3A_629 = arith.muli %scan3A_626, %mul3A_628 : i32
      %get3A = arith.constant 6 : i32
      %get3A_630 = arith.index_cast %get3A : i32 to index
      %get3A_631 = arith.index_cast %mul3A_629 : i32 to index
      %get3A_632 = tpu.vector_load %arg8[%get3A_630, %get3A_631] {strides = array<i32>} : memref<16x1024xf32, #tpu.memory_space<vmem>>, vector<16xf32>,
      %get3A_633 = arith.constant 7 : i32
      %get3A_634 = arith.index_cast %get3A_633 : i32 to index
      %get3A_635 = arith.index_cast %mul3A_629 : i32 to index
      %get3A_636 = tpu.vector_load %arg8[%get3A_634, %get3A_635] {strides = array<i32>} : memref<16x1024xf32, #tpu.memory_space<vmem>>, vector<16xf32>,
      %add3A_637 = arith.addf %get3A_632, %get3A_636 : vector<16xf32>
      %get3A_638 = arith.constant 3 : i32
      %get3A_639 = arith.index_cast %get3A_638 : i32 to index
      %get3A_640 = arith.index_cast %mul3A_629 : i32 to index
      %get3A_641 = tpu.vector_load %arg10[%get3A_639, %get3A_640] {strides = array<i32>} : memref<8x1024xf32, #tpu.memory_space<vmem>>, vector<16xf32>,
      %add3A_642 = arith.addf %add3A_637, %get3A_641 : vector<16xf32>
      %swap3A = arith.constant 3 : i32
      %swap3A_643 = arith.index_cast %swap3A : i32 to index
      %swap3A_644 = arith.index_cast %mul3A_629 : i32 to index
      %swap3A_645 = tpu.vector_load %arg10[%swap3A_643, %swap3A_644] {strides = array<i32>} : memref<8x1024xf32, #tpu.memory_space<vmem>>, vector<16xf32>,
      tpu.vector_store %arg10[%swap3A_643, %swap3A_644], %add3A_642 {strides = array<i32>} : memref<8x1024xf32, #tpu.memory_space<vmem>>, vector<16xf32>,
      %scan3A_646 = arith.constant 0 : i32
      scf.yield %scan3A_646 : i32
    }
    %scan3A_450 = arith.constant 64 : i32
    %scan3A_451 = arith.constant 0 : i32
    %scan3A_452 = arith.constant 0 : i32
    %scan3A_453 = arith.constant 64 : i32
    %scan3A_454 = arith.addi %scan3A_452, %scan3A_453 : i32
    %scan3A_455 = arith.constant 1 : i32
    %scan3A_456 = scf.for %scan3A_626 = %scan3A_452 to %scan3A_454 step %scan3A_455 iter_args(%scan3A_627 = %scan3A_451) -> (i32)  : i32 {
      %mul3A_628 = arith.constant 16 : i32
      %mul3A_629 = arith.muli %scan3A_626, %mul3A_628 : i32
      %get3A = arith.constant 8 : i32
      %get3A_630 = arith.index_cast %get3A : i32 to index
      %get3A_631 = arith.index_cast %mul3A_629 : i32 to index
      %get3A_632 = tpu.vector_load %arg8[%get3A_630, %get3A_631] {strides = array<i32>} : memref<16x1024xf32, #tpu.memory_space<vmem>>, vector<16xf32>,
      %get3A_633 = arith.constant 9 : i32
      %get3A_634 = arith.index_cast %get3A_633 : i32 to index
      %get3A_635 = arith.index_cast %mul3A_629 : i32 to index
      %get3A_636 = tpu.vector_load %arg8[%get3A_634, %get3A_635] {strides = array<i32>} : memref<16x1024xf32, #tpu.memory_space<vmem>>, vector<16xf32>,
      %add3A_637 = arith.addf %get3A_632, %get3A_636 : vector<16xf32>
      %get3A_638 = arith.constant 4 : i32
      %get3A_639 = arith.index_cast %get3A_638 : i32 to index
      %get3A_640 = arith.index_cast %mul3A_629 : i32 to index
      %get3A_641 = tpu.vector_load %arg10[%get3A_639, %get3A_640] {strides = array<i32>} : memref<8x1024xf32, #tpu.memory_space<vmem>>, vector<16xf32>,
      %add3A_642 = arith.addf %add3A_637, %get3A_641 : vector<16xf32>
      %swap3A = arith.constant 4 : i32
      %swap3A_643 = arith.index_cast %swap3A : i32 to index
      %swap3A_644 = arith.index_cast %mul3A_629 : i32 to index
      %swap3A_645 = tpu.vector_load %arg10[%swap3A_643, %swap3A_644] {strides = array<i32>} : memref<8x1024xf32, #tpu.memory_space<vmem>>, vector<16xf32>,
      tpu.vector_store %arg10[%swap3A_643, %swap3A_644], %add3A_642 {strides = array<i32>} : memref<8x1024xf32, #tpu.memory_space<vmem>>, vector<16xf32>,
      %scan3A_646 = arith.constant 0 : i32
      scf.yield %scan3A_646 : i32
    }
    %scan3A_457 = arith.constant 64 : i32
    %scan3A_458 = arith.constant 0 : i32
    %scan3A_459 = arith.constant 0 : i32
    %scan3A_460 = arith.constant 64 : i32
    %scan3A_461 = arith.addi %scan3A_459, %scan3A_460 : i32
    %scan3A_462 = arith.constant 1 : i32
    %scan3A_463 = scf.for %scan3A_626 = %scan3A_459 to %scan3A_461 step %scan3A_462 iter_args(%scan3A_627 = %scan3A_458) -> (i32)  : i32 {
      %mul3A_628 = arith.constant 16 : i32
      %mul3A_629 = arith.muli %scan3A_626, %mul3A_628 : i32
      %get3A = arith.constant 10 : i32
      %get3A_630 = arith.index_cast %get3A : i32 to index
      %get3A_631 = arith.index_cast %mul3A_629 : i32 to index
      %get3A_632 = tpu.vector_load %arg8[%get3A_630, %get3A_631] {strides = array<i32>} : memref<16x1024xf32, #tpu.memory_space<vmem>>, vector<16xf32>,
      %get3A_633 = arith.constant 11 : i32
      %get3A_634 = arith.index_cast %get3A_633 : i32 to index
      %get3A_635 = arith.index_cast %mul3A_629 : i32 to index
      %get3A_636 = tpu.vector_load %arg8[%get3A_634, %get3A_635] {strides = array<i32>} : memref<16x1024xf32, #tpu.memory_space<vmem>>, vector<16xf32>,
      %add3A_637 = arith.addf %get3A_632, %get3A_636 : vector<16xf32>
      %get3A_638 = arith.constant 5 : i32
      %get3A_639 = arith.index_cast %get3A_638 : i32 to index
      %get3A_640 = arith.index_cast %mul3A_629 : i32 to index
      %get3A_641 = tpu.vector_load %arg10[%get3A_639, %get3A_640] {strides = array<i32>} : memref<8x1024xf32, #tpu.memory_space<vmem>>, vector<16xf32>,
      %add3A_642 = arith.addf %add3A_637, %get3A_641 : vector<16xf32>
      %swap3A = arith.constant 5 : i32
      %swap3A_643 = arith.index_cast %swap3A : i32 to index
      %swap3A_644 = arith.index_cast %mul3A_629 : i32 to index
      %swap3A_645 = tpu.vector_load %arg10[%swap3A_643, %swap3A_644] {strides = array<i32>} : memref<8x1024xf32, #tpu.memory_space<vmem>>, vector<16xf32>,
      tpu.vector_store %arg10[%swap3A_643, %swap3A_644], %add3A_642 {strides = array<i32>} : memref<8x1024xf32, #tpu.memory_space<vmem>>, vector<16xf32>,
      %scan3A_646 = arith.constant 0 : i32
      scf.yield %scan3A_646 : i32
    }
    %scan3A_464 = arith.constant 64 : i32
    %scan3A_465 = arith.constant 0 : i32
    %scan3A_466 = arith.constant 0 : i32
    %scan3A_467 = arith.constant 64 : i32
    %scan3A_468 = arith.addi %scan3A_466, %scan3A_467 : i32
    %scan3A_469 = arith.constant 1 : i32
    %scan3A_470 = scf.for %scan3A_626 = %scan3A_466 to %scan3A_468 step %scan3A_469 iter_args(%scan3A_627 = %scan3A_465) -> (i32)  : i32 {
      %mul3A_628 = arith.constant 16 : i32
      %mul3A_629 = arith.muli %scan3A_626, %mul3A_628 : i32
      %get3A = arith.constant 12 : i32
      %get3A_630 = arith.index_cast %get3A : i32 to index
      %get3A_631 = arith.index_cast %mul3A_629 : i32 to index
      %get3A_632 = tpu.vector_load %arg8[%get3A_630, %get3A_631] {strides = array<i32>} : memref<16x1024xf32, #tpu.memory_space<vmem>>, vector<16xf32>,
      %get3A_633 = arith.constant 13 : i32
      %get3A_634 = arith.index_cast %get3A_633 : i32 to index
      %get3A_635 = arith.index_cast %mul3A_629 : i32 to index
      %get3A_636 = tpu.vector_load %arg8[%get3A_634, %get3A_635] {strides = array<i32>} : memref<16x1024xf32, #tpu.memory_space<vmem>>, vector<16xf32>,
      %add3A_637 = arith.addf %get3A_632, %get3A_636 : vector<16xf32>
      %get3A_638 = arith.constant 6 : i32
      %get3A_639 = arith.index_cast %get3A_638 : i32 to index
      %get3A_640 = arith.index_cast %mul3A_629 : i32 to index
      %get3A_641 = tpu.vector_load %arg10[%get3A_639, %get3A_640] {strides = array<i32>} : memref<8x1024xf32, #tpu.memory_space<vmem>>, vector<16xf32>,
      %add3A_642 = arith.addf %add3A_637, %get3A_641 : vector<16xf32>
      %swap3A = arith.constant 6 : i32
      %swap3A_643 = arith.index_cast %swap3A : i32 to index
      %swap3A_644 = arith.index_cast %mul3A_629 : i32 to index
      %swap3A_645 = tpu.vector_load %arg10[%swap3A_643, %swap3A_644] {strides = array<i32>} : memref<8x1024xf32, #tpu.memory_space<vmem>>, vector<16xf32>,
      tpu.vector_store %arg10[%swap3A_643, %swap3A_644], %add3A_642 {strides = array<i32>} : memref<8x1024xf32, #tpu.memory_space<vmem>>, vector<16xf32>,
      %scan3A_646 = arith.constant 0 : i32
      scf.yield %scan3A_646 : i32
    }
    %scan3A_471 = arith.constant 64 : i32
    %scan3A_472 = arith.constant 0 : i32
    %scan3A_473 = arith.constant 0 : i32
    %scan3A_474 = arith.constant 64 : i32
    %scan3A_475 = arith.addi %scan3A_473, %scan3A_474 : i32
    %scan3A_476 = arith.constant 1 : i32
    %scan3A_477 = scf.for %scan3A_626 = %scan3A_473 to %scan3A_475 step %scan3A_476 iter_args(%scan3A_627 = %scan3A_472) -> (i32)  : i32 {
      %mul3A_628 = arith.constant 16 : i32
      %mul3A_629 = arith.muli %scan3A_626, %mul3A_628 : i32
      %get3A = arith.constant 14 : i32
      %get3A_630 = arith.index_cast %get3A : i32 to index
      %get3A_631 = arith.index_cast %mul3A_629 : i32 to index
      %get3A_632 = tpu.vector_load %arg8[%get3A_630, %get3A_631] {strides = array<i32>} : memref<16x1024xf32, #tpu.memory_space<vmem>>, vector<16xf32>,
      %get3A_633 = arith.constant 15 : i32
      %get3A_634 = arith.index_cast %get3A_633 : i32 to index
      %get3A_635 = arith.index_cast %mul3A_629 : i32 to index
      %get3A_636 = tpu.vector_load %arg8[%get3A_634, %get3A_635] {strides = array<i32>} : memref<16x1024xf32, #tpu.memory_space<vmem>>, vector<16xf32>,
      %add3A_637 = arith.addf %get3A_632, %get3A_636 : vector<16xf32>
      %get3A_638 = arith.constant 7 : i32
      %get3A_639 = arith.index_cast %get3A_638 : i32 to index
      %get3A_640 = arith.index_cast %mul3A_629 : i32 to index
      %get3A_641 = tpu.vector_load %arg10[%get3A_639, %get3A_640] {strides = array<i32>} : memref<8x1024xf32, #tpu.memory_space<vmem>>, vector<16xf32>,
      %add3A_642 = arith.addf %add3A_637, %get3A_641 : vector<16xf32>
      %swap3A = arith.constant 7 : i32
      %swap3A_643 = arith.index_cast %swap3A : i32 to index
      %swap3A_644 = arith.index_cast %mul3A_629 : i32 to index
      %swap3A_645 = tpu.vector_load %arg10[%swap3A_643, %swap3A_644] {strides = array<i32>} : memref<8x1024xf32, #tpu.memory_space<vmem>>, vector<16xf32>,
      tpu.vector_store %arg10[%swap3A_643, %swap3A_644], %add3A_642 {strides = array<i32>} : memref<8x1024xf32, #tpu.memory_space<vmem>>, vector<16xf32>,
      %scan3A_646 = arith.constant 0 : i32
      scf.yield %scan3A_646 : i32
    }
    %scan3A_478 = arith.constant 64 : i32
    %add3A_479 = arith.constant 40 : i32
    %add3A_480 = arith.addi %mul3A_2, %add3A_479 : i32
    "tpu.region"() ({
      %run_scoped3A = tpu.sem_alloc : memref<!tpu.dma_semaphore, #tpu.memory_space<semaphore_mem>>
      %dma_start3A_626 = arith.constant 0 : i32
      %dma_start3A_627 = tpu.memref_slice %arg5[%add3A_480, %dma_start3A_626] : memref<2048x1024xf32, #tpu.memory_space<hbm>> -> memref<8x1024xf32, #tpu.memory_space<hbm>>
      %dma_start3A_628 = arith.constant 0 : i32
      %dma_start3A_629 = tpu.memref_slice %arg5[%add3A_480, %dma_start3A_628] : memref<2048x1024xf32, #tpu.memory_space<hbm>> -> memref<8x1024xf32, #tpu.memory_space<hbm>>
      tpu.enqueue_dma source(%arg10 : memref<8x1024xf32, #tpu.memory_space<vmem>>) target(%dma_start3A_629 : memref<8x1024xf32, #tpu.memory_space<hbm>>) target_semaphore(%run_scoped3A : memref<!tpu.dma_semaphore, #tpu.memory_space<semaphore_mem>>)
      %dma_wait3A_630 = arith.constant 0 : i32
      %dma_wait3A_631 = tpu.memref_slice %arg5[%add3A_480, %dma_wait3A_630] : memref<2048x1024xf32, #tpu.memory_space<hbm>> -> memref<8x1024xf32, #tpu.memory_space<hbm>>
      %dma_wait3A_632 = arith.constant 0 : i32
      %dma_wait3A_633 = tpu.memref_slice %arg5[%add3A_480, %dma_wait3A_632] : memref<2048x1024xf32, #tpu.memory_space<hbm>> -> memref<8x1024xf32, #tpu.memory_space<hbm>>
      tpu.wait_dma2 semaphore(%run_scoped3A : memref<!tpu.dma_semaphore, #tpu.memory_space<semaphore_mem>>) src(%arg10 : memref<8x1024xf32, #tpu.memory_space<vmem>>) dst(%dma_wait3A_633 : memref<8x1024xf32, #tpu.memory_space<hbm>>)
      tpu.yield
    }) : () -> ()
    %dma_start3A_481 = arith.constant 112 : i32
    %dma_start3A_482 = tpu.memref_slice %arg6[%dma_start3A_481] : memref<128xi32, #tpu.memory_space<vmem>> -> memref<16xi32, #tpu.memory_space<vmem>>
    %dma_start3A_483 = arith.constant 0 : i32
    %dma_start3A_484 = arith.constant 0 : i32
    %dma_start3A_485 = tpu.memref_slice %arg3[%dma_start3A_483, %dma_start3A_484] : memref<8192x1024xf32, #tpu.memory_space<hbm>> -> memref<8192x1024xf32, #tpu.memory_space<hbm>>
    tpu.enqueue_indirect_dma source(%dma_start3A_485 : memref<8192x1024xf32, #tpu.memory_space<hbm>>) target(%arg8 : memref<16x1024xf32, #tpu.memory_space<vmem>>) offsets(%dma_start3A_482 : memref<16xi32, #tpu.memory_space<vmem>>) semaphore(%arg12 : memref<!tpu.dma_semaphore, #tpu.memory_space<semaphore_mem>>)
    %add3A_486 = arith.constant 56 : i32
    %add3A_487 = arith.addi %mul3A_2, %add3A_486 : i32
    %dma_start3A_488 = arith.constant 0 : i32
    %dma_start3A_489 = tpu.memref_slice %arg4[%add3A_487, %dma_start3A_488] : memref<2048x1024xf32, #tpu.memory_space<hbm>> -> memref<8x1024xf32, #tpu.memory_space<hbm>>
    %dma_start3A_490 = arith.constant 0 : i32
    %dma_start3A_491 = tpu.memref_slice %arg4[%add3A_487, %dma_start3A_490] : memref<2048x1024xf32, #tpu.memory_space<hbm>> -> memref<8x1024xf32, #tpu.memory_space<hbm>>
    tpu.enqueue_dma source(%dma_start3A_491 : memref<8x1024xf32, #tpu.memory_space<hbm>>) target(%arg10 : memref<8x1024xf32, #tpu.memory_space<vmem>>) target_semaphore(%arg14 : memref<!tpu.dma_semaphore, #tpu.memory_space<semaphore_mem>>)
    %dma_wait3A_492 = arith.constant 96 : i32
    %dma_wait3A_493 = tpu.memref_slice %arg6[%dma_wait3A_492] : memref<128xi32, #tpu.memory_space<vmem>> -> memref<16xi32, #tpu.memory_space<vmem>>
    %dma_wait3A_494 = arith.constant 0 : i32
    %dma_wait3A_495 = arith.constant 0 : i32
    %dma_wait3A_496 = tpu.memref_slice %arg3[%dma_wait3A_494, %dma_wait3A_495] : memref<8192x1024xf32, #tpu.memory_space<hbm>> -> memref<8192x1024xf32, #tpu.memory_space<hbm>>
    tpu.wait_indirect_dma semaphore(%arg11 : memref<!tpu.dma_semaphore, #tpu.memory_space<semaphore_mem>>) src(%dma_wait3A_496 : memref<8192x1024xf32, #tpu.memory_space<hbm>>) dst(%arg7 : memref<16x1024xf32, #tpu.memory_space<vmem>>)
    %dma_wait3A_497 = arith.constant 0 : i32
    %dma_wait3A_498 = tpu.memref_slice %arg4[%add3A_409, %dma_wait3A_497] : memref<2048x1024xf32, #tpu.memory_space<hbm>> -> memref<8x1024xf32, #tpu.memory_space<hbm>>
    %dma_wait3A_499 = arith.constant 0 : i32
    %dma_wait3A_500 = tpu.memref_slice %arg4[%add3A_409, %dma_wait3A_499] : memref<2048x1024xf32, #tpu.memory_space<hbm>> -> memref<8x1024xf32, #tpu.memory_space<hbm>>
    tpu.wait_dma2 semaphore(%arg13 : memref<!tpu.dma_semaphore, #tpu.memory_space<semaphore_mem>>) src(%dma_wait3A_500 : memref<8x1024xf32, #tpu.memory_space<hbm>>) dst(%arg9 : memref<8x1024xf32, #tpu.memory_space<vmem>>)
    %scan3A_501 = arith.constant 0 : i32
    %scan3A_502 = arith.constant 0 : i32
    %scan3A_503 = arith.constant 64 : i32
    %scan3A_504 = arith.addi %scan3A_502, %scan3A_503 : i32
    %scan3A_505 = arith.constant 1 : i32
    %scan3A_506 = scf.for %scan3A_626 = %scan3A_502 to %scan3A_504 step %scan3A_505 iter_args(%scan3A_627 = %scan3A_501) -> (i32)  : i32 {
      %mul3A_628 = arith.constant 16 : i32
      %mul3A_629 = arith.muli %scan3A_626, %mul3A_628 : i32
      %get3A = arith.constant 0 : i32
      %get3A_630 = arith.index_cast %get3A : i32 to index
      %get3A_631 = arith.index_cast %mul3A_629 : i32 to index
      %get3A_632 = tpu.vector_load %arg7[%get3A_630, %get3A_631] {strides = array<i32>} : memref<16x1024xf32, #tpu.memory_space<vmem>>, vector<16xf32>,
      %get3A_633 = arith.constant 1 : i32
      %get3A_634 = arith.index_cast %get3A_633 : i32 to index
      %get3A_635 = arith.index_cast %mul3A_629 : i32 to index
      %get3A_636 = tpu.vector_load %arg7[%get3A_634, %get3A_635] {strides = array<i32>} : memref<16x1024xf32, #tpu.memory_space<vmem>>, vector<16xf32>,
      %add3A_637 = arith.addf %get3A_632, %get3A_636 : vector<16xf32>
      %get3A_638 = arith.constant 0 : i32
      %get3A_639 = arith.index_cast %get3A_638 : i32 to index
      %get3A_640 = arith.index_cast %mul3A_629 : i32 to index
      %get3A_641 = tpu.vector_load %arg9[%get3A_639, %get3A_640] {strides = array<i32>} : memref<8x1024xf32, #tpu.memory_space<vmem>>, vector<16xf32>,
      %add3A_642 = arith.addf %add3A_637, %get3A_641 : vector<16xf32>
      %swap3A = arith.constant 0 : i32
      %swap3A_643 = arith.index_cast %swap3A : i32 to index
      %swap3A_644 = arith.index_cast %mul3A_629 : i32 to index
      %swap3A_645 = tpu.vector_load %arg9[%swap3A_643, %swap3A_644] {strides = array<i32>} : memref<8x1024xf32, #tpu.memory_space<vmem>>, vector<16xf32>,
      tpu.vector_store %arg9[%swap3A_643, %swap3A_644], %add3A_642 {strides = array<i32>} : memref<8x1024xf32, #tpu.memory_space<vmem>>, vector<16xf32>,
      %scan3A_646 = arith.constant 0 : i32
      scf.yield %scan3A_646 : i32
    }
    %scan3A_507 = arith.constant 64 : i32
    %scan3A_508 = arith.constant 0 : i32
    %scan3A_509 = arith.constant 0 : i32
    %scan3A_510 = arith.constant 64 : i32
    %scan3A_511 = arith.addi %scan3A_509, %scan3A_510 : i32
    %scan3A_512 = arith.constant 1 : i32
    %scan3A_513 = scf.for %scan3A_626 = %scan3A_509 to %scan3A_511 step %scan3A_512 iter_args(%scan3A_627 = %scan3A_508) -> (i32)  : i32 {
      %mul3A_628 = arith.constant 16 : i32
      %mul3A_629 = arith.muli %scan3A_626, %mul3A_628 : i32
      %get3A = arith.constant 2 : i32
      %get3A_630 = arith.index_cast %get3A : i32 to index
      %get3A_631 = arith.index_cast %mul3A_629 : i32 to index
      %get3A_632 = tpu.vector_load %arg7[%get3A_630, %get3A_631] {strides = array<i32>} : memref<16x1024xf32, #tpu.memory_space<vmem>>, vector<16xf32>,
      %get3A_633 = arith.constant 3 : i32
      %get3A_634 = arith.index_cast %get3A_633 : i32 to index
      %get3A_635 = arith.index_cast %mul3A_629 : i32 to index
      %get3A_636 = tpu.vector_load %arg7[%get3A_634, %get3A_635] {strides = array<i32>} : memref<16x1024xf32, #tpu.memory_space<vmem>>, vector<16xf32>,
      %add3A_637 = arith.addf %get3A_632, %get3A_636 : vector<16xf32>
      %get3A_638 = arith.constant 1 : i32
      %get3A_639 = arith.index_cast %get3A_638 : i32 to index
      %get3A_640 = arith.index_cast %mul3A_629 : i32 to index
      %get3A_641 = tpu.vector_load %arg9[%get3A_639, %get3A_640] {strides = array<i32>} : memref<8x1024xf32, #tpu.memory_space<vmem>>, vector<16xf32>,
      %add3A_642 = arith.addf %add3A_637, %get3A_641 : vector<16xf32>
      %swap3A = arith.constant 1 : i32
      %swap3A_643 = arith.index_cast %swap3A : i32 to index
      %swap3A_644 = arith.index_cast %mul3A_629 : i32 to index
      %swap3A_645 = tpu.vector_load %arg9[%swap3A_643, %swap3A_644] {strides = array<i32>} : memref<8x1024xf32, #tpu.memory_space<vmem>>, vector<16xf32>,
      tpu.vector_store %arg9[%swap3A_643, %swap3A_644], %add3A_642 {strides = array<i32>} : memref<8x1024xf32, #tpu.memory_space<vmem>>, vector<16xf32>,
      %scan3A_646 = arith.constant 0 : i32
      scf.yield %scan3A_646 : i32
    }
    %scan3A_514 = arith.constant 64 : i32
    %scan3A_515 = arith.constant 0 : i32
    %scan3A_516 = arith.constant 0 : i32
    %scan3A_517 = arith.constant 64 : i32
    %scan3A_518 = arith.addi %scan3A_516, %scan3A_517 : i32
    %scan3A_519 = arith.constant 1 : i32
    %scan3A_520 = scf.for %scan3A_626 = %scan3A_516 to %scan3A_518 step %scan3A_519 iter_args(%scan3A_627 = %scan3A_515) -> (i32)  : i32 {
      %mul3A_628 = arith.constant 16 : i32
      %mul3A_629 = arith.muli %scan3A_626, %mul3A_628 : i32
      %get3A = arith.constant 4 : i32
      %get3A_630 = arith.index_cast %get3A : i32 to index
      %get3A_631 = arith.index_cast %mul3A_629 : i32 to index
      %get3A_632 = tpu.vector_load %arg7[%get3A_630, %get3A_631] {strides = array<i32>} : memref<16x1024xf32, #tpu.memory_space<vmem>>, vector<16xf32>,
      %get3A_633 = arith.constant 5 : i32
      %get3A_634 = arith.index_cast %get3A_633 : i32 to index
      %get3A_635 = arith.index_cast %mul3A_629 : i32 to index
      %get3A_636 = tpu.vector_load %arg7[%get3A_634, %get3A_635] {strides = array<i32>} : memref<16x1024xf32, #tpu.memory_space<vmem>>, vector<16xf32>,
      %add3A_637 = arith.addf %get3A_632, %get3A_636 : vector<16xf32>
      %get3A_638 = arith.constant 2 : i32
      %get3A_639 = arith.index_cast %get3A_638 : i32 to index
      %get3A_640 = arith.index_cast %mul3A_629 : i32 to index
      %get3A_641 = tpu.vector_load %arg9[%get3A_639, %get3A_640] {strides = array<i32>} : memref<8x1024xf32, #tpu.memory_space<vmem>>, vector<16xf32>,
      %add3A_642 = arith.addf %add3A_637, %get3A_641 : vector<16xf32>
      %swap3A = arith.constant 2 : i32
      %swap3A_643 = arith.index_cast %swap3A : i32 to index
      %swap3A_644 = arith.index_cast %mul3A_629 : i32 to index
      %swap3A_645 = tpu.vector_load %arg9[%swap3A_643, %swap3A_644] {strides = array<i32>} : memref<8x1024xf32, #tpu.memory_space<vmem>>, vector<16xf32>,
      tpu.vector_store %arg9[%swap3A_643, %swap3A_644], %add3A_642 {strides = array<i32>} : memref<8x1024xf32, #tpu.memory_space<vmem>>, vector<16xf32>,
      %scan3A_646 = arith.constant 0 : i32
      scf.yield %scan3A_646 : i32
    }
    %scan3A_521 = arith.constant 64 : i32
    %scan3A_522 = arith.constant 0 : i32
    %scan3A_523 = arith.constant 0 : i32
    %scan3A_524 = arith.constant 64 : i32
    %scan3A_525 = arith.addi %scan3A_523, %scan3A_524 : i32
    %scan3A_526 = arith.constant 1 : i32
    %scan3A_527 = scf.for %scan3A_626 = %scan3A_523 to %scan3A_525 step %scan3A_526 iter_args(%scan3A_627 = %scan3A_522) -> (i32)  : i32 {
      %mul3A_628 = arith.constant 16 : i32
      %mul3A_629 = arith.muli %scan3A_626, %mul3A_628 : i32
      %get3A = arith.constant 6 : i32
      %get3A_630 = arith.index_cast %get3A : i32 to index
      %get3A_631 = arith.index_cast %mul3A_629 : i32 to index
      %get3A_632 = tpu.vector_load %arg7[%get3A_630, %get3A_631] {strides = array<i32>} : memref<16x1024xf32, #tpu.memory_space<vmem>>, vector<16xf32>,
      %get3A_633 = arith.constant 7 : i32
      %get3A_634 = arith.index_cast %get3A_633 : i32 to index
      %get3A_635 = arith.index_cast %mul3A_629 : i32 to index
      %get3A_636 = tpu.vector_load %arg7[%get3A_634, %get3A_635] {strides = array<i32>} : memref<16x1024xf32, #tpu.memory_space<vmem>>, vector<16xf32>,
      %add3A_637 = arith.addf %get3A_632, %get3A_636 : vector<16xf32>
      %get3A_638 = arith.constant 3 : i32
      %get3A_639 = arith.index_cast %get3A_638 : i32 to index
      %get3A_640 = arith.index_cast %mul3A_629 : i32 to index
      %get3A_641 = tpu.vector_load %arg9[%get3A_639, %get3A_640] {strides = array<i32>} : memref<8x1024xf32, #tpu.memory_space<vmem>>, vector<16xf32>,
      %add3A_642 = arith.addf %add3A_637, %get3A_641 : vector<16xf32>
      %swap3A = arith.constant 3 : i32
      %swap3A_643 = arith.index_cast %swap3A : i32 to index
      %swap3A_644 = arith.index_cast %mul3A_629 : i32 to index
      %swap3A_645 = tpu.vector_load %arg9[%swap3A_643, %swap3A_644] {strides = array<i32>} : memref<8x1024xf32, #tpu.memory_space<vmem>>, vector<16xf32>,
      tpu.vector_store %arg9[%swap3A_643, %swap3A_644], %add3A_642 {strides = array<i32>} : memref<8x1024xf32, #tpu.memory_space<vmem>>, vector<16xf32>,
      %scan3A_646 = arith.constant 0 : i32
      scf.yield %scan3A_646 : i32
    }
    %scan3A_528 = arith.constant 64 : i32
    %scan3A_529 = arith.constant 0 : i32
    %scan3A_530 = arith.constant 0 : i32
    %scan3A_531 = arith.constant 64 : i32
    %scan3A_532 = arith.addi %scan3A_530, %scan3A_531 : i32
    %scan3A_533 = arith.constant 1 : i32
    %scan3A_534 = scf.for %scan3A_626 = %scan3A_530 to %scan3A_532 step %scan3A_533 iter_args(%scan3A_627 = %scan3A_529) -> (i32)  : i32 {
      %mul3A_628 = arith.constant 16 : i32
      %mul3A_629 = arith.muli %scan3A_626, %mul3A_628 : i32
      %get3A = arith.constant 8 : i32
      %get3A_630 = arith.index_cast %get3A : i32 to index
      %get3A_631 = arith.index_cast %mul3A_629 : i32 to index
      %get3A_632 = tpu.vector_load %arg7[%get3A_630, %get3A_631] {strides = array<i32>} : memref<16x1024xf32, #tpu.memory_space<vmem>>, vector<16xf32>,
      %get3A_633 = arith.constant 9 : i32
      %get3A_634 = arith.index_cast %get3A_633 : i32 to index
      %get3A_635 = arith.index_cast %mul3A_629 : i32 to index
      %get3A_636 = tpu.vector_load %arg7[%get3A_634, %get3A_635] {strides = array<i32>} : memref<16x1024xf32, #tpu.memory_space<vmem>>, vector<16xf32>,
      %add3A_637 = arith.addf %get3A_632, %get3A_636 : vector<16xf32>
      %get3A_638 = arith.constant 4 : i32
      %get3A_639 = arith.index_cast %get3A_638 : i32 to index
      %get3A_640 = arith.index_cast %mul3A_629 : i32 to index
      %get3A_641 = tpu.vector_load %arg9[%get3A_639, %get3A_640] {strides = array<i32>} : memref<8x1024xf32, #tpu.memory_space<vmem>>, vector<16xf32>,
      %add3A_642 = arith.addf %add3A_637, %get3A_641 : vector<16xf32>
      %swap3A = arith.constant 4 : i32
      %swap3A_643 = arith.index_cast %swap3A : i32 to index
      %swap3A_644 = arith.index_cast %mul3A_629 : i32 to index
      %swap3A_645 = tpu.vector_load %arg9[%swap3A_643, %swap3A_644] {strides = array<i32>} : memref<8x1024xf32, #tpu.memory_space<vmem>>, vector<16xf32>,
      tpu.vector_store %arg9[%swap3A_643, %swap3A_644], %add3A_642 {strides = array<i32>} : memref<8x1024xf32, #tpu.memory_space<vmem>>, vector<16xf32>,
      %scan3A_646 = arith.constant 0 : i32
      scf.yield %scan3A_646 : i32
    }
    %scan3A_535 = arith.constant 64 : i32
    %scan3A_536 = arith.constant 0 : i32
    %scan3A_537 = arith.constant 0 : i32
    %scan3A_538 = arith.constant 64 : i32
    %scan3A_539 = arith.addi %scan3A_537, %scan3A_538 : i32
    %scan3A_540 = arith.constant 1 : i32
    %scan3A_541 = scf.for %scan3A_626 = %scan3A_537 to %scan3A_539 step %scan3A_540 iter_args(%scan3A_627 = %scan3A_536) -> (i32)  : i32 {
      %mul3A_628 = arith.constant 16 : i32
      %mul3A_629 = arith.muli %scan3A_626, %mul3A_628 : i32
      %get3A = arith.constant 10 : i32
      %get3A_630 = arith.index_cast %get3A : i32 to index
      %get3A_631 = arith.index_cast %mul3A_629 : i32 to index
      %get3A_632 = tpu.vector_load %arg7[%get3A_630, %get3A_631] {strides = array<i32>} : memref<16x1024xf32, #tpu.memory_space<vmem>>, vector<16xf32>,
      %get3A_633 = arith.constant 11 : i32
      %get3A_634 = arith.index_cast %get3A_633 : i32 to index
      %get3A_635 = arith.index_cast %mul3A_629 : i32 to index
      %get3A_636 = tpu.vector_load %arg7[%get3A_634, %get3A_635] {strides = array<i32>} : memref<16x1024xf32, #tpu.memory_space<vmem>>, vector<16xf32>,
      %add3A_637 = arith.addf %get3A_632, %get3A_636 : vector<16xf32>
      %get3A_638 = arith.constant 5 : i32
      %get3A_639 = arith.index_cast %get3A_638 : i32 to index
      %get3A_640 = arith.index_cast %mul3A_629 : i32 to index
      %get3A_641 = tpu.vector_load %arg9[%get3A_639, %get3A_640] {strides = array<i32>} : memref<8x1024xf32, #tpu.memory_space<vmem>>, vector<16xf32>,
      %add3A_642 = arith.addf %add3A_637, %get3A_641 : vector<16xf32>
      %swap3A = arith.constant 5 : i32
      %swap3A_643 = arith.index_cast %swap3A : i32 to index
      %swap3A_644 = arith.index_cast %mul3A_629 : i32 to index
      %swap3A_645 = tpu.vector_load %arg9[%swap3A_643, %swap3A_644] {strides = array<i32>} : memref<8x1024xf32, #tpu.memory_space<vmem>>, vector<16xf32>,
      tpu.vector_store %arg9[%swap3A_643, %swap3A_644], %add3A_642 {strides = array<i32>} : memref<8x1024xf32, #tpu.memory_space<vmem>>, vector<16xf32>,
      %scan3A_646 = arith.constant 0 : i32
      scf.yield %scan3A_646 : i32
    }
    %scan3A_542 = arith.constant 64 : i32
    %scan3A_543 = arith.constant 0 : i32
    %scan3A_544 = arith.constant 0 : i32
    %scan3A_545 = arith.constant 64 : i32
    %scan3A_546 = arith.addi %scan3A_544, %scan3A_545 : i32
    %scan3A_547 = arith.constant 1 : i32
    %scan3A_548 = scf.for %scan3A_626 = %scan3A_544 to %scan3A_546 step %scan3A_547 iter_args(%scan3A_627 = %scan3A_543) -> (i32)  : i32 {
      %mul3A_628 = arith.constant 16 : i32
      %mul3A_629 = arith.muli %scan3A_626, %mul3A_628 : i32
      %get3A = arith.constant 12 : i32
      %get3A_630 = arith.index_cast %get3A : i32 to index
      %get3A_631 = arith.index_cast %mul3A_629 : i32 to index
      %get3A_632 = tpu.vector_load %arg7[%get3A_630, %get3A_631] {strides = array<i32>} : memref<16x1024xf32, #tpu.memory_space<vmem>>, vector<16xf32>,
      %get3A_633 = arith.constant 13 : i32
      %get3A_634 = arith.index_cast %get3A_633 : i32 to index
      %get3A_635 = arith.index_cast %mul3A_629 : i32 to index
      %get3A_636 = tpu.vector_load %arg7[%get3A_634, %get3A_635] {strides = array<i32>} : memref<16x1024xf32, #tpu.memory_space<vmem>>, vector<16xf32>,
      %add3A_637 = arith.addf %get3A_632, %get3A_636 : vector<16xf32>
      %get3A_638 = arith.constant 6 : i32
      %get3A_639 = arith.index_cast %get3A_638 : i32 to index
      %get3A_640 = arith.index_cast %mul3A_629 : i32 to index
      %get3A_641 = tpu.vector_load %arg9[%get3A_639, %get3A_640] {strides = array<i32>} : memref<8x1024xf32, #tpu.memory_space<vmem>>, vector<16xf32>,
      %add3A_642 = arith.addf %add3A_637, %get3A_641 : vector<16xf32>
      %swap3A = arith.constant 6 : i32
      %swap3A_643 = arith.index_cast %swap3A : i32 to index
      %swap3A_644 = arith.index_cast %mul3A_629 : i32 to index
      %swap3A_645 = tpu.vector_load %arg9[%swap3A_643, %swap3A_644] {strides = array<i32>} : memref<8x1024xf32, #tpu.memory_space<vmem>>, vector<16xf32>,
      tpu.vector_store %arg9[%swap3A_643, %swap3A_644], %add3A_642 {strides = array<i32>} : memref<8x1024xf32, #tpu.memory_space<vmem>>, vector<16xf32>,
      %scan3A_646 = arith.constant 0 : i32
      scf.yield %scan3A_646 : i32
    }
    %scan3A_549 = arith.constant 64 : i32
    %scan3A_550 = arith.constant 0 : i32
    %scan3A_551 = arith.constant 0 : i32
    %scan3A_552 = arith.constant 64 : i32
    %scan3A_553 = arith.addi %scan3A_551, %scan3A_552 : i32
    %scan3A_554 = arith.constant 1 : i32
    %scan3A_555 = scf.for %scan3A_626 = %scan3A_551 to %scan3A_553 step %scan3A_554 iter_args(%scan3A_627 = %scan3A_550) -> (i32)  : i32 {
      %mul3A_628 = arith.constant 16 : i32
      %mul3A_629 = arith.muli %scan3A_626, %mul3A_628 : i32
      %get3A = arith.constant 14 : i32
      %get3A_630 = arith.index_cast %get3A : i32 to index
      %get3A_631 = arith.index_cast %mul3A_629 : i32 to index
      %get3A_632 = tpu.vector_load %arg7[%get3A_630, %get3A_631] {strides = array<i32>} : memref<16x1024xf32, #tpu.memory_space<vmem>>, vector<16xf32>,
      %get3A_633 = arith.constant 15 : i32
      %get3A_634 = arith.index_cast %get3A_633 : i32 to index
      %get3A_635 = arith.index_cast %mul3A_629 : i32 to index
      %get3A_636 = tpu.vector_load %arg7[%get3A_634, %get3A_635] {strides = array<i32>} : memref<16x1024xf32, #tpu.memory_space<vmem>>, vector<16xf32>,
      %add3A_637 = arith.addf %get3A_632, %get3A_636 : vector<16xf32>
      %get3A_638 = arith.constant 7 : i32
      %get3A_639 = arith.index_cast %get3A_638 : i32 to index
      %get3A_640 = arith.index_cast %mul3A_629 : i32 to index
      %get3A_641 = tpu.vector_load %arg9[%get3A_639, %get3A_640] {strides = array<i32>} : memref<8x1024xf32, #tpu.memory_space<vmem>>, vector<16xf32>,
      %add3A_642 = arith.addf %add3A_637, %get3A_641 : vector<16xf32>
      %swap3A = arith.constant 7 : i32
      %swap3A_643 = arith.index_cast %swap3A : i32 to index
      %swap3A_644 = arith.index_cast %mul3A_629 : i32 to index
      %swap3A_645 = tpu.vector_load %arg9[%swap3A_643, %swap3A_644] {strides = array<i32>} : memref<8x1024xf32, #tpu.memory_space<vmem>>, vector<16xf32>,
      tpu.vector_store %arg9[%swap3A_643, %swap3A_644], %add3A_642 {strides = array<i32>} : memref<8x1024xf32, #tpu.memory_space<vmem>>, vector<16xf32>,
      %scan3A_646 = arith.constant 0 : i32
      scf.yield %scan3A_646 : i32
    }
    %scan3A_556 = arith.constant 64 : i32
    %add3A_557 = arith.constant 48 : i32
    %add3A_558 = arith.addi %mul3A_2, %add3A_557 : i32
    "tpu.region"() ({
      %run_scoped3A = tpu.sem_alloc : memref<!tpu.dma_semaphore, #tpu.memory_space<semaphore_mem>>
      %dma_start3A_626 = arith.constant 0 : i32
      %dma_start3A_627 = tpu.memref_slice %arg5[%add3A_558, %dma_start3A_626] : memref<2048x1024xf32, #tpu.memory_space<hbm>> -> memref<8x1024xf32, #tpu.memory_space<hbm>>
      %dma_start3A_628 = arith.constant 0 : i32
      %dma_start3A_629 = tpu.memref_slice %arg5[%add3A_558, %dma_start3A_628] : memref<2048x1024xf32, #tpu.memory_space<hbm>> -> memref<8x1024xf32, #tpu.memory_space<hbm>>
      tpu.enqueue_dma source(%arg9 : memref<8x1024xf32, #tpu.memory_space<vmem>>) target(%dma_start3A_629 : memref<8x1024xf32, #tpu.memory_space<hbm>>) target_semaphore(%run_scoped3A : memref<!tpu.dma_semaphore, #tpu.memory_space<semaphore_mem>>)
      %dma_wait3A_630 = arith.constant 0 : i32
      %dma_wait3A_631 = tpu.memref_slice %arg5[%add3A_558, %dma_wait3A_630] : memref<2048x1024xf32, #tpu.memory_space<hbm>> -> memref<8x1024xf32, #tpu.memory_space<hbm>>
      %dma_wait3A_632 = arith.constant 0 : i32
      %dma_wait3A_633 = tpu.memref_slice %arg5[%add3A_558, %dma_wait3A_632] : memref<2048x1024xf32, #tpu.memory_space<hbm>> -> memref<8x1024xf32, #tpu.memory_space<hbm>>
      tpu.wait_dma2 semaphore(%run_scoped3A : memref<!tpu.dma_semaphore, #tpu.memory_space<semaphore_mem>>) src(%arg9 : memref<8x1024xf32, #tpu.memory_space<vmem>>) dst(%dma_wait3A_633 : memref<8x1024xf32, #tpu.memory_space<hbm>>)
      tpu.yield
    }) : () -> ()
    %dma_wait3A_559 = arith.constant 112 : i32
    %dma_wait3A_560 = tpu.memref_slice %arg6[%dma_wait3A_559] : memref<128xi32, #tpu.memory_space<vmem>> -> memref<16xi32, #tpu.memory_space<vmem>>
    %dma_wait3A_561 = arith.constant 0 : i32
    %dma_wait3A_562 = arith.constant 0 : i32
    %dma_wait3A_563 = tpu.memref_slice %arg3[%dma_wait3A_561, %dma_wait3A_562] : memref<8192x1024xf32, #tpu.memory_space<hbm>> -> memref<8192x1024xf32, #tpu.memory_space<hbm>>
    tpu.wait_indirect_dma semaphore(%arg12 : memref<!tpu.dma_semaphore, #tpu.memory_space<semaphore_mem>>) src(%dma_wait3A_563 : memref<8192x1024xf32, #tpu.memory_space<hbm>>) dst(%arg8 : memref<16x1024xf32, #tpu.memory_space<vmem>>)
    %dma_wait3A_564 = arith.constant 0 : i32
    %dma_wait3A_565 = tpu.memref_slice %arg4[%add3A_487, %dma_wait3A_564] : memref<2048x1024xf32, #tpu.memory_space<hbm>> -> memref<8x1024xf32, #tpu.memory_space<hbm>>
    %dma_wait3A_566 = arith.constant 0 : i32
    %dma_wait3A_567 = tpu.memref_slice %arg4[%add3A_487, %dma_wait3A_566] : memref<2048x1024xf32, #tpu.memory_space<hbm>> -> memref<8x1024xf32, #tpu.memory_space<hbm>>
    tpu.wait_dma2 semaphore(%arg14 : memref<!tpu.dma_semaphore, #tpu.memory_space<semaphore_mem>>) src(%dma_wait3A_567 : memref<8x1024xf32, #tpu.memory_space<hbm>>) dst(%arg10 : memref<8x1024xf32, #tpu.memory_space<vmem>>)
    %scan3A_568 = arith.constant 0 : i32
    %scan3A_569 = arith.constant 0 : i32
    %scan3A_570 = arith.constant 64 : i32
    %scan3A_571 = arith.addi %scan3A_569, %scan3A_570 : i32
    %scan3A_572 = arith.constant 1 : i32
    %scan3A_573 = scf.for %scan3A_626 = %scan3A_569 to %scan3A_571 step %scan3A_572 iter_args(%scan3A_627 = %scan3A_568) -> (i32)  : i32 {
      %mul3A_628 = arith.constant 16 : i32
      %mul3A_629 = arith.muli %scan3A_626, %mul3A_628 : i32
      %get3A = arith.constant 0 : i32
      %get3A_630 = arith.index_cast %get3A : i32 to index
      %get3A_631 = arith.index_cast %mul3A_629 : i32 to index
      %get3A_632 = tpu.vector_load %arg8[%get3A_630, %get3A_631] {strides = array<i32>} : memref<16x1024xf32, #tpu.memory_space<vmem>>, vector<16xf32>,
      %get3A_633 = arith.constant 1 : i32
      %get3A_634 = arith.index_cast %get3A_633 : i32 to index
      %get3A_635 = arith.index_cast %mul3A_629 : i32 to index
      %get3A_636 = tpu.vector_load %arg8[%get3A_634, %get3A_635] {strides = array<i32>} : memref<16x1024xf32, #tpu.memory_space<vmem>>, vector<16xf32>,
      %add3A_637 = arith.addf %get3A_632, %get3A_636 : vector<16xf32>
      %get3A_638 = arith.constant 0 : i32
      %get3A_639 = arith.index_cast %get3A_638 : i32 to index
      %get3A_640 = arith.index_cast %mul3A_629 : i32 to index
      %get3A_641 = tpu.vector_load %arg10[%get3A_639, %get3A_640] {strides = array<i32>} : memref<8x1024xf32, #tpu.memory_space<vmem>>, vector<16xf32>,
      %add3A_642 = arith.addf %add3A_637, %get3A_641 : vector<16xf32>
      %swap3A = arith.constant 0 : i32
      %swap3A_643 = arith.index_cast %swap3A : i32 to index
      %swap3A_644 = arith.index_cast %mul3A_629 : i32 to index
      %swap3A_645 = tpu.vector_load %arg10[%swap3A_643, %swap3A_644] {strides = array<i32>} : memref<8x1024xf32, #tpu.memory_space<vmem>>, vector<16xf32>,
      tpu.vector_store %arg10[%swap3A_643, %swap3A_644], %add3A_642 {strides = array<i32>} : memref<8x1024xf32, #tpu.memory_space<vmem>>, vector<16xf32>,
      %scan3A_646 = arith.constant 0 : i32
      scf.yield %scan3A_646 : i32
    }
    %scan3A_574 = arith.constant 64 : i32
    %scan3A_575 = arith.constant 0 : i32
    %scan3A_576 = arith.constant 0 : i32
    %scan3A_577 = arith.constant 64 : i32
    %scan3A_578 = arith.addi %scan3A_576, %scan3A_577 : i32
    %scan3A_579 = arith.constant 1 : i32
    %scan3A_580 = scf.for %scan3A_626 = %scan3A_576 to %scan3A_578 step %scan3A_579 iter_args(%scan3A_627 = %scan3A_575) -> (i32)  : i32 {
      %mul3A_628 = arith.constant 16 : i32
      %mul3A_629 = arith.muli %scan3A_626, %mul3A_628 : i32
      %get3A = arith.constant 2 : i32
      %get3A_630 = arith.index_cast %get3A : i32 to index
      %get3A_631 = arith.index_cast %mul3A_629 : i32 to index
      %get3A_632 = tpu.vector_load %arg8[%get3A_630, %get3A_631] {strides = array<i32>} : memref<16x1024xf32, #tpu.memory_space<vmem>>, vector<16xf32>,
      %get3A_633 = arith.constant 3 : i32
      %get3A_634 = arith.index_cast %get3A_633 : i32 to index
      %get3A_635 = arith.index_cast %mul3A_629 : i32 to index
      %get3A_636 = tpu.vector_load %arg8[%get3A_634, %get3A_635] {strides = array<i32>} : memref<16x1024xf32, #tpu.memory_space<vmem>>, vector<16xf32>,
      %add3A_637 = arith.addf %get3A_632, %get3A_636 : vector<16xf32>
      %get3A_638 = arith.constant 1 : i32
      %get3A_639 = arith.index_cast %get3A_638 : i32 to index
      %get3A_640 = arith.index_cast %mul3A_629 : i32 to index
      %get3A_641 = tpu.vector_load %arg10[%get3A_639, %get3A_640] {strides = array<i32>} : memref<8x1024xf32, #tpu.memory_space<vmem>>, vector<16xf32>,
      %add3A_642 = arith.addf %add3A_637, %get3A_641 : vector<16xf32>
      %swap3A = arith.constant 1 : i32
      %swap3A_643 = arith.index_cast %swap3A : i32 to index
      %swap3A_644 = arith.index_cast %mul3A_629 : i32 to index
      %swap3A_645 = tpu.vector_load %arg10[%swap3A_643, %swap3A_644] {strides = array<i32>} : memref<8x1024xf32, #tpu.memory_space<vmem>>, vector<16xf32>,
      tpu.vector_store %arg10[%swap3A_643, %swap3A_644], %add3A_642 {strides = array<i32>} : memref<8x1024xf32, #tpu.memory_space<vmem>>, vector<16xf32>,
      %scan3A_646 = arith.constant 0 : i32
      scf.yield %scan3A_646 : i32
    }
    %scan3A_581 = arith.constant 64 : i32
    %scan3A_582 = arith.constant 0 : i32
    %scan3A_583 = arith.constant 0 : i32
    %scan3A_584 = arith.constant 64 : i32
    %scan3A_585 = arith.addi %scan3A_583, %scan3A_584 : i32
    %scan3A_586 = arith.constant 1 : i32
    %scan3A_587 = scf.for %scan3A_626 = %scan3A_583 to %scan3A_585 step %scan3A_586 iter_args(%scan3A_627 = %scan3A_582) -> (i32)  : i32 {
      %mul3A_628 = arith.constant 16 : i32
      %mul3A_629 = arith.muli %scan3A_626, %mul3A_628 : i32
      %get3A = arith.constant 4 : i32
      %get3A_630 = arith.index_cast %get3A : i32 to index
      %get3A_631 = arith.index_cast %mul3A_629 : i32 to index
      %get3A_632 = tpu.vector_load %arg8[%get3A_630, %get3A_631] {strides = array<i32>} : memref<16x1024xf32, #tpu.memory_space<vmem>>, vector<16xf32>,
      %get3A_633 = arith.constant 5 : i32
      %get3A_634 = arith.index_cast %get3A_633 : i32 to index
      %get3A_635 = arith.index_cast %mul3A_629 : i32 to index
      %get3A_636 = tpu.vector_load %arg8[%get3A_634, %get3A_635] {strides = array<i32>} : memref<16x1024xf32, #tpu.memory_space<vmem>>, vector<16xf32>,
      %add3A_637 = arith.addf %get3A_632, %get3A_636 : vector<16xf32>
      %get3A_638 = arith.constant 2 : i32
      %get3A_639 = arith.index_cast %get3A_638 : i32 to index
      %get3A_640 = arith.index_cast %mul3A_629 : i32 to index
      %get3A_641 = tpu.vector_load %arg10[%get3A_639, %get3A_640] {strides = array<i32>} : memref<8x1024xf32, #tpu.memory_space<vmem>>, vector<16xf32>,
      %add3A_642 = arith.addf %add3A_637, %get3A_641 : vector<16xf32>
      %swap3A = arith.constant 2 : i32
      %swap3A_643 = arith.index_cast %swap3A : i32 to index
      %swap3A_644 = arith.index_cast %mul3A_629 : i32 to index
      %swap3A_645 = tpu.vector_load %arg10[%swap3A_643, %swap3A_644] {strides = array<i32>} : memref<8x1024xf32, #tpu.memory_space<vmem>>, vector<16xf32>,
      tpu.vector_store %arg10[%swap3A_643, %swap3A_644], %add3A_642 {strides = array<i32>} : memref<8x1024xf32, #tpu.memory_space<vmem>>, vector<16xf32>,
      %scan3A_646 = arith.constant 0 : i32
      scf.yield %scan3A_646 : i32
    }
    %scan3A_588 = arith.constant 64 : i32
    %scan3A_589 = arith.constant 0 : i32
    %scan3A_590 = arith.constant 0 : i32
    %scan3A_591 = arith.constant 64 : i32
    %scan3A_592 = arith.addi %scan3A_590, %scan3A_591 : i32
    %scan3A_593 = arith.constant 1 : i32
    %scan3A_594 = scf.for %scan3A_626 = %scan3A_590 to %scan3A_592 step %scan3A_593 iter_args(%scan3A_627 = %scan3A_589) -> (i32)  : i32 {
      %mul3A_628 = arith.constant 16 : i32
      %mul3A_629 = arith.muli %scan3A_626, %mul3A_628 : i32
      %get3A = arith.constant 6 : i32
      %get3A_630 = arith.index_cast %get3A : i32 to index
      %get3A_631 = arith.index_cast %mul3A_629 : i32 to index
      %get3A_632 = tpu.vector_load %arg8[%get3A_630, %get3A_631] {strides = array<i32>} : memref<16x1024xf32, #tpu.memory_space<vmem>>, vector<16xf32>,
      %get3A_633 = arith.constant 7 : i32
      %get3A_634 = arith.index_cast %get3A_633 : i32 to index
      %get3A_635 = arith.index_cast %mul3A_629 : i32 to index
      %get3A_636 = tpu.vector_load %arg8[%get3A_634, %get3A_635] {strides = array<i32>} : memref<16x1024xf32, #tpu.memory_space<vmem>>, vector<16xf32>,
      %add3A_637 = arith.addf %get3A_632, %get3A_636 : vector<16xf32>
      %get3A_638 = arith.constant 3 : i32
      %get3A_639 = arith.index_cast %get3A_638 : i32 to index
      %get3A_640 = arith.index_cast %mul3A_629 : i32 to index
      %get3A_641 = tpu.vector_load %arg10[%get3A_639, %get3A_640] {strides = array<i32>} : memref<8x1024xf32, #tpu.memory_space<vmem>>, vector<16xf32>,
      %add3A_642 = arith.addf %add3A_637, %get3A_641 : vector<16xf32>
      %swap3A = arith.constant 3 : i32
      %swap3A_643 = arith.index_cast %swap3A : i32 to index
      %swap3A_644 = arith.index_cast %mul3A_629 : i32 to index
      %swap3A_645 = tpu.vector_load %arg10[%swap3A_643, %swap3A_644] {strides = array<i32>} : memref<8x1024xf32, #tpu.memory_space<vmem>>, vector<16xf32>,
      tpu.vector_store %arg10[%swap3A_643, %swap3A_644], %add3A_642 {strides = array<i32>} : memref<8x1024xf32, #tpu.memory_space<vmem>>, vector<16xf32>,
      %scan3A_646 = arith.constant 0 : i32
      scf.yield %scan3A_646 : i32
    }
    %scan3A_595 = arith.constant 64 : i32
    %scan3A_596 = arith.constant 0 : i32
    %scan3A_597 = arith.constant 0 : i32
    %scan3A_598 = arith.constant 64 : i32
    %scan3A_599 = arith.addi %scan3A_597, %scan3A_598 : i32
    %scan3A_600 = arith.constant 1 : i32
    %scan3A_601 = scf.for %scan3A_626 = %scan3A_597 to %scan3A_599 step %scan3A_600 iter_args(%scan3A_627 = %scan3A_596) -> (i32)  : i32 {
      %mul3A_628 = arith.constant 16 : i32
      %mul3A_629 = arith.muli %scan3A_626, %mul3A_628 : i32
      %get3A = arith.constant 8 : i32
      %get3A_630 = arith.index_cast %get3A : i32 to index
      %get3A_631 = arith.index_cast %mul3A_629 : i32 to index
      %get3A_632 = tpu.vector_load %arg8[%get3A_630, %get3A_631] {strides = array<i32>} : memref<16x1024xf32, #tpu.memory_space<vmem>>, vector<16xf32>,
      %get3A_633 = arith.constant 9 : i32
      %get3A_634 = arith.index_cast %get3A_633 : i32 to index
      %get3A_635 = arith.index_cast %mul3A_629 : i32 to index
      %get3A_636 = tpu.vector_load %arg8[%get3A_634, %get3A_635] {strides = array<i32>} : memref<16x1024xf32, #tpu.memory_space<vmem>>, vector<16xf32>,
      %add3A_637 = arith.addf %get3A_632, %get3A_636 : vector<16xf32>
      %get3A_638 = arith.constant 4 : i32
      %get3A_639 = arith.index_cast %get3A_638 : i32 to index
      %get3A_640 = arith.index_cast %mul3A_629 : i32 to index
      %get3A_641 = tpu.vector_load %arg10[%get3A_639, %get3A_640] {strides = array<i32>} : memref<8x1024xf32, #tpu.memory_space<vmem>>, vector<16xf32>,
      %add3A_642 = arith.addf %add3A_637, %get3A_641 : vector<16xf32>
      %swap3A = arith.constant 4 : i32
      %swap3A_643 = arith.index_cast %swap3A : i32 to index
      %swap3A_644 = arith.index_cast %mul3A_629 : i32 to index
      %swap3A_645 = tpu.vector_load %arg10[%swap3A_643, %swap3A_644] {strides = array<i32>} : memref<8x1024xf32, #tpu.memory_space<vmem>>, vector<16xf32>,
      tpu.vector_store %arg10[%swap3A_643, %swap3A_644], %add3A_642 {strides = array<i32>} : memref<8x1024xf32, #tpu.memory_space<vmem>>, vector<16xf32>,
      %scan3A_646 = arith.constant 0 : i32
      scf.yield %scan3A_646 : i32
    }
    %scan3A_602 = arith.constant 64 : i32
    %scan3A_603 = arith.constant 0 : i32
    %scan3A_604 = arith.constant 0 : i32
    %scan3A_605 = arith.constant 64 : i32
    %scan3A_606 = arith.addi %scan3A_604, %scan3A_605 : i32
    %scan3A_607 = arith.constant 1 : i32
    %scan3A_608 = scf.for %scan3A_626 = %scan3A_604 to %scan3A_606 step %scan3A_607 iter_args(%scan3A_627 = %scan3A_603) -> (i32)  : i32 {
      %mul3A_628 = arith.constant 16 : i32
      %mul3A_629 = arith.muli %scan3A_626, %mul3A_628 : i32
      %get3A = arith.constant 10 : i32
      %get3A_630 = arith.index_cast %get3A : i32 to index
      %get3A_631 = arith.index_cast %mul3A_629 : i32 to index
      %get3A_632 = tpu.vector_load %arg8[%get3A_630, %get3A_631] {strides = array<i32>} : memref<16x1024xf32, #tpu.memory_space<vmem>>, vector<16xf32>,
      %get3A_633 = arith.constant 11 : i32
      %get3A_634 = arith.index_cast %get3A_633 : i32 to index
      %get3A_635 = arith.index_cast %mul3A_629 : i32 to index
      %get3A_636 = tpu.vector_load %arg8[%get3A_634, %get3A_635] {strides = array<i32>} : memref<16x1024xf32, #tpu.memory_space<vmem>>, vector<16xf32>,
      %add3A_637 = arith.addf %get3A_632, %get3A_636 : vector<16xf32>
      %get3A_638 = arith.constant 5 : i32
      %get3A_639 = arith.index_cast %get3A_638 : i32 to index
      %get3A_640 = arith.index_cast %mul3A_629 : i32 to index
      %get3A_641 = tpu.vector_load %arg10[%get3A_639, %get3A_640] {strides = array<i32>} : memref<8x1024xf32, #tpu.memory_space<vmem>>, vector<16xf32>,
      %add3A_642 = arith.addf %add3A_637, %get3A_641 : vector<16xf32>
      %swap3A = arith.constant 5 : i32
      %swap3A_643 = arith.index_cast %swap3A : i32 to index
      %swap3A_644 = arith.index_cast %mul3A_629 : i32 to index
      %swap3A_645 = tpu.vector_load %arg10[%swap3A_643, %swap3A_644] {strides = array<i32>} : memref<8x1024xf32, #tpu.memory_space<vmem>>, vector<16xf32>,
      tpu.vector_store %arg10[%swap3A_643, %swap3A_644], %add3A_642 {strides = array<i32>} : memref<8x1024xf32, #tpu.memory_space<vmem>>, vector<16xf32>,
      %scan3A_646 = arith.constant 0 : i32
      scf.yield %scan3A_646 : i32
    }
    %scan3A_609 = arith.constant 64 : i32
    %scan3A_610 = arith.constant 0 : i32
    %scan3A_611 = arith.constant 0 : i32
    %scan3A_612 = arith.constant 64 : i32
    %scan3A_613 = arith.addi %scan3A_611, %scan3A_612 : i32
    %scan3A_614 = arith.constant 1 : i32
    %scan3A_615 = scf.for %scan3A_626 = %scan3A_611 to %scan3A_613 step %scan3A_614 iter_args(%scan3A_627 = %scan3A_610) -> (i32)  : i32 {
      %mul3A_628 = arith.constant 16 : i32
      %mul3A_629 = arith.muli %scan3A_626, %mul3A_628 : i32
      %get3A = arith.constant 12 : i32
      %get3A_630 = arith.index_cast %get3A : i32 to index
      %get3A_631 = arith.index_cast %mul3A_629 : i32 to index
      %get3A_632 = tpu.vector_load %arg8[%get3A_630, %get3A_631] {strides = array<i32>} : memref<16x1024xf32, #tpu.memory_space<vmem>>, vector<16xf32>,
      %get3A_633 = arith.constant 13 : i32
      %get3A_634 = arith.index_cast %get3A_633 : i32 to index
      %get3A_635 = arith.index_cast %mul3A_629 : i32 to index
      %get3A_636 = tpu.vector_load %arg8[%get3A_634, %get3A_635] {strides = array<i32>} : memref<16x1024xf32, #tpu.memory_space<vmem>>, vector<16xf32>,
      %add3A_637 = arith.addf %get3A_632, %get3A_636 : vector<16xf32>
      %get3A_638 = arith.constant 6 : i32
      %get3A_639 = arith.index_cast %get3A_638 : i32 to index
      %get3A_640 = arith.index_cast %mul3A_629 : i32 to index
      %get3A_641 = tpu.vector_load %arg10[%get3A_639, %get3A_640] {strides = array<i32>} : memref<8x1024xf32, #tpu.memory_space<vmem>>, vector<16xf32>,
      %add3A_642 = arith.addf %add3A_637, %get3A_641 : vector<16xf32>
      %swap3A = arith.constant 6 : i32
      %swap3A_643 = arith.index_cast %swap3A : i32 to index
      %swap3A_644 = arith.index_cast %mul3A_629 : i32 to index
      %swap3A_645 = tpu.vector_load %arg10[%swap3A_643, %swap3A_644] {strides = array<i32>} : memref<8x1024xf32, #tpu.memory_space<vmem>>, vector<16xf32>,
      tpu.vector_store %arg10[%swap3A_643, %swap3A_644], %add3A_642 {strides = array<i32>} : memref<8x1024xf32, #tpu.memory_space<vmem>>, vector<16xf32>,
      %scan3A_646 = arith.constant 0 : i32
      scf.yield %scan3A_646 : i32
    }
    %scan3A_616 = arith.constant 64 : i32
    %scan3A_617 = arith.constant 0 : i32
    %scan3A_618 = arith.constant 0 : i32
    %scan3A_619 = arith.constant 64 : i32
    %scan3A_620 = arith.addi %scan3A_618, %scan3A_619 : i32
    %scan3A_621 = arith.constant 1 : i32
    %scan3A_622 = scf.for %scan3A_626 = %scan3A_618 to %scan3A_620 step %scan3A_621 iter_args(%scan3A_627 = %scan3A_617) -> (i32)  : i32 {
      %mul3A_628 = arith.constant 16 : i32
      %mul3A_629 = arith.muli %scan3A_626, %mul3A_628 : i32
      %get3A = arith.constant 14 : i32
      %get3A_630 = arith.index_cast %get3A : i32 to index
      %get3A_631 = arith.index_cast %mul3A_629 : i32 to index
      %get3A_632 = tpu.vector_load %arg8[%get3A_630, %get3A_631] {strides = array<i32>} : memref<16x1024xf32, #tpu.memory_space<vmem>>, vector<16xf32>,
      %get3A_633 = arith.constant 15 : i32
      %get3A_634 = arith.index_cast %get3A_633 : i32 to index
      %get3A_635 = arith.index_cast %mul3A_629 : i32 to index
      %get3A_636 = tpu.vector_load %arg8[%get3A_634, %get3A_635] {strides = array<i32>} : memref<16x1024xf32, #tpu.memory_space<vmem>>, vector<16xf32>,
      %add3A_637 = arith.addf %get3A_632, %get3A_636 : vector<16xf32>
      %get3A_638 = arith.constant 7 : i32
      %get3A_639 = arith.index_cast %get3A_638 : i32 to index
      %get3A_640 = arith.index_cast %mul3A_629 : i32 to index
      %get3A_641 = tpu.vector_load %arg10[%get3A_639, %get3A_640] {strides = array<i32>} : memref<8x1024xf32, #tpu.memory_space<vmem>>, vector<16xf32>,
      %add3A_642 = arith.addf %add3A_637, %get3A_641 : vector<16xf32>
      %swap3A = arith.constant 7 : i32
      %swap3A_643 = arith.index_cast %swap3A : i32 to index
      %swap3A_644 = arith.index_cast %mul3A_629 : i32 to index
      %swap3A_645 = tpu.vector_load %arg10[%swap3A_643, %swap3A_644] {strides = array<i32>} : memref<8x1024xf32, #tpu.memory_space<vmem>>, vector<16xf32>,
      tpu.vector_store %arg10[%swap3A_643, %swap3A_644], %add3A_642 {strides = array<i32>} : memref<8x1024xf32, #tpu.memory_space<vmem>>, vector<16xf32>,
      %scan3A_646 = arith.constant 0 : i32
      scf.yield %scan3A_646 : i32
    }
    %scan3A_623 = arith.constant 64 : i32
    %add3A_624 = arith.constant 56 : i32
    %add3A_625 = arith.addi %mul3A_2, %add3A_624 : i32
    "tpu.region"() ({
      %run_scoped3A = tpu.sem_alloc : memref<!tpu.dma_semaphore, #tpu.memory_space<semaphore_mem>>
      %dma_start3A_626 = arith.constant 0 : i32
      %dma_start3A_627 = tpu.memref_slice %arg5[%add3A_625, %dma_start3A_626] : memref<2048x1024xf32, #tpu.memory_space<hbm>> -> memref<8x1024xf32, #tpu.memory_space<hbm>>
      %dma_start3A_628 = arith.constant 0 : i32
      %dma_start3A_629 = tpu.memref_slice %arg5[%add3A_625, %dma_start3A_628] : memref<2048x1024xf32, #tpu.memory_space<hbm>> -> memref<8x1024xf32, #tpu.memory_space<hbm>>
      tpu.enqueue_dma source(%arg10 : memref<8x1024xf32, #tpu.memory_space<vmem>>) target(%dma_start3A_629 : memref<8x1024xf32, #tpu.memory_space<hbm>>) target_semaphore(%run_scoped3A : memref<!tpu.dma_semaphore, #tpu.memory_space<semaphore_mem>>)
      %dma_wait3A_630 = arith.constant 0 : i32
      %dma_wait3A_631 = tpu.memref_slice %arg5[%add3A_625, %dma_wait3A_630] : memref<2048x1024xf32, #tpu.memory_space<hbm>> -> memref<8x1024xf32, #tpu.memory_space<hbm>>
      %dma_wait3A_632 = arith.constant 0 : i32
      %dma_wait3A_633 = tpu.memref_slice %arg5[%add3A_625, %dma_wait3A_632] : memref<2048x1024xf32, #tpu.memory_space<hbm>> -> memref<8x1024xf32, #tpu.memory_space<hbm>>
      tpu.wait_dma2 semaphore(%run_scoped3A : memref<!tpu.dma_semaphore, #tpu.memory_space<semaphore_mem>>) src(%arg10 : memref<8x1024xf32, #tpu.memory_space<vmem>>) dst(%dma_wait3A_633 : memref<8x1024xf32, #tpu.memory_space<hbm>>)
      tpu.yield
    }) : () -> ()
    return
  }
}

module attributes {stable_mosaic.version = 14 : i64} {
  func.func @_route_body(%arg0: memref<2048x1024xf32, #tpu.memory_space<vmem>>, %arg1: memref<64x1024xf32, #tpu.memory_space<vmem>>, %arg2: memref<2048x2xi32, #tpu.memory_space<vmem>>, %arg3: memref<2048x2xf32, #tpu.memory_space<vmem>>, %arg4: memref<128x1xi32, #tpu.memory_space<vmem>>, %arg5: memref<2048x512xi32, #tpu.memory_space<vmem>>) attributes {dimension_semantics = [], scalar_prefetch = 0 : i64, scratch_operands = 0 : i64, tpu.core_type = #tpu.core_type<tc>} {
    %get3A = arith.constant 0 : index
    %get3A_0 = arith.constant 0 : index
    %get3A_1 = vector.load %arg0[%get3A, %get3A_0] : memref<2048x1024xf32, #tpu.memory_space<vmem>>, vector<2048x1024xf32>
    %get3A_2 = arith.constant 0 : index
    %get3A_3 = arith.constant 0 : index
    %get3A_4 = vector.load %arg1[%get3A_2, %get3A_3] : memref<64x1024xf32, #tpu.memory_space<vmem>>, vector<64x1024xf32>
    %dot_general3A = arith.constant dense<0.000000e+00> : vector<2048x64xf32>
    %dot_general3A_5 = tpu.matmul %get3A_1, %get3A_4, %dot_general3A {dimension_numbers = #tpu.dot_dimension_numbers<[1], [1], [0], [0], [0, 0, 1, 0], [], []>, transpose_lhs_hint = false} : vector<2048x1024xf32>, vector<64x1024xf32>, vector<2048x64xf32> -> vector<2048x64xf32>
    %reduce_max3A = arith.constant dense<0xFF800000> : vector<2048xf32>
    %reduce_max3A_6 = vector.multi_reduction <maximumf>, %dot_general3A_5, %reduce_max3A [1] : vector<2048x64xf32> to vector<2048xf32>
    %broadcast_in_dim3A = vector.shape_cast %reduce_max3A_6 : vector<2048xf32> to vector<2048x1xf32>
    %sub3A = vector.broadcast %broadcast_in_dim3A : vector<2048x1xf32> to vector<2048x64xf32>
    %sub3A_7 = arith.subf %dot_general3A_5, %sub3A : vector<2048x64xf32>
    %exp3A = math.exp %sub3A_7 : vector<2048x64xf32>
    %reduce_sum3A = arith.constant dense<0.000000e+00> : vector<2048xf32>
    %reduce_sum3A_8 = vector.multi_reduction <add>, %exp3A, %reduce_sum3A [1] : vector<2048x64xf32> to vector<2048xf32>
    %broadcast_in_dim3A_9 = vector.shape_cast %reduce_sum3A_8 : vector<2048xf32> to vector<2048x1xf32>
    %div3A = vector.broadcast %broadcast_in_dim3A_9 : vector<2048x1xf32> to vector<2048x64xf32>
    %div3A_10 = arith.divf %exp3A, %div3A : vector<2048x64xf32>
    %iota3A = tpu.iota {dimensions = array<i32: 1>} : vector<2048x64xi32>
    %reduce_max3A_11 = arith.constant dense<0xFF800000> : vector<2048xf32>
    %reduce_max3A_12 = vector.multi_reduction <maximumf>, %div3A_10, %reduce_max3A_11 [1] : vector<2048x64xf32> to vector<2048xf32>
    %broadcast_in_dim3A_13 = vector.shape_cast %reduce_max3A_12 : vector<2048xf32> to vector<2048x1xf32>
    %eq3A = vector.broadcast %broadcast_in_dim3A_13 : vector<2048x1xf32> to vector<2048x64xf32>
    %eq3A_14 = arith.cmpf oeq, %div3A_10, %eq3A : vector<2048x64xf32>
    %jit3A = arith.constant 64 : i32
    %broadcast_in_dim3A_15 = vector.broadcast %jit3A : i32 to vector<2048x64xi32>
    %select_n3A = arith.select %eq3A_14, %iota3A, %broadcast_in_dim3A_15 : vector<2048x64xi1>, vector<2048x64xi32>
    %reduce_min3A = arith.constant dense<2147483647> : vector<2048xi32>
    %reduce_min3A_16 = vector.multi_reduction <minsi>, %select_n3A, %reduce_min3A [1] : vector<2048x64xi32> to vector<2048xi32>
    %broadcast_in_dim3A_17 = vector.shape_cast %reduce_min3A_16 : vector<2048xi32> to vector<2048x1xi32>
    %eq3A_18 = vector.broadcast %broadcast_in_dim3A_17 : vector<2048x1xi32> to vector<2048x64xi32>
    %eq3A_19 = arith.cmpi eq, %iota3A, %eq3A_18 : vector<2048x64xi32>
    %jit3A_20 = arith.constant -1.000000e+00 : f32
    %broadcast_in_dim3A_21 = vector.broadcast %jit3A_20 : f32 to vector<2048x64xf32>
    %select_n3A_22 = arith.select %eq3A_19, %broadcast_in_dim3A_21, %div3A_10 : vector<2048x64xi1>, vector<2048x64xf32>
    %reduce_max3A_23 = arith.constant dense<0xFF800000> : vector<2048xf32>
    %reduce_max3A_24 = vector.multi_reduction <maximumf>, %select_n3A_22, %reduce_max3A_23 [1] : vector<2048x64xf32> to vector<2048xf32>
    %broadcast_in_dim3A_25 = vector.shape_cast %reduce_max3A_24 : vector<2048xf32> to vector<2048x1xf32>
    %eq3A_26 = vector.broadcast %broadcast_in_dim3A_25 : vector<2048x1xf32> to vector<2048x64xf32>
    %eq3A_27 = arith.cmpf oeq, %select_n3A_22, %eq3A_26 : vector<2048x64xf32>
    %jit3A_28 = arith.constant 64 : i32
    %broadcast_in_dim3A_29 = vector.broadcast %jit3A_28 : i32 to vector<2048x64xi32>
    %select_n3A_30 = arith.select %eq3A_27, %iota3A, %broadcast_in_dim3A_29 : vector<2048x64xi1>, vector<2048x64xi32>
    %reduce_min3A_31 = arith.constant dense<2147483647> : vector<2048xi32>
    %reduce_min3A_32 = vector.multi_reduction <minsi>, %select_n3A_30, %reduce_min3A_31 [1] : vector<2048x64xi32> to vector<2048xi32>
    %broadcast_in_dim3A_33 = vector.shape_cast %reduce_min3A_32 : vector<2048xi32> to vector<2048x1xi32>
    %sub3A_34 = arith.subf %broadcast_in_dim3A_25, %broadcast_in_dim3A_13 : vector<2048x1xf32>
    %exp3A_35 = math.exp %sub3A_34 : vector<2048x1xf32>
    %add3A = arith.constant 1.000000e+00 : f32
    %add3A_36 = vector.broadcast %add3A : f32 to vector<2048x1xf32>
    %add3A_37 = arith.addf %add3A_36, %exp3A_35 : vector<2048x1xf32>
    %div3A_38 = arith.constant 1.000000e+00 : f32
    %div3A_39 = vector.broadcast %div3A_38 : f32 to vector<2048x1xf32>
    %div3A_40 = arith.divf %div3A_39, %add3A_37 : vector<2048x1xf32>
    %add3A_41 = arith.constant 1.000000e+00 : f32
    %add3A_42 = vector.broadcast %add3A_41 : f32 to vector<2048x1xf32>
    %add3A_43 = arith.addf %add3A_42, %exp3A_35 : vector<2048x1xf32>
    %div3A_44 = arith.divf %exp3A_35, %add3A_43 : vector<2048x1xf32>
    %eq3A_45 = vector.broadcast %broadcast_in_dim3A_17 : vector<2048x1xi32> to vector<2048x64xi32>
    %eq3A_46 = arith.cmpi eq, %iota3A, %eq3A_45 : vector<2048x64xi32>
    %convert_element_type3A = arith.extui %eq3A_46 : vector<2048x64xi1> to vector<2048x64xi32>
    %convert_element_type3A_47 = arith.sitofp %convert_element_type3A : vector<2048x64xi32> to vector<2048x64xf32>
    %eq3A_48 = vector.broadcast %broadcast_in_dim3A_33 : vector<2048x1xi32> to vector<2048x64xi32>
    %eq3A_49 = arith.cmpi eq, %iota3A, %eq3A_48 : vector<2048x64xi32>
    %convert_element_type3A_50 = arith.extui %eq3A_49 : vector<2048x64xi1> to vector<2048x64xi32>
    %convert_element_type3A_51 = arith.sitofp %convert_element_type3A_50 : vector<2048x64xi32> to vector<2048x64xf32>
    %broadcast_in_dim3A_52 = arith.constant 0.000000e+00 : f32
    %broadcast_in_dim3A_53 = vector.broadcast %broadcast_in_dim3A_52 : f32 to vector<1x64xf32>
    %slice3A = vector.extract_strided_slice %convert_element_type3A_47 {offsets = [0, 0], sizes = [2047, 64], strides = [1, 1]} : vector<2048x64xf32> to vector<2047x64xf32>
    %concatenate3A = tpu.concatenate %broadcast_in_dim3A_53, %slice3A in 0 : vector<1x64xf32>, vector<2047x64xf32> -> vector<2048x64xf32>
    %add3A_54 = arith.addf %convert_element_type3A_47, %concatenate3A : vector<2048x64xf32>
    %broadcast_in_dim3A_55 = arith.constant 0.000000e+00 : f32
    %broadcast_in_dim3A_56 = vector.broadcast %broadcast_in_dim3A_55 : f32 to vector<2x64xf32>
    %slice3A_57 = vector.extract_strided_slice %add3A_54 {offsets = [0, 0], sizes = [2046, 64], strides = [1, 1]} : vector<2048x64xf32> to vector<2046x64xf32>
    %concatenate3A_58 = tpu.concatenate %broadcast_in_dim3A_56, %slice3A_57 in 0 : vector<2x64xf32>, vector<2046x64xf32> -> vector<2048x64xf32>
    %add3A_59 = arith.addf %add3A_54, %concatenate3A_58 : vector<2048x64xf32>
    %broadcast_in_dim3A_60 = arith.constant 0.000000e+00 : f32
    %broadcast_in_dim3A_61 = vector.broadcast %broadcast_in_dim3A_60 : f32 to vector<4x64xf32>
    %slice3A_62 = vector.extract_strided_slice %add3A_59 {offsets = [0, 0], sizes = [2044, 64], strides = [1, 1]} : vector<2048x64xf32> to vector<2044x64xf32>
    %concatenate3A_63 = tpu.concatenate %broadcast_in_dim3A_61, %slice3A_62 in 0 : vector<4x64xf32>, vector<2044x64xf32> -> vector<2048x64xf32>
    %add3A_64 = arith.addf %add3A_59, %concatenate3A_63 : vector<2048x64xf32>
    %broadcast_in_dim3A_65 = arith.constant 0.000000e+00 : f32
    %broadcast_in_dim3A_66 = vector.broadcast %broadcast_in_dim3A_65 : f32 to vector<8x64xf32>
    %slice3A_67 = vector.extract_strided_slice %add3A_64 {offsets = [0, 0], sizes = [2040, 64], strides = [1, 1]} : vector<2048x64xf32> to vector<2040x64xf32>
    %concatenate3A_68 = tpu.concatenate %broadcast_in_dim3A_66, %slice3A_67 in 0 : vector<8x64xf32>, vector<2040x64xf32> -> vector<2048x64xf32>
    %add3A_69 = arith.addf %add3A_64, %concatenate3A_68 : vector<2048x64xf32>
    %broadcast_in_dim3A_70 = arith.constant 0.000000e+00 : f32
    %broadcast_in_dim3A_71 = vector.broadcast %broadcast_in_dim3A_70 : f32 to vector<16x64xf32>
    %slice3A_72 = vector.extract_strided_slice %add3A_69 {offsets = [0, 0], sizes = [2032, 64], strides = [1, 1]} : vector<2048x64xf32> to vector<2032x64xf32>
    %concatenate3A_73 = tpu.concatenate %broadcast_in_dim3A_71, %slice3A_72 in 0 : vector<16x64xf32>, vector<2032x64xf32> -> vector<2048x64xf32>
    %add3A_74 = arith.addf %add3A_69, %concatenate3A_73 : vector<2048x64xf32>
    %broadcast_in_dim3A_75 = arith.constant 0.000000e+00 : f32
    %broadcast_in_dim3A_76 = vector.broadcast %broadcast_in_dim3A_75 : f32 to vector<32x64xf32>
    %slice3A_77 = vector.extract_strided_slice %add3A_74 {offsets = [0, 0], sizes = [2016, 64], strides = [1, 1]} : vector<2048x64xf32> to vector<2016x64xf32>
    %concatenate3A_78 = tpu.concatenate %broadcast_in_dim3A_76, %slice3A_77 in 0 : vector<32x64xf32>, vector<2016x64xf32> -> vector<2048x64xf32>
    %add3A_79 = arith.addf %add3A_74, %concatenate3A_78 : vector<2048x64xf32>
    %broadcast_in_dim3A_80 = arith.constant 0.000000e+00 : f32
    %broadcast_in_dim3A_81 = vector.broadcast %broadcast_in_dim3A_80 : f32 to vector<64x64xf32>
    %slice3A_82 = vector.extract_strided_slice %add3A_79 {offsets = [0, 0], sizes = [1984, 64], strides = [1, 1]} : vector<2048x64xf32> to vector<1984x64xf32>
    %concatenate3A_83 = tpu.concatenate %broadcast_in_dim3A_81, %slice3A_82 in 0 : vector<64x64xf32>, vector<1984x64xf32> -> vector<2048x64xf32>
    %add3A_84 = arith.addf %add3A_79, %concatenate3A_83 : vector<2048x64xf32>
    %broadcast_in_dim3A_85 = arith.constant 0.000000e+00 : f32
    %broadcast_in_dim3A_86 = vector.broadcast %broadcast_in_dim3A_85 : f32 to vector<128x64xf32>
    %slice3A_87 = vector.extract_strided_slice %add3A_84 {offsets = [0, 0], sizes = [1920, 64], strides = [1, 1]} : vector<2048x64xf32> to vector<1920x64xf32>
    %concatenate3A_88 = tpu.concatenate %broadcast_in_dim3A_86, %slice3A_87 in 0 : vector<128x64xf32>, vector<1920x64xf32> -> vector<2048x64xf32>
    %add3A_89 = arith.addf %add3A_84, %concatenate3A_88 : vector<2048x64xf32>
    %broadcast_in_dim3A_90 = arith.constant 0.000000e+00 : f32
    %broadcast_in_dim3A_91 = vector.broadcast %broadcast_in_dim3A_90 : f32 to vector<256x64xf32>
    %slice3A_92 = vector.extract_strided_slice %add3A_89 {offsets = [0, 0], sizes = [1792, 64], strides = [1, 1]} : vector<2048x64xf32> to vector<1792x64xf32>
    %concatenate3A_93 = tpu.concatenate %broadcast_in_dim3A_91, %slice3A_92 in 0 : vector<256x64xf32>, vector<1792x64xf32> -> vector<2048x64xf32>
    %add3A_94 = arith.addf %add3A_89, %concatenate3A_93 : vector<2048x64xf32>
    %broadcast_in_dim3A_95 = arith.constant 0.000000e+00 : f32
    %broadcast_in_dim3A_96 = vector.broadcast %broadcast_in_dim3A_95 : f32 to vector<512x64xf32>
    %slice3A_97 = vector.extract_strided_slice %add3A_94 {offsets = [0, 0], sizes = [1536, 64], strides = [1, 1]} : vector<2048x64xf32> to vector<1536x64xf32>
    %concatenate3A_98 = tpu.concatenate %broadcast_in_dim3A_96, %slice3A_97 in 0 : vector<512x64xf32>, vector<1536x64xf32> -> vector<2048x64xf32>
    %add3A_99 = arith.addf %add3A_94, %concatenate3A_98 : vector<2048x64xf32>
    %broadcast_in_dim3A_100 = arith.constant 0.000000e+00 : f32
    %broadcast_in_dim3A_101 = vector.broadcast %broadcast_in_dim3A_100 : f32 to vector<1024x64xf32>
    %slice3A_102 = vector.extract_strided_slice %add3A_99 {offsets = [0, 0], sizes = [1024, 64], strides = [1, 1]} : vector<2048x64xf32> to vector<1024x64xf32>
    %concatenate3A_103 = tpu.concatenate %broadcast_in_dim3A_101, %slice3A_102 in 0 : vector<1024x64xf32>, vector<1024x64xf32> -> vector<2048x64xf32>
    %add3A_104 = arith.addf %add3A_99, %concatenate3A_103 : vector<2048x64xf32>
    %broadcast_in_dim3A_105 = arith.constant 0.000000e+00 : f32
    %broadcast_in_dim3A_106 = vector.broadcast %broadcast_in_dim3A_105 : f32 to vector<1x64xf32>
    %slice3A_107 = vector.extract_strided_slice %convert_element_type3A_51 {offsets = [0, 0], sizes = [2047, 64], strides = [1, 1]} : vector<2048x64xf32> to vector<2047x64xf32>
    %concatenate3A_108 = tpu.concatenate %broadcast_in_dim3A_106, %slice3A_107 in 0 : vector<1x64xf32>, vector<2047x64xf32> -> vector<2048x64xf32>
    %add3A_109 = arith.addf %convert_element_type3A_51, %concatenate3A_108 : vector<2048x64xf32>
    %broadcast_in_dim3A_110 = arith.constant 0.000000e+00 : f32
    %broadcast_in_dim3A_111 = vector.broadcast %broadcast_in_dim3A_110 : f32 to vector<2x64xf32>
    %slice3A_112 = vector.extract_strided_slice %add3A_109 {offsets = [0, 0], sizes = [2046, 64], strides = [1, 1]} : vector<2048x64xf32> to vector<2046x64xf32>
    %concatenate3A_113 = tpu.concatenate %broadcast_in_dim3A_111, %slice3A_112 in 0 : vector<2x64xf32>, vector<2046x64xf32> -> vector<2048x64xf32>
    %add3A_114 = arith.addf %add3A_109, %concatenate3A_113 : vector<2048x64xf32>
    %broadcast_in_dim3A_115 = arith.constant 0.000000e+00 : f32
    %broadcast_in_dim3A_116 = vector.broadcast %broadcast_in_dim3A_115 : f32 to vector<4x64xf32>
    %slice3A_117 = vector.extract_strided_slice %add3A_114 {offsets = [0, 0], sizes = [2044, 64], strides = [1, 1]} : vector<2048x64xf32> to vector<2044x64xf32>
    %concatenate3A_118 = tpu.concatenate %broadcast_in_dim3A_116, %slice3A_117 in 0 : vector<4x64xf32>, vector<2044x64xf32> -> vector<2048x64xf32>
    %add3A_119 = arith.addf %add3A_114, %concatenate3A_118 : vector<2048x64xf32>
    %broadcast_in_dim3A_120 = arith.constant 0.000000e+00 : f32
    %broadcast_in_dim3A_121 = vector.broadcast %broadcast_in_dim3A_120 : f32 to vector<8x64xf32>
    %slice3A_122 = vector.extract_strided_slice %add3A_119 {offsets = [0, 0], sizes = [2040, 64], strides = [1, 1]} : vector<2048x64xf32> to vector<2040x64xf32>
    %concatenate3A_123 = tpu.concatenate %broadcast_in_dim3A_121, %slice3A_122 in 0 : vector<8x64xf32>, vector<2040x64xf32> -> vector<2048x64xf32>
    %add3A_124 = arith.addf %add3A_119, %concatenate3A_123 : vector<2048x64xf32>
    %broadcast_in_dim3A_125 = arith.constant 0.000000e+00 : f32
    %broadcast_in_dim3A_126 = vector.broadcast %broadcast_in_dim3A_125 : f32 to vector<16x64xf32>
    %slice3A_127 = vector.extract_strided_slice %add3A_124 {offsets = [0, 0], sizes = [2032, 64], strides = [1, 1]} : vector<2048x64xf32> to vector<2032x64xf32>
    %concatenate3A_128 = tpu.concatenate %broadcast_in_dim3A_126, %slice3A_127 in 0 : vector<16x64xf32>, vector<2032x64xf32> -> vector<2048x64xf32>
    %add3A_129 = arith.addf %add3A_124, %concatenate3A_128 : vector<2048x64xf32>
    %broadcast_in_dim3A_130 = arith.constant 0.000000e+00 : f32
    %broadcast_in_dim3A_131 = vector.broadcast %broadcast_in_dim3A_130 : f32 to vector<32x64xf32>
    %slice3A_132 = vector.extract_strided_slice %add3A_129 {offsets = [0, 0], sizes = [2016, 64], strides = [1, 1]} : vector<2048x64xf32> to vector<2016x64xf32>
    %concatenate3A_133 = tpu.concatenate %broadcast_in_dim3A_131, %slice3A_132 in 0 : vector<32x64xf32>, vector<2016x64xf32> -> vector<2048x64xf32>
    %add3A_134 = arith.addf %add3A_129, %concatenate3A_133 : vector<2048x64xf32>
    %broadcast_in_dim3A_135 = arith.constant 0.000000e+00 : f32
    %broadcast_in_dim3A_136 = vector.broadcast %broadcast_in_dim3A_135 : f32 to vector<64x64xf32>
    %slice3A_137 = vector.extract_strided_slice %add3A_134 {offsets = [0, 0], sizes = [1984, 64], strides = [1, 1]} : vector<2048x64xf32> to vector<1984x64xf32>
    %concatenate3A_138 = tpu.concatenate %broadcast_in_dim3A_136, %slice3A_137 in 0 : vector<64x64xf32>, vector<1984x64xf32> -> vector<2048x64xf32>
    %add3A_139 = arith.addf %add3A_134, %concatenate3A_138 : vector<2048x64xf32>
    %broadcast_in_dim3A_140 = arith.constant 0.000000e+00 : f32
    %broadcast_in_dim3A_141 = vector.broadcast %broadcast_in_dim3A_140 : f32 to vector<128x64xf32>
    %slice3A_142 = vector.extract_strided_slice %add3A_139 {offsets = [0, 0], sizes = [1920, 64], strides = [1, 1]} : vector<2048x64xf32> to vector<1920x64xf32>
    %concatenate3A_143 = tpu.concatenate %broadcast_in_dim3A_141, %slice3A_142 in 0 : vector<128x64xf32>, vector<1920x64xf32> -> vector<2048x64xf32>
    %add3A_144 = arith.addf %add3A_139, %concatenate3A_143 : vector<2048x64xf32>
    %broadcast_in_dim3A_145 = arith.constant 0.000000e+00 : f32
    %broadcast_in_dim3A_146 = vector.broadcast %broadcast_in_dim3A_145 : f32 to vector<256x64xf32>
    %slice3A_147 = vector.extract_strided_slice %add3A_144 {offsets = [0, 0], sizes = [1792, 64], strides = [1, 1]} : vector<2048x64xf32> to vector<1792x64xf32>
    %concatenate3A_148 = tpu.concatenate %broadcast_in_dim3A_146, %slice3A_147 in 0 : vector<256x64xf32>, vector<1792x64xf32> -> vector<2048x64xf32>
    %add3A_149 = arith.addf %add3A_144, %concatenate3A_148 : vector<2048x64xf32>
    %broadcast_in_dim3A_150 = arith.constant 0.000000e+00 : f32
    %broadcast_in_dim3A_151 = vector.broadcast %broadcast_in_dim3A_150 : f32 to vector<512x64xf32>
    %slice3A_152 = vector.extract_strided_slice %add3A_149 {offsets = [0, 0], sizes = [1536, 64], strides = [1, 1]} : vector<2048x64xf32> to vector<1536x64xf32>
    %concatenate3A_153 = tpu.concatenate %broadcast_in_dim3A_151, %slice3A_152 in 0 : vector<512x64xf32>, vector<1536x64xf32> -> vector<2048x64xf32>
    %add3A_154 = arith.addf %add3A_149, %concatenate3A_153 : vector<2048x64xf32>
    %broadcast_in_dim3A_155 = arith.constant 0.000000e+00 : f32
    %broadcast_in_dim3A_156 = vector.broadcast %broadcast_in_dim3A_155 : f32 to vector<1024x64xf32>
    %slice3A_157 = vector.extract_strided_slice %add3A_154 {offsets = [0, 0], sizes = [1024, 64], strides = [1, 1]} : vector<2048x64xf32> to vector<1024x64xf32>
    %concatenate3A_158 = tpu.concatenate %broadcast_in_dim3A_156, %slice3A_157 in 0 : vector<1024x64xf32>, vector<1024x64xf32> -> vector<2048x64xf32>
    %add3A_159 = arith.addf %add3A_154, %concatenate3A_158 : vector<2048x64xf32>
    %slice3A_160 = vector.extract_strided_slice %add3A_104 {offsets = [2047, 0], sizes = [1, 64], strides = [1, 1]} : vector<2048x64xf32> to vector<1x64xf32>
    %slice3A_161 = vector.extract_strided_slice %add3A_159 {offsets = [2047, 0], sizes = [1, 64], strides = [1, 1]} : vector<2048x64xf32> to vector<1x64xf32>
    %add3A_162 = arith.addf %slice3A_160, %slice3A_161 : vector<1x64xf32>
    %mul3A = arith.mulf %convert_element_type3A_47, %add3A_104 : vector<2048x64xf32>
    %reduce_sum3A_163 = arith.constant dense<0.000000e+00> : vector<2048xf32>
    %reduce_sum3A_164 = vector.multi_reduction <add>, %mul3A, %reduce_sum3A_163 [1] : vector<2048x64xf32> to vector<2048xf32>
    %broadcast_in_dim3A_165 = vector.shape_cast %reduce_sum3A_164 : vector<2048xf32> to vector<2048x1xf32>
    %sub3A_166 = arith.constant 1.000000e+00 : f32
    %sub3A_167 = vector.broadcast %sub3A_166 : f32 to vector<2048x1xf32>
    %sub3A_168 = arith.subf %broadcast_in_dim3A_165, %sub3A_167 : vector<2048x1xf32>
    %add3A_169 = vector.broadcast %slice3A_160 : vector<1x64xf32> to vector<2048x64xf32>
    %add3A_170 = arith.addf %add3A_159, %add3A_169 : vector<2048x64xf32>
    %mul3A_171 = arith.mulf %convert_element_type3A_51, %add3A_170 : vector<2048x64xf32>
    %reduce_sum3A_172 = arith.constant dense<0.000000e+00> : vector<2048xf32>
    %reduce_sum3A_173 = vector.multi_reduction <add>, %mul3A_171, %reduce_sum3A_172 [1] : vector<2048x64xf32> to vector<2048xf32>
    %broadcast_in_dim3A_174 = vector.shape_cast %reduce_sum3A_173 : vector<2048xf32> to vector<2048x1xf32>
    %sub3A_175 = arith.constant 1.000000e+00 : f32
    %sub3A_176 = vector.broadcast %sub3A_175 : f32 to vector<2048x1xf32>
    %sub3A_177 = arith.subf %broadcast_in_dim3A_174, %sub3A_176 : vector<2048x1xf32>
    %convert_element_type3A_178 = arith.fptosi %add3A_162 : vector<1x64xf32> to vector<1x64xi32>
    %add3A_179 = arith.constant 63 : i32
    %add3A_180 = vector.broadcast %add3A_179 : i32 to vector<1x64xi32>
    %add3A_181 = arith.addi %convert_element_type3A_178, %add3A_180 : vector<1x64xi32>
    %jit3A_182 = arith.constant 64 : i32
    %div3A_183 = vector.broadcast %jit3A_182 : i32 to vector<1x64xi32>
    %div3A_184 = arith.divsi %add3A_181, %div3A_183 : vector<1x64xi32>
    %sign3A = arith.constant 0 : i32
    %sign3A_185 = vector.broadcast %sign3A : i32 to vector<1x64xi32>
    %sign3A_186 = arith.cmpi sgt, %add3A_181, %sign3A_185 : vector<1x64xi32>
    %sign3A_187 = arith.extui %sign3A_186 : vector<1x64xi1> to vector<1x64xi32>
    %sign3A_188 = arith.constant 0 : i32
    %sign3A_189 = vector.broadcast %sign3A_188 : i32 to vector<1x64xi32>
    %sign3A_190 = arith.cmpi slt, %add3A_181, %sign3A_189 : vector<1x64xi32>
    %sign3A_191 = arith.extui %sign3A_190 : vector<1x64xi1> to vector<1x64xi32>
    %sign3A_192 = arith.subi %sign3A_187, %sign3A_191 : vector<1x64xi32>
    %sign3A_193 = arith.constant 0 : i32
    %sign3A_194 = arith.cmpi sgt, %jit3A_182, %sign3A_193 : i32
    %sign3A_195 = arith.extui %sign3A_194 : i1 to i32
    %sign3A_196 = arith.constant 0 : i32
    %sign3A_197 = arith.cmpi slt, %jit3A_182, %sign3A_196 : i32
    %sign3A_198 = arith.extui %sign3A_197 : i1 to i32
    %sign3A_199 = arith.subi %sign3A_195, %sign3A_198 : i32
    %ne3A = vector.broadcast %sign3A_199 : i32 to vector<1x64xi32>
    %ne3A_200 = arith.cmpi ne, %sign3A_192, %ne3A : vector<1x64xi32>
    %rem3A = vector.broadcast %jit3A_182 : i32 to vector<1x64xi32>
    %rem3A_201 = arith.remsi %add3A_181, %rem3A : vector<1x64xi32>
    %ne3A_202 = arith.constant 0 : i32
    %ne3A_203 = vector.broadcast %ne3A_202 : i32 to vector<1x64xi32>
    %ne3A_204 = arith.cmpi ne, %rem3A_201, %ne3A_203 : vector<1x64xi32>
    %and3A = arith.andi %ne3A_200, %ne3A_204 : vector<1x64xi1>
    %sub3A_205 = arith.constant 1 : i32
    %sub3A_206 = vector.broadcast %sub3A_205 : i32 to vector<1x64xi32>
    %sub3A_207 = arith.subi %div3A_184, %sub3A_206 : vector<1x64xi32>
    %select_n3A_208 = arith.select %and3A, %sub3A_207, %div3A_184 : vector<1x64xi1>, vector<1x64xi32>
    %iota3A_209 = tpu.iota {dimensions = array<i32: 0>} : vector<64x64xi32>
    %iota3A_210 = tpu.iota {dimensions = array<i32: 1>} : vector<64x64xi32>
    %lt3A = arith.cmpi slt, %iota3A_209, %iota3A_210 : vector<64x64xi32>
    %convert_element_type3A_211 = arith.extui %lt3A : vector<64x64xi1> to vector<64x64xi32>
    %convert_element_type3A_212 = arith.sitofp %convert_element_type3A_211 : vector<64x64xi32> to vector<64x64xf32>
    %convert_element_type3A_213 = arith.sitofp %select_n3A_208 : vector<1x64xi32> to vector<1x64xf32>
    %dot_general3A_214 = arith.constant dense<0.000000e+00> : vector<1x64xf32>
    %dot_general3A_215 = tpu.matmul %convert_element_type3A_213, %convert_element_type3A_212, %dot_general3A_214 {dimension_numbers = #tpu.dot_dimension_numbers<[1], [0], [0], [1], [0, 0, 1, 1], [], []>, transpose_lhs_hint = false} : vector<1x64xf32>, vector<64x64xf32>, vector<1x64xf32> -> vector<1x64xf32>
    %mul3A_216 = arith.constant 6.400000e+01 : f32
    %mul3A_217 = vector.broadcast %mul3A_216 : f32 to vector<1x64xf32>
    %mul3A_218 = arith.mulf %dot_general3A_215, %mul3A_217 : vector<1x64xf32>
    %mul3A_219 = vector.broadcast %mul3A_218 : vector<1x64xf32> to vector<2048x64xf32>
    %mul3A_220 = arith.mulf %convert_element_type3A_47, %mul3A_219 : vector<2048x64xf32>
    %reduce_sum3A_221 = arith.constant dense<0.000000e+00> : vector<2048xf32>
    %reduce_sum3A_222 = vector.multi_reduction <add>, %mul3A_220, %reduce_sum3A_221 [1] : vector<2048x64xf32> to vector<2048xf32>
    %broadcast_in_dim3A_223 = vector.shape_cast %reduce_sum3A_222 : vector<2048xf32> to vector<2048x1xf32>
    %add3A_224 = arith.addf %broadcast_in_dim3A_223, %sub3A_168 : vector<2048x1xf32>
    %convert_element_type3A_225 = arith.fptosi %add3A_224 : vector<2048x1xf32> to vector<2048x1xi32>
    %mul3A_226 = vector.broadcast %mul3A_218 : vector<1x64xf32> to vector<2048x64xf32>
    %mul3A_227 = arith.mulf %convert_element_type3A_51, %mul3A_226 : vector<2048x64xf32>
    %reduce_sum3A_228 = arith.constant dense<0.000000e+00> : vector<2048xf32>
    %reduce_sum3A_229 = vector.multi_reduction <add>, %mul3A_227, %reduce_sum3A_228 [1] : vector<2048x64xf32> to vector<2048xf32>
    %broadcast_in_dim3A_230 = vector.shape_cast %reduce_sum3A_229 : vector<2048xf32> to vector<2048x1xf32>
    %add3A_231 = arith.addf %broadcast_in_dim3A_230, %sub3A_177 : vector<2048x1xf32>
    %convert_element_type3A_232 = arith.fptosi %add3A_231 : vector<2048x1xf32> to vector<2048x1xi32>
    %concatenate3A_233 = tpu.concatenate %convert_element_type3A_225, %convert_element_type3A_232 in 1 : vector<2048x1xi32>, vector<2048x1xi32> -> vector<2048x2xi32>
    %swap3A = arith.constant 0 : index
    %swap3A_234 = arith.constant 0 : index
    %swap3A_235 = vector.load %arg2[%swap3A, %swap3A_234] : memref<2048x2xi32, #tpu.memory_space<vmem>>, vector<2048x2xi32>
    tpu.vector_store %arg2[%swap3A, %swap3A_234], %concatenate3A_233 {strides = array<i32>} : memref<2048x2xi32, #tpu.memory_space<vmem>>, vector<2048x2xi32>,
    %concatenate3A_236 = tpu.concatenate %div3A_40, %div3A_44 in 1 : vector<2048x1xf32>, vector<2048x1xf32> -> vector<2048x2xf32>
    %swap3A_237 = arith.constant 0 : index
    %swap3A_238 = arith.constant 0 : index
    %swap3A_239 = vector.load %arg3[%swap3A_237, %swap3A_238] : memref<2048x2xf32, #tpu.memory_space<vmem>>, vector<2048x2xf32>
    tpu.vector_store %arg3[%swap3A_237, %swap3A_238], %concatenate3A_236 {strides = array<i32>} : memref<2048x2xf32, #tpu.memory_space<vmem>>, vector<2048x2xf32>,
    %bitcast_convert_type3A = tpu.bitcast %get3A_1 : vector<2048x1024xf32> -> vector<2048x1024xi32>
    %add3A_240 = arith.constant 32767 : i32
    %add3A_241 = vector.broadcast %add3A_240 : i32 to vector<2048x1024xi32>
    %add3A_242 = arith.addi %bitcast_convert_type3A, %add3A_241 : vector<2048x1024xi32>
    %shift_right_logical3A = arith.constant 16 : i32
    %shift_right_logical3A_243 = vector.broadcast %shift_right_logical3A : i32 to vector<2048x1024xi32>
    %shift_right_logical3A_244 = arith.shrui %bitcast_convert_type3A, %shift_right_logical3A_243 : vector<2048x1024xi32>
    %and3A_245 = arith.constant 1 : i32
    %and3A_246 = vector.broadcast %and3A_245 : i32 to vector<2048x1024xi32>
    %and3A_247 = arith.andi %shift_right_logical3A_244, %and3A_246 : vector<2048x1024xi32>
    %add3A_248 = arith.addi %add3A_242, %and3A_247 : vector<2048x1024xi32>
    %shift_right_logical3A_249 = arith.constant 16 : i32
    %shift_right_logical3A_250 = vector.broadcast %shift_right_logical3A_249 : i32 to vector<2048x1024xi32>
    %shift_right_logical3A_251 = arith.shrui %add3A_248, %shift_right_logical3A_250 : vector<2048x1024xi32>
    %slice3A_252 = vector.extract_strided_slice %shift_right_logical3A_251 {offsets = [0, 0], sizes = [2048, 512], strides = [1, 1]} : vector<2048x1024xi32> to vector<2048x512xi32>
    %slice3A_253 = vector.extract_strided_slice %shift_right_logical3A_251 {offsets = [0, 512], sizes = [2048, 512], strides = [1, 1]} : vector<2048x1024xi32> to vector<2048x512xi32>
    %shift_left3A = arith.constant 16 : i32
    %shift_left3A_254 = vector.broadcast %shift_left3A : i32 to vector<2048x512xi32>
    %shift_left3A_255 = arith.shli %slice3A_253, %shift_left3A_254 : vector<2048x512xi32>
    %or3A = arith.ori %slice3A_252, %shift_left3A_255 : vector<2048x512xi32>
    %swap3A_256 = arith.constant 0 : index
    %swap3A_257 = arith.constant 0 : index
    %swap3A_258 = vector.load %arg5[%swap3A_256, %swap3A_257] : memref<2048x512xi32, #tpu.memory_space<vmem>>, vector<2048x512xi32>
    tpu.vector_store %arg5[%swap3A_256, %swap3A_257], %or3A {strides = array<i32>} : memref<2048x512xi32, #tpu.memory_space<vmem>>, vector<2048x512xi32>,
    %iota3A_259 = tpu.iota {dimensions = array<i32: 0>} : vector<128x64xi32>
    %convert_element_type3A_260 = arith.fptosi %mul3A_218 : vector<1x64xf32> to vector<1x64xi32>
    %jit3A_261 = arith.constant 64 : i32
    %div3A_262 = vector.broadcast %jit3A_261 : i32 to vector<1x64xi32>
    %div3A_263 = arith.divsi %convert_element_type3A_260, %div3A_262 : vector<1x64xi32>
    %sign3A_264 = arith.constant 0 : i32
    %sign3A_265 = vector.broadcast %sign3A_264 : i32 to vector<1x64xi32>
    %sign3A_266 = arith.cmpi sgt, %convert_element_type3A_260, %sign3A_265 : vector<1x64xi32>
    %sign3A_267 = arith.extui %sign3A_266 : vector<1x64xi1> to vector<1x64xi32>
    %sign3A_268 = arith.constant 0 : i32
    %sign3A_269 = vector.broadcast %sign3A_268 : i32 to vector<1x64xi32>
    %sign3A_270 = arith.cmpi slt, %convert_element_type3A_260, %sign3A_269 : vector<1x64xi32>
    %sign3A_271 = arith.extui %sign3A_270 : vector<1x64xi1> to vector<1x64xi32>
    %sign3A_272 = arith.subi %sign3A_267, %sign3A_271 : vector<1x64xi32>
    %sign3A_273 = arith.constant 0 : i32
    %sign3A_274 = arith.cmpi sgt, %jit3A_261, %sign3A_273 : i32
    %sign3A_275 = arith.extui %sign3A_274 : i1 to i32
    %sign3A_276 = arith.constant 0 : i32
    %sign3A_277 = arith.cmpi slt, %jit3A_261, %sign3A_276 : i32
    %sign3A_278 = arith.extui %sign3A_277 : i1 to i32
    %sign3A_279 = arith.subi %sign3A_275, %sign3A_278 : i32
    %ne3A_280 = vector.broadcast %sign3A_279 : i32 to vector<1x64xi32>
    %ne3A_281 = arith.cmpi ne, %sign3A_272, %ne3A_280 : vector<1x64xi32>
    %rem3A_282 = vector.broadcast %jit3A_261 : i32 to vector<1x64xi32>
    %rem3A_283 = arith.remsi %convert_element_type3A_260, %rem3A_282 : vector<1x64xi32>
    %ne3A_284 = arith.constant 0 : i32
    %ne3A_285 = vector.broadcast %ne3A_284 : i32 to vector<1x64xi32>
    %ne3A_286 = arith.cmpi ne, %rem3A_283, %ne3A_285 : vector<1x64xi32>
    %and3A_287 = arith.andi %ne3A_281, %ne3A_286 : vector<1x64xi1>
    %sub3A_288 = arith.constant 1 : i32
    %sub3A_289 = vector.broadcast %sub3A_288 : i32 to vector<1x64xi32>
    %sub3A_290 = arith.subi %div3A_263, %sub3A_289 : vector<1x64xi32>
    %select_n3A_291 = arith.select %and3A_287, %sub3A_290, %div3A_263 : vector<1x64xi1>, vector<1x64xi32>
    %ge3A = vector.broadcast %select_n3A_291 : vector<1x64xi32> to vector<128x64xi32>
    %ge3A_292 = arith.cmpi sge, %iota3A_259, %ge3A : vector<128x64xi32>
    %add3A_293 = arith.addi %select_n3A_291, %select_n3A_208 : vector<1x64xi32>
    %lt3A_294 = vector.broadcast %add3A_293 : vector<1x64xi32> to vector<128x64xi32>
    %lt3A_295 = arith.cmpi slt, %iota3A_259, %lt3A_294 : vector<128x64xi32>
    %and3A_296 = arith.andi %ge3A_292, %lt3A_295 : vector<128x64xi1>
    %iota3A_297 = tpu.iota {dimensions = array<i32: 1>} : vector<128x64xi32>
    %jit3A_298 = arith.constant 0 : i32
    %broadcast_in_dim3A_299 = vector.broadcast %jit3A_298 : i32 to vector<128x64xi32>
    %select_n3A_300 = arith.select %and3A_296, %iota3A_297, %broadcast_in_dim3A_299 : vector<128x64xi1>, vector<128x64xi32>
    %reduce_sum3A_301 = arith.constant dense<0> : vector<128xi32>
    %reduce_sum3A_302 = vector.multi_reduction <add>, %select_n3A_300, %reduce_sum3A_301 [1] : vector<128x64xi32> to vector<128xi32>
    %broadcast_in_dim3A_303 = vector.shape_cast %reduce_sum3A_302 : vector<128xi32> to vector<128x1xi32>
    %swap3A_304 = arith.constant 0 : index
    %swap3A_305 = arith.constant 0 : index
    %swap3A_306 = vector.load %arg4[%swap3A_304, %swap3A_305] : memref<128x1xi32, #tpu.memory_space<vmem>>, vector<128x1xi32>
    tpu.vector_store %arg4[%swap3A_304, %swap3A_305], %broadcast_in_dim3A_303 {strides = array<i32>} : memref<128x1xi32, #tpu.memory_space<vmem>>, vector<128x1xi32>,
    return
  }
}

module attributes {stable_mosaic.version = 14 : i64} {
  func.func @_shared_body(%arg0: i32, %arg1: memref<128x1024xf32, #tpu.memory_space<vmem>>, %arg2: memref<2048x1024xf32, #tpu.memory_space<vmem>>, %arg3: memref<2048xf32, #tpu.memory_space<vmem>>, %arg4: memref<1024x2048xf32, #tpu.memory_space<vmem>>, %arg5: memref<1024xf32, #tpu.memory_space<vmem>>, %arg6: memref<2048x1024xf32, #tpu.memory_space<vmem>>, %arg7: memref<2048xf32, #tpu.memory_space<vmem>>, %arg8: memref<128x1024xf32, #tpu.memory_space<vmem>>) attributes {dimension_semantics = [#tpu.dimension_semantics<arbitrary>], iteration_bounds = array<i64: 16>, scalar_prefetch = 0 : i64, scratch_operands = 0 : i64, tpu.core_type = #tpu.core_type<tc>, window_params = [{transform_indices = @transform_0, window_bounds = array<i64: 128, 1024>}, {pipeline_mode = #tpu.pipeline_mode<synchronous>, transform_indices = @transform_1, window_bounds = array<i64: 2048, 1024>}, {pipeline_mode = #tpu.pipeline_mode<synchronous>, transform_indices = @transform_2, window_bounds = array<i64: 2048>}, {pipeline_mode = #tpu.pipeline_mode<synchronous>, transform_indices = @transform_3, window_bounds = array<i64: 1024, 2048>}, {pipeline_mode = #tpu.pipeline_mode<synchronous>, transform_indices = @transform_4, window_bounds = array<i64: 1024>}, {pipeline_mode = #tpu.pipeline_mode<synchronous>, transform_indices = @transform_5, window_bounds = array<i64: 2048, 1024>}, {pipeline_mode = #tpu.pipeline_mode<synchronous>, transform_indices = @transform_6, window_bounds = array<i64: 2048>}, {transform_indices = @transform_7, window_bounds = array<i64: 128, 1024>}]} {
    %get3A = arith.constant 0 : index
    %get3A_0 = arith.constant 0 : index
    %get3A_1 = vector.load %arg1[%get3A, %get3A_0] : memref<128x1024xf32, #tpu.memory_space<vmem>>, vector<128x1024xf32>
    %get3A_2 = arith.constant 0 : index
    %get3A_3 = arith.constant 0 : index
    %get3A_4 = vector.load %arg2[%get3A_2, %get3A_3] : memref<2048x1024xf32, #tpu.memory_space<vmem>>, vector<2048x1024xf32>
    %dot_general3A = arith.constant dense<0.000000e+00> : vector<128x2048xf32>
    %dot_general3A_5 = tpu.matmul %get3A_1, %get3A_4, %dot_general3A {dimension_numbers = #tpu.dot_dimension_numbers<[1], [1], [0], [0], [0, 0, 1, 0], [], []>, transpose_lhs_hint = false} : vector<128x1024xf32>, vector<2048x1024xf32>, vector<128x2048xf32> -> vector<128x2048xf32>
    %get3A_6 = arith.constant 0 : index
    %get3A_7 = vector.load %arg3[%get3A_6] : memref<2048xf32, #tpu.memory_space<vmem>>, vector<2048xf32>
    %broadcast_in_dim3A = vector.shape_cast %get3A_7 : vector<2048xf32> to vector<1x2048xf32>
    %add3A = vector.broadcast %broadcast_in_dim3A : vector<1x2048xf32> to vector<128x2048xf32>
    %add3A_8 = arith.addf %dot_general3A_5, %add3A : vector<128x2048xf32>
    %get3A_9 = arith.constant 0 : index
    %get3A_10 = arith.constant 0 : index
    %get3A_11 = vector.load %arg6[%get3A_9, %get3A_10] : memref<2048x1024xf32, #tpu.memory_space<vmem>>, vector<2048x1024xf32>
    %dot_general3A_12 = arith.constant dense<0.000000e+00> : vector<128x2048xf32>
    %dot_general3A_13 = tpu.matmul %get3A_1, %get3A_11, %dot_general3A_12 {dimension_numbers = #tpu.dot_dimension_numbers<[1], [1], [0], [0], [0, 0, 1, 0], [], []>, transpose_lhs_hint = false} : vector<128x1024xf32>, vector<2048x1024xf32>, vector<128x2048xf32> -> vector<128x2048xf32>
    %get3A_14 = arith.constant 0 : index
    %get3A_15 = vector.load %arg7[%get3A_14] : memref<2048xf32, #tpu.memory_space<vmem>>, vector<2048xf32>
    %broadcast_in_dim3A_16 = vector.shape_cast %get3A_15 : vector<2048xf32> to vector<1x2048xf32>
    %add3A_17 = vector.broadcast %broadcast_in_dim3A_16 : vector<1x2048xf32> to vector<128x2048xf32>
    %add3A_18 = arith.addf %dot_general3A_13, %add3A_17 : vector<128x2048xf32>
    %mul3A = arith.mulf %add3A_8, %add3A_18 : vector<128x2048xf32>
    %neg3A = arith.constant 0.000000e+00 : f32
    %neg3A_19 = vector.broadcast %neg3A : f32 to vector<128x2048xf32>
    %neg3A_20 = arith.subf %neg3A_19, %mul3A : vector<128x2048xf32>
    %exp3A = math.exp %neg3A_20 : vector<128x2048xf32>
    %add3A_21 = arith.constant 1.000000e+00 : f32
    %add3A_22 = vector.broadcast %add3A_21 : f32 to vector<128x2048xf32>
    %add3A_23 = arith.addf %add3A_22, %exp3A : vector<128x2048xf32>
    %div3A = arith.divf %mul3A, %add3A_23 : vector<128x2048xf32>
    %get3A_24 = arith.constant 0 : index
    %get3A_25 = arith.constant 0 : index
    %get3A_26 = vector.load %arg4[%get3A_24, %get3A_25] : memref<1024x2048xf32, #tpu.memory_space<vmem>>, vector<1024x2048xf32>
    %dot_general3A_27 = arith.constant dense<0.000000e+00> : vector<128x1024xf32>
    %dot_general3A_28 = tpu.matmul %div3A, %get3A_26, %dot_general3A_27 {dimension_numbers = #tpu.dot_dimension_numbers<[1], [1], [0], [0], [0, 0, 1, 0], [], []>, transpose_lhs_hint = false} : vector<128x2048xf32>, vector<1024x2048xf32>, vector<128x1024xf32> -> vector<128x1024xf32>
    %get3A_29 = arith.constant 0 : index
    %get3A_30 = vector.load %arg5[%get3A_29] : memref<1024xf32, #tpu.memory_space<vmem>>, vector<1024xf32>
    %broadcast_in_dim3A_31 = vector.shape_cast %get3A_30 : vector<1024xf32> to vector<1x1024xf32>
    %add3A_32 = vector.broadcast %broadcast_in_dim3A_31 : vector<1x1024xf32> to vector<128x1024xf32>
    %add3A_33 = arith.addf %dot_general3A_28, %add3A_32 : vector<128x1024xf32>
    %swap3A = arith.constant 0 : index
    %swap3A_34 = arith.constant 0 : index
    %swap3A_35 = vector.load %arg8[%swap3A, %swap3A_34] : memref<128x1024xf32, #tpu.memory_space<vmem>>, vector<128x1024xf32>
    tpu.vector_store %arg8[%swap3A, %swap3A_34], %add3A_33 {strides = array<i32>} : memref<128x1024xf32, #tpu.memory_space<vmem>>, vector<128x1024xf32>,
    return
  }
  func.func @transform_0(%arg0: i32) -> (i32, i32) {
    %c0_i32 = arith.constant 0 : i32
    %c0_i32_0 = arith.constant 0 : i32
    return %arg0, %c0_i32 : i32, i32
  }
  func.func @transform_1(%arg0: i32) -> (i32, i32) {
    %c0_i32 = arith.constant 0 : i32
    %c0_i32_0 = arith.constant 0 : i32
    %c0_i32_1 = arith.constant 0 : i32
    return %c0_i32, %c0_i32_0 : i32, i32
  }
  func.func @transform_2(%arg0: i32) -> i32 {
    %c0_i32 = arith.constant 0 : i32
    %c0_i32_0 = arith.constant 0 : i32
    return %c0_i32 : i32
  }
  func.func @transform_3(%arg0: i32) -> (i32, i32) {
    %c0_i32 = arith.constant 0 : i32
    %c0_i32_0 = arith.constant 0 : i32
    %c0_i32_1 = arith.constant 0 : i32
    return %c0_i32, %c0_i32_0 : i32, i32
  }
  func.func @transform_4(%arg0: i32) -> i32 {
    %c0_i32 = arith.constant 0 : i32
    %c0_i32_0 = arith.constant 0 : i32
    return %c0_i32 : i32
  }
  func.func @transform_5(%arg0: i32) -> (i32, i32) {
    %c0_i32 = arith.constant 0 : i32
    %c0_i32_0 = arith.constant 0 : i32
    %c0_i32_1 = arith.constant 0 : i32
    return %c0_i32, %c0_i32_0 : i32, i32
  }
  func.func @transform_6(%arg0: i32) -> i32 {
    %c0_i32 = arith.constant 0 : i32
    %c0_i32_0 = arith.constant 0 : i32
    return %c0_i32 : i32
  }
  func.func @transform_7(%arg0: i32) -> (i32, i32) {
    %c0_i32 = arith.constant 0 : i32
    %c0_i32_0 = arith.constant 0 : i32
    return %arg0, %c0_i32 : i32, i32
  }
}

module attributes {stable_mosaic.version = 14 : i64} {
  func.func @_ffn_body(%arg0: i32, %arg1: memref<128xi32, #tpu.memory_space<smem>>, %arg2: memref<64x512xi32, #tpu.memory_space<vmem>>, %arg3: memref<64x1xf32, #tpu.memory_space<vmem>>, %arg4: memref<1x256x1024xf32, #tpu.memory_space<vmem>>, %arg5: memref<1x1x256xf32, #tpu.memory_space<vmem>>, %arg6: memref<1x1024x256xf32, #tpu.memory_space<vmem>>, %arg7: memref<1x1x1024xf32, #tpu.memory_space<vmem>>, %arg8: memref<1x256x1024xf32, #tpu.memory_space<vmem>>, %arg9: memref<1x1x256xf32, #tpu.memory_space<vmem>>, %arg10: memref<64x1024xf32, #tpu.memory_space<vmem>>) attributes {dimension_semantics = [#tpu.dimension_semantics<arbitrary>], iteration_bounds = array<i64: 64>, scalar_prefetch = 1 : i64, scratch_operands = 0 : i64, tpu.core_type = #tpu.core_type<tc>, window_params = [{transform_indices = @transform_0, window_bounds = array<i64: 64, 512>}, {transform_indices = @transform_1, window_bounds = array<i64: 64, 1>}, {transform_indices = @transform_2, window_bounds = array<i64: 1, 256, 1024>}, {transform_indices = @transform_3, window_bounds = array<i64: 1, 1, 256>}, {transform_indices = @transform_4, window_bounds = array<i64: 1, 1024, 256>}, {transform_indices = @transform_5, window_bounds = array<i64: 1, 1, 1024>}, {transform_indices = @transform_6, window_bounds = array<i64: 1, 256, 1024>}, {transform_indices = @transform_7, window_bounds = array<i64: 1, 1, 256>}, {transform_indices = @transform_8, window_bounds = array<i64: 64, 1024>}]} {
    %get3A = arith.constant 0 : index
    %get3A_0 = arith.constant 0 : index
    %get3A_1 = vector.load %arg2[%get3A, %get3A_0] : memref<64x512xi32, #tpu.memory_space<vmem>>, vector<64x512xi32>
    %shift_left3A = arith.constant 16 : i32
    %shift_left3A_2 = vector.broadcast %shift_left3A : i32 to vector<64x512xi32>
    %shift_left3A_3 = arith.shli %get3A_1, %shift_left3A_2 : vector<64x512xi32>
    %bitcast_convert_type3A = tpu.bitcast %shift_left3A_3 : vector<64x512xi32> -> vector<64x512xf32>
    %and3A = arith.constant -65536 : i32
    %and3A_4 = vector.broadcast %and3A : i32 to vector<64x512xi32>
    %and3A_5 = arith.andi %get3A_1, %and3A_4 : vector<64x512xi32>
    %bitcast_convert_type3A_6 = tpu.bitcast %and3A_5 : vector<64x512xi32> -> vector<64x512xf32>
    %get3A_7 = arith.constant 0 : index
    %get3A_8 = arith.constant 0 : index
    %get3A_9 = arith.constant 0 : index
    %get3A_10 = vector.load %arg4[%get3A_7, %get3A_8, %get3A_9] : memref<1x256x1024xf32, #tpu.memory_space<vmem>>, vector<1x256x1024xf32>
    %get3A_11 = vector.shape_cast %get3A_10 : vector<1x256x1024xf32> to vector<256x1024xf32>
    %slice3A = vector.extract_strided_slice %get3A_11 {offsets = [0, 0], sizes = [256, 512], strides = [1, 1]} : vector<256x1024xf32> to vector<256x512xf32>
    %dot_general3A = arith.constant dense<0.000000e+00> : vector<64x256xf32>
    %dot_general3A_12 = tpu.matmul %bitcast_convert_type3A, %slice3A, %dot_general3A {dimension_numbers = #tpu.dot_dimension_numbers<[1], [1], [0], [0], [0, 0, 1, 0], [], []>, transpose_lhs_hint = false} : vector<64x512xf32>, vector<256x512xf32>, vector<64x256xf32> -> vector<64x256xf32>
    %slice3A_13 = vector.extract_strided_slice %get3A_11 {offsets = [0, 512], sizes = [256, 512], strides = [1, 1]} : vector<256x1024xf32> to vector<256x512xf32>
    %dot_general3A_14 = arith.constant dense<0.000000e+00> : vector<64x256xf32>
    %dot_general3A_15 = tpu.matmul %bitcast_convert_type3A_6, %slice3A_13, %dot_general3A_14 {dimension_numbers = #tpu.dot_dimension_numbers<[1], [1], [0], [0], [0, 0, 1, 0], [], []>, transpose_lhs_hint = false} : vector<64x512xf32>, vector<256x512xf32>, vector<64x256xf32> -> vector<64x256xf32>
    %add3A = arith.addf %dot_general3A_12, %dot_general3A_15 : vector<64x256xf32>
    %get3A_16 = arith.constant 0 : index
    %get3A_17 = arith.constant 0 : index
    %get3A_18 = arith.constant 0 : index
    %get3A_19 = vector.load %arg5[%get3A_16, %get3A_17, %get3A_18] : memref<1x1x256xf32, #tpu.memory_space<vmem>>, vector<1x1x256xf32>
    %get3A_20 = vector.shape_cast %get3A_19 : vector<1x1x256xf32> to vector<1x256xf32>
    %add3A_21 = vector.broadcast %get3A_20 : vector<1x256xf32> to vector<64x256xf32>
    %add3A_22 = arith.addf %add3A, %add3A_21 : vector<64x256xf32>
    %get3A_23 = arith.constant 0 : index
    %get3A_24 = arith.constant 0 : index
    %get3A_25 = arith.constant 0 : index
    %get3A_26 = vector.load %arg8[%get3A_23, %get3A_24, %get3A_25] : memref<1x256x1024xf32, #tpu.memory_space<vmem>>, vector<1x256x1024xf32>
    %get3A_27 = vector.shape_cast %get3A_26 : vector<1x256x1024xf32> to vector<256x1024xf32>
    %slice3A_28 = vector.extract_strided_slice %get3A_27 {offsets = [0, 0], sizes = [256, 512], strides = [1, 1]} : vector<256x1024xf32> to vector<256x512xf32>
    %dot_general3A_29 = arith.constant dense<0.000000e+00> : vector<64x256xf32>
    %dot_general3A_30 = tpu.matmul %bitcast_convert_type3A, %slice3A_28, %dot_general3A_29 {dimension_numbers = #tpu.dot_dimension_numbers<[1], [1], [0], [0], [0, 0, 1, 0], [], []>, transpose_lhs_hint = false} : vector<64x512xf32>, vector<256x512xf32>, vector<64x256xf32> -> vector<64x256xf32>
    %slice3A_31 = vector.extract_strided_slice %get3A_27 {offsets = [0, 512], sizes = [256, 512], strides = [1, 1]} : vector<256x1024xf32> to vector<256x512xf32>
    %dot_general3A_32 = arith.constant dense<0.000000e+00> : vector<64x256xf32>
    %dot_general3A_33 = tpu.matmul %bitcast_convert_type3A_6, %slice3A_31, %dot_general3A_32 {dimension_numbers = #tpu.dot_dimension_numbers<[1], [1], [0], [0], [0, 0, 1, 0], [], []>, transpose_lhs_hint = false} : vector<64x512xf32>, vector<256x512xf32>, vector<64x256xf32> -> vector<64x256xf32>
    %add3A_34 = arith.addf %dot_general3A_30, %dot_general3A_33 : vector<64x256xf32>
    %get3A_35 = arith.constant 0 : index
    %get3A_36 = arith.constant 0 : index
    %get3A_37 = arith.constant 0 : index
    %get3A_38 = vector.load %arg9[%get3A_35, %get3A_36, %get3A_37] : memref<1x1x256xf32, #tpu.memory_space<vmem>>, vector<1x1x256xf32>
    %get3A_39 = vector.shape_cast %get3A_38 : vector<1x1x256xf32> to vector<1x256xf32>
    %add3A_40 = vector.broadcast %get3A_39 : vector<1x256xf32> to vector<64x256xf32>
    %add3A_41 = arith.addf %add3A_34, %add3A_40 : vector<64x256xf32>
    %mul3A = arith.mulf %add3A_22, %add3A_41 : vector<64x256xf32>
    %neg3A = arith.constant 0.000000e+00 : f32
    %neg3A_42 = vector.broadcast %neg3A : f32 to vector<64x256xf32>
    %neg3A_43 = arith.subf %neg3A_42, %mul3A : vector<64x256xf32>
    %exp3A = math.exp %neg3A_43 : vector<64x256xf32>
    %add3A_44 = arith.constant 1.000000e+00 : f32
    %add3A_45 = vector.broadcast %add3A_44 : f32 to vector<64x256xf32>
    %add3A_46 = arith.addf %add3A_45, %exp3A : vector<64x256xf32>
    %div3A = arith.divf %mul3A, %add3A_46 : vector<64x256xf32>
    %get3A_47 = arith.constant 0 : index
    %get3A_48 = arith.constant 0 : index
    %get3A_49 = arith.constant 0 : index
    %get3A_50 = vector.load %arg6[%get3A_47, %get3A_48, %get3A_49] : memref<1x1024x256xf32, #tpu.memory_space<vmem>>, vector<1x1024x256xf32>
    %get3A_51 = vector.shape_cast %get3A_50 : vector<1x1024x256xf32> to vector<1024x256xf32>
    %dot_general3A_52 = arith.constant dense<0.000000e+00> : vector<64x1024xf32>
    %dot_general3A_53 = tpu.matmul %div3A, %get3A_51, %dot_general3A_52 {dimension_numbers = #tpu.dot_dimension_numbers<[1], [1], [0], [0], [0, 0, 1, 0], [], []>, transpose_lhs_hint = false} : vector<64x256xf32>, vector<1024x256xf32>, vector<64x1024xf32> -> vector<64x1024xf32>
    %get3A_54 = arith.constant 0 : index
    %get3A_55 = arith.constant 0 : index
    %get3A_56 = arith.constant 0 : index
    %get3A_57 = vector.load %arg7[%get3A_54, %get3A_55, %get3A_56] : memref<1x1x1024xf32, #tpu.memory_space<vmem>>, vector<1x1x1024xf32>
    %get3A_58 = vector.shape_cast %get3A_57 : vector<1x1x1024xf32> to vector<1x1024xf32>
    %add3A_59 = vector.broadcast %get3A_58 : vector<1x1024xf32> to vector<64x1024xf32>
    %add3A_60 = arith.addf %dot_general3A_53, %add3A_59 : vector<64x1024xf32>
    %get3A_61 = arith.constant 0 : index
    %get3A_62 = arith.constant 0 : index
    %get3A_63 = vector.load %arg3[%get3A_61, %get3A_62] : memref<64x1xf32, #tpu.memory_space<vmem>>, vector<64x1xf32>
    %mul3A_64 = vector.broadcast %get3A_63 : vector<64x1xf32> to vector<64x1024xf32>
    %mul3A_65 = arith.mulf %add3A_60, %mul3A_64 : vector<64x1024xf32>
    %swap3A = arith.constant 0 : index
    %swap3A_66 = arith.constant 0 : index
    %swap3A_67 = vector.load %arg10[%swap3A, %swap3A_66] : memref<64x1024xf32, #tpu.memory_space<vmem>>, vector<64x1024xf32>
    tpu.vector_store %arg10[%swap3A, %swap3A_66], %mul3A_65 {strides = array<i32>} : memref<64x1024xf32, #tpu.memory_space<vmem>>, vector<64x1024xf32>,
    return
  }
  func.func @transform_0(%arg0: i32, %arg1: memref<128xi32, #tpu.memory_space<smem>>) -> (i32, i32) {
    %c0_i32 = arith.constant 0 : i32
    %c0_i32_0 = arith.constant 0 : i32
    return %arg0, %c0_i32 : i32, i32
  }
  func.func @transform_1(%arg0: i32, %arg1: memref<128xi32, #tpu.memory_space<smem>>) -> (i32, i32) {
    %c0_i32 = arith.constant 0 : i32
    %c0_i32_0 = arith.constant 0 : i32
    return %arg0, %c0_i32 : i32, i32
  }
  func.func @transform_2(%arg0: i32, %arg1: memref<128xi32, #tpu.memory_space<smem>>) -> (i32, i32, i32) {
    %get3A = arith.index_cast %arg0 : i32 to index
    %get3A_0 = memref.load %arg1[%get3A] : memref<128xi32, #tpu.memory_space<smem>>
    %c0_i32 = arith.constant 0 : i32
    %c0_i32_1 = arith.constant 0 : i32
    %c0_i32_2 = arith.constant 0 : i32
    return %get3A_0, %c0_i32, %c0_i32_1 : i32, i32, i32
  }
  func.func @transform_3(%arg0: i32, %arg1: memref<128xi32, #tpu.memory_space<smem>>) -> (i32, i32, i32) {
    %get3A = arith.index_cast %arg0 : i32 to index
    %get3A_0 = memref.load %arg1[%get3A] : memref<128xi32, #tpu.memory_space<smem>>
    %c0_i32 = arith.constant 0 : i32
    %c0_i32_1 = arith.constant 0 : i32
    %c0_i32_2 = arith.constant 0 : i32
    return %get3A_0, %c0_i32, %c0_i32_1 : i32, i32, i32
  }
  func.func @transform_4(%arg0: i32, %arg1: memref<128xi32, #tpu.memory_space<smem>>) -> (i32, i32, i32) {
    %get3A = arith.index_cast %arg0 : i32 to index
    %get3A_0 = memref.load %arg1[%get3A] : memref<128xi32, #tpu.memory_space<smem>>
    %c0_i32 = arith.constant 0 : i32
    %c0_i32_1 = arith.constant 0 : i32
    %c0_i32_2 = arith.constant 0 : i32
    return %get3A_0, %c0_i32, %c0_i32_1 : i32, i32, i32
  }
  func.func @transform_5(%arg0: i32, %arg1: memref<128xi32, #tpu.memory_space<smem>>) -> (i32, i32, i32) {
    %get3A = arith.index_cast %arg0 : i32 to index
    %get3A_0 = memref.load %arg1[%get3A] : memref<128xi32, #tpu.memory_space<smem>>
    %c0_i32 = arith.constant 0 : i32
    %c0_i32_1 = arith.constant 0 : i32
    %c0_i32_2 = arith.constant 0 : i32
    return %get3A_0, %c0_i32, %c0_i32_1 : i32, i32, i32
  }
  func.func @transform_6(%arg0: i32, %arg1: memref<128xi32, #tpu.memory_space<smem>>) -> (i32, i32, i32) {
    %get3A = arith.index_cast %arg0 : i32 to index
    %get3A_0 = memref.load %arg1[%get3A] : memref<128xi32, #tpu.memory_space<smem>>
    %c0_i32 = arith.constant 0 : i32
    %c0_i32_1 = arith.constant 0 : i32
    %c0_i32_2 = arith.constant 0 : i32
    return %get3A_0, %c0_i32, %c0_i32_1 : i32, i32, i32
  }
  func.func @transform_7(%arg0: i32, %arg1: memref<128xi32, #tpu.memory_space<smem>>) -> (i32, i32, i32) {
    %get3A = arith.index_cast %arg0 : i32 to index
    %get3A_0 = memref.load %arg1[%get3A] : memref<128xi32, #tpu.memory_space<smem>>
    %c0_i32 = arith.constant 0 : i32
    %c0_i32_1 = arith.constant 0 : i32
    %c0_i32_2 = arith.constant 0 : i32
    return %get3A_0, %c0_i32, %c0_i32_1 : i32, i32, i32
  }
  func.func @transform_8(%arg0: i32, %arg1: memref<128xi32, #tpu.memory_space<smem>>) -> (i32, i32) {
    %c0_i32 = arith.constant 0 : i32
    %c0_i32_0 = arith.constant 0 : i32
    return %arg0, %c0_i32 : i32, i32
  }
}

module attributes {stable_mosaic.version = 14 : i64} {
  func.func @_ffn_body_alias(%arg0: i32, %arg1: memref<128xi32, #tpu.memory_space<smem>>, %arg2: memref<64x512xi32, #tpu.memory_space<vmem>>, %arg3: memref<64x1xf32, #tpu.memory_space<vmem>>, %arg4: memref<1x256x1024xf32, #tpu.memory_space<vmem>>, %arg5: memref<1x1x256xf32, #tpu.memory_space<vmem>>, %arg6: memref<1x1024x256xf32, #tpu.memory_space<vmem>>, %arg7: memref<1x1x1024xf32, #tpu.memory_space<vmem>>, %arg8: memref<1x256x1024xf32, #tpu.memory_space<vmem>>, %arg9: memref<1x1x256xf32, #tpu.memory_space<vmem>>, %arg10: memref<64x1024xf32, #tpu.memory_space<vmem>>, %arg11: memref<64x1024xf32, #tpu.memory_space<vmem>>) attributes {dimension_semantics = [#tpu.dimension_semantics<arbitrary>], iteration_bounds = array<i64: 64>, scalar_prefetch = 1 : i64, scratch_operands = 0 : i64, tpu.core_type = #tpu.core_type<tc>, window_params = [{transform_indices = @transform_0, window_bounds = array<i64: 64, 512>}, {transform_indices = @transform_1, window_bounds = array<i64: 64, 1>}, {transform_indices = @transform_2, window_bounds = array<i64: 1, 256, 1024>}, {transform_indices = @transform_3, window_bounds = array<i64: 1, 1, 256>}, {transform_indices = @transform_4, window_bounds = array<i64: 1, 1024, 256>}, {transform_indices = @transform_5, window_bounds = array<i64: 1, 1, 1024>}, {transform_indices = @transform_6, window_bounds = array<i64: 1, 256, 1024>}, {transform_indices = @transform_7, window_bounds = array<i64: 1, 1, 256>}, {transform_indices = @transform_8, window_bounds = array<i64: 64, 1024>}, {transform_indices = @transform_9, window_bounds = array<i64: 64, 1024>}]} {
    %get3A = arith.constant 0 : index
    %get3A_0 = arith.constant 0 : index
    %get3A_1 = vector.load %arg2[%get3A, %get3A_0] : memref<64x512xi32, #tpu.memory_space<vmem>>, vector<64x512xi32>
    %shift_left3A = arith.constant 16 : i32
    %shift_left3A_2 = vector.broadcast %shift_left3A : i32 to vector<64x512xi32>
    %shift_left3A_3 = arith.shli %get3A_1, %shift_left3A_2 : vector<64x512xi32>
    %bitcast_convert_type3A = tpu.bitcast %shift_left3A_3 : vector<64x512xi32> -> vector<64x512xf32>
    %and3A = arith.constant -65536 : i32
    %and3A_4 = vector.broadcast %and3A : i32 to vector<64x512xi32>
    %and3A_5 = arith.andi %get3A_1, %and3A_4 : vector<64x512xi32>
    %bitcast_convert_type3A_6 = tpu.bitcast %and3A_5 : vector<64x512xi32> -> vector<64x512xf32>
    %get3A_7 = arith.constant 0 : index
    %get3A_8 = arith.constant 0 : index
    %get3A_9 = arith.constant 0 : index
    %get3A_10 = vector.load %arg4[%get3A_7, %get3A_8, %get3A_9] : memref<1x256x1024xf32, #tpu.memory_space<vmem>>, vector<1x256x1024xf32>
    %get3A_11 = vector.shape_cast %get3A_10 : vector<1x256x1024xf32> to vector<256x1024xf32>
    %slice3A = vector.extract_strided_slice %get3A_11 {offsets = [0, 0], sizes = [256, 512], strides = [1, 1]} : vector<256x1024xf32> to vector<256x512xf32>
    %dot_general3A = arith.constant dense<0.000000e+00> : vector<64x256xf32>
    %dot_general3A_12 = tpu.matmul %bitcast_convert_type3A, %slice3A, %dot_general3A {dimension_numbers = #tpu.dot_dimension_numbers<[1], [1], [0], [0], [0, 0, 1, 0], [], []>, transpose_lhs_hint = false} : vector<64x512xf32>, vector<256x512xf32>, vector<64x256xf32> -> vector<64x256xf32>
    %slice3A_13 = vector.extract_strided_slice %get3A_11 {offsets = [0, 512], sizes = [256, 512], strides = [1, 1]} : vector<256x1024xf32> to vector<256x512xf32>
    %dot_general3A_14 = arith.constant dense<0.000000e+00> : vector<64x256xf32>
    %dot_general3A_15 = tpu.matmul %bitcast_convert_type3A_6, %slice3A_13, %dot_general3A_14 {dimension_numbers = #tpu.dot_dimension_numbers<[1], [1], [0], [0], [0, 0, 1, 0], [], []>, transpose_lhs_hint = false} : vector<64x512xf32>, vector<256x512xf32>, vector<64x256xf32> -> vector<64x256xf32>
    %add3A = arith.addf %dot_general3A_12, %dot_general3A_15 : vector<64x256xf32>
    %get3A_16 = arith.constant 0 : index
    %get3A_17 = arith.constant 0 : index
    %get3A_18 = arith.constant 0 : index
    %get3A_19 = vector.load %arg5[%get3A_16, %get3A_17, %get3A_18] : memref<1x1x256xf32, #tpu.memory_space<vmem>>, vector<1x1x256xf32>
    %get3A_20 = vector.shape_cast %get3A_19 : vector<1x1x256xf32> to vector<1x256xf32>
    %add3A_21 = vector.broadcast %get3A_20 : vector<1x256xf32> to vector<64x256xf32>
    %add3A_22 = arith.addf %add3A, %add3A_21 : vector<64x256xf32>
    %get3A_23 = arith.constant 0 : index
    %get3A_24 = arith.constant 0 : index
    %get3A_25 = arith.constant 0 : index
    %get3A_26 = vector.load %arg8[%get3A_23, %get3A_24, %get3A_25] : memref<1x256x1024xf32, #tpu.memory_space<vmem>>, vector<1x256x1024xf32>
    %get3A_27 = vector.shape_cast %get3A_26 : vector<1x256x1024xf32> to vector<256x1024xf32>
    %slice3A_28 = vector.extract_strided_slice %get3A_27 {offsets = [0, 0], sizes = [256, 512], strides = [1, 1]} : vector<256x1024xf32> to vector<256x512xf32>
    %dot_general3A_29 = arith.constant dense<0.000000e+00> : vector<64x256xf32>
    %dot_general3A_30 = tpu.matmul %bitcast_convert_type3A, %slice3A_28, %dot_general3A_29 {dimension_numbers = #tpu.dot_dimension_numbers<[1], [1], [0], [0], [0, 0, 1, 0], [], []>, transpose_lhs_hint = false} : vector<64x512xf32>, vector<256x512xf32>, vector<64x256xf32> -> vector<64x256xf32>
    %slice3A_31 = vector.extract_strided_slice %get3A_27 {offsets = [0, 512], sizes = [256, 512], strides = [1, 1]} : vector<256x1024xf32> to vector<256x512xf32>
    %dot_general3A_32 = arith.constant dense<0.000000e+00> : vector<64x256xf32>
    %dot_general3A_33 = tpu.matmul %bitcast_convert_type3A_6, %slice3A_31, %dot_general3A_32 {dimension_numbers = #tpu.dot_dimension_numbers<[1], [1], [0], [0], [0, 0, 1, 0], [], []>, transpose_lhs_hint = false} : vector<64x512xf32>, vector<256x512xf32>, vector<64x256xf32> -> vector<64x256xf32>
    %add3A_34 = arith.addf %dot_general3A_30, %dot_general3A_33 : vector<64x256xf32>
    %get3A_35 = arith.constant 0 : index
    %get3A_36 = arith.constant 0 : index
    %get3A_37 = arith.constant 0 : index
    %get3A_38 = vector.load %arg9[%get3A_35, %get3A_36, %get3A_37] : memref<1x1x256xf32, #tpu.memory_space<vmem>>, vector<1x1x256xf32>
    %get3A_39 = vector.shape_cast %get3A_38 : vector<1x1x256xf32> to vector<1x256xf32>
    %add3A_40 = vector.broadcast %get3A_39 : vector<1x256xf32> to vector<64x256xf32>
    %add3A_41 = arith.addf %add3A_34, %add3A_40 : vector<64x256xf32>
    %mul3A = arith.mulf %add3A_22, %add3A_41 : vector<64x256xf32>
    %neg3A = arith.constant 0.000000e+00 : f32
    %neg3A_42 = vector.broadcast %neg3A : f32 to vector<64x256xf32>
    %neg3A_43 = arith.subf %neg3A_42, %mul3A : vector<64x256xf32>
    %exp3A = math.exp %neg3A_43 : vector<64x256xf32>
    %add3A_44 = arith.constant 1.000000e+00 : f32
    %add3A_45 = vector.broadcast %add3A_44 : f32 to vector<64x256xf32>
    %add3A_46 = arith.addf %add3A_45, %exp3A : vector<64x256xf32>
    %div3A = arith.divf %mul3A, %add3A_46 : vector<64x256xf32>
    %get3A_47 = arith.constant 0 : index
    %get3A_48 = arith.constant 0 : index
    %get3A_49 = arith.constant 0 : index
    %get3A_50 = vector.load %arg6[%get3A_47, %get3A_48, %get3A_49] : memref<1x1024x256xf32, #tpu.memory_space<vmem>>, vector<1x1024x256xf32>
    %get3A_51 = vector.shape_cast %get3A_50 : vector<1x1024x256xf32> to vector<1024x256xf32>
    %dot_general3A_52 = arith.constant dense<0.000000e+00> : vector<64x1024xf32>
    %dot_general3A_53 = tpu.matmul %div3A, %get3A_51, %dot_general3A_52 {dimension_numbers = #tpu.dot_dimension_numbers<[1], [1], [0], [0], [0, 0, 1, 0], [], []>, transpose_lhs_hint = false} : vector<64x256xf32>, vector<1024x256xf32>, vector<64x1024xf32> -> vector<64x1024xf32>
    %get3A_54 = arith.constant 0 : index
    %get3A_55 = arith.constant 0 : index
    %get3A_56 = arith.constant 0 : index
    %get3A_57 = vector.load %arg7[%get3A_54, %get3A_55, %get3A_56] : memref<1x1x1024xf32, #tpu.memory_space<vmem>>, vector<1x1x1024xf32>
    %get3A_58 = vector.shape_cast %get3A_57 : vector<1x1x1024xf32> to vector<1x1024xf32>
    %add3A_59 = vector.broadcast %get3A_58 : vector<1x1024xf32> to vector<64x1024xf32>
    %add3A_60 = arith.addf %dot_general3A_53, %add3A_59 : vector<64x1024xf32>
    %get3A_61 = arith.constant 0 : index
    %get3A_62 = arith.constant 0 : index
    %get3A_63 = vector.load %arg3[%get3A_61, %get3A_62] : memref<64x1xf32, #tpu.memory_space<vmem>>, vector<64x1xf32>
    %mul3A_64 = vector.broadcast %get3A_63 : vector<64x1xf32> to vector<64x1024xf32>
    %mul3A_65 = arith.mulf %add3A_60, %mul3A_64 : vector<64x1024xf32>
    %swap3A = arith.constant 0 : index
    %swap3A_66 = arith.constant 0 : index
    %swap3A_67 = vector.load %arg11[%swap3A, %swap3A_66] : memref<64x1024xf32, #tpu.memory_space<vmem>>, vector<64x1024xf32>
    tpu.vector_store %arg11[%swap3A, %swap3A_66], %mul3A_65 {strides = array<i32>} : memref<64x1024xf32, #tpu.memory_space<vmem>>, vector<64x1024xf32>,
    return
  }
  func.func @transform_0(%arg0: i32, %arg1: memref<128xi32, #tpu.memory_space<smem>>) -> (i32, i32) {
    %c0_i32 = arith.constant 0 : i32
    %c0_i32_0 = arith.constant 0 : i32
    return %arg0, %c0_i32 : i32, i32
  }
  func.func @transform_1(%arg0: i32, %arg1: memref<128xi32, #tpu.memory_space<smem>>) -> (i32, i32) {
    %add3A = arith.constant 64 : i32
    %add3A_0 = arith.addi %arg0, %add3A : i32
    %c0_i32 = arith.constant 0 : i32
    %c0_i32_1 = arith.constant 0 : i32
    return %add3A_0, %c0_i32 : i32, i32
  }
  func.func @transform_2(%arg0: i32, %arg1: memref<128xi32, #tpu.memory_space<smem>>) -> (i32, i32, i32) {
    %add3A = arith.constant 64 : i32
    %add3A_0 = arith.addi %arg0, %add3A : i32
    %get3A = arith.index_cast %add3A_0 : i32 to index
    %get3A_1 = memref.load %arg1[%get3A] : memref<128xi32, #tpu.memory_space<smem>>
    %c0_i32 = arith.constant 0 : i32
    %c0_i32_2 = arith.constant 0 : i32
    %c0_i32_3 = arith.constant 0 : i32
    return %get3A_1, %c0_i32, %c0_i32_2 : i32, i32, i32
  }
  func.func @transform_3(%arg0: i32, %arg1: memref<128xi32, #tpu.memory_space<smem>>) -> (i32, i32, i32) {
    %add3A = arith.constant 64 : i32
    %add3A_0 = arith.addi %arg0, %add3A : i32
    %get3A = arith.index_cast %add3A_0 : i32 to index
    %get3A_1 = memref.load %arg1[%get3A] : memref<128xi32, #tpu.memory_space<smem>>
    %c0_i32 = arith.constant 0 : i32
    %c0_i32_2 = arith.constant 0 : i32
    %c0_i32_3 = arith.constant 0 : i32
    return %get3A_1, %c0_i32, %c0_i32_2 : i32, i32, i32
  }
  func.func @transform_4(%arg0: i32, %arg1: memref<128xi32, #tpu.memory_space<smem>>) -> (i32, i32, i32) {
    %add3A = arith.constant 64 : i32
    %add3A_0 = arith.addi %arg0, %add3A : i32
    %get3A = arith.index_cast %add3A_0 : i32 to index
    %get3A_1 = memref.load %arg1[%get3A] : memref<128xi32, #tpu.memory_space<smem>>
    %c0_i32 = arith.constant 0 : i32
    %c0_i32_2 = arith.constant 0 : i32
    %c0_i32_3 = arith.constant 0 : i32
    return %get3A_1, %c0_i32, %c0_i32_2 : i32, i32, i32
  }
  func.func @transform_5(%arg0: i32, %arg1: memref<128xi32, #tpu.memory_space<smem>>) -> (i32, i32, i32) {
    %add3A = arith.constant 64 : i32
    %add3A_0 = arith.addi %arg0, %add3A : i32
    %get3A = arith.index_cast %add3A_0 : i32 to index
    %get3A_1 = memref.load %arg1[%get3A] : memref<128xi32, #tpu.memory_space<smem>>
    %c0_i32 = arith.constant 0 : i32
    %c0_i32_2 = arith.constant 0 : i32
    %c0_i32_3 = arith.constant 0 : i32
    return %get3A_1, %c0_i32, %c0_i32_2 : i32, i32, i32
  }
  func.func @transform_6(%arg0: i32, %arg1: memref<128xi32, #tpu.memory_space<smem>>) -> (i32, i32, i32) {
    %add3A = arith.constant 64 : i32
    %add3A_0 = arith.addi %arg0, %add3A : i32
    %get3A = arith.index_cast %add3A_0 : i32 to index
    %get3A_1 = memref.load %arg1[%get3A] : memref<128xi32, #tpu.memory_space<smem>>
    %c0_i32 = arith.constant 0 : i32
    %c0_i32_2 = arith.constant 0 : i32
    %c0_i32_3 = arith.constant 0 : i32
    return %get3A_1, %c0_i32, %c0_i32_2 : i32, i32, i32
  }
  func.func @transform_7(%arg0: i32, %arg1: memref<128xi32, #tpu.memory_space<smem>>) -> (i32, i32, i32) {
    %add3A = arith.constant 64 : i32
    %add3A_0 = arith.addi %arg0, %add3A : i32
    %get3A = arith.index_cast %add3A_0 : i32 to index
    %get3A_1 = memref.load %arg1[%get3A] : memref<128xi32, #tpu.memory_space<smem>>
    %c0_i32 = arith.constant 0 : i32
    %c0_i32_2 = arith.constant 0 : i32
    %c0_i32_3 = arith.constant 0 : i32
    return %get3A_1, %c0_i32, %c0_i32_2 : i32, i32, i32
  }
  func.func @transform_8(%arg0: i32, %arg1: memref<128xi32, #tpu.memory_space<smem>>) -> (i32, i32) {
    %add3A = arith.constant 64 : i32
    %add3A_0 = arith.addi %arg0, %add3A : i32
    %c0_i32 = arith.constant 0 : i32
    %c0_i32_1 = arith.constant 0 : i32
    return %add3A_0, %c0_i32 : i32, i32
  }
  func.func @transform_9(%arg0: i32, %arg1: memref<128xi32, #tpu.memory_space<smem>>) -> (i32, i32) {
    %add3A = arith.constant 64 : i32
    %add3A_0 = arith.addi %arg0, %add3A : i32
    %c0_i32 = arith.constant 0 : i32
    %c0_i32_1 = arith.constant 0 : i32
    return %add3A_0, %c0_i32 : i32, i32
  }
}

</mosaic_0001>

<sc_bundles>
// kernel: kernel.10.cloned.1.call-start
scs
__scs_entry_jumppad:
0x0: {  	(pc) =	sbr.rel $0x88, $3  }
0x1: {  	(tag) =	ssettag $0x0;
	lr =	simm.s32 $0x1  }
0x2: {  	[smem:$0x3F93] =	sst lr;
	_ =	strace $0xD0000000  }
0x3: {  	_ = 	snop  }
0x4: {  	_ = 	snop  }
0x5: {  	_ = 	snop  }
0x6: {  	_ = 	snop  }
0x7: {  	_ = 	snop  }
__scs_overlays_trampoline_lowered:
0x8: {  	[smem:$0x3FA2] =	sst s0  }
0x9: {  	[smem:$0x3FA3] =	sst s1  }
0xa: {  	[smem:$0x3FA4] =	sst s2  }
0xb: {  	[smem:$0x3FA5] =	sst s3  }
0xc: {  	[smem:$0x3FA6] =	sst s4  }
0xd: {  	[smem:$0x3FA7] =	sst s5  }
0xe: {  	[smem:$0x3FA8] =	sst s6  }
0xf: {  	[smem:$0x3FA9] =	sst s7  }
0x10: {  	[smem:$0x3FAA] =	sst s8  }
0x11: {  	[smem:$0x3FAB] =	sst s9;
	s0 =	simm.s32 @!p0 $0x0  }
0x12: {  	s1 =	sld [smem:$0x3F91];
	s0 =	simm.s32 @p0 $0x1  }
0x13: {  	[smem:$0x3FAC] =	sst s0;
	s0 =	simm.s32 @!p1 $0x0  }
0x14: {  	s2 =	sld [smem:$0x3F90];
	s0 =	simm.s32 @p1 $0x1  }
0x15: {  	[smem:$0x3FAD] =	sst s0;
	s0 =	simm.s32 @!p2 $0x0  }
0x16: {  	s3 =	sld [smem:$0x3FDB];
	s0 =	simm.s32 @p2 $0x1  }
0x17: {  	s4 =	simm.s32 $0x1BF5;
	[smem:$0x3FAF] =	sst s0  }
0x18: {  	s0 =	sld [smem:$0x3F92];
	_ =	swait.ge [sflag:s4], $0x0  }
0x19: {  	s7 =	sld [smem:$0x3F93]  }
0x1a: {  	s8 =	sadd.s32 $0xFFFFE003, lr  }
0x1b: {  	s9 =	sadd.s32 $0xFFFFFEF7, lr;
	s5 =	simm.s32 $0xFFFFFFFF;
	p2 =	slt.u32 s8, $0xFFFFF086  }
0x1c: {  	p1 =	slt.u32 s9, $0xF7A;
	s5 =	simm.s32 @!p2 $0x0  }
0x1d: {  	s5 =	simm.s32 @p1 $0x1;
	p0 =	seq.s32 s7, s2  }
0x1e: {  	s7 =	smul.u32 @!p0 $0xF7A, s2;
	p2 =	seq.s32 @!p0 s5, $0x0  }
0x1f: {  	s9 =	smul.u32 $0xF7A, s1;
	s8 =	simm.s32 @!p0 $0x1BF5;
	p2 =	por !p2, p0  }
0x20: {  	[sflag:s8] =	ssyncset.s32 @!p0 $0xFFFFF086;
	s6 =	sadd.s32 @!p0 s3, s7;
	s7 =	simm.s32 @!p0 $0x108  }
0x21: {  	s3 =	sadd.s32 s3, s9;
	s6 =	sadd.s32 @!p0 $0x88, s6;
	s7 =	simm.s32 @p2 $0x1082  }
0x22: {  	[simem:s7], [sflag:s8] =	dma.local @!p0 [hbm:s6], $0xF7A  }
0x23: {  	s9 =	sor.u32 $0xD0000000, s2;
	s6 =	simm.s32 $0x108;
	_ =	swait.ge @!p0 [sflag:s8], $0x0  }
0x24: {  	s3 =	sadd.s32 $0x88, s3;
	s6 =	simm.s32 @!p1 $0x1082;
	[sflag:s4] =	ssyncset.s32 $0xFFFFF086  }
0x25: {  	[simem:s6], [sflag:s4] =	dma.local [hbm:s3], $0xF7A  }
0x26: {  	[smem:$0x3F93] =	sst s1;
	(tag) =	ssettag s2;
	_ =	strace s9  }
0x27: {  	s1 =	sld [smem:$0x3FA3]  }
0x28: {  	s2 =	sld [smem:$0x3FA4]  }
0x29: {  	s4 =	sld [smem:$0x3FA6]  }
0x2a: {  	p0 =	seq.s32 s5, $0x0;
	s5 =	sld [smem:$0x3FA7]  }
0x2b: {  	s6 =	sld [smem:$0x3FA8]  }
0x2c: {  	s7 =	sld [smem:$0x3FA9]  }
0x2d: {  	s3 =	simm.s32 $0x108;
	s8 =	sld [smem:$0x3FAA]  }
0x2e: {  	s3 =	simm.s32 @!p0 $0x1082;
	s9 =	sld [smem:$0x3FAB]  }
0x2f: {  	lr =	sadd.s32 s0, s3;
	s0 =	sld [smem:$0x3FA2]  }
0x30: {  	s3 =	sld [smem:$0x3FA5]  }
0x31: {  	[smem:$0x3FAE] =	sst s10  }
0x32: {  	s10 =	sld [smem:$0x3FAC];
	_ =	sdelay $0x3  }
0x33: {  	p0 =	seq.s32 s10, $0x1;
	s10 =	sld [smem:$0x3FAE];
	_ =	sdelay $0x3  }
0x34: {  	[smem:$0x3FAE] =	sst s10  }
0x35: {  	s10 =	sld [smem:$0x3FAD];
	_ =	sdelay $0x3  }
0x36: {  	p1 =	seq.s32 s10, $0x1;
	s10 =	sld [smem:$0x3FAE];
	_ =	sdelay $0x3  }
0x37: {  	[smem:$0x3FAE] =	sst s10  }
0x38: {  	s10 =	sld [smem:$0x3FAF]  }
0x39: {  	_ = 	snop;
	(pc) =	sbr.ind lr, $3  }
0x3a: {  	_ = 	snop  }
0x3b: {  	_ = 	snop  }
0x3c: {  	p2 =	seq.s32 s10, $0x1;
	s10 =	sld [smem:$0x3FAE]  }
0x3d: {  	_ =	shalt  }
0x3e: {  	_ =	shalt  }
0x3f: {  	_ =	shalt  }
0x40: {  	_ =	shalt  }
0x41: {  	_ =	shalt  }
0x42: {  	_ =	shalt  }
0x43: {  	_ =	shalt  }
0x44: {  	_ =	shalt  }
0x45: {  	_ =	shalt  }
0x46: {  	_ =	shalt  }
0x47: {  	_ =	shalt  }
0x48: {  	_ =	shalt  }
0x49: {  	_ =	shalt  }
0x4a: {  	_ =	shalt  }
0x4b: {  	_ =	shalt  }
0x4c: {  	_ =	shalt  }
0x4d: {  	_ =	shalt  }
0x4e: {  	_ =	shalt  }
0x4f: {  	_ =	shalt  }
0x50: {  	_ =	shalt  }
0x51: {  	_ =	shalt  }
0x52: {  	_ =	shalt  }
0x53: {  	_ =	shalt  }
0x54: {  	_ =	shalt  }
0x55: {  	_ =	shalt  }
0x56: {  	_ =	shalt  }
0x57: {  	_ =	shalt  }
0x58: {  	_ =	shalt  }
0x59: {  	_ =	shalt  }
0x5a: {  	_ =	shalt  }
0x5b: {  	_ =	shalt  }
0x5c: {  	_ =	shalt  }
0x5d: {  	_ =	shalt  }
0x5e: {  	_ =	shalt  }
0x5f: {  	_ =	shalt  }
0x60: {  	_ =	shalt  }
0x61: {  	_ =	shalt  }
0x62: {  	_ =	shalt  }
0x63: {  	_ =	shalt  }
0x64: {  	_ =	shalt  }
0x65: {  	_ =	shalt  }
0x66: {  	_ =	shalt  }
0x67: {  	_ =	shalt  }
0x68: {  	_ =	shalt  }
0x69: {  	_ =	shalt  }
0x6a: {  	_ =	shalt  }
0x6b: {  	_ =	shalt  }
0x6c: {  	_ =	shalt  }
0x6d: {  	_ =	shalt  }
0x6e: {  	_ =	shalt  }
0x6f: {  	_ =	shalt  }
0x70: {  	_ =	shalt  }
0x71: {  	_ =	shalt  }
0x72: {  	_ =	shalt  }
0x73: {  	_ =	shalt  }
0x74: {  	_ =	shalt  }
0x75: {  	_ =	shalt  }
0x76: {  	_ =	shalt  }
0x77: {  	_ =	shalt  }
0x78: {  	_ =	shalt  }
0x79: {  	_ =	shalt  }
0x7a: {  	_ =	shalt  }
0x7b: {  	_ =	shalt  }
0x7c: {  	_ =	shalt  }
0x7d: {  	_ =	shalt  }
0x7e: {  	_ =	shalt  }
0x7f: {  	_ =	shalt  }
0x80: {  	_ =	shalt  }
0x81: {  	_ =	shalt  }
0x82: {  	_ =	shalt  }
0x83: {  	_ =	shalt  }
0x84: {  	_ =	shalt  }
0x85: {  	_ =	shalt  }
0x86: {  	_ =	shalt  }
0x87: {  	_ =	shalt  }
.Lfunc_end0:
.L_simem_size_0:
called_computation_lowered:
.L_overlay_start_0:
0x88: {  	s2 =	sld [smem:$0x3FD9]  }
0x89: {  	s3 =	sld [smem:$0x3FFE];
	_ =	sdelay $0x1  }
0x8a: {  	s1 =	srdreg.scid  }
0x8b: {  	s0 =	sand.u32 $0x1, s1  }
0x8c: {  	s17 =	sshll.u32 s0, $0xA;
	s2 =	sadd.s32 s3, s2  }
0x8d: {  	s2 =	sadd.s32 s2, s17  }
0x8e: {  	[smem:$0x3FBA] =	sst s2  }
0x8f: {  	_ = 	snop  }
0x90: {  	s2 =	sld [smem:$0x3FD0];
	(tm) =	ssettm $0x1  }
0x91: {  	s18 =	sld [smem:$0x3FFB];
	_ =	sdelay $0x3  }
0x92: {  	_ =	strace s18  }
0x93: {  	s3 =	sld [smem:$0x3FFC];
	_ =	sdelay $0x3  }
0x94: {  	_ =	strace s3  }
0x95: {  	s3 =	sld [smem:$0x3FFD];
	_ =	sdelay $0x3  }
0x96: {  	_ =	strace s3  }
0x97: {  	_ =	strace $0x8FFFFFFF  }
0x98: {  	s19 =	sld [smem:$0x3FDB];
	_ =	sdelay $0x1  }
0x99: {  	s4 =	simm.s32 $_scs_section_size  }
0x9a: {  	s5 =	simm.s32 $_size__tile_overlayer_lowered;
	s6 =	simm.s32 $_tile_overlayer_lowered  }
0x9b: {  	s22 =	simm.s32 $0x1BFF;
	s21 =	sshll.u32 s6, $0x1;
	s3 =	sadd.s32 s4, s19  }
0x9c: {  	s7 =	simm.s32 $0x0;
	s20 =	sshll.u32 s5, $0x1;
	s5 =	sadd.s32 s21, s3  }
0x9d: {  	[timem:s7], [sflag:s22] =	dma.local [hbm:s5], s20  }
0x9e: {  	_ =	swait.ge [sflag:s22], s20  }
0x9f: {  	s4 =	ssub.s32 $0x0, s20;
	[sflag:s22] =	ssyncset.done $0x0  }
0xa0: {  	[sflag:s22] =	ssyncadd.s32 s4;
	_ =	sdelay $0x1  }
0xa1: {  	s23 =	simm.s32 $0x1B8B  }
0xa2: {  	_ =	swait.ge [sflag:s23], $0x1  }
0xa3: {  	[sflag:s23] =	ssyncset.done $0x0  }
0xa4: {  	s25 =	simm.s32 $0x1B8E;
	s24 =	sld [smem:$0x3FFE];
	[sflag:s23] =	ssyncadd.s32 $0xFFFFFFFF  }
0xa5: {  	s26 =	simm.s32 $execute0_lowered;
	[smem:$0x3FD2] =	sst s25  }
0xa6: {  	s5 =	sshll.u32 s26, $0x1;
	_ =	strace $0x80000046;
	[dreg:$0x1] =	wrdreg $0xFFFFFFFF  }
0xa7: {  	s28 =	simm.s32 $_size_execute0_lowered;
	s3 =	sadd.s32 s3, s5;
	[dreg:$0x0] =	wrdreg $0x0  }
0xa8: {  	s5 =	sshll.u32 s28, $0x1;
	[dreg:$0x2] =	wrdreg s3  }
0xa9: {  	[dreg:$0x3] =	wrdreg s5  }
0xaa: {  	[dreg:$0x4] =	wrdreg $0xC0  }
0xab: {  	_ =	task [dreg:s7], $0x5FFFF  }
0xac: {  	[dreg:$0x1] =	wrdreg $0xFFFFFFFF  }
0xad: {  	[dreg:$0x0] =	wrdreg $0x60  }
0xae: {  	[dreg:$0x2] =	wrdreg s24  }
0xaf: {  	[dreg:$0x3] =	wrdreg s2  }
0xb0: {  	[dreg:$0x4] =	wrdreg $0x9  }
0xb1: {  	_ =	task.clear_ibuf [dreg:s7], $0x5FFFF;
	_ =	strace $0x90000046  }
0xb2: {  	s29 =	simm.s32 $0x9;
	_ =	strace $0x80000048  }
0xb3: {  	_ =	swait.ge [sflag:s29], $0x1  }
0xb4: {  	[sflag:s29] =	ssyncadd.s32 $0xFFFFFFFF  }
0xb5: {  	_ =	strace $0x90000048  }
0xb6: {  	_ =	sfence  }
0xb7: {  	s30 =	sld [smem:$0x0];
	_ =	sdelay $0x2  }
0xb8: {  	s31 =	sshll.u32 s1, $0xD;
	s1 =	sshrl.u32 s1, $0x2  }
0xb9: {  	s3 =	sand.u32 $0x4000, s31;
	s1 =	sadd.s32 s1, s30  }
0xba: {  	s0 =	sor.u32 s3, s0;
	s1 =	sshll.u32 s1, $0x11  }
0xbb: {  	s0 =	sor.u32 s1, s0  }
0xbc: {  	s0 =	sadd.s32 $0x8F2B, s0  }
0xbd: {  	[sflag:s0] =	ssyncadd.remote.s32 $0x1  }
0xbe: {  	_ =	sfence.sel $0xFFFF  }
0xbf: {  	[dreg:$0x0] =	wrdreg $0xFFFFFFFF;
	(pc) =	sbr.abs _section_cstart, $3  }
0xc0: {  	[dreg:$0x1] =	wrdreg $0xFFFFFFFF  }
0xc1: {  	_ =	task.clear_ibuf [dreg:s7], $0x2FFFF;
	_ =	strace $0x9FFFFFFF  }
0xc2: {  	(tm) =	ssettm $0x7FFFFFFF  }
0xc3: {  	_ =	shalt  }
tec
execute0_lowered:
.L_overlay_start_1:
0x0: {  	(tag) =	ssettag $0x1  }
0x1: {  	s0 =	srdreg.scid  }
0x2: {  	s3 =	sand.u32 $0x1, s0;
	s0 =	stileid.u32  }
0x3: {  	s4 =	sshll.u32 s0, $0x1;
	s6 =	ssub.s32 $0x0, s3  }
0x4: {  	p0 =	sne.s32 s4, s6  }
.Ltmp0:
0x5: {  	_ = 	snop;
	(pc) =	sbr.rel @p0 .LBB2_7-.Ltmp0, $4  }
0x6: {  	_ = 	snop  }
0x7: {  	s5 =	rddreg [dreg:$0x0]  }
0x8: {  	s2 =	rddreg [dreg:$0x1]  }
0x9: {  	s1 =	rddreg [dreg:$0x2];
	_ =	strace $0x80000047  }
0xa: {  	s4 =	ssub.s32 $0x2, s3  }
0xb: {  	s3 =	sadd.s32 $0x23400, s5;
	s7 =	simm.s32 $0x0;
	s8 =	simm.s32 $0x1  }
0xc: {  	s9 =	simm.s32 $0x1000;
	s10 =	simm.s32 $0x2000;
	s6 =	sshrl.u32 s4, $0x1  }
0xd: {  	s11 =	simm.s32 $0x4000;
	s12 =	simm.s32 $0x0;
	s6 =	ssub.s32 s4, s6  }
0xe: {  	v0 =	vimm.s32 $0x0;
	v1 =	vimm.f32 $0.0e+00;
	v2 =	vlaneseq.u32;
	s4 =	sadd.s32 $0x23A00, s5;
	s5 =	sadd.s32 $0x23600, s5;
	s6 =	smax.u32 s6, $0x1  }
.LBB2_2:
0xf: {  	[tilespmem:s7], [sflag:$0x1] =	stream.linear.gather [hbm4b:s3+s7], $0x1000, $0x38;
	[tilespmem:$0x6000] =	vst v63  }
0x10: {  	_ =	swait.ge [sflag:s8], $0x1000  }
0x11: {  	[sflag:s8] =	ssyncset.done $0x0  }
0x12: {  	[sflag:s8] =	ssyncadd.s32 $0xFFFFF000  }
0x13: {  	[tilespmem:s9], [sflag:$0x1] =	stream.linear.gather [hbm4b:s2+s7], $0x1000, $0x38;
	[tilespmem:$0x6000] =	vst v63  }
0x14: {  	_ =	swait.ge [sflag:s8], $0x1000  }
0x15: {  	[sflag:s8] =	ssyncset.done $0x0  }
0x16: {  	s13 =	simm.s32 $0x0;
	[sflag:s8] =	ssyncadd.s32 $0xFFFFF000  }
.LBB2_3:
0x17: {  	p0 =	sne.s32 s13, $0x7FC0  }
.Ltmp1:
0x18: {  	_ = 	snop;
	(pc) =	sbr.rel @p0 .LBB2_3-.Ltmp1, $4  }
0x19: {  	_ = 	snop  }
0x1a: {  	s14 =	sshra.s32 s13, $0x2  }
0x1b: {  	[tilespmem:s14+$0x2000] =	vst v0  }
0x1c: {  	s13 =	sadd.s32 $0x40, s13;
	[tilespmem:s14+$0x4000] =	vst v1  }
0x1d: {  	s14 =	simm.s32 $0x0  }
0x1e: {  	v3 =	vld [tilespmem:s14+$0x0];
	_ =	sdelay $0x2  }
0x1f: {  	s13 =	simm.s32 $0x1000  }
0x20: {  	v4 =	vld [tilespmem:s13+$0x0];
	_ =	sdelay $0x1  }
0x21: {  	v5 =	vor.u32 s14, v2  }
0x22: {  	v5 =	vshrl.u32 v5, $0x1  }
0x23: {  	[tilespmem:v3+s10+$0x0] =	vst.idx.msk $0xffff, v5  }
0x24: {  	s14 =	simm.s32 $0x10;
	[tilespmem:v3+s11+$0x0] =	vst.idx.msk $0xffff, v4  }
0x25: {  	v3 =	vld [tilespmem:s14+$0x0]  }
0x26: {  	s15 =	simm.s32 $0x20;
	s16 =	simm.s32 $0x10  }
.LBB2_5:
0x27: {  	p0 =	sne.s32 s15, $0xFF0  }
0x28: {  	s13 =	sadd.s32 $0x10, s13  }
0x29: {  	v4 =	vld [tilespmem:s13+$0x0];
	_ =	sdelay $0x1  }
0x2a: {  	v5 =	vor.u32 s14, v2;
	s14 =	smov.u32 s15  }
.Ltmp2:
0x2b: {  	v5 =	vshrl.u32 v5, $0x1;
	(pc) =	sbr.rel @p0 .LBB2_5-.Ltmp2, $4  }
0x2c: {  	[tilespmem:v3+s10+$0x0] =	vst.idx.msk $0xffff, v5  }
0x2d: {  	s16 =	sadd.s32 $0x10, s16;
	[tilespmem:v3+s11+$0x0] =	vst.idx.msk $0xffff, v4  }
0x2e: {  	v3 =	vld [tilespmem:s16+$0x0]  }
0x2f: {  	s15 =	sadd.s32 $0x10, s15  }
0x30: {  	_ =	sdelay $0x1  }
0x31: {  	s13 =	sadd.s32 $0x10, s13  }
0x32: {  	v4 =	vld [tilespmem:s13+$0x0];
	_ =	sdelay $0x1  }
0x33: {  	v5 =	vor.u32 s14, v2  }
0x34: {  	v5 =	vshrl.u32 v5, $0x1  }
0x35: {  	[tilespmem:v3+s10+$0x0] =	vst.idx.msk $0xffff, v5  }
0x36: {  	[tilespmem:v3+s11+$0x0] =	vst.idx.msk $0xffff, v4  }
0x37: {  	[hbm4b:s4+s7] =	stream.linear.scatter [tilespmem:s10], [sflag:$0x1], $0x2000, $0x38;
	[tilespmem:$0x6000] =	vst v63  }
0x38: {  	s12 =	sadd.s32 $0x1, s12;
	_ =	swait.ge [sflag:s8], $0x2000  }
0x39: {  	p0 =	sne.s32 s12, s6;
	[sflag:s8] =	ssyncset.done $0x0  }
.Ltmp3:
0x3a: {  	[sflag:s8] =	ssyncadd.s32 $0xFFFFE000;
	(pc) =	sbr.rel @p0 .LBB2_2-.Ltmp3, $4  }
0x3b: {  	[hbm4b:s5+s7] =	stream.linear.scatter [tilespmem:s11], [sflag:$0x1], $0x2000, $0x38;
	[tilespmem:$0x6000] =	vst v63  }
0x3c: {  	_ =	swait.ge [sflag:s8], $0x2000  }
0x3d: {  	[sflag:s8] =	ssyncset.done $0x0  }
0x3e: {  	[sflag:s8] =	ssyncadd.s32 $0xFFFFE000  }
.LBB2_7:
0x3f: {  	_ =	sfence.sel $0x180000  }
0x40: {  	[bflag:$0x0] =	sbarrier.arrive $0xFFFF  }
0x41: {  	p0 =	sne.s32 s0, $0x0;
	_ =	strace $0x90000047  }
0x42: {  	s0 =	sadd.s32 @!p0 $0x100000, s1;
	[bflag:$0x2] =	sbarrier.arrive $0xFFFF  }
0x43: {  	[sflag:s0] =	ssyncadd.tile.s32 @!p0 $0x1;
	_ =	shalt  }
.Lfunc_end2:
_tile_overlayer_lowered:
.L_overlay_start_2:
0x44: {  	(tag) =	ssettag $0x2  }
0x45: {  	s0 =	rddreg [dreg:$0x0];
	s2 =	stileid.u32  }
0x46: {  	s1 =	rddreg [dreg:$0x1];
	p0 =	sne.s32 s2, $0x0  }
0x47: {  	s3 =	rddreg [dreg:$0x2];
	[bflag:$0x3] =	sbarrier.arrive $0xFFFF;
	s2 =	simm.s32 @!p0 $0x1C01  }
0x48: {  	[timem:s3], [sflag:s2] =	dma.local @!p0 [hbm:s0], s1  }
0x49: {  	s0 =	simm.s32 @!p0 $0x1  }
0x4a: {  	_ =	swait.ge @!p0 [sflag:s0], s1  }
0x4b: {  	s1 =	ssub.s32 @!p0 $0x0, s1;
	[sflag:s0] =	ssyncset.done @!p0 $0x0  }
0x4c: {  	[sflag:s0] =	ssyncadd.s32 @!p0 s1  }
0x4d: {  	[bflag:$0x3] =	sbarrier.arrive $0xFFFF  }
0x4e: {  	_ =	shalt  }

// kernel: kernel.13.cloned.1.call-start
scs
__scs_entry_jumppad:
0x0: {  	(pc) =	sbr.rel $0x88, $3  }
0x1: {  	(tag) =	ssettag $0x0;
	lr =	simm.s32 $0x1  }
0x2: {  	[smem:$0x3F93] =	sst lr;
	_ =	strace $0xD0000000  }
0x3: {  	_ = 	snop  }
0x4: {  	_ = 	snop  }
0x5: {  	_ = 	snop  }
0x6: {  	_ = 	snop  }
0x7: {  	_ = 	snop  }
__scs_overlays_trampoline_lowered:
0x8: {  	[smem:$0x3FA2] =	sst s0  }
0x9: {  	[smem:$0x3FA3] =	sst s1  }
0xa: {  	[smem:$0x3FA4] =	sst s2  }
0xb: {  	[smem:$0x3FA5] =	sst s3  }
0xc: {  	[smem:$0x3FA6] =	sst s4  }
0xd: {  	[smem:$0x3FA7] =	sst s5  }
0xe: {  	[smem:$0x3FA8] =	sst s6  }
0xf: {  	[smem:$0x3FA9] =	sst s7  }
0x10: {  	[smem:$0x3FAA] =	sst s8  }
0x11: {  	[smem:$0x3FAB] =	sst s9;
	s0 =	simm.s32 @!p0 $0x0  }
0x12: {  	s1 =	sld [smem:$0x3F91];
	s0 =	simm.s32 @p0 $0x1  }
0x13: {  	[smem:$0x3FAC] =	sst s0;
	s0 =	simm.s32 @!p1 $0x0  }
0x14: {  	s2 =	sld [smem:$0x3F90];
	s0 =	simm.s32 @p1 $0x1  }
0x15: {  	[smem:$0x3FAD] =	sst s0;
	s0 =	simm.s32 @!p2 $0x0  }
0x16: {  	s3 =	sld [smem:$0x3FDB];
	s0 =	simm.s32 @p2 $0x1  }
0x17: {  	s4 =	simm.s32 $0x1BF5;
	[smem:$0x3FAF] =	sst s0  }
0x18: {  	s0 =	sld [smem:$0x3F92];
	_ =	swait.ge [sflag:s4], $0x0  }
0x19: {  	s7 =	sld [smem:$0x3F93]  }
0x1a: {  	s8 =	sadd.s32 $0xFFFFE003, lr  }
0x1b: {  	s9 =	sadd.s32 $0xFFFFFEF7, lr;
	s5 =	simm.s32 $0xFFFFFFFF;
	p2 =	slt.u32 s8, $0xFFFFF086  }
0x1c: {  	p1 =	slt.u32 s9, $0xF7A;
	s5 =	simm.s32 @!p2 $0x0  }
0x1d: {  	s5 =	simm.s32 @p1 $0x1;
	p0 =	seq.s32 s7, s2  }
0x1e: {  	s7 =	smul.u32 @!p0 $0xF7A, s2;
	p2 =	seq.s32 @!p0 s5, $0x0  }
0x1f: {  	s9 =	smul.u32 $0xF7A, s1;
	s8 =	simm.s32 @!p0 $0x1BF5;
	p2 =	por !p2, p0  }
0x20: {  	[sflag:s8] =	ssyncset.s32 @!p0 $0xFFFFF086;
	s6 =	sadd.s32 @!p0 s3, s7;
	s7 =	simm.s32 @!p0 $0x108  }
0x21: {  	s3 =	sadd.s32 s3, s9;
	s6 =	sadd.s32 @!p0 $0x88, s6;
	s7 =	simm.s32 @p2 $0x1082  }
0x22: {  	[simem:s7], [sflag:s8] =	dma.local @!p0 [hbm:s6], $0xF7A  }
0x23: {  	s9 =	sor.u32 $0xD0000000, s2;
	s6 =	simm.s32 $0x108;
	_ =	swait.ge @!p0 [sflag:s8], $0x0  }
0x24: {  	s3 =	sadd.s32 $0x88, s3;
	s6 =	simm.s32 @!p1 $0x1082;
	[sflag:s4] =	ssyncset.s32 $0xFFFFF086  }
0x25: {  	[simem:s6], [sflag:s4] =	dma.local [hbm:s3], $0xF7A  }
0x26: {  	[smem:$0x3F93] =	sst s1;
	(tag) =	ssettag s2;
	_ =	strace s9  }
0x27: {  	s1 =	sld [smem:$0x3FA3]  }
0x28: {  	s2 =	sld [smem:$0x3FA4]  }
0x29: {  	s4 =	sld [smem:$0x3FA6]  }
0x2a: {  	p0 =	seq.s32 s5, $0x0;
	s5 =	sld [smem:$0x3FA7]  }
0x2b: {  	s6 =	sld [smem:$0x3FA8]  }
0x2c: {  	s7 =	sld [smem:$0x3FA9]  }
0x2d: {  	s3 =	simm.s32 $0x108;
	s8 =	sld [smem:$0x3FAA]  }
0x2e: {  	s3 =	simm.s32 @!p0 $0x1082;
	s9 =	sld [smem:$0x3FAB]  }
0x2f: {  	lr =	sadd.s32 s0, s3;
	s0 =	sld [smem:$0x3FA2]  }
0x30: {  	s3 =	sld [smem:$0x3FA5]  }
0x31: {  	[smem:$0x3FAE] =	sst s10  }
0x32: {  	s10 =	sld [smem:$0x3FAC];
	_ =	sdelay $0x3  }
0x33: {  	p0 =	seq.s32 s10, $0x1;
	s10 =	sld [smem:$0x3FAE];
	_ =	sdelay $0x3  }
0x34: {  	[smem:$0x3FAE] =	sst s10  }
0x35: {  	s10 =	sld [smem:$0x3FAD];
	_ =	sdelay $0x3  }
0x36: {  	p1 =	seq.s32 s10, $0x1;
	s10 =	sld [smem:$0x3FAE];
	_ =	sdelay $0x3  }
0x37: {  	[smem:$0x3FAE] =	sst s10  }
0x38: {  	s10 =	sld [smem:$0x3FAF]  }
0x39: {  	_ = 	snop;
	(pc) =	sbr.ind lr, $3  }
0x3a: {  	_ = 	snop  }
0x3b: {  	_ = 	snop  }
0x3c: {  	p2 =	seq.s32 s10, $0x1;
	s10 =	sld [smem:$0x3FAE]  }
0x3d: {  	_ =	shalt  }
0x3e: {  	_ =	shalt  }
0x3f: {  	_ =	shalt  }
0x40: {  	_ =	shalt  }
0x41: {  	_ =	shalt  }
0x42: {  	_ =	shalt  }
0x43: {  	_ =	shalt  }
0x44: {  	_ =	shalt  }
0x45: {  	_ =	shalt  }
0x46: {  	_ =	shalt  }
0x47: {  	_ =	shalt  }
0x48: {  	_ =	shalt  }
0x49: {  	_ =	shalt  }
0x4a: {  	_ =	shalt  }
0x4b: {  	_ =	shalt  }
0x4c: {  	_ =	shalt  }
0x4d: {  	_ =	shalt  }
0x4e: {  	_ =	shalt  }
0x4f: {  	_ =	shalt  }
0x50: {  	_ =	shalt  }
0x51: {  	_ =	shalt  }
0x52: {  	_ =	shalt  }
0x53: {  	_ =	shalt  }
0x54: {  	_ =	shalt  }
0x55: {  	_ =	shalt  }
0x56: {  	_ =	shalt  }
0x57: {  	_ =	shalt  }
0x58: {  	_ =	shalt  }
0x59: {  	_ =	shalt  }
0x5a: {  	_ =	shalt  }
0x5b: {  	_ =	shalt  }
0x5c: {  	_ =	shalt  }
0x5d: {  	_ =	shalt  }
0x5e: {  	_ =	shalt  }
0x5f: {  	_ =	shalt  }
0x60: {  	_ =	shalt  }
0x61: {  	_ =	shalt  }
0x62: {  	_ =	shalt  }
0x63: {  	_ =	shalt  }
0x64: {  	_ =	shalt  }
0x65: {  	_ =	shalt  }
0x66: {  	_ =	shalt  }
0x67: {  	_ =	shalt  }
0x68: {  	_ =	shalt  }
0x69: {  	_ =	shalt  }
0x6a: {  	_ =	shalt  }
0x6b: {  	_ =	shalt  }
0x6c: {  	_ =	shalt  }
0x6d: {  	_ =	shalt  }
0x6e: {  	_ =	shalt  }
0x6f: {  	_ =	shalt  }
0x70: {  	_ =	shalt  }
0x71: {  	_ =	shalt  }
0x72: {  	_ =	shalt  }
0x73: {  	_ =	shalt  }
0x74: {  	_ =	shalt  }
0x75: {  	_ =	shalt  }
0x76: {  	_ =	shalt  }
0x77: {  	_ =	shalt  }
0x78: {  	_ =	shalt  }
0x79: {  	_ =	shalt  }
0x7a: {  	_ =	shalt  }
0x7b: {  	_ =	shalt  }
0x7c: {  	_ =	shalt  }
0x7d: {  	_ =	shalt  }
0x7e: {  	_ =	shalt  }
0x7f: {  	_ =	shalt  }
0x80: {  	_ =	shalt  }
0x81: {  	_ =	shalt  }
0x82: {  	_ =	shalt  }
0x83: {  	_ =	shalt  }
0x84: {  	_ =	shalt  }
0x85: {  	_ =	shalt  }
0x86: {  	_ =	shalt  }
0x87: {  	_ =	shalt  }
.Lfunc_end0:
.L_simem_size_0:
called_computation.1_lowered:
.L_overlay_start_0:
0x88: {  	s2 =	sld [smem:$0x3FD9]  }
0x89: {  	s3 =	sld [smem:$0x3FFE];
	_ =	sdelay $0x1  }
0x8a: {  	s1 =	srdreg.scid  }
0x8b: {  	s0 =	sand.u32 $0x1, s1  }
0x8c: {  	s16 =	sshll.u32 s0, $0xA;
	s2 =	sadd.s32 s3, s2  }
0x8d: {  	s2 =	sadd.s32 s2, s16  }
0x8e: {  	[smem:$0x3FBA] =	sst s2  }
0x8f: {  	_ = 	snop  }
0x90: {  	(tm) =	ssettm $0x1  }
0x91: {  	s17 =	sld [smem:$0x3FFB];
	_ =	sdelay $0x3  }
0x92: {  	_ =	strace s17  }
0x93: {  	s2 =	sld [smem:$0x3FFC];
	_ =	sdelay $0x3  }
0x94: {  	_ =	strace s2  }
0x95: {  	s2 =	sld [smem:$0x3FFD];
	_ =	sdelay $0x3  }
0x96: {  	_ =	strace s2  }
0x97: {  	_ =	strace $0x8FFFFFFF  }
0x98: {  	s18 =	sld [smem:$0x3FDB];
	_ =	sdelay $0x1  }
0x99: {  	s19 =	simm.s32 $_scs_section_size  }
0x9a: {  	s4 =	simm.s32 $_size__tile_overlayer_lowered;
	s5 =	simm.s32 $_tile_overlayer_lowered  }
0x9b: {  	s22 =	simm.s32 $0x1BFF;
	s21 =	sshll.u32 s5, $0x1;
	s2 =	sadd.s32 s19, s18  }
0x9c: {  	s6 =	simm.s32 $0x0;
	s20 =	sshll.u32 s4, $0x1;
	s4 =	sadd.s32 s21, s2  }
0x9d: {  	[timem:s6], [sflag:s22] =	dma.local [hbm:s4], s20  }
0x9e: {  	_ =	swait.ge [sflag:s22], s20  }
0x9f: {  	s3 =	ssub.s32 $0x0, s20;
	[sflag:s22] =	ssyncset.done $0x0  }
0xa0: {  	[sflag:s22] =	ssyncadd.s32 s3;
	_ =	sdelay $0x1  }
0xa1: {  	s23 =	simm.s32 $0x1B8B  }
0xa2: {  	_ =	swait.ge [sflag:s23], $0x1  }
0xa3: {  	[sflag:s23] =	ssyncset.done $0x0  }
0xa4: {  	s25 =	simm.s32 $0x1B8E;
	s24 =	sld [smem:$0x3FFE];
	[sflag:s23] =	ssyncadd.s32 $0xFFFFFFFF  }
0xa5: {  	s26 =	simm.s32 $execute0_lowered;
	[smem:$0x3FD2] =	sst s25  }
0xa6: {  	s4 =	sshll.u32 s26, $0x1;
	_ =	strace $0x80000049;
	[dreg:$0x1] =	wrdreg $0xFFFFFFFF  }
0xa7: {  	s28 =	simm.s32 $_size_execute0_lowered;
	s2 =	sadd.s32 s2, s4;
	[dreg:$0x0] =	wrdreg $0x0  }
0xa8: {  	s4 =	sshll.u32 s28, $0x1;
	[dreg:$0x2] =	wrdreg s2  }
0xa9: {  	[dreg:$0x3] =	wrdreg s4  }
0xaa: {  	[dreg:$0x4] =	wrdreg $0xC0  }
0xab: {  	_ =	task [dreg:s6], $0x5FFFF  }
0xac: {  	[dreg:$0x1] =	wrdreg $0xFFFFFFFF  }
0xad: {  	[dreg:$0x0] =	wrdreg $0x60  }
0xae: {  	[dreg:$0x2] =	wrdreg s24  }
0xaf: {  	[dreg:$0x3] =	wrdreg $0x9  }
0xb0: {  	_ =	task.clear_ibuf [dreg:s6], $0x4FFFF;
	_ =	strace $0x90000049  }
0xb1: {  	s29 =	simm.s32 $0x9;
	_ =	strace $0x8000004B  }
0xb2: {  	_ =	swait.ge [sflag:s29], $0x1  }
0xb3: {  	[sflag:s29] =	ssyncadd.s32 $0xFFFFFFFF  }
0xb4: {  	_ =	strace $0x9000004B  }
0xb5: {  	_ =	sfence  }
0xb6: {  	s30 =	sld [smem:$0x0];
	_ =	sdelay $0x2  }
0xb7: {  	s31 =	sshll.u32 s1, $0xD;
	s1 =	sshrl.u32 s1, $0x2  }
0xb8: {  	s3 =	sand.u32 $0x4000, s31;
	s1 =	sadd.s32 s1, s30  }
0xb9: {  	s0 =	sor.u32 s3, s0;
	s1 =	sshll.u32 s1, $0x11  }
0xba: {  	s0 =	sor.u32 s1, s0  }
0xbb: {  	s0 =	sadd.s32 $0x8F2B, s0  }
0xbc: {  	[sflag:s0] =	ssyncadd.remote.s32 $0x1  }
0xbd: {  	_ =	sfence.sel $0xFFFF  }
0xbe: {  	[dreg:$0x0] =	wrdreg $0xFFFFFFFF;
	(pc) =	sbr.abs _section_cstart, $3  }
0xbf: {  	[dreg:$0x1] =	wrdreg $0xFFFFFFFF  }
0xc0: {  	_ =	task.clear_ibuf [dreg:s6], $0x2FFFF;
	_ =	strace $0x9FFFFFFF  }
0xc1: {  	(tm) =	ssettm $0x7FFFFFFF  }
tec
execute0_lowered:
.L_overlay_start_1:
0x0: {  	(tag) =	ssettag $0x1  }
0x1: {  	s1 =	srdreg.scid  }
0x2: {  	s0 =	stileid.u32;
	s4 =	rddreg [dreg:$0x0];
	s15 =	simm.s32 $0x880  }
0x3: {  	s16 =	simm.s32 $0x1080;
	s17 =	simm.s32 $0x1880;
	s1 =	sand.u32 $0x1, s1  }
0x4: {  	s18 =	simm.s32 $0x2080;
	s2 =	sshll.u32 s0, $0x8;
	s3 =	sshll.u32 s1, $0x7  }
0x5: {  	s19 =	simm.s32 $0x2880;
	s3 =	sor.u32 s3, s2;
	s2 =	simm.s32 $0x0  }
0x6: {  	s20 =	simm.s32 $0x3080;
	s21 =	simm.s32 $0x3880;
	[smem:$0x7FF] =	sst s2  }
0x7: {  	s22 =	simm.s32 $0x4880;
	_ =	strace $0x8000004A;
	[dreg:$0x7] =	wrdreg s15  }
0x8: {  	s23 =	simm.s32 $0x5080;
	s24 =	simm.s32 $0x5880;
	[dreg:$0x8] =	wrdreg s16  }
0x9: {  	s7 =	simm.s32 $0x80;
	s25 =	simm.s32 $0x6080;
	[dreg:$0x9] =	wrdreg s17  }
0xa: {  	s8 =	simm.s32 $0x4080;
	s26 =	simm.s32 $0x6880;
	[dreg:$0xa] =	wrdreg s18  }
0xb: {  	s10 =	simm.s32 $0x7880;
	s11 =	simm.s32 $0x8080;
	[dreg:$0xb] =	wrdreg s19  }
0xc: {  	s28 =	simm.s32 $0x1;
	s29 =	simm.s32 $0x2;
	[dreg:$0xc] =	wrdreg s20  }
0xd: {  	s30 =	simm.s32 $0x3;
	s1 =	ssub.s32 $0x2, s1;
	[dreg:$0xd] =	wrdreg s21  }
0xe: {  	s31 =	simm.s32 $0x4;
	s6 =	sshrl.u32 s1, $0x1;
	[dreg:$0xe] =	wrdreg s22  }
0xf: {  	s5 =	sshrl.u32 s3, $0x3;
	s3 =	sshll.u32 s3, $0x6;
	[dreg:$0xf] =	wrdreg s23  }
0x10: {  	s1 =	ssub.s32 s1, s6;
	s6 =	simm.s32 $0x6;
	[dreg:$0x10] =	wrdreg s24  }
0x11: {  	s5 =	sadd.s32 s5, s4;
	s3 =	sadd.s32 s3, s4;
	[dreg:$0x11] =	wrdreg s25  }
0x12: {  	[dreg:$0x12] =	wrdreg s26;
	s15 =	simm.s32 $0xA080;
	s16 =	simm.s32 $0xA880  }
0x13: {  	s17 =	simm.s32 $0xB080;
	s18 =	simm.s32 $0xB880;
	s19 =	simm.s32 $0xC080  }
0x14: {  	s20 =	simm.s32 $0xC880;
	s21 =	simm.s32 $0xD080;
	s5 =	sadd.s32 $0x23A00, s5  }
0x15: {  	s22 =	simm.s32 $0xD880;
	s12 =	sadd.s32 $0x23E00, s3;
	[dreg:$0x2] =	wrdreg s5  }
0x16: {  	s23 =	simm.s32 $0xE080;
	s13 =	sadd.s32 $0x24600, s3;
	[dreg:$0x3] =	wrdreg s12  }
0x17: {  	s24 =	simm.s32 $0xE880;
	s14 =	sadd.s32 $0x24E00, s3;
	[dreg:$0x4] =	wrdreg s13  }
0x18: {  	s25 =	simm.s32 $0xF080;
	s3 =	sadd.s32 $0x25600, s3;
	[dreg:$0x5] =	wrdreg s14  }
0x19: {  	v2 =	vlaneseq.u32;
	s26 =	simm.s32 $0xF880;
	[dreg:$0x6] =	wrdreg s3;
	s3 =	sadd.s32 $0x3400, s4  }
0x1a: {  	vm0 =	vmmov $0xffff;
	v1 =	vshrl.u32 v2, $0x3;
	s4 =	sadd.s32 $0x3500, s4;
	s5 =	smax.u32 s1, $0x1;
	s12 =	simm.s32 $0x8880  }
0x1b: {  	v0 =	vand.u32 $0x7, v2;
	v2 =	vor.u32 $0x8, v2;
	v1 =	vmul.u32 $0x8, v1;
	s13 =	simm.s32 $0x9080;
	s14 =	simm.s32 $0x9880;
	s1 =	simm.s32 $0x5  }
.LBB2_1:
0x1c: {  	s0 =	rddreg [dreg:$0x2]  }
0x1d: {  	[tilespmem:s2], [sflag:$0x6] =	stream.linear.gather [hbm4b:s0+s2], $0x80, $0x38;
	[tilespmem:$0x10080] =	vst v63  }
0x1e: {  	_ =	swait.ge [sflag:s6], $0x80  }
0x1f: {  	[sflag:s6] =	ssyncset.done $0x0  }
0x20: {  	[sflag:s6] =	ssyncadd.s32 $0xFFFFFF80  }
0x21: {  	v3 =	vld [tilespmem:$0x0];
	_ =	sdelay $0x4  }
0x22: {  	v4 =	vshll.u32 v3, $0x2  }
0x23: {  	v3 =	vand.u32 $0x7, v3;
	v4 =	vand.u32 $0xFFFFFFE0, v4  }
0x24: {  	v3 =	vor.u32 v3, v4  }
0x25: {  	v4 =	vperm.xlane v3, v0;
	_ =	sdelay $0x1  }
0x26: {  	v4 =	vadd.s32 v1, v4;
	_ =	sdelay $0x1  }
0x27: {  	v3 =	vperm.xlane v3, v2;
	_ =	sdelay $0x1  }
0x28: {  	v3 =	vadd.s32 v1, v3  }
0x29: {  	[tilespmem:s7], [sflag:$0x1] =	stream.indirect_vreg.gather [hbm4b:s3+s2], $0x80, v4, vm0, $0xb8;
	[tilespmem:$0x10080] =	vst v63  }
0x2a: {  	s0 =	rddreg [dreg:$0x7]  }
0x2b: {  	[tilespmem:s0], [sflag:$0x1] =	stream.indirect_vreg.gather [hbm4b:s4+s2], $0x80, v4, vm0, $0xb8;
	[tilespmem:$0x10080] =	vst v63  }
0x2c: {  	s9 =	rddreg [dreg:$0x8]  }
0x2d: {  	[tilespmem:s9], [sflag:$0x1] =	stream.indirect_vreg.gather [hbm4b:s3+s2], $0x80, v3, vm0, $0xb8;
	[tilespmem:$0x10080] =	vst v63  }
0x2e: {  	s0 =	rddreg [dreg:$0x9]  }
0x2f: {  	[tilespmem:s0], [sflag:$0x1] =	stream.indirect_vreg.gather [hbm4b:s4+s2], $0x80, v3, vm0, $0xb8;
	[tilespmem:$0x10080] =	vst v63  }
0x30: {  	v3 =	vld [tilespmem:$0x10];
	_ =	sdelay $0x4  }
0x31: {  	v57 =	vshll.u32 v3, $0x2  }
0x32: {  	v3 =	vand.u32 $0x7, v3;
	v4 =	vand.u32 $0xFFFFFFE0, v57  }
0x33: {  	v3 =	vor.u32 v3, v4  }
0x34: {  	v4 =	vperm.xlane v3, v0;
	_ =	sdelay $0x1  }
0x35: {  	v4 =	vadd.s32 v1, v4;
	_ =	sdelay $0x1  }
0x36: {  	v3 =	vperm.xlane v3, v2;
	_ =	sdelay $0x1  }
0x37: {  	s0 =	rddreg [dreg:$0xa];
	v3 =	vadd.s32 v1, v3  }
0x38: {  	[tilespmem:s0], [sflag:$0x1] =	stream.indirect_vreg.gather [hbm4b:s3+s2], $0x80, v4, vm0, $0xb8;
	[tilespmem:$0x10080] =	vst v63  }
0x39: {  	s9 =	rddreg [dreg:$0xb]  }
0x3a: {  	[tilespmem:s9], [sflag:$0x1] =	stream.indirect_vreg.gather [hbm4b:s4+s2], $0x80, v4, vm0, $0xb8;
	[tilespmem:$0x10080] =	vst v63  }
0x3b: {  	s0 =	rddreg [dreg:$0xc]  }
0x3c: {  	[tilespmem:s0], [sflag:$0x1] =	stream.indirect_vreg.gather [hbm4b:s3+s2], $0x80, v3, vm0, $0xb8;
	[tilespmem:$0x10080] =	vst v63  }
0x3d: {  	s9 =	rddreg [dreg:$0xd]  }
0x3e: {  	[tilespmem:s9], [sflag:$0x1] =	stream.indirect_vreg.gather [hbm4b:s4+s2], $0x80, v3, vm0, $0xb8;
	[tilespmem:$0x10080] =	vst v63  }
0x3f: {  	v3 =	vld [tilespmem:$0x20];
	_ =	sdelay $0x4  }
0x40: {  	v58 =	vshll.u32 v3, $0x2  }
0x41: {  	v3 =	vand.u32 $0x7, v3;
	v4 =	vand.u32 $0xFFFFFFE0, v58  }
0x42: {  	v3 =	vor.u32 v3, v4  }
0x43: {  	v4 =	vperm.xlane v3, v0;
	_ =	sdelay $0x1  }
0x44: {  	v4 =	vadd.s32 v1, v4;
	_ =	sdelay $0x1  }
0x45: {  	v3 =	vperm.xlane v3, v2;
	_ =	sdelay $0x1  }
0x46: {  	v3 =	vadd.s32 v1, v3  }
0x47: {  	[tilespmem:s8], [sflag:$0x2] =	stream.indirect_vreg.gather [hbm4b:s3+s2], $0x80, v4, vm0, $0xb8;
	[tilespmem:$0x10080] =	vst v63  }
0x48: {  	s0 =	rddreg [dreg:$0xe]  }
0x49: {  	[tilespmem:s0], [sflag:$0x2] =	stream.indirect_vreg.gather [hbm4b:s4+s2], $0x80, v4, vm0, $0xb8;
	[tilespmem:$0x10080] =	vst v63  }
0x4a: {  	s9 =	rddreg [dreg:$0xf]  }
0x4b: {  	[tilespmem:s9], [sflag:$0x2] =	stream.indirect_vreg.gather [hbm4b:s3+s2], $0x80, v3, vm0, $0xb8;
	[tilespmem:$0x10080] =	vst v63  }
0x4c: {  	s0 =	rddreg [dreg:$0x10]  }
0x4d: {  	[tilespmem:s0], [sflag:$0x2] =	stream.indirect_vreg.gather [hbm4b:s4+s2], $0x80, v3, vm0, $0xb8;
	[tilespmem:$0x10080] =	vst v63  }
0x4e: {  	v3 =	vld [tilespmem:$0x30];
	_ =	sdelay $0x4  }
0x4f: {  	v59 =	vshll.u32 v3, $0x2  }
0x50: {  	v3 =	vand.u32 $0x7, v3;
	v4 =	vand.u32 $0xFFFFFFE0, v59  }
0x51: {  	v3 =	vor.u32 v3, v4  }
0x52: {  	v4 =	vperm.xlane v3, v0;
	_ =	sdelay $0x1  }
0x53: {  	v4 =	vadd.s32 v1, v4;
	_ =	sdelay $0x1  }
0x54: {  	v3 =	vperm.xlane v3, v2;
	_ =	sdelay $0x1  }
0x55: {  	s0 =	rddreg [dreg:$0x11];
	v3 =	vadd.s32 v1, v3  }
0x56: {  	[tilespmem:s0], [sflag:$0x2] =	stream.indirect_vreg.gather [hbm4b:s3+s2], $0x80, v4, vm0, $0xb8;
	[tilespmem:$0x10080] =	vst v63  }
0x57: {  	s9 =	rddreg [dreg:$0x12]  }
0x58: {  	[tilespmem:s9], [sflag:$0x2] =	stream.indirect_vreg.gather [hbm4b:s4+s2], $0x80, v4, vm0, $0xb8;
	[tilespmem:$0x10080] =	vst v63  }
0x59: {  	s9 =	simm.s32 $0x7080  }
0x5a: {  	[tilespmem:s9], [sflag:$0x2] =	stream.indirect_vreg.gather [hbm4b:s3+s2], $0x80, v3, vm0, $0xb8;
	[tilespmem:$0x10080] =	vst v63  }
0x5b: {  	_ = 	snop  }
0x5c: {  	[tilespmem:s10], [sflag:$0x2] =	stream.indirect_vreg.gather [hbm4b:s4+s2], $0x80, v3, vm0, $0xb8;
	[tilespmem:$0x10080] =	vst v63  }
0x5d: {  	v3 =	vld [tilespmem:$0x40];
	_ =	sdelay $0x4  }
0x5e: {  	v60 =	vshll.u32 v3, $0x2  }
0x5f: {  	v3 =	vand.u32 $0x7, v3;
	v4 =	vand.u32 $0xFFFFFFE0, v60  }
0x60: {  	v3 =	vor.u32 v3, v4  }
0x61: {  	v4 =	vperm.xlane v3, v0;
	_ =	sdelay $0x1  }
0x62: {  	v4 =	vadd.s32 v1, v4;
	_ =	sdelay $0x1  }
0x63: {  	v3 =	vperm.xlane v3, v2;
	_ =	sdelay $0x1  }
0x64: {  	v3 =	vadd.s32 v1, v3  }
0x65: {  	[tilespmem:s11], [sflag:$0x3] =	stream.indirect_vreg.gather [hbm4b:s3+s2], $0x80, v4, vm0, $0xb8;
	[tilespmem:$0x10080] =	vst v63  }
0x66: {  	_ = 	snop  }
0x67: {  	[tilespmem:s12], [sflag:$0x3] =	stream.indirect_vreg.gather [hbm4b:s4+s2], $0x80, v4, vm0, $0xb8;
	[tilespmem:$0x10080] =	vst v63  }
0x68: {  	_ = 	snop  }
0x69: {  	[tilespmem:s13], [sflag:$0x3] =	stream.indirect_vreg.gather [hbm4b:s3+s2], $0x80, v3, vm0, $0xb8;
	[tilespmem:$0x10080] =	vst v63  }
0x6a: {  	_ = 	snop  }
0x6b: {  	[tilespmem:s14], [sflag:$0x3] =	stream.indirect_vreg.gather [hbm4b:s4+s2], $0x80, v3, vm0, $0xb8;
	[tilespmem:$0x10080] =	vst v63  }
0x6c: {  	v3 =	vld [tilespmem:$0x50];
	_ =	sdelay $0x4  }
0x6d: {  	v61 =	vshll.u32 v3, $0x2  }
0x6e: {  	v3 =	vand.u32 $0x7, v3;
	v4 =	vand.u32 $0xFFFFFFE0, v61  }
0x6f: {  	v3 =	vor.u32 v3, v4  }
0x70: {  	v4 =	vperm.xlane v3, v0;
	_ =	sdelay $0x1  }
0x71: {  	v4 =	vadd.s32 v1, v4;
	_ =	sdelay $0x1  }
0x72: {  	v3 =	vperm.xlane v3, v2;
	_ =	sdelay $0x1  }
0x73: {  	v3 =	vadd.s32 v1, v3  }
0x74: {  	[tilespmem:s15], [sflag:$0x3] =	stream.indirect_vreg.gather [hbm4b:s3+s2], $0x80, v4, vm0, $0xb8;
	[tilespmem:$0x10080] =	vst v63  }
0x75: {  	_ = 	snop  }
0x76: {  	[tilespmem:s16], [sflag:$0x3] =	stream.indirect_vreg.gather [hbm4b:s4+s2], $0x80, v4, vm0, $0xb8;
	[tilespmem:$0x10080] =	vst v63  }
0x77: {  	_ = 	snop  }
0x78: {  	[tilespmem:s17], [sflag:$0x3] =	stream.indirect_vreg.gather [hbm4b:s3+s2], $0x80, v3, vm0, $0xb8;
	[tilespmem:$0x10080] =	vst v63  }
0x79: {  	_ = 	snop  }
0x7a: {  	[tilespmem:s18], [sflag:$0x3] =	stream.indirect_vreg.gather [hbm4b:s4+s2], $0x80, v3, vm0, $0xb8;
	[tilespmem:$0x10080] =	vst v63  }
0x7b: {  	v3 =	vld [tilespmem:$0x60];
	_ =	sdelay $0x4  }
0x7c: {  	v62 =	vshll.u32 v3, $0x2  }
0x7d: {  	v3 =	vand.u32 $0x7, v3;
	v4 =	vand.u32 $0xFFFFFFE0, v62  }
0x7e: {  	v3 =	vor.u32 v3, v4  }
0x7f: {  	v4 =	vperm.xlane v3, v0;
	_ =	sdelay $0x1  }
0x80: {  	v4 =	vadd.s32 v1, v4;
	_ =	sdelay $0x1  }
0x81: {  	v3 =	vperm.xlane v3, v2;
	_ =	sdelay $0x1  }
0x82: {  	v3 =	vadd.s32 v1, v3  }
0x83: {  	[tilespmem:s19], [sflag:$0x4] =	stream.indirect_vreg.gather [hbm4b:s3+s2], $0x80, v4, vm0, $0xb8;
	[tilespmem:$0x10080] =	vst v63  }
0x84: {  	_ = 	snop  }
0x85: {  	[tilespmem:s20], [sflag:$0x4] =	stream.indirect_vreg.gather [hbm4b:s4+s2], $0x80, v4, vm0, $0xb8;
	[tilespmem:$0x10080] =	vst v63  }
0x86: {  	_ = 	snop  }
0x87: {  	[tilespmem:s21], [sflag:$0x4] =	stream.indirect_vreg.gather [hbm4b:s3+s2], $0x80, v3, vm0, $0xb8;
	[tilespmem:$0x10080] =	vst v63  }
0x88: {  	_ = 	snop  }
0x89: {  	[tilespmem:s22], [sflag:$0x4] =	stream.indirect_vreg.gather [hbm4b:s4+s2], $0x80, v3, vm0, $0xb8;
	[tilespmem:$0x10080] =	vst v63  }
0x8a: {  	v3 =	vld [tilespmem:$0x70];
	_ =	sdelay $0x4  }
0x8b: {  	v63 =	vshll.u32 v3, $0x2  }
0x8c: {  	v3 =	vand.u32 $0x7, v3;
	v4 =	vand.u32 $0xFFFFFFE0, v63  }
0x8d: {  	v3 =	vor.u32 v3, v4  }
0x8e: {  	v4 =	vperm.xlane v3, v0;
	_ =	sdelay $0x1  }
0x8f: {  	v4 =	vadd.s32 v1, v4;
	_ =	sdelay $0x1  }
0x90: {  	v3 =	vperm.xlane v3, v2;
	_ =	sdelay $0x1  }
0x91: {  	v3 =	vadd.s32 v1, v3  }
0x92: {  	[tilespmem:s23], [sflag:$0x4] =	stream.indirect_vreg.gather [hbm4b:s3+s2], $0x80, v4, vm0, $0xb8;
	[tilespmem:$0x10080] =	vst v63  }
0x93: {  	_ = 	snop  }
0x94: {  	[tilespmem:s24], [sflag:$0x4] =	stream.indirect_vreg.gather [hbm4b:s4+s2], $0x80, v4, vm0, $0xb8;
	[tilespmem:$0x10080] =	vst v63  }
0x95: {  	_ = 	snop  }
0x96: {  	[tilespmem:s25], [sflag:$0x4] =	stream.indirect_vreg.gather [hbm4b:s3+s2], $0x80, v3, vm0, $0xb8;
	[tilespmem:$0x10080] =	vst v63  }
0x97: {  	_ = 	snop  }
0x98: {  	[tilespmem:s26], [sflag:$0x4] =	stream.indirect_vreg.gather [hbm4b:s4+s2], $0x80, v3, vm0, $0xb8;
	[tilespmem:$0x10080] =	vst v63  }
0x99: {  	_ =	swait.ge [sflag:s28], $0x4000  }
0x9a: {  	[sflag:s28] =	ssyncset.done $0x0  }
0x9b: {  	s9 =	rddreg [dreg:$0x3];
	[sflag:s28] =	ssyncadd.s32 $0xFFFFC000  }
0x9c: {  	[hbm4b:s9+s2] =	stream.linear.scatter [tilespmem:s7], [sflag:$0x5], $0x4000, $0x38;
	[tilespmem:$0x10080] =	vst v63  }
0x9d: {  	_ =	swait.ge [sflag:s29], $0x4000  }
0x9e: {  	[sflag:s29] =	ssyncset.done $0x0  }
0x9f: {  	s9 =	rddreg [dreg:$0x4];
	[sflag:s29] =	ssyncadd.s32 $0xFFFFC000  }
0xa0: {  	[hbm4b:s9+s2] =	stream.linear.scatter [tilespmem:s8], [sflag:$0x5], $0x4000, $0x38;
	[tilespmem:$0x10080] =	vst v63  }
0xa1: {  	_ =	swait.ge [sflag:s30], $0x4000  }
0xa2: {  	[sflag:s30] =	ssyncset.done $0x0  }
0xa3: {  	s9 =	rddreg [dreg:$0x5];
	[sflag:s30] =	ssyncadd.s32 $0xFFFFC000  }
0xa4: {  	[hbm4b:s9+s2] =	stream.linear.scatter [tilespmem:s11], [sflag:$0x5], $0x4000, $0x38;
	[tilespmem:$0x10080] =	vst v63  }
0xa5: {  	_ =	swait.ge [sflag:s31], $0x4000  }
0xa6: {  	[sflag:s31] =	ssyncset.done $0x0  }
0xa7: {  	s9 =	rddreg [dreg:$0x6];
	[sflag:s31] =	ssyncadd.s32 $0xFFFFC000  }
0xa8: {  	[hbm4b:s9+s2] =	stream.linear.scatter [tilespmem:s19], [sflag:$0x5], $0x4000, $0x38;
	[tilespmem:$0x10080] =	vst v63  }
0xa9: {  	_ =	swait.ge [sflag:s1], $0x4000  }
0xaa: {  	[sflag:s1] =	ssyncset.done $0x0  }
0xab: {  	[sflag:s1] =	ssyncadd.s32 $0xFFFFC000  }
0xac: {  	_ =	swait.ge [sflag:s1], $0x4000  }
0xad: {  	[sflag:s1] =	ssyncset.done $0x0  }
0xae: {  	[sflag:s1] =	ssyncadd.s32 $0xFFFFC000  }
0xaf: {  	p0 =	sne.s32 s5, $0x1;
	_ =	swait.ge [sflag:s1], $0x4000  }
.Ltmp0:
0xb0: {  	[sflag:s1] =	ssyncset.done $0x0;
	(pc) =	sbr.rel @p0 .LBB2_1-.Ltmp0, $4  }
0xb1: {  	[sflag:s1] =	ssyncadd.s32 $0xFFFFC000  }
0xb2: {  	_ =	swait.ge [sflag:s1], $0x4000  }
0xb3: {  	[sflag:s1] =	ssyncset.done $0x0  }
0xb4: {  	s5 =	sadd.s32 $0xFFFFFFFF, s5;
	[sflag:s1] =	ssyncadd.s32 $0xFFFFC000  }
0xb5: {  	_ =	sfence.sel $0x180000  }
0xb6: {  	[bflag:$0x0] =	sbarrier.arrive $0xFFFF  }
0xb7: {  	_ =	strace $0x9000004A  }
0xb8: {  	s0 =	stileid.u32;
	[bflag:$0x2] =	sbarrier.arrive $0xFFFF  }
0xb9: {  	p0 =	sne.s32 s0, $0x0;
	s0 =	rddreg [dreg:$0x1]  }
0xba: {  	s0 =	sadd.s32 @!p0 $0x100000, s0  }
0xbb: {  	[sflag:s0] =	ssyncadd.tile.s32 @!p0 $0x1;
	_ =	shalt  }
.Lfunc_end2:
_tile_overlayer_lowered:
.L_overlay_start_2:
0xbc: {  	(tag) =	ssettag $0x2  }
0xbd: {  	s0 =	rddreg [dreg:$0x0];
	s2 =	stileid.u32  }
0xbe: {  	s1 =	rddreg [dreg:$0x1];
	p0 =	sne.s32 s2, $0x0  }
0xbf: {  	s3 =	rddreg [dreg:$0x2];
	[bflag:$0x3] =	sbarrier.arrive $0xFFFF;
	s2 =	simm.s32 @!p0 $0x1C06  }
0xc0: {  	[timem:s3], [sflag:s2] =	dma.local @!p0 [hbm:s0], s1  }
0xc1: {  	s0 =	simm.s32 @!p0 $0x6  }
0xc2: {  	_ =	swait.ge @!p0 [sflag:s0], s1  }
0xc3: {  	s1 =	ssub.s32 @!p0 $0x0, s1;
	[sflag:s0] =	ssyncset.done @!p0 $0x0  }
0xc4: {  	[sflag:s0] =	ssyncadd.s32 @!p0 s1  }
0xc5: {  	[bflag:$0x3] =	sbarrier.arrive $0xFFFF  }
0xc6: {  	_ =	shalt  }

// kernel: kernel.16.cloned.1.call-start
scs
__scs_entry_jumppad:
0x0: {  	(pc) =	sbr.rel $0x88, $3  }
0x1: {  	(tag) =	ssettag $0x0;
	lr =	simm.s32 $0x1  }
0x2: {  	[smem:$0x3F93] =	sst lr;
	_ =	strace $0xD0000000  }
0x3: {  	_ = 	snop  }
0x4: {  	_ = 	snop  }
0x5: {  	_ = 	snop  }
0x6: {  	_ = 	snop  }
0x7: {  	_ = 	snop  }
__scs_overlays_trampoline_lowered:
0x8: {  	[smem:$0x3FA2] =	sst s0  }
0x9: {  	[smem:$0x3FA3] =	sst s1  }
0xa: {  	[smem:$0x3FA4] =	sst s2  }
0xb: {  	[smem:$0x3FA5] =	sst s3  }
0xc: {  	[smem:$0x3FA6] =	sst s4  }
0xd: {  	[smem:$0x3FA7] =	sst s5  }
0xe: {  	[smem:$0x3FA8] =	sst s6  }
0xf: {  	[smem:$0x3FA9] =	sst s7  }
0x10: {  	[smem:$0x3FAA] =	sst s8  }
0x11: {  	[smem:$0x3FAB] =	sst s9;
	s0 =	simm.s32 @!p0 $0x0  }
0x12: {  	s1 =	sld [smem:$0x3F91];
	s0 =	simm.s32 @p0 $0x1  }
0x13: {  	[smem:$0x3FAC] =	sst s0;
	s0 =	simm.s32 @!p1 $0x0  }
0x14: {  	s2 =	sld [smem:$0x3F90];
	s0 =	simm.s32 @p1 $0x1  }
0x15: {  	[smem:$0x3FAD] =	sst s0;
	s0 =	simm.s32 @!p2 $0x0  }
0x16: {  	s3 =	sld [smem:$0x3FDB];
	s0 =	simm.s32 @p2 $0x1  }
0x17: {  	s4 =	simm.s32 $0x1BF5;
	[smem:$0x3FAF] =	sst s0  }
0x18: {  	s0 =	sld [smem:$0x3F92];
	_ =	swait.ge [sflag:s4], $0x0  }
0x19: {  	s7 =	sld [smem:$0x3F93]  }
0x1a: {  	s8 =	sadd.s32 $0xFFFFE003, lr  }
0x1b: {  	s9 =	sadd.s32 $0xFFFFFEF7, lr;
	s5 =	simm.s32 $0xFFFFFFFF;
	p2 =	slt.u32 s8, $0xFFFFF086  }
0x1c: {  	p1 =	slt.u32 s9, $0xF7A;
	s5 =	simm.s32 @!p2 $0x0  }
0x1d: {  	s5 =	simm.s32 @p1 $0x1;
	p0 =	seq.s32 s7, s2  }
0x1e: {  	s7 =	smul.u32 @!p0 $0xF7A, s2;
	p2 =	seq.s32 @!p0 s5, $0x0  }
0x1f: {  	s9 =	smul.u32 $0xF7A, s1;
	s8 =	simm.s32 @!p0 $0x1BF5;
	p2 =	por !p2, p0  }
0x20: {  	[sflag:s8] =	ssyncset.s32 @!p0 $0xFFFFF086;
	s6 =	sadd.s32 @!p0 s3, s7;
	s7 =	simm.s32 @!p0 $0x108  }
0x21: {  	s3 =	sadd.s32 s3, s9;
	s6 =	sadd.s32 @!p0 $0x88, s6;
	s7 =	simm.s32 @p2 $0x1082  }
0x22: {  	[simem:s7], [sflag:s8] =	dma.local @!p0 [hbm:s6], $0xF7A  }
0x23: {  	s9 =	sor.u32 $0xD0000000, s2;
	s6 =	simm.s32 $0x108;
	_ =	swait.ge @!p0 [sflag:s8], $0x0  }
0x24: {  	s3 =	sadd.s32 $0x88, s3;
	s6 =	simm.s32 @!p1 $0x1082;
	[sflag:s4] =	ssyncset.s32 $0xFFFFF086  }
0x25: {  	[simem:s6], [sflag:s4] =	dma.local [hbm:s3], $0xF7A  }
0x26: {  	[smem:$0x3F93] =	sst s1;
	(tag) =	ssettag s2;
	_ =	strace s9  }
0x27: {  	s1 =	sld [smem:$0x3FA3]  }
0x28: {  	s2 =	sld [smem:$0x3FA4]  }
0x29: {  	s4 =	sld [smem:$0x3FA6]  }
0x2a: {  	p0 =	seq.s32 s5, $0x0;
	s5 =	sld [smem:$0x3FA7]  }
0x2b: {  	s6 =	sld [smem:$0x3FA8]  }
0x2c: {  	s7 =	sld [smem:$0x3FA9]  }
0x2d: {  	s3 =	simm.s32 $0x108;
	s8 =	sld [smem:$0x3FAA]  }
0x2e: {  	s3 =	simm.s32 @!p0 $0x1082;
	s9 =	sld [smem:$0x3FAB]  }
0x2f: {  	lr =	sadd.s32 s0, s3;
	s0 =	sld [smem:$0x3FA2]  }
0x30: {  	s3 =	sld [smem:$0x3FA5]  }
0x31: {  	[smem:$0x3FAE] =	sst s10  }
0x32: {  	s10 =	sld [smem:$0x3FAC];
	_ =	sdelay $0x3  }
0x33: {  	p0 =	seq.s32 s10, $0x1;
	s10 =	sld [smem:$0x3FAE];
	_ =	sdelay $0x3  }
0x34: {  	[smem:$0x3FAE] =	sst s10  }
0x35: {  	s10 =	sld [smem:$0x3FAD];
	_ =	sdelay $0x3  }
0x36: {  	p1 =	seq.s32 s10, $0x1;
	s10 =	sld [smem:$0x3FAE];
	_ =	sdelay $0x3  }
0x37: {  	[smem:$0x3FAE] =	sst s10  }
0x38: {  	s10 =	sld [smem:$0x3FAF]  }
0x39: {  	_ = 	snop;
	(pc) =	sbr.ind lr, $3  }
0x3a: {  	_ = 	snop  }
0x3b: {  	_ = 	snop  }
0x3c: {  	p2 =	seq.s32 s10, $0x1;
	s10 =	sld [smem:$0x3FAE]  }
0x3d: {  	_ =	shalt  }
0x3e: {  	_ =	shalt  }
0x3f: {  	_ =	shalt  }
0x40: {  	_ =	shalt  }
0x41: {  	_ =	shalt  }
0x42: {  	_ =	shalt  }
0x43: {  	_ =	shalt  }
0x44: {  	_ =	shalt  }
0x45: {  	_ =	shalt  }
0x46: {  	_ =	shalt  }
0x47: {  	_ =	shalt  }
0x48: {  	_ =	shalt  }
0x49: {  	_ =	shalt  }
0x4a: {  	_ =	shalt  }
0x4b: {  	_ =	shalt  }
0x4c: {  	_ =	shalt  }
0x4d: {  	_ =	shalt  }
0x4e: {  	_ =	shalt  }
0x4f: {  	_ =	shalt  }
0x50: {  	_ =	shalt  }
0x51: {  	_ =	shalt  }
0x52: {  	_ =	shalt  }
0x53: {  	_ =	shalt  }
0x54: {  	_ =	shalt  }
0x55: {  	_ =	shalt  }
0x56: {  	_ =	shalt  }
0x57: {  	_ =	shalt  }
0x58: {  	_ =	shalt  }
0x59: {  	_ =	shalt  }
0x5a: {  	_ =	shalt  }
0x5b: {  	_ =	shalt  }
0x5c: {  	_ =	shalt  }
0x5d: {  	_ =	shalt  }
0x5e: {  	_ =	shalt  }
0x5f: {  	_ =	shalt  }
0x60: {  	_ =	shalt  }
0x61: {  	_ =	shalt  }
0x62: {  	_ =	shalt  }
0x63: {  	_ =	shalt  }
0x64: {  	_ =	shalt  }
0x65: {  	_ =	shalt  }
0x66: {  	_ =	shalt  }
0x67: {  	_ =	shalt  }
0x68: {  	_ =	shalt  }
0x69: {  	_ =	shalt  }
0x6a: {  	_ =	shalt  }
0x6b: {  	_ =	shalt  }
0x6c: {  	_ =	shalt  }
0x6d: {  	_ =	shalt  }
0x6e: {  	_ =	shalt  }
0x6f: {  	_ =	shalt  }
0x70: {  	_ =	shalt  }
0x71: {  	_ =	shalt  }
0x72: {  	_ =	shalt  }
0x73: {  	_ =	shalt  }
0x74: {  	_ =	shalt  }
0x75: {  	_ =	shalt  }
0x76: {  	_ =	shalt  }
0x77: {  	_ =	shalt  }
0x78: {  	_ =	shalt  }
0x79: {  	_ =	shalt  }
0x7a: {  	_ =	shalt  }
0x7b: {  	_ =	shalt  }
0x7c: {  	_ =	shalt  }
0x7d: {  	_ =	shalt  }
0x7e: {  	_ =	shalt  }
0x7f: {  	_ =	shalt  }
0x80: {  	_ =	shalt  }
0x81: {  	_ =	shalt  }
0x82: {  	_ =	shalt  }
0x83: {  	_ =	shalt  }
0x84: {  	_ =	shalt  }
0x85: {  	_ =	shalt  }
0x86: {  	_ =	shalt  }
0x87: {  	_ =	shalt  }
.Lfunc_end0:
.L_simem_size_0:
called_computation.2_lowered:
.L_overlay_start_0:
0x88: {  	s2 =	sld [smem:$0x3FD9]  }
0x89: {  	s3 =	sld [smem:$0x3FFE];
	_ =	sdelay $0x1  }
0x8a: {  	s1 =	srdreg.scid  }
0x8b: {  	s0 =	sand.u32 $0x1, s1  }
0x8c: {  	s17 =	sshll.u32 s0, $0xA;
	s2 =	sadd.s32 s3, s2  }
0x8d: {  	s2 =	sadd.s32 s2, s17  }
0x8e: {  	[smem:$0x3FBA] =	sst s2  }
0x8f: {  	_ = 	snop  }
0x90: {  	s18 =	sld [smem:$0x3FD0];
	(tm) =	ssettm $0x1  }
0x91: {  	s19 =	sld [smem:$0x3FFB];
	_ =	sdelay $0x3  }
0x92: {  	_ =	strace s19  }
0x93: {  	s2 =	sld [smem:$0x3FFC];
	_ =	sdelay $0x3  }
0x94: {  	_ =	strace s2  }
0x95: {  	s2 =	sld [smem:$0x3FFD];
	_ =	sdelay $0x3  }
0x96: {  	_ =	strace s2  }
0x97: {  	_ =	strace $0x8FFFFFFF  }
0x98: {  	s20 =	sld [smem:$0x3FDB];
	_ =	sdelay $0x1  }
0x99: {  	s4 =	simm.s32 $_scs_section_size  }
0x9a: {  	s5 =	simm.s32 $_size__tile_overlayer_lowered;
	s6 =	simm.s32 $_tile_overlayer_lowered  }
0x9b: {  	s7 =	simm.s32 $0x1BFF;
	s21 =	sshll.u32 s6, $0x1;
	s4 =	sadd.s32 s4, s20  }
0x9c: {  	s22 =	simm.s32 $0x0;
	s5 =	sshll.u32 s5, $0x1;
	s6 =	sadd.s32 s21, s4  }
0x9d: {  	[timem:s22], [sflag:s7] =	dma.local [hbm:s6], s5  }
0x9e: {  	_ =	swait.ge [sflag:s7], s5  }
0x9f: {  	s5 =	ssub.s32 $0x0, s5;
	[sflag:s7] =	ssyncset.done $0x0  }
0xa0: {  	[sflag:s7] =	ssyncadd.s32 s5;
	_ =	sdelay $0x1  }
0xa1: {  	s23 =	simm.s32 $0x1B8B  }
0xa2: {  	_ =	swait.ge [sflag:s23], $0x1  }
0xa3: {  	[sflag:s23] =	ssyncset.done $0x0  }
0xa4: {  	[sflag:s23] =	ssyncadd.s32 $0xFFFFFFFF  }
0xa5: {  	s5 =	sld [smem:$0x0]  }
0xa6: {  	s6 =	sand.u32 $0xFFFFFFFE, s1  }
0xa7: {  	p0 =	sne.s32 s1, s6  }
0xa8: {  	s6 =	sshll.u32 @p0 s6, $0xE  }
0xa9: {  	s6 =	sadd.s32 @p0 $0x11B8D, s6;
	s7 =	sshll.u32 @p0 s5, $0x11  }
0xaa: {  	s6 =	sor.u32 @p0 s7, s6  }
0xab: {  	[sflag:s6] =	ssyncadd.remote.s32 @p0 $0x1;
	_ =	sdelay $0x1  }
0xac: {  	s6 =	simm.s32 @p0 $0x1B8D  }
0xad: {  	_ =	swait.eq @p0 [sflag:s6], $0x1  }
0xae: {  	[sflag:s6] =	ssyncadd.s32 @p0 $0xFFFFFFFF  }
0xaf: {  	s7 =	sshll.u32 @!p0 s1, $0xE  }
0xb0: {  	s7 =	sor.u32 @!p0 $0x4000, s7;
	s6 =	simm.s32 @!p0 $0x1B8D  }
0xb1: {  	s5 =	sshll.u32 @!p0 s5, $0x11;
	s7 =	sadd.s32 @!p0 $0x11B8D, s7;
	_ =	swait.eq @!p0 [sflag:s6], $0x1  }
0xb2: {  	s5 =	sor.u32 @!p0 s5, s7;
	[sflag:s6] =	ssyncadd.s32 @!p0 $0xFFFFFFFF  }
0xb3: {  	s25 =	simm.s32 $0x1B8E;
	s24 =	sld [smem:$0x3FFE];
	[sflag:s5] =	ssyncadd.remote.s32 @!p0 $0x1  }
0xb4: {  	s26 =	simm.s32 $execute0_lowered;
	[smem:$0x3FD2] =	sst s25  }
0xb5: {  	s6 =	sshll.u32 s26, $0x1;
	_ =	strace $0x8000004C;
	[dreg:$0x1] =	wrdreg $0xFFFFFFFF  }
0xb6: {  	s28 =	simm.s32 $_size_execute0_lowered;
	s4 =	sadd.s32 s4, s6;
	[dreg:$0x0] =	wrdreg $0x0  }
0xb7: {  	s6 =	sshll.u32 s28, $0x1;
	[dreg:$0x2] =	wrdreg s4  }
0xb8: {  	[dreg:$0x3] =	wrdreg s6  }
0xb9: {  	[dreg:$0x4] =	wrdreg $0xC0  }
0xba: {  	_ =	task [dreg:s22], $0x5FFFF  }
0xbb: {  	[dreg:$0x1] =	wrdreg $0xFFFFFFFF  }
0xbc: {  	[dreg:$0x0] =	wrdreg $0x60  }
0xbd: {  	[dreg:$0x2] =	wrdreg s24  }
0xbe: {  	[dreg:$0x3] =	wrdreg s18  }
0xbf: {  	[dreg:$0x4] =	wrdreg $0xA  }
0xc0: {  	_ =	task.clear_ibuf [dreg:s22], $0x5FFFF;
	_ =	strace $0x9000004C  }
0xc1: {  	s29 =	simm.s32 $0xA;
	_ =	strace $0x8000004E  }
0xc2: {  	_ =	swait.ge [sflag:s29], $0x1  }
0xc3: {  	[sflag:s29] =	ssyncadd.s32 $0xFFFFFFFF  }
0xc4: {  	_ =	strace $0x9000004E  }
0xc5: {  	_ =	sfence  }
0xc6: {  	s30 =	sld [smem:$0x0];
	_ =	sdelay $0x2  }
0xc7: {  	s31 =	sshll.u32 s1, $0xD;
	s1 =	sshrl.u32 s1, $0x2  }
0xc8: {  	s4 =	sand.u32 $0x4000, s31;
	s1 =	sadd.s32 s1, s30  }
0xc9: {  	s0 =	sor.u32 s4, s0;
	s1 =	sshll.u32 s1, $0x11  }
0xca: {  	s0 =	sor.u32 s1, s0  }
0xcb: {  	s0 =	sadd.s32 $0x8F2B, s0  }
0xcc: {  	[sflag:s0] =	ssyncadd.remote.s32 $0x1  }
0xcd: {  	_ =	sfence.sel $0xFFFF  }
0xce: {  	[dreg:$0x0] =	wrdreg $0xFFFFFFFF;
	(pc) =	sbr.abs _section_cstart, $3  }
0xcf: {  	[dreg:$0x1] =	wrdreg $0xFFFFFFFF  }
0xd0: {  	_ =	task.clear_ibuf [dreg:s22], $0x2FFFF;
	_ =	strace $0x9FFFFFFF  }
0xd1: {  	(tm) =	ssettm $0x7FFFFFFF  }
tec
execute0_lowered:
.L_overlay_start_1:
0x0: {  	(tag) =	ssettag $0x1  }
0x1: {  	s1 =	srdreg.scid  }
0x2: {  	s0 =	stileid.u32;
	s5 =	rddreg [dreg:$0x0];
	s1 =	sand.u32 $0x1, s1  }
0x3: {  	s4 =	rddreg [dreg:$0x1];
	s2 =	sshll.u32 s0, $0x8;
	s3 =	sshll.u32 s1, $0x7  }
0x4: {  	s14 =	simm.s32 $0x880;
	s3 =	sor.u32 s3, s2;
	s2 =	simm.s32 $0x0  }
0x5: {  	s15 =	simm.s32 $0x1080;
	s16 =	simm.s32 $0x1880;
	[smem:$0x7FF] =	sst s2  }
0x6: {  	s17 =	simm.s32 $0x2080;
	_ =	strace $0x8000004D;
	[dreg:$0x7] =	wrdreg s14  }
0x7: {  	s18 =	simm.s32 $0x2880;
	s19 =	simm.s32 $0x3080;
	[dreg:$0x8] =	wrdreg s15  }
0x8: {  	s20 =	simm.s32 $0x3880;
	s21 =	simm.s32 $0x4880;
	[dreg:$0x9] =	wrdreg s16  }
0x9: {  	s22 =	simm.s32 $0x5080;
	s23 =	simm.s32 $0x5880;
	[dreg:$0xa] =	wrdreg s17  }
0xa: {  	s24 =	simm.s32 $0x6080;
	s25 =	simm.s32 $0x6880;
	[dreg:$0xb] =	wrdreg s18  }
0xb: {  	s8 =	simm.s32 $0x80;
	s26 =	simm.s32 $0x7080;
	[dreg:$0xc] =	wrdreg s19  }
0xc: {  	s9 =	simm.s32 $0x4080;
	s11 =	simm.s32 $0x8080;
	[dreg:$0xd] =	wrdreg s20  }
0xd: {  	s28 =	simm.s32 $0x1;
	s29 =	simm.s32 $0x2;
	[dreg:$0xe] =	wrdreg s21  }
0xe: {  	s30 =	simm.s32 $0x3;
	s1 =	ssub.s32 $0x2, s1;
	[dreg:$0xf] =	wrdreg s22  }
0xf: {  	s31 =	simm.s32 $0x4;
	s7 =	sshrl.u32 s1, $0x1;
	[dreg:$0x10] =	wrdreg s23  }
0x10: {  	s6 =	sshrl.u32 s3, $0x3;
	s3 =	sshll.u32 s3, $0x6;
	[dreg:$0x11] =	wrdreg s24  }
0x11: {  	s1 =	ssub.s32 s1, s7;
	s7 =	simm.s32 $0x6;
	[dreg:$0x12] =	wrdreg s25  }
0x12: {  	s6 =	sadd.s32 s6, s5;
	s3 =	sadd.s32 s4, s3;
	[dreg:$0x13] =	wrdreg s26  }
0x13: {  	s14 =	simm.s32 $0x9880;
	s15 =	simm.s32 $0xA080;
	s16 =	simm.s32 $0xA880  }
0x14: {  	s17 =	simm.s32 $0xB080;
	s18 =	simm.s32 $0xB880;
	s19 =	simm.s32 $0xC080  }
0x15: {  	s20 =	simm.s32 $0xC880;
	s21 =	simm.s32 $0xD080;
	s6 =	sadd.s32 $0x23C00, s6  }
0x16: {  	s22 =	simm.s32 $0xD880;
	s4 =	sadd.s32 $0x800, s3;
	[dreg:$0x3] =	wrdreg s6  }
0x17: {  	s23 =	simm.s32 $0xE080;
	s12 =	sadd.s32 $0x1000, s3;
	[dreg:$0x4] =	wrdreg s4  }
0x18: {  	s24 =	simm.s32 $0xE880;
	s13 =	sadd.s32 $0x1800, s3;
	[dreg:$0x5] =	wrdreg s12  }
0x19: {  	v2 =	vlaneseq.u32;
	s25 =	simm.s32 $0xF080;
	s26 =	simm.s32 $0xF880;
	[dreg:$0x6] =	wrdreg s13  }
0x1a: {  	vm0 =	vmmov $0xffff;
	v1 =	vshrl.u32 v2, $0x3;
	s4 =	sadd.s32 $0x3400, s5;
	s5 =	sadd.s32 $0x3500, s5;
	s6 =	smax.u32 s1, $0x1  }
0x1b: {  	v0 =	vand.u32 $0x7, v2;
	v2 =	vor.u32 $0x8, v2;
	v1 =	vmul.u32 $0x8, v1;
	s12 =	simm.s32 $0x8880;
	s13 =	simm.s32 $0x9080;
	s1 =	simm.s32 $0x5  }
.LBB2_1:
0x1c: {  	s0 =	rddreg [dreg:$0x3]  }
0x1d: {  	[tilespmem:s2], [sflag:$0x6] =	stream.linear.gather [hbm4b:s0+s2], $0x80, $0x38;
	[tilespmem:$0x10080] =	vst v63  }
0x1e: {  	_ =	swait.ge [sflag:s7], $0x80  }
0x1f: {  	[sflag:s7] =	ssyncset.done $0x0  }
0x20: {  	[sflag:s7] =	ssyncadd.s32 $0xFFFFFF80  }
0x21: {  	v3 =	vld [tilespmem:$0x0];
	_ =	sdelay $0x4  }
0x22: {  	v4 =	vshll.u32 v3, $0x2  }
0x23: {  	v3 =	vand.u32 $0x7, v3;
	v4 =	vand.u32 $0xFFFFFFE0, v4  }
0x24: {  	v3 =	vor.u32 v3, v4  }
0x25: {  	v4 =	vperm.xlane v3, v0;
	_ =	sdelay $0x1  }
0x26: {  	v4 =	vadd.s32 v1, v4;
	_ =	sdelay $0x1  }
0x27: {  	v3 =	vperm.xlane v3, v2;
	_ =	sdelay $0x1  }
0x28: {  	v3 =	vadd.s32 v1, v3  }
0x29: {  	[tilespmem:s8], [sflag:$0x1] =	stream.indirect_vreg.gather [hbm4b:s4+s2], $0x80, v4, vm0, $0xb8;
	[tilespmem:$0x10080] =	vst v63  }
0x2a: {  	s0 =	rddreg [dreg:$0x7]  }
0x2b: {  	[tilespmem:s0], [sflag:$0x1] =	stream.indirect_vreg.gather [hbm4b:s5+s2], $0x80, v4, vm0, $0xb8;
	[tilespmem:$0x10080] =	vst v63  }
0x2c: {  	s10 =	rddreg [dreg:$0x8]  }
0x2d: {  	[tilespmem:s10], [sflag:$0x1] =	stream.indirect_vreg.gather [hbm4b:s4+s2], $0x80, v3, vm0, $0xb8;
	[tilespmem:$0x10080] =	vst v63  }
0x2e: {  	s0 =	rddreg [dreg:$0x9]  }
0x2f: {  	[tilespmem:s0], [sflag:$0x1] =	stream.indirect_vreg.gather [hbm4b:s5+s2], $0x80, v3, vm0, $0xb8;
	[tilespmem:$0x10080] =	vst v63  }
0x30: {  	v3 =	vld [tilespmem:$0x10];
	_ =	sdelay $0x4  }
0x31: {  	v57 =	vshll.u32 v3, $0x2  }
0x32: {  	v3 =	vand.u32 $0x7, v3;
	v4 =	vand.u32 $0xFFFFFFE0, v57  }
0x33: {  	v3 =	vor.u32 v3, v4  }
0x34: {  	v4 =	vperm.xlane v3, v0;
	_ =	sdelay $0x1  }
0x35: {  	v4 =	vadd.s32 v1, v4;
	_ =	sdelay $0x1  }
0x36: {  	v3 =	vperm.xlane v3, v2;
	_ =	sdelay $0x1  }
0x37: {  	s0 =	rddreg [dreg:$0xa];
	v3 =	vadd.s32 v1, v3  }
0x38: {  	[tilespmem:s0], [sflag:$0x1] =	stream.indirect_vreg.gather [hbm4b:s4+s2], $0x80, v4, vm0, $0xb8;
	[tilespmem:$0x10080] =	vst v63  }
0x39: {  	s10 =	rddreg [dreg:$0xb]  }
0x3a: {  	[tilespmem:s10], [sflag:$0x1] =	stream.indirect_vreg.gather [hbm4b:s5+s2], $0x80, v4, vm0, $0xb8;
	[tilespmem:$0x10080] =	vst v63  }
0x3b: {  	s0 =	rddreg [dreg:$0xc]  }
0x3c: {  	[tilespmem:s0], [sflag:$0x1] =	stream.indirect_vreg.gather [hbm4b:s4+s2], $0x80, v3, vm0, $0xb8;
	[tilespmem:$0x10080] =	vst v63  }
0x3d: {  	s10 =	rddreg [dreg:$0xd]  }
0x3e: {  	[tilespmem:s10], [sflag:$0x1] =	stream.indirect_vreg.gather [hbm4b:s5+s2], $0x80, v3, vm0, $0xb8;
	[tilespmem:$0x10080] =	vst v63  }
0x3f: {  	v3 =	vld [tilespmem:$0x20];
	_ =	sdelay $0x4  }
0x40: {  	v58 =	vshll.u32 v3, $0x2  }
0x41: {  	v3 =	vand.u32 $0x7, v3;
	v4 =	vand.u32 $0xFFFFFFE0, v58  }
0x42: {  	v3 =	vor.u32 v3, v4  }
0x43: {  	v4 =	vperm.xlane v3, v0;
	_ =	sdelay $0x1  }
0x44: {  	v4 =	vadd.s32 v1, v4;
	_ =	sdelay $0x1  }
0x45: {  	v3 =	vperm.xlane v3, v2;
	_ =	sdelay $0x1  }
0x46: {  	v3 =	vadd.s32 v1, v3  }
0x47: {  	[tilespmem:s9], [sflag:$0x2] =	stream.indirect_vreg.gather [hbm4b:s4+s2], $0x80, v4, vm0, $0xb8;
	[tilespmem:$0x10080] =	vst v63  }
0x48: {  	s0 =	rddreg [dreg:$0xe]  }
0x49: {  	[tilespmem:s0], [sflag:$0x2] =	stream.indirect_vreg.gather [hbm4b:s5+s2], $0x80, v4, vm0, $0xb8;
	[tilespmem:$0x10080] =	vst v63  }
0x4a: {  	s10 =	rddreg [dreg:$0xf]  }
0x4b: {  	[tilespmem:s10], [sflag:$0x2] =	stream.indirect_vreg.gather [hbm4b:s4+s2], $0x80, v3, vm0, $0xb8;
	[tilespmem:$0x10080] =	vst v63  }
0x4c: {  	s0 =	rddreg [dreg:$0x10]  }
0x4d: {  	[tilespmem:s0], [sflag:$0x2] =	stream.indirect_vreg.gather [hbm4b:s5+s2], $0x80, v3, vm0, $0xb8;
	[tilespmem:$0x10080] =	vst v63  }
0x4e: {  	v3 =	vld [tilespmem:$0x30];
	_ =	sdelay $0x4  }
0x4f: {  	v59 =	vshll.u32 v3, $0x2  }
0x50: {  	v3 =	vand.u32 $0x7, v3;
	v4 =	vand.u32 $0xFFFFFFE0, v59  }
0x51: {  	v3 =	vor.u32 v3, v4  }
0x52: {  	v4 =	vperm.xlane v3, v0;
	_ =	sdelay $0x1  }
0x53: {  	v4 =	vadd.s32 v1, v4;
	_ =	sdelay $0x1  }
0x54: {  	v3 =	vperm.xlane v3, v2;
	_ =	sdelay $0x1  }
0x55: {  	s0 =	rddreg [dreg:$0x11];
	v3 =	vadd.s32 v1, v3  }
0x56: {  	[tilespmem:s0], [sflag:$0x2] =	stream.indirect_vreg.gather [hbm4b:s4+s2], $0x80, v4, vm0, $0xb8;
	[tilespmem:$0x10080] =	vst v63  }
0x57: {  	s10 =	rddreg [dreg:$0x12]  }
0x58: {  	[tilespmem:s10], [sflag:$0x2] =	stream.indirect_vreg.gather [hbm4b:s5+s2], $0x80, v4, vm0, $0xb8;
	[tilespmem:$0x10080] =	vst v63  }
0x59: {  	s0 =	rddreg [dreg:$0x13]  }
0x5a: {  	[tilespmem:s0], [sflag:$0x2] =	stream.indirect_vreg.gather [hbm4b:s4+s2], $0x80, v3, vm0, $0xb8;
	[tilespmem:$0x10080] =	vst v63  }
0x5b: {  	s10 =	simm.s32 $0x7880  }
0x5c: {  	[tilespmem:s10], [sflag:$0x2] =	stream.indirect_vreg.gather [hbm4b:s5+s2], $0x80, v3, vm0, $0xb8;
	[tilespmem:$0x10080] =	vst v63  }
0x5d: {  	v3 =	vld [tilespmem:$0x40];
	_ =	sdelay $0x4  }
0x5e: {  	v60 =	vshll.u32 v3, $0x2  }
0x5f: {  	v3 =	vand.u32 $0x7, v3;
	v4 =	vand.u32 $0xFFFFFFE0, v60  }
0x60: {  	v3 =	vor.u32 v3, v4  }
0x61: {  	v4 =	vperm.xlane v3, v0;
	_ =	sdelay $0x1  }
0x62: {  	v4 =	vadd.s32 v1, v4;
	_ =	sdelay $0x1  }
0x63: {  	v3 =	vperm.xlane v3, v2;
	_ =	sdelay $0x1  }
0x64: {  	v3 =	vadd.s32 v1, v3  }
0x65: {  	[tilespmem:s11], [sflag:$0x3] =	stream.indirect_vreg.gather [hbm4b:s4+s2], $0x80, v4, vm0, $0xb8;
	[tilespmem:$0x10080] =	vst v63  }
0x66: {  	_ = 	snop  }
0x67: {  	[tilespmem:s12], [sflag:$0x3] =	stream.indirect_vreg.gather [hbm4b:s5+s2], $0x80, v4, vm0, $0xb8;
	[tilespmem:$0x10080] =	vst v63  }
0x68: {  	_ = 	snop  }
0x69: {  	[tilespmem:s13], [sflag:$0x3] =	stream.indirect_vreg.gather [hbm4b:s4+s2], $0x80, v3, vm0, $0xb8;
	[tilespmem:$0x10080] =	vst v63  }
0x6a: {  	_ = 	snop  }
0x6b: {  	[tilespmem:s14], [sflag:$0x3] =	stream.indirect_vreg.gather [hbm4b:s5+s2], $0x80, v3, vm0, $0xb8;
	[tilespmem:$0x10080] =	vst v63  }
0x6c: {  	v3 =	vld [tilespmem:$0x50];
	_ =	sdelay $0x4  }
0x6d: {  	v61 =	vshll.u32 v3, $0x2  }
0x6e: {  	v3 =	vand.u32 $0x7, v3;
	v4 =	vand.u32 $0xFFFFFFE0, v61  }
0x6f: {  	v3 =	vor.u32 v3, v4  }
0x70: {  	v4 =	vperm.xlane v3, v0;
	_ =	sdelay $0x1  }
0x71: {  	v4 =	vadd.s32 v1, v4;
	_ =	sdelay $0x1  }
0x72: {  	v3 =	vperm.xlane v3, v2;
	_ =	sdelay $0x1  }
0x73: {  	v3 =	vadd.s32 v1, v3  }
0x74: {  	[tilespmem:s15], [sflag:$0x3] =	stream.indirect_vreg.gather [hbm4b:s4+s2], $0x80, v4, vm0, $0xb8;
	[tilespmem:$0x10080] =	vst v63  }
0x75: {  	_ = 	snop  }
0x76: {  	[tilespmem:s16], [sflag:$0x3] =	stream.indirect_vreg.gather [hbm4b:s5+s2], $0x80, v4, vm0, $0xb8;
	[tilespmem:$0x10080] =	vst v63  }
0x77: {  	_ = 	snop  }
0x78: {  	[tilespmem:s17], [sflag:$0x3] =	stream.indirect_vreg.gather [hbm4b:s4+s2], $0x80, v3, vm0, $0xb8;
	[tilespmem:$0x10080] =	vst v63  }
0x79: {  	_ = 	snop  }
0x7a: {  	[tilespmem:s18], [sflag:$0x3] =	stream.indirect_vreg.gather [hbm4b:s5+s2], $0x80, v3, vm0, $0xb8;
	[tilespmem:$0x10080] =	vst v63  }
0x7b: {  	v3 =	vld [tilespmem:$0x60];
	_ =	sdelay $0x4  }
0x7c: {  	v62 =	vshll.u32 v3, $0x2  }
0x7d: {  	v3 =	vand.u32 $0x7, v3;
	v4 =	vand.u32 $0xFFFFFFE0, v62  }
0x7e: {  	v3 =	vor.u32 v3, v4  }
0x7f: {  	v4 =	vperm.xlane v3, v0;
	_ =	sdelay $0x1  }
0x80: {  	v4 =	vadd.s32 v1, v4;
	_ =	sdelay $0x1  }
0x81: {  	v3 =	vperm.xlane v3, v2;
	_ =	sdelay $0x1  }
0x82: {  	v3 =	vadd.s32 v1, v3  }
0x83: {  	[tilespmem:s19], [sflag:$0x4] =	stream.indirect_vreg.gather [hbm4b:s4+s2], $0x80, v4, vm0, $0xb8;
	[tilespmem:$0x10080] =	vst v63  }
0x84: {  	_ = 	snop  }
0x85: {  	[tilespmem:s20], [sflag:$0x4] =	stream.indirect_vreg.gather [hbm4b:s5+s2], $0x80, v4, vm0, $0xb8;
	[tilespmem:$0x10080] =	vst v63  }
0x86: {  	_ = 	snop  }
0x87: {  	[tilespmem:s21], [sflag:$0x4] =	stream.indirect_vreg.gather [hbm4b:s4+s2], $0x80, v3, vm0, $0xb8;
	[tilespmem:$0x10080] =	vst v63  }
0x88: {  	_ = 	snop  }
0x89: {  	[tilespmem:s22], [sflag:$0x4] =	stream.indirect_vreg.gather [hbm4b:s5+s2], $0x80, v3, vm0, $0xb8;
	[tilespmem:$0x10080] =	vst v63  }
0x8a: {  	v3 =	vld [tilespmem:$0x70];
	_ =	sdelay $0x4  }
0x8b: {  	v63 =	vshll.u32 v3, $0x2  }
0x8c: {  	v3 =	vand.u32 $0x7, v3;
	v4 =	vand.u32 $0xFFFFFFE0, v63  }
0x8d: {  	v3 =	vor.u32 v3, v4  }
0x8e: {  	v4 =	vperm.xlane v3, v0;
	_ =	sdelay $0x1  }
0x8f: {  	v4 =	vadd.s32 v1, v4;
	_ =	sdelay $0x1  }
0x90: {  	v3 =	vperm.xlane v3, v2;
	_ =	sdelay $0x1  }
0x91: {  	v3 =	vadd.s32 v1, v3  }
0x92: {  	[tilespmem:s23], [sflag:$0x4] =	stream.indirect_vreg.gather [hbm4b:s4+s2], $0x80, v4, vm0, $0xb8;
	[tilespmem:$0x10080] =	vst v63  }
0x93: {  	_ = 	snop  }
0x94: {  	[tilespmem:s24], [sflag:$0x4] =	stream.indirect_vreg.gather [hbm4b:s5+s2], $0x80, v4, vm0, $0xb8;
	[tilespmem:$0x10080] =	vst v63  }
0x95: {  	_ = 	snop  }
0x96: {  	[tilespmem:s25], [sflag:$0x4] =	stream.indirect_vreg.gather [hbm4b:s4+s2], $0x80, v3, vm0, $0xb8;
	[tilespmem:$0x10080] =	vst v63  }
0x97: {  	_ = 	snop  }
0x98: {  	[tilespmem:s26], [sflag:$0x4] =	stream.indirect_vreg.gather [hbm4b:s5+s2], $0x80, v3, vm0, $0xb8;
	[tilespmem:$0x10080] =	vst v63  }
0x99: {  	_ =	swait.ge [sflag:s28], $0x4000  }
0x9a: {  	[sflag:s28] =	ssyncset.done $0x0  }
0x9b: {  	[sflag:s28] =	ssyncadd.s32 $0xFFFFC000  }
0x9c: {  	[hbm4b:s3+s2] =	stream.linear.scatter [tilespmem:s8], [sflag:$0x5], $0x4000, $0x38;
	[tilespmem:$0x10080] =	vst v63  }
0x9d: {  	_ =	swait.ge [sflag:s29], $0x4000  }
0x9e: {  	[sflag:s29] =	ssyncset.done $0x0  }
0x9f: {  	s10 =	rddreg [dreg:$0x4];
	[sflag:s29] =	ssyncadd.s32 $0xFFFFC000  }
0xa0: {  	[hbm4b:s10+s2] =	stream.linear.scatter [tilespmem:s9], [sflag:$0x5], $0x4000, $0x38;
	[tilespmem:$0x10080] =	vst v63  }
0xa1: {  	_ =	swait.ge [sflag:s30], $0x4000  }
0xa2: {  	[sflag:s30] =	ssyncset.done $0x0  }
0xa3: {  	s10 =	rddreg [dreg:$0x5];
	[sflag:s30] =	ssyncadd.s32 $0xFFFFC000  }
0xa4: {  	[hbm4b:s10+s2] =	stream.linear.scatter [tilespmem:s11], [sflag:$0x5], $0x4000, $0x38;
	[tilespmem:$0x10080] =	vst v63  }
0xa5: {  	_ =	swait.ge [sflag:s31], $0x4000  }
0xa6: {  	[sflag:s31] =	ssyncset.done $0x0  }
0xa7: {  	s10 =	rddreg [dreg:$0x6];
	[sflag:s31] =	ssyncadd.s32 $0xFFFFC000  }
0xa8: {  	[hbm4b:s10+s2] =	stream.linear.scatter [tilespmem:s19], [sflag:$0x5], $0x4000, $0x38;
	[tilespmem:$0x10080] =	vst v63  }
0xa9: {  	_ =	swait.ge [sflag:s1], $0x4000  }
0xaa: {  	[sflag:s1] =	ssyncset.done $0x0  }
0xab: {  	[sflag:s1] =	ssyncadd.s32 $0xFFFFC000  }
0xac: {  	_ =	swait.ge [sflag:s1], $0x4000  }
0xad: {  	[sflag:s1] =	ssyncset.done $0x0  }
0xae: {  	[sflag:s1] =	ssyncadd.s32 $0xFFFFC000  }
0xaf: {  	p0 =	sne.s32 s6, $0x1;
	_ =	swait.ge [sflag:s1], $0x4000  }
.Ltmp0:
0xb0: {  	[sflag:s1] =	ssyncset.done $0x0;
	(pc) =	sbr.rel @p0 .LBB2_1-.Ltmp0, $4  }
0xb1: {  	[sflag:s1] =	ssyncadd.s32 $0xFFFFC000  }
0xb2: {  	_ =	swait.ge [sflag:s1], $0x4000  }
0xb3: {  	[sflag:s1] =	ssyncset.done $0x0  }
0xb4: {  	s6 =	sadd.s32 $0xFFFFFFFF, s6;
	[sflag:s1] =	ssyncadd.s32 $0xFFFFC000  }
0xb5: {  	_ =	sfence.sel $0x180000  }
0xb6: {  	[bflag:$0x0] =	sbarrier.arrive $0xFFFF  }
0xb7: {  	_ =	strace $0x9000004D  }
0xb8: {  	s0 =	stileid.u32;
	[bflag:$0x2] =	sbarrier.arrive $0xFFFF  }
0xb9: {  	p0 =	sne.s32 s0, $0x0;
	s0 =	rddreg [dreg:$0x2]  }
0xba: {  	s0 =	sadd.s32 @!p0 $0x100000, s0  }
0xbb: {  	[sflag:s0] =	ssyncadd.tile.s32 @!p0 $0x1;
	_ =	shalt  }
.Lfunc_end2:
_tile_overlayer_lowered:
.L_overlay_start_2:
0xbc: {  	(tag) =	ssettag $0x2  }
0xbd: {  	s0 =	rddreg [dreg:$0x0];
	s2 =	stileid.u32  }
0xbe: {  	s1 =	rddreg [dreg:$0x1];
	p0 =	sne.s32 s2, $0x0  }
0xbf: {  	s3 =	rddreg [dreg:$0x2];
	[bflag:$0x3] =	sbarrier.arrive $0xFFFF;
	s2 =	simm.s32 @!p0 $0x1C06  }
0xc0: {  	[timem:s3], [sflag:s2] =	dma.local @!p0 [hbm:s0], s1  }
0xc1: {  	s0 =	simm.s32 @!p0 $0x6  }
0xc2: {  	_ =	swait.ge @!p0 [sflag:s0], s1  }
0xc3: {  	s1 =	ssub.s32 @!p0 $0x0, s1;
	[sflag:s0] =	ssyncset.done @!p0 $0x0  }
0xc4: {  	[sflag:s0] =	ssyncadd.s32 @!p0 s1  }
0xc5: {  	[bflag:$0x3] =	sbarrier.arrive $0xFFFF  }
0xc6: {  	_ =	shalt  }

// kernel: kernel.19.cloned.1.call-start
scs
__scs_entry_jumppad:
0x0: {  	(pc) =	sbr.rel $0x88, $3  }
0x1: {  	(tag) =	ssettag $0x0;
	lr =	simm.s32 $0x1  }
0x2: {  	[smem:$0x3F93] =	sst lr;
	_ =	strace $0xD0000000  }
0x3: {  	_ = 	snop  }
0x4: {  	_ = 	snop  }
0x5: {  	_ = 	snop  }
0x6: {  	_ = 	snop  }
0x7: {  	_ = 	snop  }
__scs_overlays_trampoline_lowered:
0x8: {  	[smem:$0x3FA2] =	sst s0  }
0x9: {  	[smem:$0x3FA3] =	sst s1  }
0xa: {  	[smem:$0x3FA4] =	sst s2  }
0xb: {  	[smem:$0x3FA5] =	sst s3  }
0xc: {  	[smem:$0x3FA6] =	sst s4  }
0xd: {  	[smem:$0x3FA7] =	sst s5  }
0xe: {  	[smem:$0x3FA8] =	sst s6  }
0xf: {  	[smem:$0x3FA9] =	sst s7  }
0x10: {  	[smem:$0x3FAA] =	sst s8  }
0x11: {  	[smem:$0x3FAB] =	sst s9;
	s0 =	simm.s32 @!p0 $0x0  }
0x12: {  	s1 =	sld [smem:$0x3F91];
	s0 =	simm.s32 @p0 $0x1  }
0x13: {  	[smem:$0x3FAC] =	sst s0;
	s0 =	simm.s32 @!p1 $0x0  }
0x14: {  	s2 =	sld [smem:$0x3F90];
	s0 =	simm.s32 @p1 $0x1  }
0x15: {  	[smem:$0x3FAD] =	sst s0;
	s0 =	simm.s32 @!p2 $0x0  }
0x16: {  	s3 =	sld [smem:$0x3FDB];
	s0 =	simm.s32 @p2 $0x1  }
0x17: {  	s4 =	simm.s32 $0x1BF5;
	[smem:$0x3FAF] =	sst s0  }
0x18: {  	s0 =	sld [smem:$0x3F92];
	_ =	swait.ge [sflag:s4], $0x0  }
0x19: {  	s7 =	sld [smem:$0x3F93]  }
0x1a: {  	s8 =	sadd.s32 $0xFFFFE003, lr  }
0x1b: {  	s9 =	sadd.s32 $0xFFFFFEF7, lr;
	s5 =	simm.s32 $0xFFFFFFFF;
	p2 =	slt.u32 s8, $0xFFFFF086  }
0x1c: {  	p1 =	slt.u32 s9, $0xF7A;
	s5 =	simm.s32 @!p2 $0x0  }
0x1d: {  	s5 =	simm.s32 @p1 $0x1;
	p0 =	seq.s32 s7, s2  }
0x1e: {  	s7 =	smul.u32 @!p0 $0xF7A, s2;
	p2 =	seq.s32 @!p0 s5, $0x0  }
0x1f: {  	s9 =	smul.u32 $0xF7A, s1;
	s8 =	simm.s32 @!p0 $0x1BF5;
	p2 =	por !p2, p0  }
0x20: {  	[sflag:s8] =	ssyncset.s32 @!p0 $0xFFFFF086;
	s6 =	sadd.s32 @!p0 s3, s7;
	s7 =	simm.s32 @!p0 $0x108  }
0x21: {  	s3 =	sadd.s32 s3, s9;
	s6 =	sadd.s32 @!p0 $0x88, s6;
	s7 =	simm.s32 @p2 $0x1082  }
0x22: {  	[simem:s7], [sflag:s8] =	dma.local @!p0 [hbm:s6], $0xF7A  }
0x23: {  	s9 =	sor.u32 $0xD0000000, s2;
	s6 =	simm.s32 $0x108;
	_ =	swait.ge @!p0 [sflag:s8], $0x0  }
0x24: {  	s3 =	sadd.s32 $0x88, s3;
	s6 =	simm.s32 @!p1 $0x1082;
	[sflag:s4] =	ssyncset.s32 $0xFFFFF086  }
0x25: {  	[simem:s6], [sflag:s4] =	dma.local [hbm:s3], $0xF7A  }
0x26: {  	[smem:$0x3F93] =	sst s1;
	(tag) =	ssettag s2;
	_ =	strace s9  }
0x27: {  	s1 =	sld [smem:$0x3FA3]  }
0x28: {  	s2 =	sld [smem:$0x3FA4]  }
0x29: {  	s4 =	sld [smem:$0x3FA6]  }
0x2a: {  	p0 =	seq.s32 s5, $0x0;
	s5 =	sld [smem:$0x3FA7]  }
0x2b: {  	s6 =	sld [smem:$0x3FA8]  }
0x2c: {  	s7 =	sld [smem:$0x3FA9]  }
0x2d: {  	s3 =	simm.s32 $0x108;
	s8 =	sld [smem:$0x3FAA]  }
0x2e: {  	s3 =	simm.s32 @!p0 $0x1082;
	s9 =	sld [smem:$0x3FAB]  }
0x2f: {  	lr =	sadd.s32 s0, s3;
	s0 =	sld [smem:$0x3FA2]  }
0x30: {  	s3 =	sld [smem:$0x3FA5]  }
0x31: {  	[smem:$0x3FAE] =	sst s10  }
0x32: {  	s10 =	sld [smem:$0x3FAC];
	_ =	sdelay $0x3  }
0x33: {  	p0 =	seq.s32 s10, $0x1;
	s10 =	sld [smem:$0x3FAE];
	_ =	sdelay $0x3  }
0x34: {  	[smem:$0x3FAE] =	sst s10  }
0x35: {  	s10 =	sld [smem:$0x3FAD];
	_ =	sdelay $0x3  }
0x36: {  	p1 =	seq.s32 s10, $0x1;
	s10 =	sld [smem:$0x3FAE];
	_ =	sdelay $0x3  }
0x37: {  	[smem:$0x3FAE] =	sst s10  }
0x38: {  	s10 =	sld [smem:$0x3FAF]  }
0x39: {  	_ = 	snop;
	(pc) =	sbr.ind lr, $3  }
0x3a: {  	_ = 	snop  }
0x3b: {  	_ = 	snop  }
0x3c: {  	p2 =	seq.s32 s10, $0x1;
	s10 =	sld [smem:$0x3FAE]  }
0x3d: {  	_ =	shalt  }
0x3e: {  	_ =	shalt  }
0x3f: {  	_ =	shalt  }
0x40: {  	_ =	shalt  }
0x41: {  	_ =	shalt  }
0x42: {  	_ =	shalt  }
0x43: {  	_ =	shalt  }
0x44: {  	_ =	shalt  }
0x45: {  	_ =	shalt  }
0x46: {  	_ =	shalt  }
0x47: {  	_ =	shalt  }
0x48: {  	_ =	shalt  }
0x49: {  	_ =	shalt  }
0x4a: {  	_ =	shalt  }
0x4b: {  	_ =	shalt  }
0x4c: {  	_ =	shalt  }
0x4d: {  	_ =	shalt  }
0x4e: {  	_ =	shalt  }
0x4f: {  	_ =	shalt  }
0x50: {  	_ =	shalt  }
0x51: {  	_ =	shalt  }
0x52: {  	_ =	shalt  }
0x53: {  	_ =	shalt  }
0x54: {  	_ =	shalt  }
0x55: {  	_ =	shalt  }
0x56: {  	_ =	shalt  }
0x57: {  	_ =	shalt  }
0x58: {  	_ =	shalt  }
0x59: {  	_ =	shalt  }
0x5a: {  	_ =	shalt  }
0x5b: {  	_ =	shalt  }
0x5c: {  	_ =	shalt  }
0x5d: {  	_ =	shalt  }
0x5e: {  	_ =	shalt  }
0x5f: {  	_ =	shalt  }
0x60: {  	_ =	shalt  }
0x61: {  	_ =	shalt  }
0x62: {  	_ =	shalt  }
0x63: {  	_ =	shalt  }
0x64: {  	_ =	shalt  }
0x65: {  	_ =	shalt  }
0x66: {  	_ =	shalt  }
0x67: {  	_ =	shalt  }
0x68: {  	_ =	shalt  }
0x69: {  	_ =	shalt  }
0x6a: {  	_ =	shalt  }
0x6b: {  	_ =	shalt  }
0x6c: {  	_ =	shalt  }
0x6d: {  	_ =	shalt  }
0x6e: {  	_ =	shalt  }
0x6f: {  	_ =	shalt  }
0x70: {  	_ =	shalt  }
0x71: {  	_ =	shalt  }
0x72: {  	_ =	shalt  }
0x73: {  	_ =	shalt  }
0x74: {  	_ =	shalt  }
0x75: {  	_ =	shalt  }
0x76: {  	_ =	shalt  }
0x77: {  	_ =	shalt  }
0x78: {  	_ =	shalt  }
0x79: {  	_ =	shalt  }
0x7a: {  	_ =	shalt  }
0x7b: {  	_ =	shalt  }
0x7c: {  	_ =	shalt  }
0x7d: {  	_ =	shalt  }
0x7e: {  	_ =	shalt  }
0x7f: {  	_ =	shalt  }
0x80: {  	_ =	shalt  }
0x81: {  	_ =	shalt  }
0x82: {  	_ =	shalt  }
0x83: {  	_ =	shalt  }
0x84: {  	_ =	shalt  }
0x85: {  	_ =	shalt  }
0x86: {  	_ =	shalt  }
0x87: {  	_ =	shalt  }
.Lfunc_end0:
.L_simem_size_0:
called_computation.3_lowered:
.L_overlay_start_0:
0x88: {  	s2 =	sld [smem:$0x3FD9]  }
0x89: {  	s3 =	sld [smem:$0x3FFE];
	_ =	sdelay $0x1  }
0x8a: {  	s1 =	srdreg.scid  }
0x8b: {  	s0 =	sand.u32 $0x1, s1  }
0x8c: {  	s17 =	sshll.u32 s0, $0xA;
	s2 =	sadd.s32 s3, s2  }
0x8d: {  	s2 =	sadd.s32 s2, s17  }
0x8e: {  	[smem:$0x3FBA] =	sst s2  }
0x8f: {  	_ = 	snop  }
0x90: {  	s2 =	sld [smem:$0x3FD0];
	(tm) =	ssettm $0x1  }
0x91: {  	s18 =	sld [smem:$0x3FFB];
	_ =	sdelay $0x3  }
0x92: {  	_ =	strace s18  }
0x93: {  	s3 =	sld [smem:$0x3FFC];
	_ =	sdelay $0x3  }
0x94: {  	_ =	strace s3  }
0x95: {  	s3 =	sld [smem:$0x3FFD];
	_ =	sdelay $0x3  }
0x96: {  	_ =	strace s3  }
0x97: {  	_ =	strace $0x8FFFFFFF  }
0x98: {  	s19 =	sld [smem:$0x3FDB];
	_ =	sdelay $0x1  }
0x99: {  	s4 =	simm.s32 $_scs_section_size  }
0x9a: {  	s5 =	simm.s32 $_size__tile_overlayer_lowered;
	s6 =	simm.s32 $_tile_overlayer_lowered  }
0x9b: {  	s22 =	simm.s32 $0x1BFF;
	s21 =	sshll.u32 s6, $0x1;
	s3 =	sadd.s32 s4, s19  }
0x9c: {  	s7 =	simm.s32 $0x0;
	s20 =	sshll.u32 s5, $0x1;
	s5 =	sadd.s32 s21, s3  }
0x9d: {  	[timem:s7], [sflag:s22] =	dma.local [hbm:s5], s20  }
0x9e: {  	_ =	swait.ge [sflag:s22], s20  }
0x9f: {  	s4 =	ssub.s32 $0x0, s20;
	[sflag:s22] =	ssyncset.done $0x0  }
0xa0: {  	[sflag:s22] =	ssyncadd.s32 s4;
	_ =	sdelay $0x1  }
0xa1: {  	s23 =	simm.s32 $0x1B8B  }
0xa2: {  	_ =	swait.ge [sflag:s23], $0x1  }
0xa3: {  	[sflag:s23] =	ssyncset.done $0x0  }
0xa4: {  	s25 =	simm.s32 $0x1B8E;
	s24 =	sld [smem:$0x3FFE];
	[sflag:s23] =	ssyncadd.s32 $0xFFFFFFFF  }
0xa5: {  	s26 =	simm.s32 $execute0_lowered;
	[smem:$0x3FD2] =	sst s25  }
0xa6: {  	s5 =	sshll.u32 s26, $0x1;
	_ =	strace $0x8000004F;
	[dreg:$0x1] =	wrdreg $0xFFFFFFFF  }
0xa7: {  	s28 =	simm.s32 $_size_execute0_lowered;
	s3 =	sadd.s32 s3, s5;
	[dreg:$0x0] =	wrdreg $0x0  }
0xa8: {  	s5 =	sshll.u32 s28, $0x1;
	[dreg:$0x2] =	wrdreg s3  }
0xa9: {  	[dreg:$0x3] =	wrdreg s5  }
0xaa: {  	[dreg:$0x4] =	wrdreg $0xC0  }
0xab: {  	_ =	task [dreg:s7], $0x5FFFF  }
0xac: {  	[dreg:$0x1] =	wrdreg $0xFFFFFFFF  }
0xad: {  	[dreg:$0x0] =	wrdreg $0x60  }
0xae: {  	[dreg:$0x2] =	wrdreg s24  }
0xaf: {  	[dreg:$0x3] =	wrdreg s2  }
0xb0: {  	[dreg:$0x4] =	wrdreg $0x9  }
0xb1: {  	_ =	task.clear_ibuf [dreg:s7], $0x5FFFF;
	_ =	strace $0x9000004F  }
0xb2: {  	s29 =	simm.s32 $0x9;
	_ =	strace $0x80000051  }
0xb3: {  	_ =	swait.ge [sflag:s29], $0x1  }
0xb4: {  	[sflag:s29] =	ssyncadd.s32 $0xFFFFFFFF  }
0xb5: {  	_ =	strace $0x90000051  }
0xb6: {  	_ =	sfence  }
0xb7: {  	s30 =	sld [smem:$0x0];
	_ =	sdelay $0x2  }
0xb8: {  	s31 =	sshll.u32 s1, $0xD;
	s1 =	sshrl.u32 s1, $0x2  }
0xb9: {  	s3 =	sand.u32 $0x4000, s31;
	s1 =	sadd.s32 s1, s30  }
0xba: {  	s0 =	sor.u32 s3, s0;
	s1 =	sshll.u32 s1, $0x11  }
0xbb: {  	s0 =	sor.u32 s1, s0  }
0xbc: {  	s0 =	sadd.s32 $0x8F2B, s0  }
0xbd: {  	[sflag:s0] =	ssyncadd.remote.s32 $0x1  }
0xbe: {  	_ =	sfence.sel $0xFFFF  }
0xbf: {  	[dreg:$0x0] =	wrdreg $0xFFFFFFFF;
	(pc) =	sbr.abs _section_cstart, $3  }
0xc0: {  	[dreg:$0x1] =	wrdreg $0xFFFFFFFF  }
0xc1: {  	_ =	task.clear_ibuf [dreg:s7], $0x2FFFF;
	_ =	strace $0x9FFFFFFF  }
0xc2: {  	(tm) =	ssettm $0x7FFFFFFF  }
0xc3: {  	_ =	shalt  }
tec
execute0_lowered:
.L_overlay_start_1:
0x0: {  	(tag) =	ssettag $0x1  }
0x1: {  	s0 =	rddreg [dreg:$0x0]  }
0x2: {  	s1 =	srdreg.scid;
	s2 =	stileid.u32  }
0x3: {  	s4 =	rddreg [dreg:$0x1];
	s13 =	simm.s32 $0x6080;
	s14 =	simm.s32 $0x6880  }
0x4: {  	s15 =	simm.s32 $0x7080;
	s16 =	simm.s32 $0x7880;
	s17 =	simm.s32 $0xA080  }
0x5: {  	s1 =	sand.u32 $0x1, s1;
	s3 =	sshll.u32 s2, $0x1;
	s2 =	simm.s32 $0x0  }
0x6: {  	s8 =	sadd.s32 $0x63E00, s0;
	s5 =	sor.u32 s1, s3;
	[smem:$0x7FF] =	sst s2  }
0x7: {  	s1 =	ssub.s32 $0x2, s1;
	s3 =	sshll.u32 s5, $0x4;
	_ =	strace $0x80000050  }
0x8: {  	s7 =	sshrl.u32 s1, $0x1;
	s9 =	sshll.u32 s5, $0xD;
	s5 =	sadd.s32 $0xA3F00, s0  }
0x9: {  	s6 =	sadd.s32 s3, s0;
	s3 =	sadd.s32 $0xA3E00, s0;
	s18 =	sadd.s32 s8, s9  }
0xa: {  	s1 =	ssub.s32 s1, s7;
	s20 =	sadd.s32 s4, s9;
	[dreg:$0x4] =	wrdreg s18  }
0xb: {  	s10 =	sor.u32 $0x400, s9;
	s6 =	sadd.s32 $0x23400, s6;
	[dreg:$0x6] =	wrdreg s20  }
0xc: {  	s21 =	sor.u32 $0x800, s9;
	s19 =	sadd.s32 s8, s10;
	[dreg:$0x3] =	wrdreg s6  }
0xd: {  	s7 =	sadd.s32 $0xA4100, s0;
	s12 =	sadd.s32 s8, s21;
	[dreg:$0x5] =	wrdreg s19  }
0xe: {  	s11 =	sor.u32 $0xC00, s9;
	s10 =	sadd.s32 s4, s10;
	[dreg:$0x7] =	wrdreg s12  }
0xf: {  	s23 =	sor.u32 $0x1000, s9;
	s22 =	sadd.s32 s8, s11;
	[dreg:$0x8] =	wrdreg s10  }
0x10: {  	s24 =	sor.u32 $0x1400, s9;
	s25 =	sadd.s32 s8, s23;
	[dreg:$0x9] =	wrdreg s22  }
0x11: {  	s28 =	sor.u32 $0x1800, s9;
	s11 =	sadd.s32 s4, s11;
	[dreg:$0xb] =	wrdreg s25  }
0x12: {  	s9 =	sor.u32 $0x1C00, s9;
	s26 =	sadd.s32 s8, s24;
	[dreg:$0xc] =	wrdreg s11  }
0x13: {  	s29 =	sadd.s32 s8, s28;
	s8 =	sadd.s32 s8, s9;
	[dreg:$0xd] =	wrdreg s26  }
0x14: {  	s30 =	sadd.s32 s4, s9;
	s31 =	smax.u32 s1, $0x1;
	[dreg:$0xf] =	wrdreg s29  }
0x15: {  	s9 =	simm.s32 $0x4080;
	s18 =	simm.s32 $0x1;
	[dreg:$0x11] =	wrdreg s8  }
0x16: {  	s20 =	simm.s32 $0x2;
	s6 =	sadd.s32 $0xA4000, s0;
	[dreg:$0x13] =	wrdreg s30  }
0x17: {  	s0 =	sadd.s32 s4, s21;
	s10 =	sadd.s32 s4, s24;
	[dreg:$0x14] =	wrdreg s31  }
0x18: {  	s25 =	simm.s32 $0x5;
	s8 =	simm.s32 $0x8080;
	s11 =	simm.s32 $0x5080  }
0x19: {  	s12 =	simm.s32 $0x5880;
	s19 =	simm.s32 $0x3;
	[dreg:$0xa] =	wrdreg s0  }
0x1a: {  	v2 =	vlaneseq.u32;
	s21 =	simm.s32 $0x4;
	s0 =	sadd.s32 s4, s23;
	[dreg:$0x10] =	wrdreg s10  }
0x1b: {  	vm0 =	vmmov $0xffff;
	v1 =	vshrl.u32 v2, $0x3;
	s22 =	simm.s32 $0x0;
	[dreg:$0xe] =	wrdreg s0;
	s0 =	sadd.s32 s4, s28  }
0x1c: {  	v0 =	vand.u32 $0x7, v2;
	v2 =	vor.u32 $0x8, v2;
	v1 =	vmul.u32 $0x8, v1;
	s10 =	simm.s32 $0x4880;
	s4 =	simm.s32 $0x3880;
	[dreg:$0x12] =	wrdreg s0  }
.LBB2_1:
0x1d: {  	s0 =	rddreg [dreg:$0x3]  }
0x1e: {  	[tilespmem:s2], [sflag:$0x5] =	stream.linear.gather [hbm4b:s0+s2], $0x80, $0x38;
	[tilespmem:$0xC080] =	vst v63  }
0x1f: {  	_ =	swait.ge [sflag:s25], $0x80  }
0x20: {  	[sflag:s25] =	ssyncset.done $0x0  }
0x21: {  	[sflag:s25] =	ssyncadd.s32 $0xFFFFFF80  }
0x22: {  	v3 =	vld [tilespmem:$0x0];
	_ =	sdelay $0x4  }
0x23: {  	v4 =	vshll.u32 v3, $0x3  }
0x24: {  	v3 =	vand.u32 $0x7, v3;
	v4 =	vand.u32 $0xFFFFFFC0, v4  }
0x25: {  	v3 =	vor.u32 v3, v4  }
0x26: {  	v4 =	vperm.xlane v3, v0;
	_ =	sdelay $0x1  }
0x27: {  	v4 =	vadd.s32 v1, v4;
	_ =	sdelay $0x3  }
0x28: {  	s29 =	simm.s32 $0x80  }
0x29: {  	[tilespmem:s29], [sflag:$0x1] =	stream.indirect_vreg.gather [hbm4b:s3+s2], $0x80, v4, vm0, $0xb8;
	[tilespmem:$0xC080] =	vst v63  }
0x2a: {  	s30 =	simm.s32 $0x880;
	v3 =	vperm.xlane v3, v2  }
0x2b: {  	[tilespmem:s30], [sflag:$0x1] =	stream.indirect_vreg.gather [hbm4b:s5+s2], $0x80, v4, vm0, $0xb8;
	[tilespmem:$0xC080] =	vst v63  }
0x2c: {  	s31 =	simm.s32 $0x1080;
	v3 =	vadd.s32 v1, v3  }
0x2d: {  	[tilespmem:s31], [sflag:$0x1] =	stream.indirect_vreg.gather [hbm4b:s6+s2], $0x80, v4, vm0, $0xb8;
	[tilespmem:$0xC080] =	vst v63  }
0x2e: {  	s1 =	simm.s32 $0x1880  }
0x2f: {  	[tilespmem:s1], [sflag:$0x1] =	stream.indirect_vreg.gather [hbm4b:s7+s2], $0x80, v4, vm0, $0xb8;
	[tilespmem:$0xC080] =	vst v63  }
0x30: {  	s23 =	simm.s32 $0x2080  }
0x31: {  	[tilespmem:s23], [sflag:$0x1] =	stream.indirect_vreg.gather [hbm4b:s3+s2], $0x80, v3, vm0, $0xb8;
	[tilespmem:$0xC080] =	vst v63  }
0x32: {  	s24 =	simm.s32 $0x2880  }
0x33: {  	[tilespmem:s24], [sflag:$0x1] =	stream.indirect_vreg.gather [hbm4b:s5+s2], $0x80, v3, vm0, $0xb8;
	[tilespmem:$0xC080] =	vst v63  }
0x34: {  	s26 =	simm.s32 $0x3080  }
0x35: {  	[tilespmem:s26], [sflag:$0x1] =	stream.indirect_vreg.gather [hbm4b:s6+s2], $0x80, v3, vm0, $0xb8;
	[tilespmem:$0xC080] =	vst v63  }
0x36: {  	_ = 	snop  }
0x37: {  	[tilespmem:s4], [sflag:$0x1] =	stream.indirect_vreg.gather [hbm4b:s7+s2], $0x80, v3, vm0, $0xb8;
	[tilespmem:$0xC080] =	vst v63  }
0x38: {  	s29 =	rddreg [dreg:$0x4]  }
0x39: {  	[tilespmem:s8], [sflag:$0x3] =	stream.linear.gather [hbm4b:s29+s2], $0x2000, $0x38;
	[tilespmem:$0xC080] =	vst v63  }
0x3a: {  	v3 =	vld [tilespmem:$0x10];
	_ =	sdelay $0x4  }
0x3b: {  	v4 =	vshll.u32 v3, $0x3  }
0x3c: {  	v3 =	vand.u32 $0x7, v3;
	v4 =	vand.u32 $0xFFFFFFC0, v4  }
0x3d: {  	v3 =	vor.u32 v3, v4  }
0x3e: {  	v4 =	vperm.xlane v3, v0;
	_ =	sdelay $0x1  }
0x3f: {  	v4 =	vadd.s32 v1, v4;
	_ =	sdelay $0x4  }
0x40: {  	[tilespmem:s9], [sflag:$0x2] =	stream.indirect_vreg.gather [hbm4b:s3+s2], $0x80, v4, vm0, $0xb8;
	[tilespmem:$0xC080] =	vst v63  }
0x41: {  	v3 =	vperm.xlane v3, v2  }
0x42: {  	[tilespmem:s10], [sflag:$0x2] =	stream.indirect_vreg.gather [hbm4b:s5+s2], $0x80, v4, vm0, $0xb8;
	[tilespmem:$0xC080] =	vst v63  }
0x43: {  	v3 =	vadd.s32 v1, v3  }
0x44: {  	[tilespmem:s11], [sflag:$0x2] =	stream.indirect_vreg.gather [hbm4b:s6+s2], $0x80, v4, vm0, $0xb8;
	[tilespmem:$0xC080] =	vst v63  }
0x45: {  	_ = 	snop  }
0x46: {  	[tilespmem:s12], [sflag:$0x2] =	stream.indirect_vreg.gather [hbm4b:s7+s2], $0x80, v4, vm0, $0xb8;
	[tilespmem:$0xC080] =	vst v63  }
0x47: {  	_ = 	snop  }
0x48: {  	[tilespmem:s13], [sflag:$0x2] =	stream.indirect_vreg.gather [hbm4b:s3+s2], $0x80, v3, vm0, $0xb8;
	[tilespmem:$0xC080] =	vst v63  }
0x49: {  	_ = 	snop  }
0x4a: {  	[tilespmem:s14], [sflag:$0x2] =	stream.indirect_vreg.gather [hbm4b:s5+s2], $0x80, v3, vm0, $0xb8;
	[tilespmem:$0xC080] =	vst v63  }
0x4b: {  	_ = 	snop  }
0x4c: {  	[tilespmem:s15], [sflag:$0x2] =	stream.indirect_vreg.gather [hbm4b:s6+s2], $0x80, v3, vm0, $0xb8;
	[tilespmem:$0xC080] =	vst v63  }
0x4d: {  	_ = 	snop  }
0x4e: {  	[tilespmem:s16], [sflag:$0x2] =	stream.indirect_vreg.gather [hbm4b:s7+s2], $0x80, v3, vm0, $0xb8;
	[tilespmem:$0xC080] =	vst v63  }
0x4f: {  	s30 =	rddreg [dreg:$0x5]  }
0x50: {  	[tilespmem:s17], [sflag:$0x4] =	stream.linear.gather [hbm4b:s30+s2], $0x2000, $0x38;
	[tilespmem:$0xC080] =	vst v63  }
0x51: {  	_ =	swait.ge [sflag:s18], $0x4000  }
0x52: {  	[sflag:s18] =	ssyncset.done $0x0  }
0x53: {  	[sflag:s18] =	ssyncadd.s32 $0xFFFFC000  }
0x54: {  	_ =	swait.ge [sflag:s19], $0x2000  }
0x55: {  	s1 =	sand.u32 $0x70, s2;
	s23 =	sand.u32 $0x1C00, s2;
	[sflag:s19] =	ssyncset.done $0x0  }
0x56: {  	s23 =	sor.u32 s1, s23;
	[sflag:s19] =	ssyncadd.s32 $0xFFFFE000  }
0x57: {  	v4 =	vld [tilespmem:s23+$0x80]  }
0x58: {  	v5 =	vld [tilespmem:s23+$0x100];
	_ =	sdelay $0x1  }
0x59: {  	v3 =	vld [tilespmem:s23+$0x8080];
	_ =	sdelay $0x1  }
0x5a: {  	s31 =	simm.s32 $0x10;
	s24 =	simm.s32 $0x80  }
0x5b: {  	s1 =	sand.u32 $0x70, s31;
	s26 =	sand.u32 $0x1C00, s24;
	v4 =	vadd.f32 v5, v4  }
0x5c: {  	s28 =	simm.s32 $0x20;
	s26 =	sor.u32 s1, s26  }
.LBB2_2:
0x5d: {  	p0 =	sne.s32 s28, $0x3F0;
	v5 =	vld [tilespmem:s26+$0x80];
	v3 =	vadd.f32 v3, v4  }
0x5e: {  	v4 =	vld [tilespmem:s26+$0x100]  }
0x5f: {  	[tilespmem:s23+$0x8080] =	vst v3;
	s23 =	smov.u32 s26  }
.Ltmp0:
0x60: {  	v3 =	vld [tilespmem:s23+$0x8080];
	(pc) =	sbr.rel @p0 .LBB2_2-.Ltmp0, $4  }
0x61: {  	_ = 	snop  }
0x62: {  	s24 =	sadd.s32 $0x80, s24  }
0x63: {  	s1 =	sand.u32 $0x70, s28;
	s26 =	sand.u32 $0x1C00, s24;
	v4 =	vadd.f32 v4, v5  }
0x64: {  	s28 =	sadd.s32 $0x10, s28;
	s26 =	sor.u32 s1, s26  }
0x65: {  	v5 =	vld [tilespmem:s26+$0x80];
	v3 =	vadd.f32 v3, v4  }
0x66: {  	v4 =	vld [tilespmem:s26+$0x100]  }
0x67: {  	[tilespmem:s23+$0x8080] =	vst v3  }
0x68: {  	v3 =	vld [tilespmem:s26+$0x8080];
	_ =	sdelay $0x2  }
0x69: {  	v4 =	vadd.f32 v4, v5;
	_ =	sdelay $0x1  }
0x6a: {  	s1 =	simm.s32 $0x0;
	v3 =	vadd.f32 v3, v4  }
0x6b: {  	s0 =	sand.u32 $0x70, s1;
	s1 =	sand.u32 $0x1C00, s1  }
0x6c: {  	s23 =	sor.u32 s0, s1;
	[tilespmem:s26+$0x8080] =	vst v3  }
0x6d: {  	v4 =	vld [tilespmem:s23+$0x180]  }
0x6e: {  	v5 =	vld [tilespmem:s23+$0x200];
	_ =	sdelay $0x1  }
0x6f: {  	v3 =	vld [tilespmem:s23+$0x8100];
	_ =	sdelay $0x1  }
0x70: {  	s24 =	simm.s32 $0x10;
	s26 =	simm.s32 $0x80  }
0x71: {  	s24 =	sand.u32 $0x70, s24;
	s31 =	sand.u32 $0x1C00, s26;
	v4 =	vadd.f32 v5, v4  }
0x72: {  	s29 =	simm.s32 $0x20;
	s28 =	smov.u32 s23;
	s30 =	sor.u32 s24, s31  }
.LBB2_4:
0x73: {  	p0 =	sne.s32 s29, $0x3F0;
	v5 =	vld [tilespmem:s30+$0x180];
	v3 =	vadd.f32 v3, v4  }
0x74: {  	v4 =	vld [tilespmem:s30+$0x200]  }
0x75: {  	[tilespmem:s28+$0x8100] =	vst v3;
	s28 =	smov.u32 s30  }
.Ltmp1:
0x76: {  	v3 =	vld [tilespmem:s28+$0x8100];
	(pc) =	sbr.rel @p0 .LBB2_4-.Ltmp1, $4  }
0x77: {  	_ = 	snop  }
0x78: {  	s26 =	sadd.s32 $0x80, s26  }
0x79: {  	s1 =	sand.u32 $0x70, s29;
	s30 =	sand.u32 $0x1C00, s26;
	v4 =	vadd.f32 v4, v5  }
0x7a: {  	s29 =	sadd.s32 $0x10, s29;
	s30 =	sor.u32 s1, s30  }
0x7b: {  	v5 =	vld [tilespmem:s30+$0x180];
	v3 =	vadd.f32 v3, v4  }
0x7c: {  	v4 =	vld [tilespmem:s30+$0x200]  }
0x7d: {  	[tilespmem:s28+$0x8100] =	vst v3  }
0x7e: {  	v3 =	vld [tilespmem:s30+$0x8100];
	_ =	sdelay $0x2  }
0x7f: {  	v4 =	vadd.f32 v4, v5;
	_ =	sdelay $0x1  }
0x80: {  	v3 =	vadd.f32 v3, v4;
	_ =	sdelay $0x1  }
0x81: {  	[tilespmem:s30+$0x8100] =	vst v3  }
0x82: {  	v4 =	vld [tilespmem:s23+$0x280]  }
0x83: {  	v5 =	vld [tilespmem:s23+$0x300];
	_ =	sdelay $0x1  }
0x84: {  	v3 =	vld [tilespmem:s23+$0x8180];
	_ =	sdelay $0x1  }
0x85: {  	s26 =	simm.s32 $0x80  }
0x86: {  	s1 =	sand.u32 $0x1C00, s26;
	v4 =	vadd.f32 v5, v4  }
0x87: {  	s24 =	sor.u32 s24, s1;
	s28 =	simm.s32 $0x20  }
.LBB2_6:
0x88: {  	p0 =	sne.s32 s28, $0x3F0;
	v5 =	vld [tilespmem:s24+$0x280];
	v3 =	vadd.f32 v3, v4  }
0x89: {  	v4 =	vld [tilespmem:s24+$0x300]  }
0x8a: {  	[tilespmem:s23+$0x8180] =	vst v3;
	s23 =	smov.u32 s24  }
.Ltmp2:
0x8b: {  	v3 =	vld [tilespmem:s23+$0x8180];
	(pc) =	sbr.rel @p0 .LBB2_6-.Ltmp2, $4  }
0x8c: {  	_ = 	snop  }
0x8d: {  	s26 =	sadd.s32 $0x80, s26  }
0x8e: {  	s1 =	sand.u32 $0x70, s28;
	s24 =	sand.u32 $0x1C00, s26;
	v4 =	vadd.f32 v4, v5  }
0x8f: {  	s28 =	sadd.s32 $0x10, s28;
	s24 =	sor.u32 s1, s24  }
0x90: {  	v5 =	vld [tilespmem:s24+$0x280];
	v3 =	vadd.f32 v3, v4  }
0x91: {  	v4 =	vld [tilespmem:s24+$0x300]  }
0x92: {  	[tilespmem:s23+$0x8180] =	vst v3  }
0x93: {  	v3 =	vld [tilespmem:s24+$0x8180];
	_ =	sdelay $0x2  }
0x94: {  	v4 =	vadd.f32 v4, v5;
	_ =	sdelay $0x1  }
0x95: {  	s1 =	simm.s32 $0x0;
	v3 =	vadd.f32 v3, v4  }
0x96: {  	s0 =	sand.u32 $0x70, s1;
	s26 =	sand.u32 $0x1C00, s1  }
0x97: {  	s1 =	sor.u32 s1, s1;
	s23 =	sor.u32 s0, s26;
	[tilespmem:s24+$0x8180] =	vst v3  }
0x98: {  	s1 =	sor.u32 $0x380, s1;
	v3 =	vld [tilespmem:s23+$0x380]  }
0x99: {  	v4 =	vld [tilespmem:s1+$0x80];
	_ =	sdelay $0x1  }
0x9a: {  	v5 =	vld [tilespmem:s23+$0x8200];
	_ =	sdelay $0x2  }
0x9b: {  	v3 =	vadd.f32 v4, v3  }
0x9c: {  	s28 =	simm.s32 $0x10;
	s26 =	simm.s32 $0x80  }
0x9d: {  	s29 =	simm.s32 $0x20;
	s31 =	sand.u32 $0x1C00, s26;
	s24 =	sand.u32 $0x70, s28;
	v3 =	vadd.f32 v5, v3  }
0x9e: {  	s30 =	sor.u32 s26, s28;
	s28 =	smov.u32 s23;
	s1 =	sor.u32 s24, s31  }
.LBB2_8:
0x9f: {  	p0 =	sne.s32 s29, $0x3F0;
	v4 =	vld [tilespmem:s1+$0x380];
	s30 =	sor.u32 $0x380, s30;
	[tilespmem:s28+$0x8200] =	vst v3;
	s28 =	smov.u32 s1  }
0xa0: {  	v3 =	vld [tilespmem:s30+$0x80];
	_ =	sdelay $0x1  }
0xa1: {  	v5 =	vld [tilespmem:s28+$0x8200];
	_ =	sdelay $0x1  }
.Ltmp3:
0xa2: {  	(pc) =	sbr.rel @p0 .LBB2_8-.Ltmp3, $4  }
0xa3: {  	v3 =	vadd.f32 v3, v4  }
0xa4: {  	s26 =	sadd.s32 $0x80, s26  }
0xa5: {  	s1 =	sand.u32 $0x70, s29;
	s30 =	sand.u32 $0x1C00, s26;
	v3 =	vadd.f32 v5, v3  }
0xa6: {  	s1 =	sor.u32 s1, s30;
	s30 =	sor.u32 s26, s29;
	s29 =	sadd.s32 $0x10, s29  }
0xa7: {  	v4 =	vld [tilespmem:s1+$0x380];
	s26 =	sor.u32 $0x380, s30;
	[tilespmem:s28+$0x8200] =	vst v3  }
0xa8: {  	v3 =	vld [tilespmem:s26+$0x80];
	_ =	sdelay $0x1  }
0xa9: {  	v5 =	vld [tilespmem:s1+$0x8200];
	_ =	sdelay $0x2  }
0xaa: {  	v3 =	vadd.f32 v3, v4;
	_ =	sdelay $0x1  }
0xab: {  	v3 =	vadd.f32 v5, v3;
	_ =	sdelay $0x1  }
0xac: {  	[tilespmem:s1+$0x8200] =	vst v3  }
0xad: {  	v4 =	vld [tilespmem:s23+$0x2080]  }
0xae: {  	v5 =	vld [tilespmem:s23+$0x2100];
	_ =	sdelay $0x1  }
0xaf: {  	v3 =	vld [tilespmem:s23+$0x8280];
	_ =	sdelay $0x1  }
0xb0: {  	s26 =	simm.s32 $0x80  }
0xb1: {  	s31 =	sand.u32 $0x1C00, s26;
	v4 =	vadd.f32 v5, v4  }
0xb2: {  	s28 =	simm.s32 $0x20;
	s24 =	sor.u32 s24, s31  }
.LBB2_10:
0xb3: {  	p0 =	sne.s32 s28, $0x3F0;
	v5 =	vld [tilespmem:s24+$0x2080];
	v3 =	vadd.f32 v3, v4  }
0xb4: {  	v4 =	vld [tilespmem:s24+$0x2100]  }
0xb5: {  	[tilespmem:s23+$0x8280] =	vst v3;
	s23 =	smov.u32 s24  }
.Ltmp4:
0xb6: {  	v3 =	vld [tilespmem:s23+$0x8280];
	(pc) =	sbr.rel @p0 .LBB2_10-.Ltmp4, $4  }
0xb7: {  	_ = 	snop  }
0xb8: {  	s26 =	sadd.s32 $0x80, s26  }
0xb9: {  	s1 =	sand.u32 $0x70, s28;
	s24 =	sand.u32 $0x1C00, s26;
	v4 =	vadd.f32 v4, v5  }
0xba: {  	s28 =	sadd.s32 $0x10, s28;
	s24 =	sor.u32 s1, s24  }
0xbb: {  	v5 =	vld [tilespmem:s24+$0x2080];
	v3 =	vadd.f32 v3, v4  }
0xbc: {  	v4 =	vld [tilespmem:s24+$0x2100]  }
0xbd: {  	[tilespmem:s23+$0x8280] =	vst v3  }
0xbe: {  	v3 =	vld [tilespmem:s24+$0x8280];
	_ =	sdelay $0x2  }
0xbf: {  	v4 =	vadd.f32 v4, v5;
	_ =	sdelay $0x1  }
0xc0: {  	s1 =	simm.s32 $0x0;
	v3 =	vadd.f32 v3, v4  }
0xc1: {  	s0 =	sand.u32 $0x70, s1;
	s1 =	sand.u32 $0x1C00, s1  }
0xc2: {  	s23 =	sor.u32 s0, s1;
	[tilespmem:s24+$0x8280] =	vst v3  }
0xc3: {  	v4 =	vld [tilespmem:s23+$0x2180]  }
0xc4: {  	v5 =	vld [tilespmem:s23+$0x2200];
	_ =	sdelay $0x1  }
0xc5: {  	v3 =	vld [tilespmem:s23+$0x8300];
	_ =	sdelay $0x1  }
0xc6: {  	s26 =	simm.s32 $0x80;
	s24 =	simm.s32 $0x10  }
0xc7: {  	s31 =	sand.u32 $0x1C00, s26;
	s24 =	sand.u32 $0x70, s24;
	v4 =	vadd.f32 v5, v4  }
0xc8: {  	s29 =	simm.s32 $0x20;
	s28 =	smov.u32 s23;
	s30 =	sor.u32 s24, s31  }
.LBB2_12:
0xc9: {  	p0 =	sne.s32 s29, $0x3F0;
	v5 =	vld [tilespmem:s30+$0x2180];
	v3 =	vadd.f32 v3, v4  }
0xca: {  	v4 =	vld [tilespmem:s30+$0x2200]  }
0xcb: {  	[tilespmem:s28+$0x8300] =	vst v3;
	s28 =	smov.u32 s30  }
.Ltmp5:
0xcc: {  	v3 =	vld [tilespmem:s28+$0x8300];
	(pc) =	sbr.rel @p0 .LBB2_12-.Ltmp5, $4  }
0xcd: {  	_ = 	snop  }
0xce: {  	s26 =	sadd.s32 $0x80, s26  }
0xcf: {  	s1 =	sand.u32 $0x70, s29;
	s30 =	sand.u32 $0x1C00, s26;
	v4 =	vadd.f32 v4, v5  }
0xd0: {  	s29 =	sadd.s32 $0x10, s29;
	s30 =	sor.u32 s1, s30  }
0xd1: {  	v5 =	vld [tilespmem:s30+$0x2180];
	v3 =	vadd.f32 v3, v4  }
0xd2: {  	v4 =	vld [tilespmem:s30+$0x2200]  }
0xd3: {  	[tilespmem:s28+$0x8300] =	vst v3  }
0xd4: {  	v3 =	vld [tilespmem:s30+$0x8300];
	_ =	sdelay $0x2  }
0xd5: {  	v4 =	vadd.f32 v4, v5;
	_ =	sdelay $0x1  }
0xd6: {  	v3 =	vadd.f32 v3, v4;
	_ =	sdelay $0x1  }
0xd7: {  	[tilespmem:s30+$0x8300] =	vst v3  }
0xd8: {  	v4 =	vld [tilespmem:s23+$0x2280]  }
0xd9: {  	v5 =	vld [tilespmem:s23+$0x2300];
	_ =	sdelay $0x1  }
0xda: {  	v3 =	vld [tilespmem:s23+$0x8380];
	_ =	sdelay $0x1  }
0xdb: {  	s26 =	simm.s32 $0x80  }
0xdc: {  	s1 =	sand.u32 $0x1C00, s26;
	v4 =	vadd.f32 v5, v4  }
0xdd: {  	s24 =	sor.u32 s24, s1;
	s1 =	simm.s32 $0x20  }
.LBB2_14:
0xde: {  	p0 =	sne.s32 s1, $0x3F0;
	v5 =	vld [tilespmem:s24+$0x2280];
	v3 =	vadd.f32 v3, v4  }
0xdf: {  	v4 =	vld [tilespmem:s24+$0x2300]  }
0xe0: {  	[tilespmem:s23+$0x8380] =	vst v3;
	s23 =	smov.u32 s24  }
.Ltmp6:
0xe1: {  	v3 =	vld [tilespmem:s23+$0x8380];
	(pc) =	sbr.rel @p0 .LBB2_14-.Ltmp6, $4  }
0xe2: {  	_ = 	snop  }
0xe3: {  	s26 =	sadd.s32 $0x80, s26  }
0xe4: {  	s28 =	sand.u32 $0x1C00, s26;
	s24 =	sand.u32 $0x70, s1;
	v4 =	vadd.f32 v4, v5  }
0xe5: {  	s1 =	sadd.s32 $0x10, s1;
	s24 =	sor.u32 s24, s28  }
0xe6: {  	v5 =	vld [tilespmem:s24+$0x2280];
	v3 =	vadd.f32 v3, v4  }
0xe7: {  	v63 =	vld [tilespmem:s24+$0x2300]  }
0xe8: {  	[tilespmem:s23+$0x8380] =	vst v3  }
0xe9: {  	v3 =	vld [tilespmem:s24+$0x8380];
	_ =	sdelay $0x2  }
0xea: {  	v4 =	vadd.f32 v63, v5;
	_ =	sdelay $0x1  }
0xeb: {  	s23 =	simm.s32 $0x0;
	v3 =	vadd.f32 v3, v4  }
0xec: {  	s1 =	sand.u32 $0x70, s23;
	s26 =	sand.u32 $0x1C00, s23  }
0xed: {  	s1 =	sor.u32 s1, s26;
	s26 =	simm.s32 $0x10;
	[tilespmem:s24+$0x8380] =	vst v3;
	s24 =	simm.s32 $0x0  }
.LBB2_16:
0xee: {  	p0 =	sne.s32 s26, $0x3F0;
	v3 =	vld [tilespmem:s1+$0x2400]  }
0xef: {  	v4 =	vld [tilespmem:s1+$0x2380];
	s1 =	sor.u32 s24, s23;
	s23 =	smov.u32 s26  }
0xf0: {  	s28 =	sor.u32 $0x380, s1  }
0xf1: {  	v5 =	vld [tilespmem:s28+$0x8080];
	_ =	sdelay $0x2  }
.Ltmp7:
0xf2: {  	v3 =	vadd.f32 v3, v4;
	(pc) =	sbr.rel @p0 .LBB2_16-.Ltmp7, $4  }
0xf3: {  	_ = 	snop  }
0xf4: {  	s24 =	sadd.s32 $0x80, s24;
	v3 =	vadd.f32 v5, v3  }
0xf5: {  	s1 =	sand.u32 $0x70, s26;
	s29 =	sand.u32 $0x1C00, s24  }
0xf6: {  	s26 =	sadd.s32 $0x10, s26;
	s1 =	sor.u32 s1, s29;
	[tilespmem:s28+$0x8080] =	vst v3  }
0xf7: {  	v3 =	vld [tilespmem:s1+$0x2400]  }
0xf8: {  	v4 =	vld [tilespmem:s1+$0x2380];
	s0 =	sor.u32 s24, s23  }
0xf9: {  	s1 =	sor.u32 $0x380, s0  }
0xfa: {  	v5 =	vld [tilespmem:s1+$0x8080];
	_ =	sdelay $0x2  }
0xfb: {  	v3 =	vadd.f32 v3, v4;
	_ =	sdelay $0x1  }
0xfc: {  	v3 =	vadd.f32 v5, v3;
	_ =	sdelay $0x1  }
0xfd: {  	s0 =	rddreg [dreg:$0x6];
	[tilespmem:s1+$0x8080] =	vst v3;
	s1 =	simm.s32 $0x0  }
0xfe: {  	[hbm4b:s0+s1] =	stream.linear.scatter [tilespmem:s8], [sflag:$0x5], $0x2000, $0x38;
	[tilespmem:$0xC080] =	vst v63  }
0xff: {  	_ =	swait.ge [sflag:s25], $0x2000  }
0x100: {  	[sflag:s25] =	ssyncset.done $0x0  }
0x101: {  	[sflag:s25] =	ssyncadd.s32 $0xFFFFE000  }
0x102: {  	v3 =	vld [tilespmem:$0x20];
	_ =	sdelay $0x4  }
0x103: {  	v4 =	vshll.u32 v3, $0x3  }
0x104: {  	v3 =	vand.u32 $0x7, v3;
	v4 =	vand.u32 $0xFFFFFFC0, v4  }
0x105: {  	v3 =	vor.u32 v3, v4  }
0x106: {  	v4 =	vperm.xlane v3, v0;
	_ =	sdelay $0x1  }
0x107: {  	v4 =	vadd.s32 v1, v4;
	_ =	sdelay $0x3  }
0x108: {  	s23 =	simm.s32 $0x80  }
0x109: {  	[tilespmem:s23], [sflag:$0x1] =	stream.indirect_vreg.gather [hbm4b:s3+s1], $0x80, v4, vm0, $0xb8;
	[tilespmem:$0xC080] =	vst v63  }
0x10a: {  	s24 =	simm.s32 $0x880;
	v3 =	vperm.xlane v3, v2  }
0x10b: {  	[tilespmem:s24], [sflag:$0x1] =	stream.indirect_vreg.gather [hbm4b:s5+s1], $0x80, v4, vm0, $0xb8;
	[tilespmem:$0xC080] =	vst v63  }
0x10c: {  	s26 =	simm.s32 $0x1080;
	v3 =	vadd.s32 v1, v3  }
0x10d: {  	[tilespmem:s26], [sflag:$0x1] =	stream.indirect_vreg.gather [hbm4b:s6+s1], $0x80, v4, vm0, $0xb8;
	[tilespmem:$0xC080] =	vst v63  }
0x10e: {  	s31 =	simm.s32 $0x1880  }
0x10f: {  	[tilespmem:s31], [sflag:$0x1] =	stream.indirect_vreg.gather [hbm4b:s7+s1], $0x80, v4, vm0, $0xb8;
	[tilespmem:$0xC080] =	vst v63  }
0x110: {  	s23 =	simm.s32 $0x2080  }
0x111: {  	[tilespmem:s23], [sflag:$0x1] =	stream.indirect_vreg.gather [hbm4b:s3+s1], $0x80, v3, vm0, $0xb8;
	[tilespmem:$0xC080] =	vst v63  }
0x112: {  	s24 =	simm.s32 $0x2880  }
0x113: {  	[tilespmem:s24], [sflag:$0x1] =	stream.indirect_vreg.gather [hbm4b:s5+s1], $0x80, v3, vm0, $0xb8;
	[tilespmem:$0xC080] =	vst v63  }
0x114: {  	s26 =	simm.s32 $0x3080  }
0x115: {  	[tilespmem:s26], [sflag:$0x1] =	stream.indirect_vreg.gather [hbm4b:s6+s1], $0x80, v3, vm0, $0xb8;
	[tilespmem:$0xC080] =	vst v63  }
0x116: {  	_ = 	snop  }
0x117: {  	[tilespmem:s4], [sflag:$0x1] =	stream.indirect_vreg.gather [hbm4b:s7+s1], $0x80, v3, vm0, $0xb8;
	[tilespmem:$0xC080] =	vst v63  }
0x118: {  	s31 =	rddreg [dreg:$0x7]  }
0x119: {  	[tilespmem:s8], [sflag:$0x3] =	stream.linear.gather [hbm4b:s31+s1], $0x2000, $0x38;
	[tilespmem:$0xC080] =	vst v63  }
0x11a: {  	_ =	swait.ge [sflag:s20], $0x4000  }
0x11b: {  	[sflag:s20] =	ssyncset.done $0x0  }
0x11c: {  	[sflag:s20] =	ssyncadd.s32 $0xFFFFC000  }
0x11d: {  	_ =	swait.ge [sflag:s21], $0x2000  }
0x11e: {  	s0 =	sand.u32 $0x70, s1;
	s1 =	sand.u32 $0x1C00, s1;
	[sflag:s21] =	ssyncset.done $0x0  }
0x11f: {  	s23 =	sor.u32 s0, s1;
	[sflag:s21] =	ssyncadd.s32 $0xFFFFE000  }
0x120: {  	v4 =	vld [tilespmem:s23+$0x4080]  }
0x121: {  	v5 =	vld [tilespmem:s23+$0x4100];
	_ =	sdelay $0x1  }
0x122: {  	v3 =	vld [tilespmem:s23+$0xA080];
	_ =	sdelay $0x1  }
0x123: {  	s24 =	simm.s32 $0x10;
	s26 =	simm.s32 $0x80  }
0x124: {  	s24 =	sand.u32 $0x70, s24;
	s31 =	sand.u32 $0x1C00, s26;
	v4 =	vadd.f32 v5, v4  }
0x125: {  	s29 =	simm.s32 $0x20;
	s30 =	sor.u32 s24, s31;
	s28 =	smov.u32 s23  }
.LBB2_18:
0x126: {  	p0 =	sne.s32 s29, $0x3F0;
	v5 =	vld [tilespmem:s30+$0x4080];
	v3 =	vadd.f32 v3, v4  }
0x127: {  	v4 =	vld [tilespmem:s30+$0x4100]  }
0x128: {  	[tilespmem:s28+$0xA080] =	vst v3;
	s28 =	smov.u32 s30  }
.Ltmp8:
0x129: {  	v3 =	vld [tilespmem:s28+$0xA080];
	(pc) =	sbr.rel @p0 .LBB2_18-.Ltmp8, $4  }
0x12a: {  	_ = 	snop  }
0x12b: {  	s26 =	sadd.s32 $0x80, s26  }
0x12c: {  	s1 =	sand.u32 $0x70, s29;
	s30 =	sand.u32 $0x1C00, s26;
	v4 =	vadd.f32 v4, v5  }
0x12d: {  	s29 =	sadd.s32 $0x10, s29;
	s30 =	sor.u32 s1, s30  }
0x12e: {  	v5 =	vld [tilespmem:s30+$0x4080];
	v3 =	vadd.f32 v3, v4  }
0x12f: {  	v4 =	vld [tilespmem:s30+$0x4100]  }
0x130: {  	[tilespmem:s28+$0xA080] =	vst v3  }
0x131: {  	v3 =	vld [tilespmem:s30+$0xA080];
	_ =	sdelay $0x2  }
0x132: {  	v4 =	vadd.f32 v4, v5;
	_ =	sdelay $0x1  }
0x133: {  	v3 =	vadd.f32 v3, v4;
	_ =	sdelay $0x1  }
0x134: {  	[tilespmem:s30+$0xA080] =	vst v3  }
0x135: {  	v4 =	vld [tilespmem:s23+$0x4180]  }
0x136: {  	v5 =	vld [tilespmem:s23+$0x4200];
	_ =	sdelay $0x1  }
0x137: {  	v3 =	vld [tilespmem:s23+$0xA100];
	_ =	sdelay $0x1  }
0x138: {  	s26 =	simm.s32 $0x80  }
0x139: {  	s1 =	sand.u32 $0x1C00, s26;
	v4 =	vadd.f32 v5, v4  }
0x13a: {  	s24 =	sor.u32 s24, s1;
	s28 =	simm.s32 $0x20  }
.LBB2_20:
0x13b: {  	p0 =	sne.s32 s28, $0x3F0;
	v5 =	vld [tilespmem:s24+$0x4180];
	v3 =	vadd.f32 v3, v4  }
0x13c: {  	v4 =	vld [tilespmem:s24+$0x4200]  }
0x13d: {  	[tilespmem:s23+$0xA100] =	vst v3;
	s23 =	smov.u32 s24  }
.Ltmp9:
0x13e: {  	v3 =	vld [tilespmem:s23+$0xA100];
	(pc) =	sbr.rel @p0 .LBB2_20-.Ltmp9, $4  }
0x13f: {  	_ = 	snop  }
0x140: {  	s26 =	sadd.s32 $0x80, s26  }
0x141: {  	s1 =	sand.u32 $0x70, s28;
	s24 =	sand.u32 $0x1C00, s26;
	v4 =	vadd.f32 v4, v5  }
0x142: {  	s28 =	sadd.s32 $0x10, s28;
	s24 =	sor.u32 s1, s24  }
0x143: {  	v5 =	vld [tilespmem:s24+$0x4180];
	v3 =	vadd.f32 v3, v4  }
0x144: {  	v4 =	vld [tilespmem:s24+$0x4200]  }
0x145: {  	[tilespmem:s23+$0xA100] =	vst v3  }
0x146: {  	v3 =	vld [tilespmem:s24+$0xA100];
	_ =	sdelay $0x2  }
0x147: {  	v4 =	vadd.f32 v4, v5;
	_ =	sdelay $0x1  }
0x148: {  	s26 =	simm.s32 $0x0;
	v3 =	vadd.f32 v3, v4  }
0x149: {  	s1 =	sand.u32 $0x70, s26;
	s0 =	sand.u32 $0x1C00, s26  }
0x14a: {  	s30 =	sor.u32 s1, s0;
	[tilespmem:s24+$0xA100] =	vst v3  }
0x14b: {  	v4 =	vld [tilespmem:s30+$0x4280]  }
0x14c: {  	v5 =	vld [tilespmem:s30+$0x4300];
	_ =	sdelay $0x1  }
0x14d: {  	v3 =	vld [tilespmem:s30+$0xA180];
	_ =	sdelay $0x1  }
0x14e: {  	s29 =	simm.s32 $0x80;
	s24 =	simm.s32 $0x10  }
0x14f: {  	s23 =	sand.u32 $0x1C00, s29;
	s28 =	sand.u32 $0x70, s24;
	v4 =	vadd.f32 v5, v4  }
0x150: {  	s31 =	simm.s32 $0x20;
	s1 =	sor.u32 s28, s23;
	s23 =	smov.u32 s30  }
.LBB2_22:
0x151: {  	p0 =	sne.s32 s31, $0x3F0;
	v5 =	vld [tilespmem:s1+$0x4280];
	v3 =	vadd.f32 v3, v4  }
0x152: {  	v4 =	vld [tilespmem:s1+$0x4300]  }
0x153: {  	[tilespmem:s23+$0xA180] =	vst v3;
	s23 =	smov.u32 s1  }
.Ltmp10:
0x154: {  	v3 =	vld [tilespmem:s23+$0xA180];
	(pc) =	sbr.rel @p0 .LBB2_22-.Ltmp10, $4  }
0x155: {  	_ = 	snop  }
0x156: {  	s29 =	sadd.s32 $0x80, s29  }
0x157: {  	s0 =	sand.u32 $0x1C00, s29;
	s1 =	sand.u32 $0x70, s31;
	v4 =	vadd.f32 v4, v5  }
0x158: {  	s31 =	sadd.s32 $0x10, s31;
	s1 =	sor.u32 s1, s0  }
0x159: {  	v5 =	vld [tilespmem:s1+$0x4280];
	v3 =	vadd.f32 v3, v4  }
0x15a: {  	v4 =	vld [tilespmem:s1+$0x4300]  }
0x15b: {  	[tilespmem:s23+$0xA180] =	vst v3  }
0x15c: {  	v3 =	vld [tilespmem:s1+$0xA180];
	_ =	sdelay $0x2  }
0x15d: {  	v4 =	vadd.f32 v4, v5;
	_ =	sdelay $0x1  }
0x15e: {  	v3 =	vadd.f32 v3, v4;
	_ =	sdelay $0x1  }
0x15f: {  	s0 =	sor.u32 s26, s26;
	[tilespmem:s1+$0xA180] =	vst v3  }
0x160: {  	s0 =	sor.u32 $0x380, s0;
	v3 =	vld [tilespmem:s30+$0x4380]  }
0x161: {  	v4 =	vld [tilespmem:s0+$0x4080];
	_ =	sdelay $0x1  }
0x162: {  	v5 =	vld [tilespmem:s30+$0xA200];
	_ =	sdelay $0x2  }
0x163: {  	v3 =	vadd.f32 v4, v3  }
0x164: {  	s26 =	simm.s32 $0x80  }
0x165: {  	s31 =	sand.u32 $0x1C00, s26;
	v3 =	vadd.f32 v5, v3  }
0x166: {  	s23 =	sor.u32 s28, s31;
	s1 =	sor.u32 s26, s24;
	s24 =	simm.s32 $0x20  }
.LBB2_24:
0x167: {  	p0 =	sne.s32 s24, $0x3F0;
	v4 =	vld [tilespmem:s23+$0x4380];
	s0 =	sor.u32 $0x380, s1;
	[tilespmem:s30+$0xA200] =	vst v3  }
0x168: {  	s30 =	smov.u32 s23;
	v3 =	vld [tilespmem:s0+$0x4080];
	_ =	sdelay $0x1  }
0x169: {  	v5 =	vld [tilespmem:s30+$0xA200];
	_ =	sdelay $0x1  }
.Ltmp11:
0x16a: {  	(pc) =	sbr.rel @p0 .LBB2_24-.Ltmp11, $4  }
0x16b: {  	v3 =	vadd.f32 v3, v4  }
0x16c: {  	s26 =	sadd.s32 $0x80, s26  }
0x16d: {  	s0 =	sand.u32 $0x70, s24;
	s1 =	sand.u32 $0x1C00, s26;
	v3 =	vadd.f32 v5, v3  }
0x16e: {  	s23 =	sor.u32 s0, s1;
	s1 =	sor.u32 s26, s24;
	s24 =	sadd.s32 $0x10, s24  }
0x16f: {  	v4 =	vld [tilespmem:s23+$0x4380];
	s0 =	sor.u32 $0x380, s1;
	[tilespmem:s30+$0xA200] =	vst v3  }
0x170: {  	v3 =	vld [tilespmem:s0+$0x4080];
	_ =	sdelay $0x1  }
0x171: {  	v5 =	vld [tilespmem:s23+$0xA200];
	_ =	sdelay $0x2  }
0x172: {  	v3 =	vadd.f32 v3, v4;
	_ =	sdelay $0x1  }
0x173: {  	s24 =	simm.s32 $0x0;
	v3 =	vadd.f32 v5, v3  }
0x174: {  	s26 =	sand.u32 $0x70, s24;
	s0 =	sand.u32 $0x1C00, s24  }
0x175: {  	[tilespmem:s23+$0xA200] =	vst v3;
	s23 =	sor.u32 s26, s0  }
0x176: {  	v4 =	vld [tilespmem:s23+$0x6080]  }
0x177: {  	v5 =	vld [tilespmem:s23+$0x6100];
	_ =	sdelay $0x1  }
0x178: {  	v3 =	vld [tilespmem:s23+$0xA280];
	_ =	sdelay $0x1  }
0x179: {  	s30 =	simm.s32 $0x10;
	s26 =	simm.s32 $0x80  }
0x17a: {  	s24 =	sand.u32 $0x70, s30;
	s31 =	sand.u32 $0x1C00, s26;
	v4 =	vadd.f32 v5, v4  }
0x17b: {  	s29 =	simm.s32 $0x20;
	s28 =	smov.u32 s23;
	s1 =	sor.u32 s24, s31  }
.LBB2_26:
0x17c: {  	p0 =	sne.s32 s29, $0x3F0;
	v5 =	vld [tilespmem:s1+$0x6080];
	v3 =	vadd.f32 v3, v4  }
0x17d: {  	v4 =	vld [tilespmem:s1+$0x6100]  }
0x17e: {  	[tilespmem:s28+$0xA280] =	vst v3;
	s28 =	smov.u32 s1  }
.Ltmp12:
0x17f: {  	v3 =	vld [tilespmem:s28+$0xA280];
	(pc) =	sbr.rel @p0 .LBB2_26-.Ltmp12, $4  }
0x180: {  	_ = 	snop  }
0x181: {  	s26 =	sadd.s32 $0x80, s26  }
0x182: {  	s0 =	sand.u32 $0x70, s29;
	s1 =	sand.u32 $0x1C00, s26;
	v4 =	vadd.f32 v4, v5  }
0x183: {  	s29 =	sadd.s32 $0x10, s29;
	s1 =	sor.u32 s0, s1  }
0x184: {  	v5 =	vld [tilespmem:s1+$0x6080];
	v3 =	vadd.f32 v3, v4  }
0x185: {  	v4 =	vld [tilespmem:s1+$0x6100]  }
0x186: {  	[tilespmem:s28+$0xA280] =	vst v3  }
0x187: {  	v3 =	vld [tilespmem:s1+$0xA280];
	_ =	sdelay $0x2  }
0x188: {  	v4 =	vadd.f32 v4, v5;
	_ =	sdelay $0x1  }
0x189: {  	v3 =	vadd.f32 v3, v4;
	_ =	sdelay $0x1  }
0x18a: {  	[tilespmem:s1+$0xA280] =	vst v3  }
0x18b: {  	v4 =	vld [tilespmem:s23+$0x6180]  }
0x18c: {  	v5 =	vld [tilespmem:s23+$0x6200];
	_ =	sdelay $0x1  }
0x18d: {  	v3 =	vld [tilespmem:s23+$0xA300];
	_ =	sdelay $0x1  }
0x18e: {  	s26 =	simm.s32 $0x80  }
0x18f: {  	s0 =	sand.u32 $0x1C00, s26;
	v4 =	vadd.f32 v5, v4  }
0x190: {  	s24 =	sor.u32 s24, s0;
	s28 =	simm.s32 $0x20  }
.LBB2_28:
0x191: {  	p0 =	sne.s32 s28, $0x3F0;
	v5 =	vld [tilespmem:s24+$0x6180];
	v3 =	vadd.f32 v3, v4  }
0x192: {  	v4 =	vld [tilespmem:s24+$0x6200]  }
0x193: {  	[tilespmem:s23+$0xA300] =	vst v3;
	s23 =	smov.u32 s24  }
.Ltmp13:
0x194: {  	v3 =	vld [tilespmem:s23+$0xA300];
	(pc) =	sbr.rel @p0 .LBB2_28-.Ltmp13, $4  }
0x195: {  	_ = 	snop  }
0x196: {  	s26 =	sadd.s32 $0x80, s26  }
0x197: {  	s0 =	sand.u32 $0x70, s28;
	s1 =	sand.u32 $0x1C00, s26;
	v4 =	vadd.f32 v4, v5  }
0x198: {  	s28 =	sadd.s32 $0x10, s28;
	s24 =	sor.u32 s0, s1  }
0x199: {  	v5 =	vld [tilespmem:s24+$0x6180];
	v3 =	vadd.f32 v3, v4  }
0x19a: {  	v4 =	vld [tilespmem:s24+$0x6200]  }
0x19b: {  	[tilespmem:s23+$0xA300] =	vst v3  }
0x19c: {  	v3 =	vld [tilespmem:s24+$0xA300];
	_ =	sdelay $0x2  }
0x19d: {  	v4 =	vadd.f32 v4, v5;
	_ =	sdelay $0x1  }
0x19e: {  	s23 =	simm.s32 $0x0;
	v3 =	vadd.f32 v3, v4  }
0x19f: {  	s0 =	sand.u32 $0x70, s23;
	s1 =	sand.u32 $0x1C00, s23  }
0x1a0: {  	s26 =	sor.u32 s0, s1;
	[tilespmem:s24+$0xA300] =	vst v3  }
0x1a1: {  	v4 =	vld [tilespmem:s26+$0x6280]  }
0x1a2: {  	v5 =	vld [tilespmem:s26+$0x6300];
	_ =	sdelay $0x1  }
0x1a3: {  	v3 =	vld [tilespmem:s26+$0xA380];
	_ =	sdelay $0x1  }
0x1a4: {  	s28 =	simm.s32 $0x80;
	s24 =	simm.s32 $0x10  }
0x1a5: {  	s31 =	sand.u32 $0x1C00, s28;
	s1 =	sand.u32 $0x70, s24;
	v4 =	vadd.f32 v5, v4  }
0x1a6: {  	s30 =	simm.s32 $0x20;
	s29 =	smov.u32 s26;
	s1 =	sor.u32 s1, s31  }
.LBB2_30:
0x1a7: {  	p0 =	sne.s32 s30, $0x3F0;
	v5 =	vld [tilespmem:s1+$0x6280];
	v3 =	vadd.f32 v3, v4  }
0x1a8: {  	v4 =	vld [tilespmem:s1+$0x6300]  }
0x1a9: {  	[tilespmem:s29+$0xA380] =	vst v3;
	s29 =	smov.u32 s1  }
.Ltmp14:
0x1aa: {  	v3 =	vld [tilespmem:s29+$0xA380];
	(pc) =	sbr.rel @p0 .LBB2_30-.Ltmp14, $4  }
0x1ab: {  	_ = 	snop  }
0x1ac: {  	s28 =	sadd.s32 $0x80, s28  }
0x1ad: {  	s0 =	sand.u32 $0x70, s30;
	s1 =	sand.u32 $0x1C00, s28;
	v4 =	vadd.f32 v4, v5  }
0x1ae: {  	s30 =	sadd.s32 $0x10, s30;
	s1 =	sor.u32 s0, s1  }
0x1af: {  	v5 =	vld [tilespmem:s1+$0x6280];
	v3 =	vadd.f32 v3, v4  }
0x1b0: {  	v63 =	vld [tilespmem:s1+$0x6300]  }
0x1b1: {  	[tilespmem:s29+$0xA380] =	vst v3  }
0x1b2: {  	v3 =	vld [tilespmem:s1+$0xA380];
	_ =	sdelay $0x2  }
0x1b3: {  	v4 =	vadd.f32 v63, v5;
	_ =	sdelay $0x1  }
0x1b4: {  	v3 =	vadd.f32 v3, v4;
	_ =	sdelay $0x1  }
0x1b5: {  	s28 =	simm.s32 $0x0;
	[tilespmem:s1+$0xA380] =	vst v3  }
.LBB2_32:
0x1b6: {  	p0 =	sne.s32 s24, $0x3F0;
	v3 =	vld [tilespmem:s26+$0x6400]  }
0x1b7: {  	s0 =	sor.u32 s28, s23;
	s23 =	smov.u32 s24;
	v4 =	vld [tilespmem:s26+$0x6380]  }
0x1b8: {  	s0 =	sor.u32 $0x380, s0  }
0x1b9: {  	v5 =	vld [tilespmem:s0+$0xA080];
	_ =	sdelay $0x2  }
.Ltmp15:
0x1ba: {  	v3 =	vadd.f32 v3, v4;
	(pc) =	sbr.rel @p0 .LBB2_32-.Ltmp15, $4  }
0x1bb: {  	_ = 	snop  }
0x1bc: {  	s28 =	sadd.s32 $0x80, s28;
	v3 =	vadd.f32 v5, v3  }
0x1bd: {  	s1 =	sand.u32 $0x70, s24;
	s26 =	sand.u32 $0x1C00, s28  }
0x1be: {  	s24 =	sadd.s32 $0x10, s24;
	s26 =	sor.u32 s1, s26;
	[tilespmem:s0+$0xA080] =	vst v3  }
0x1bf: {  	v3 =	vld [tilespmem:s26+$0x6400]  }
0x1c0: {  	v4 =	vld [tilespmem:s26+$0x6380];
	s0 =	sor.u32 s28, s23  }
0x1c1: {  	s0 =	sor.u32 $0x380, s0  }
0x1c2: {  	v5 =	vld [tilespmem:s0+$0xA080];
	_ =	sdelay $0x2  }
0x1c3: {  	v3 =	vadd.f32 v3, v4;
	_ =	sdelay $0x1  }
0x1c4: {  	v3 =	vadd.f32 v5, v3;
	_ =	sdelay $0x1  }
0x1c5: {  	s23 =	simm.s32 $0x0;
	s1 =	rddreg [dreg:$0x8];
	[tilespmem:s0+$0xA080] =	vst v3  }
0x1c6: {  	[hbm4b:s1+s23] =	stream.linear.scatter [tilespmem:s17], [sflag:$0x5], $0x2000, $0x38;
	[tilespmem:$0xC080] =	vst v63  }
0x1c7: {  	_ =	swait.ge [sflag:s25], $0x2000  }
0x1c8: {  	[sflag:s25] =	ssyncset.done $0x0  }
0x1c9: {  	[sflag:s25] =	ssyncadd.s32 $0xFFFFE000  }
0x1ca: {  	v3 =	vld [tilespmem:$0x30];
	_ =	sdelay $0x4  }
0x1cb: {  	v4 =	vshll.u32 v3, $0x3  }
0x1cc: {  	v3 =	vand.u32 $0x7, v3;
	v4 =	vand.u32 $0xFFFFFFC0, v4  }
0x1cd: {  	v3 =	vor.u32 v3, v4  }
0x1ce: {  	v4 =	vperm.xlane v3, v0;
	_ =	sdelay $0x1  }
0x1cf: {  	v4 =	vadd.s32 v1, v4;
	_ =	sdelay $0x4  }
0x1d0: {  	[tilespmem:s9], [sflag:$0x2] =	stream.indirect_vreg.gather [hbm4b:s3+s23], $0x80, v4, vm0, $0xb8;
	[tilespmem:$0xC080] =	vst v63  }
0x1d1: {  	v3 =	vperm.xlane v3, v2  }
0x1d2: {  	[tilespmem:s10], [sflag:$0x2] =	stream.indirect_vreg.gather [hbm4b:s5+s23], $0x80, v4, vm0, $0xb8;
	[tilespmem:$0xC080] =	vst v63  }
0x1d3: {  	v3 =	vadd.s32 v1, v3  }
0x1d4: {  	[tilespmem:s11], [sflag:$0x2] =	stream.indirect_vreg.gather [hbm4b:s6+s23], $0x80, v4, vm0, $0xb8;
	[tilespmem:$0xC080] =	vst v63  }
0x1d5: {  	_ = 	snop  }
0x1d6: {  	[tilespmem:s12], [sflag:$0x2] =	stream.indirect_vreg.gather [hbm4b:s7+s23], $0x80, v4, vm0, $0xb8;
	[tilespmem:$0xC080] =	vst v63  }
0x1d7: {  	_ = 	snop  }
0x1d8: {  	[tilespmem:s13], [sflag:$0x2] =	stream.indirect_vreg.gather [hbm4b:s3+s23], $0x80, v3, vm0, $0xb8;
	[tilespmem:$0xC080] =	vst v63  }
0x1d9: {  	_ = 	snop  }
0x1da: {  	[tilespmem:s14], [sflag:$0x2] =	stream.indirect_vreg.gather [hbm4b:s5+s23], $0x80, v3, vm0, $0xb8;
	[tilespmem:$0xC080] =	vst v63  }
0x1db: {  	_ = 	snop  }
0x1dc: {  	[tilespmem:s15], [sflag:$0x2] =	stream.indirect_vreg.gather [hbm4b:s6+s23], $0x80, v3, vm0, $0xb8;
	[tilespmem:$0xC080] =	vst v63  }
0x1dd: {  	_ = 	snop  }
0x1de: {  	[tilespmem:s16], [sflag:$0x2] =	stream.indirect_vreg.gather [hbm4b:s7+s23], $0x80, v3, vm0, $0xb8;
	[tilespmem:$0xC080] =	vst v63  }
0x1df: {  	s24 =	rddreg [dreg:$0x9]  }
0x1e0: {  	[tilespmem:s17], [sflag:$0x4] =	stream.linear.gather [hbm4b:s24+s23], $0x2000, $0x38;
	[tilespmem:$0xC080] =	vst v63  }
0x1e1: {  	_ =	swait.ge [sflag:s18], $0x4000  }
0x1e2: {  	[sflag:s18] =	ssyncset.done $0x0  }
0x1e3: {  	[sflag:s18] =	ssyncadd.s32 $0xFFFFC000  }
0x1e4: {  	_ =	swait.ge [sflag:s19], $0x2000  }
0x1e5: {  	s26 =	sand.u32 $0x70, s23;
	s0 =	sand.u32 $0x1C00, s23;
	[sflag:s19] =	ssyncset.done $0x0  }
0x1e6: {  	s23 =	sor.u32 s26, s0;
	[sflag:s19] =	ssyncadd.s32 $0xFFFFE000  }
0x1e7: {  	v4 =	vld [tilespmem:s23+$0x80]  }
0x1e8: {  	v5 =	vld [tilespmem:s23+$0x100];
	_ =	sdelay $0x1  }
0x1e9: {  	v3 =	vld [tilespmem:s23+$0x8080];
	_ =	sdelay $0x1  }
0x1ea: {  	s30 =	simm.s32 $0x10;
	s26 =	simm.s32 $0x80  }
0x1eb: {  	s24 =	sand.u32 $0x70, s30;
	s31 =	sand.u32 $0x1C00, s26;
	v4 =	vadd.f32 v5, v4  }
0x1ec: {  	s29 =	simm.s32 $0x20;
	s28 =	smov.u32 s23;
	s1 =	sor.u32 s24, s31  }
.LBB2_34:
0x1ed: {  	p0 =	sne.s32 s29, $0x3F0;
	v5 =	vld [tilespmem:s1+$0x80];
	v3 =	vadd.f32 v3, v4  }
0x1ee: {  	v4 =	vld [tilespmem:s1+$0x100]  }
0x1ef: {  	[tilespmem:s28+$0x8080] =	vst v3;
	s28 =	smov.u32 s1  }
.Ltmp16:
0x1f0: {  	v3 =	vld [tilespmem:s28+$0x8080];
	(pc) =	sbr.rel @p0 .LBB2_34-.Ltmp16, $4  }
0x1f1: {  	_ = 	snop  }
0x1f2: {  	s26 =	sadd.s32 $0x80, s26  }
0x1f3: {  	s0 =	sand.u32 $0x70, s29;
	s1 =	sand.u32 $0x1C00, s26;
	v4 =	vadd.f32 v4, v5  }
0x1f4: {  	s29 =	sadd.s32 $0x10, s29;
	s1 =	sor.u32 s0, s1  }
0x1f5: {  	v5 =	vld [tilespmem:s1+$0x80];
	v3 =	vadd.f32 v3, v4  }
0x1f6: {  	v4 =	vld [tilespmem:s1+$0x100]  }
0x1f7: {  	[tilespmem:s28+$0x8080] =	vst v3  }
0x1f8: {  	v3 =	vld [tilespmem:s1+$0x8080];
	_ =	sdelay $0x2  }
0x1f9: {  	v4 =	vadd.f32 v4, v5;
	_ =	sdelay $0x1  }
0x1fa: {  	v3 =	vadd.f32 v3, v4;
	_ =	sdelay $0x1  }
0x1fb: {  	[tilespmem:s1+$0x8080] =	vst v3  }
0x1fc: {  	v4 =	vld [tilespmem:s23+$0x180]  }
0x1fd: {  	v5 =	vld [tilespmem:s23+$0x200];
	_ =	sdelay $0x1  }
0x1fe: {  	v3 =	vld [tilespmem:s23+$0x8100];
	_ =	sdelay $0x1  }
0x1ff: {  	s26 =	simm.s32 $0x80  }
0x200: {  	s0 =	sand.u32 $0x1C00, s26;
	v4 =	vadd.f32 v5, v4  }
0x201: {  	s24 =	sor.u32 s24, s0;
	s28 =	simm.s32 $0x20  }
.LBB2_36:
0x202: {  	p0 =	sne.s32 s28, $0x3F0;
	v5 =	vld [tilespmem:s24+$0x180];
	v3 =	vadd.f32 v3, v4  }
0x203: {  	v4 =	vld [tilespmem:s24+$0x200]  }
0x204: {  	[tilespmem:s23+$0x8100] =	vst v3;
	s23 =	smov.u32 s24  }
.Ltmp17:
0x205: {  	v3 =	vld [tilespmem:s23+$0x8100];
	(pc) =	sbr.rel @p0 .LBB2_36-.Ltmp17, $4  }
0x206: {  	_ = 	snop  }
0x207: {  	s26 =	sadd.s32 $0x80, s26  }
0x208: {  	s0 =	sand.u32 $0x70, s28;
	s1 =	sand.u32 $0x1C00, s26;
	v4 =	vadd.f32 v4, v5  }
0x209: {  	s28 =	sadd.s32 $0x10, s28;
	s24 =	sor.u32 s0, s1  }
0x20a: {  	v5 =	vld [tilespmem:s24+$0x180];
	v3 =	vadd.f32 v3, v4  }
0x20b: {  	v4 =	vld [tilespmem:s24+$0x200]  }
0x20c: {  	[tilespmem:s23+$0x8100] =	vst v3  }
0x20d: {  	v3 =	vld [tilespmem:s24+$0x8100];
	_ =	sdelay $0x2  }
0x20e: {  	v4 =	vadd.f32 v4, v5;
	_ =	sdelay $0x1  }
0x20f: {  	s26 =	simm.s32 $0x0;
	v3 =	vadd.f32 v3, v4  }
0x210: {  	s0 =	sand.u32 $0x70, s26;
	s1 =	sand.u32 $0x1C00, s26  }
0x211: {  	s23 =	sor.u32 s0, s1;
	[tilespmem:s24+$0x8100] =	vst v3  }
0x212: {  	v4 =	vld [tilespmem:s23+$0x280]  }
0x213: {  	v5 =	vld [tilespmem:s23+$0x300];
	_ =	sdelay $0x1  }
0x214: {  	v3 =	vld [tilespmem:s23+$0x8180];
	_ =	sdelay $0x1  }
0x215: {  	s29 =	simm.s32 $0x80;
	s24 =	simm.s32 $0x10  }
0x216: {  	s1 =	sand.u32 $0x1C00, s29;
	s28 =	sand.u32 $0x70, s24;
	v4 =	vadd.f32 v5, v4  }
0x217: {  	s31 =	simm.s32 $0x20;
	s30 =	smov.u32 s23;
	s1 =	sor.u32 s28, s1  }
.LBB2_38:
0x218: {  	p0 =	sne.s32 s31, $0x3F0;
	v5 =	vld [tilespmem:s1+$0x280];
	v3 =	vadd.f32 v3, v4  }
0x219: {  	v4 =	vld [tilespmem:s1+$0x300]  }
0x21a: {  	[tilespmem:s30+$0x8180] =	vst v3;
	s30 =	smov.u32 s1  }
.Ltmp18:
0x21b: {  	v3 =	vld [tilespmem:s30+$0x8180];
	(pc) =	sbr.rel @p0 .LBB2_38-.Ltmp18, $4  }
0x21c: {  	_ = 	snop  }
0x21d: {  	s29 =	sadd.s32 $0x80, s29  }
0x21e: {  	s0 =	sand.u32 $0x70, s31;
	s1 =	sand.u32 $0x1C00, s29;
	v4 =	vadd.f32 v4, v5  }
0x21f: {  	s31 =	sadd.s32 $0x10, s31;
	s1 =	sor.u32 s0, s1  }
0x220: {  	v5 =	vld [tilespmem:s1+$0x280];
	v3 =	vadd.f32 v3, v4  }
0x221: {  	v4 =	vld [tilespmem:s1+$0x300]  }
0x222: {  	[tilespmem:s30+$0x8180] =	vst v3  }
0x223: {  	v3 =	vld [tilespmem:s1+$0x8180];
	_ =	sdelay $0x2  }
0x224: {  	v4 =	vadd.f32 v4, v5;
	_ =	sdelay $0x1  }
0x225: {  	v3 =	vadd.f32 v3, v4;
	_ =	sdelay $0x1  }
0x226: {  	s0 =	sor.u32 s26, s26;
	[tilespmem:s1+$0x8180] =	vst v3  }
0x227: {  	s0 =	sor.u32 $0x380, s0;
	v3 =	vld [tilespmem:s23+$0x380]  }
0x228: {  	v4 =	vld [tilespmem:s0+$0x80];
	_ =	sdelay $0x1  }
0x229: {  	v5 =	vld [tilespmem:s23+$0x8200];
	_ =	sdelay $0x2  }
0x22a: {  	v3 =	vadd.f32 v4, v3  }
0x22b: {  	s26 =	simm.s32 $0x80  }
0x22c: {  	s31 =	sand.u32 $0x1C00, s26;
	v3 =	vadd.f32 v5, v3  }
0x22d: {  	s28 =	sor.u32 s28, s31;
	s1 =	sor.u32 s26, s24;
	s24 =	simm.s32 $0x20  }
.LBB2_40:
0x22e: {  	p0 =	sne.s32 s24, $0x3F0;
	v4 =	vld [tilespmem:s28+$0x380];
	s0 =	sor.u32 $0x380, s1;
	[tilespmem:s23+$0x8200] =	vst v3  }
0x22f: {  	s23 =	smov.u32 s28;
	v3 =	vld [tilespmem:s0+$0x80];
	_ =	sdelay $0x1  }
0x230: {  	v5 =	vld [tilespmem:s23+$0x8200];
	_ =	sdelay $0x1  }
.Ltmp19:
0x231: {  	(pc) =	sbr.rel @p0 .LBB2_40-.Ltmp19, $4  }
0x232: {  	v3 =	vadd.f32 v3, v4  }
0x233: {  	s26 =	sadd.s32 $0x80, s26  }
0x234: {  	s0 =	sand.u32 $0x70, s24;
	s1 =	sand.u32 $0x1C00, s26;
	v3 =	vadd.f32 v5, v3  }
0x235: {  	s28 =	sor.u32 s0, s1;
	s1 =	sor.u32 s26, s24;
	s24 =	sadd.s32 $0x10, s24  }
0x236: {  	v4 =	vld [tilespmem:s28+$0x380];
	s0 =	sor.u32 $0x380, s1;
	[tilespmem:s23+$0x8200] =	vst v3  }
0x237: {  	v3 =	vld [tilespmem:s0+$0x80];
	_ =	sdelay $0x1  }
0x238: {  	v5 =	vld [tilespmem:s28+$0x8200];
	_ =	sdelay $0x2  }
0x239: {  	v3 =	vadd.f32 v3, v4;
	_ =	sdelay $0x1  }
0x23a: {  	s24 =	simm.s32 $0x0;
	v3 =	vadd.f32 v5, v3  }
0x23b: {  	s26 =	sand.u32 $0x70, s24;
	s0 =	sand.u32 $0x1C00, s24  }
0x23c: {  	s23 =	sor.u32 s26, s0;
	[tilespmem:s28+$0x8200] =	vst v3  }
0x23d: {  	v4 =	vld [tilespmem:s23+$0x2080]  }
0x23e: {  	v5 =	vld [tilespmem:s23+$0x2100];
	_ =	sdelay $0x1  }
0x23f: {  	v3 =	vld [tilespmem:s23+$0x8280];
	_ =	sdelay $0x1  }
0x240: {  	s30 =	simm.s32 $0x10;
	s26 =	simm.s32 $0x80  }
0x241: {  	s24 =	sand.u32 $0x70, s30;
	s31 =	sand.u32 $0x1C00, s26;
	v4 =	vadd.f32 v5, v4  }
0x242: {  	s29 =	simm.s32 $0x20;
	s1 =	sor.u32 s24, s31;
	s28 =	smov.u32 s23  }
.LBB2_42:
0x243: {  	p0 =	sne.s32 s29, $0x3F0;
	v5 =	vld [tilespmem:s1+$0x2080];
	v3 =	vadd.f32 v3, v4  }
0x244: {  	v4 =	vld [tilespmem:s1+$0x2100]  }
0x245: {  	[tilespmem:s28+$0x8280] =	vst v3;
	s28 =	smov.u32 s1  }
.Ltmp20:
0x246: {  	v3 =	vld [tilespmem:s28+$0x8280];
	(pc) =	sbr.rel @p0 .LBB2_42-.Ltmp20, $4  }
0x247: {  	_ = 	snop  }
0x248: {  	s26 =	sadd.s32 $0x80, s26  }
0x249: {  	s0 =	sand.u32 $0x70, s29;
	s1 =	sand.u32 $0x1C00, s26;
	v4 =	vadd.f32 v4, v5  }
0x24a: {  	s29 =	sadd.s32 $0x10, s29;
	s1 =	sor.u32 s0, s1  }
0x24b: {  	v5 =	vld [tilespmem:s1+$0x2080];
	v3 =	vadd.f32 v3, v4  }
0x24c: {  	v4 =	vld [tilespmem:s1+$0x2100]  }
0x24d: {  	[tilespmem:s28+$0x8280] =	vst v3  }
0x24e: {  	v3 =	vld [tilespmem:s1+$0x8280];
	_ =	sdelay $0x2  }
0x24f: {  	v4 =	vadd.f32 v4, v5;
	_ =	sdelay $0x1  }
0x250: {  	v3 =	vadd.f32 v3, v4;
	_ =	sdelay $0x1  }
0x251: {  	[tilespmem:s1+$0x8280] =	vst v3  }
0x252: {  	v4 =	vld [tilespmem:s23+$0x2180]  }
0x253: {  	v5 =	vld [tilespmem:s23+$0x2200];
	_ =	sdelay $0x1  }
0x254: {  	v3 =	vld [tilespmem:s23+$0x8300];
	_ =	sdelay $0x1  }
0x255: {  	s26 =	simm.s32 $0x80  }
0x256: {  	s0 =	sand.u32 $0x1C00, s26;
	v4 =	vadd.f32 v5, v4  }
0x257: {  	s24 =	sor.u32 s24, s0;
	s28 =	simm.s32 $0x20  }
.LBB2_44:
0x258: {  	p0 =	sne.s32 s28, $0x3F0;
	v5 =	vld [tilespmem:s24+$0x2180];
	v3 =	vadd.f32 v3, v4  }
0x259: {  	v4 =	vld [tilespmem:s24+$0x2200]  }
0x25a: {  	[tilespmem:s23+$0x8300] =	vst v3;
	s23 =	smov.u32 s24  }
.Ltmp21:
0x25b: {  	v3 =	vld [tilespmem:s23+$0x8300];
	(pc) =	sbr.rel @p0 .LBB2_44-.Ltmp21, $4  }
0x25c: {  	_ = 	snop  }
0x25d: {  	s26 =	sadd.s32 $0x80, s26  }
0x25e: {  	s0 =	sand.u32 $0x70, s28;
	s1 =	sand.u32 $0x1C00, s26;
	v4 =	vadd.f32 v4, v5  }
0x25f: {  	s28 =	sadd.s32 $0x10, s28;
	s24 =	sor.u32 s0, s1  }
0x260: {  	v5 =	vld [tilespmem:s24+$0x2180];
	v3 =	vadd.f32 v3, v4  }
0x261: {  	v4 =	vld [tilespmem:s24+$0x2200]  }
0x262: {  	[tilespmem:s23+$0x8300] =	vst v3  }
0x263: {  	v3 =	vld [tilespmem:s24+$0x8300];
	_ =	sdelay $0x2  }
0x264: {  	v4 =	vadd.f32 v4, v5;
	_ =	sdelay $0x1  }
0x265: {  	s23 =	simm.s32 $0x0;
	v3 =	vadd.f32 v3, v4  }
0x266: {  	s0 =	sand.u32 $0x70, s23;
	s1 =	sand.u32 $0x1C00, s23  }
0x267: {  	s26 =	sor.u32 s0, s1;
	[tilespmem:s24+$0x8300] =	vst v3  }
0x268: {  	v4 =	vld [tilespmem:s26+$0x2280]  }
0x269: {  	v5 =	vld [tilespmem:s26+$0x2300];
	_ =	sdelay $0x1  }
0x26a: {  	v3 =	vld [tilespmem:s26+$0x8380];
	_ =	sdelay $0x1  }
0x26b: {  	s28 =	simm.s32 $0x80;
	s24 =	simm.s32 $0x10  }
0x26c: {  	s31 =	sand.u32 $0x1C00, s28;
	s1 =	sand.u32 $0x70, s24;
	v4 =	vadd.f32 v5, v4  }
0x26d: {  	s30 =	simm.s32 $0x20;
	s29 =	smov.u32 s26;
	s1 =	sor.u32 s1, s31  }
.LBB2_46:
0x26e: {  	p0 =	sne.s32 s30, $0x3F0;
	v5 =	vld [tilespmem:s1+$0x2280];
	v3 =	vadd.f32 v3, v4  }
0x26f: {  	v4 =	vld [tilespmem:s1+$0x2300]  }
0x270: {  	[tilespmem:s29+$0x8380] =	vst v3;
	s29 =	smov.u32 s1  }
.Ltmp22:
0x271: {  	v3 =	vld [tilespmem:s29+$0x8380];
	(pc) =	sbr.rel @p0 .LBB2_46-.Ltmp22, $4  }
0x272: {  	_ = 	snop  }
0x273: {  	s28 =	sadd.s32 $0x80, s28  }
0x274: {  	s0 =	sand.u32 $0x70, s30;
	s1 =	sand.u32 $0x1C00, s28;
	v4 =	vadd.f32 v4, v5  }
0x275: {  	s30 =	sadd.s32 $0x10, s30;
	s1 =	sor.u32 s0, s1  }
0x276: {  	v5 =	vld [tilespmem:s1+$0x2280];
	v3 =	vadd.f32 v3, v4  }
0x277: {  	v63 =	vld [tilespmem:s1+$0x2300]  }
0x278: {  	[tilespmem:s29+$0x8380] =	vst v3  }
0x279: {  	v3 =	vld [tilespmem:s1+$0x8380];
	_ =	sdelay $0x2  }
0x27a: {  	v4 =	vadd.f32 v63, v5;
	_ =	sdelay $0x1  }
0x27b: {  	v3 =	vadd.f32 v3, v4;
	_ =	sdelay $0x1  }
0x27c: {  	s28 =	simm.s32 $0x0;
	[tilespmem:s1+$0x8380] =	vst v3  }
.LBB2_48:
0x27d: {  	p0 =	sne.s32 s24, $0x3F0;
	v3 =	vld [tilespmem:s26+$0x2400]  }
0x27e: {  	s0 =	sor.u32 s28, s23;
	s23 =	smov.u32 s24;
	v4 =	vld [tilespmem:s26+$0x2380]  }
0x27f: {  	s0 =	sor.u32 $0x380, s0  }
0x280: {  	v5 =	vld [tilespmem:s0+$0x8080];
	_ =	sdelay $0x2  }
.Ltmp23:
0x281: {  	v3 =	vadd.f32 v3, v4;
	(pc) =	sbr.rel @p0 .LBB2_48-.Ltmp23, $4  }
0x282: {  	_ = 	snop  }
0x283: {  	s28 =	sadd.s32 $0x80, s28;
	v3 =	vadd.f32 v5, v3  }
0x284: {  	s1 =	sand.u32 $0x70, s24;
	s26 =	sand.u32 $0x1C00, s28  }
0x285: {  	s24 =	sadd.s32 $0x10, s24;
	s26 =	sor.u32 s1, s26;
	[tilespmem:s0+$0x8080] =	vst v3  }
0x286: {  	v3 =	vld [tilespmem:s26+$0x2400]  }
0x287: {  	v4 =	vld [tilespmem:s26+$0x2380];
	s0 =	sor.u32 s28, s23  }
0x288: {  	s0 =	sor.u32 $0x380, s0  }
0x289: {  	v5 =	vld [tilespmem:s0+$0x8080];
	_ =	sdelay $0x2  }
0x28a: {  	v3 =	vadd.f32 v3, v4;
	_ =	sdelay $0x1  }
0x28b: {  	v3 =	vadd.f32 v5, v3;
	_ =	sdelay $0x1  }
0x28c: {  	s1 =	rddreg [dreg:$0xa];
	[tilespmem:s0+$0x8080] =	vst v3;
	s0 =	simm.s32 $0x0  }
0x28d: {  	[hbm4b:s1+s0] =	stream.linear.scatter [tilespmem:s8], [sflag:$0x5], $0x2000, $0x38;
	[tilespmem:$0xC080] =	vst v63  }
0x28e: {  	_ =	swait.ge [sflag:s25], $0x2000  }
0x28f: {  	[sflag:s25] =	ssyncset.done $0x0  }
0x290: {  	[sflag:s25] =	ssyncadd.s32 $0xFFFFE000  }
0x291: {  	v3 =	vld [tilespmem:$0x40];
	_ =	sdelay $0x4  }
0x292: {  	v4 =	vshll.u32 v3, $0x3  }
0x293: {  	v3 =	vand.u32 $0x7, v3;
	v4 =	vand.u32 $0xFFFFFFC0, v4  }
0x294: {  	v3 =	vor.u32 v3, v4  }
0x295: {  	v4 =	vperm.xlane v3, v0;
	_ =	sdelay $0x1  }
0x296: {  	v4 =	vadd.s32 v1, v4;
	_ =	sdelay $0x3  }
0x297: {  	s31 =	simm.s32 $0x80  }
0x298: {  	[tilespmem:s31], [sflag:$0x1] =	stream.indirect_vreg.gather [hbm4b:s3+s0], $0x80, v4, vm0, $0xb8;
	[tilespmem:$0xC080] =	vst v63  }
0x299: {  	s23 =	simm.s32 $0x880;
	v3 =	vperm.xlane v3, v2  }
0x29a: {  	[tilespmem:s23], [sflag:$0x1] =	stream.indirect_vreg.gather [hbm4b:s5+s0], $0x80, v4, vm0, $0xb8;
	[tilespmem:$0xC080] =	vst v63  }
0x29b: {  	s24 =	simm.s32 $0x1080;
	v3 =	vadd.s32 v1, v3  }
0x29c: {  	[tilespmem:s24], [sflag:$0x1] =	stream.indirect_vreg.gather [hbm4b:s6+s0], $0x80, v4, vm0, $0xb8;
	[tilespmem:$0xC080] =	vst v63  }
0x29d: {  	s26 =	simm.s32 $0x1880  }
0x29e: {  	[tilespmem:s26], [sflag:$0x1] =	stream.indirect_vreg.gather [hbm4b:s7+s0], $0x80, v4, vm0, $0xb8;
	[tilespmem:$0xC080] =	vst v63  }
0x29f: {  	s30 =	simm.s32 $0x2080  }
0x2a0: {  	[tilespmem:s30], [sflag:$0x1] =	stream.indirect_vreg.gather [hbm4b:s3+s0], $0x80, v3, vm0, $0xb8;
	[tilespmem:$0xC080] =	vst v63  }
0x2a1: {  	s31 =	simm.s32 $0x2880  }
0x2a2: {  	[tilespmem:s31], [sflag:$0x1] =	stream.indirect_vreg.gather [hbm4b:s5+s0], $0x80, v3, vm0, $0xb8;
	[tilespmem:$0xC080] =	vst v63  }
0x2a3: {  	s23 =	simm.s32 $0x3080  }
0x2a4: {  	[tilespmem:s23], [sflag:$0x1] =	stream.indirect_vreg.gather [hbm4b:s6+s0], $0x80, v3, vm0, $0xb8;
	[tilespmem:$0xC080] =	vst v63  }
0x2a5: {  	_ = 	snop  }
0x2a6: {  	[tilespmem:s4], [sflag:$0x1] =	stream.indirect_vreg.gather [hbm4b:s7+s0], $0x80, v3, vm0, $0xb8;
	[tilespmem:$0xC080] =	vst v63  }
0x2a7: {  	s24 =	rddreg [dreg:$0xb]  }
0x2a8: {  	[tilespmem:s8], [sflag:$0x3] =	stream.linear.gather [hbm4b:s24+s0], $0x2000, $0x38;
	[tilespmem:$0xC080] =	vst v63  }
0x2a9: {  	_ =	swait.ge [sflag:s20], $0x4000  }
0x2aa: {  	[sflag:s20] =	ssyncset.done $0x0  }
0x2ab: {  	[sflag:s20] =	ssyncadd.s32 $0xFFFFC000  }
0x2ac: {  	_ =	swait.ge [sflag:s21], $0x2000  }
0x2ad: {  	s26 =	sand.u32 $0x70, s0;
	s0 =	sand.u32 $0x1C00, s0;
	[sflag:s21] =	ssyncset.done $0x0  }
0x2ae: {  	s23 =	sor.u32 s26, s0;
	[sflag:s21] =	ssyncadd.s32 $0xFFFFE000  }
0x2af: {  	v4 =	vld [tilespmem:s23+$0x4080]  }
0x2b0: {  	v5 =	vld [tilespmem:s23+$0x4100];
	_ =	sdelay $0x1  }
0x2b1: {  	v3 =	vld [tilespmem:s23+$0xA080];
	_ =	sdelay $0x1  }
0x2b2: {  	s30 =	simm.s32 $0x10;
	s26 =	simm.s32 $0x80  }
0x2b3: {  	s24 =	sand.u32 $0x70, s30;
	s31 =	sand.u32 $0x1C00, s26;
	v4 =	vadd.f32 v5, v4  }
0x2b4: {  	s29 =	simm.s32 $0x20;
	s28 =	smov.u32 s23;
	s1 =	sor.u32 s24, s31  }
.LBB2_50:
0x2b5: {  	p0 =	sne.s32 s29, $0x3F0;
	v5 =	vld [tilespmem:s1+$0x4080];
	v3 =	vadd.f32 v3, v4  }
0x2b6: {  	v4 =	vld [tilespmem:s1+$0x4100]  }
0x2b7: {  	[tilespmem:s28+$0xA080] =	vst v3;
	s28 =	smov.u32 s1  }
.Ltmp24:
0x2b8: {  	v3 =	vld [tilespmem:s28+$0xA080];
	(pc) =	sbr.rel @p0 .LBB2_50-.Ltmp24, $4  }
0x2b9: {  	_ = 	snop  }
0x2ba: {  	s26 =	sadd.s32 $0x80, s26  }
0x2bb: {  	s0 =	sand.u32 $0x70, s29;
	s1 =	sand.u32 $0x1C00, s26;
	v4 =	vadd.f32 v4, v5  }
0x2bc: {  	s29 =	sadd.s32 $0x10, s29;
	s1 =	sor.u32 s0, s1  }
0x2bd: {  	v5 =	vld [tilespmem:s1+$0x4080];
	v3 =	vadd.f32 v3, v4  }
0x2be: {  	v4 =	vld [tilespmem:s1+$0x4100]  }
0x2bf: {  	[tilespmem:s28+$0xA080] =	vst v3  }
0x2c0: {  	v3 =	vld [tilespmem:s1+$0xA080];
	_ =	sdelay $0x2  }
0x2c1: {  	v4 =	vadd.f32 v4, v5;
	_ =	sdelay $0x1  }
0x2c2: {  	v3 =	vadd.f32 v3, v4;
	_ =	sdelay $0x1  }
0x2c3: {  	[tilespmem:s1+$0xA080] =	vst v3  }
0x2c4: {  	v4 =	vld [tilespmem:s23+$0x4180]  }
0x2c5: {  	v5 =	vld [tilespmem:s23+$0x4200];
	_ =	sdelay $0x1  }
0x2c6: {  	v3 =	vld [tilespmem:s23+$0xA100];
	_ =	sdelay $0x1  }
0x2c7: {  	s26 =	simm.s32 $0x80  }
0x2c8: {  	s0 =	sand.u32 $0x1C00, s26;
	v4 =	vadd.f32 v5, v4  }
0x2c9: {  	s24 =	sor.u32 s24, s0;
	s28 =	simm.s32 $0x20  }
.LBB2_52:
0x2ca: {  	p0 =	sne.s32 s28, $0x3F0;
	v5 =	vld [tilespmem:s24+$0x4180];
	v3 =	vadd.f32 v3, v4  }
0x2cb: {  	v4 =	vld [tilespmem:s24+$0x4200]  }
0x2cc: {  	[tilespmem:s23+$0xA100] =	vst v3;
	s23 =	smov.u32 s24  }
.Ltmp25:
0x2cd: {  	v3 =	vld [tilespmem:s23+$0xA100];
	(pc) =	sbr.rel @p0 .LBB2_52-.Ltmp25, $4  }
0x2ce: {  	_ = 	snop  }
0x2cf: {  	s26 =	sadd.s32 $0x80, s26  }
0x2d0: {  	s0 =	sand.u32 $0x70, s28;
	s1 =	sand.u32 $0x1C00, s26;
	v4 =	vadd.f32 v4, v5  }
0x2d1: {  	s28 =	sadd.s32 $0x10, s28;
	s24 =	sor.u32 s0, s1  }
0x2d2: {  	v5 =	vld [tilespmem:s24+$0x4180];
	v3 =	vadd.f32 v3, v4  }
0x2d3: {  	v4 =	vld [tilespmem:s24+$0x4200]  }
0x2d4: {  	[tilespmem:s23+$0xA100] =	vst v3  }
0x2d5: {  	v3 =	vld [tilespmem:s24+$0xA100];
	_ =	sdelay $0x2  }
0x2d6: {  	v4 =	vadd.f32 v4, v5;
	_ =	sdelay $0x1  }
0x2d7: {  	s26 =	simm.s32 $0x0;
	v3 =	vadd.f32 v3, v4  }
0x2d8: {  	s0 =	sand.u32 $0x70, s26;
	s1 =	sand.u32 $0x1C00, s26  }
0x2d9: {  	s23 =	sor.u32 s0, s1;
	[tilespmem:s24+$0xA100] =	vst v3  }
0x2da: {  	v4 =	vld [tilespmem:s23+$0x4280]  }
0x2db: {  	v5 =	vld [tilespmem:s23+$0x4300];
	_ =	sdelay $0x1  }
0x2dc: {  	v3 =	vld [tilespmem:s23+$0xA180];
	_ =	sdelay $0x1  }
0x2dd: {  	s29 =	simm.s32 $0x80;
	s24 =	simm.s32 $0x10  }
0x2de: {  	s1 =	sand.u32 $0x1C00, s29;
	s28 =	sand.u32 $0x70, s24;
	v4 =	vadd.f32 v5, v4  }
0x2df: {  	s31 =	simm.s32 $0x20;
	s30 =	smov.u32 s23;
	s1 =	sor.u32 s28, s1  }
.LBB2_54:
0x2e0: {  	p0 =	sne.s32 s31, $0x3F0;
	v5 =	vld [tilespmem:s1+$0x4280];
	v3 =	vadd.f32 v3, v4  }
0x2e1: {  	v4 =	vld [tilespmem:s1+$0x4300]  }
0x2e2: {  	[tilespmem:s30+$0xA180] =	vst v3;
	s30 =	smov.u32 s1  }
.Ltmp26:
0x2e3: {  	v3 =	vld [tilespmem:s30+$0xA180];
	(pc) =	sbr.rel @p0 .LBB2_54-.Ltmp26, $4  }
0x2e4: {  	_ = 	snop  }
0x2e5: {  	s29 =	sadd.s32 $0x80, s29  }
0x2e6: {  	s0 =	sand.u32 $0x70, s31;
	s1 =	sand.u32 $0x1C00, s29;
	v4 =	vadd.f32 v4, v5  }
0x2e7: {  	s31 =	sadd.s32 $0x10, s31;
	s1 =	sor.u32 s0, s1  }
0x2e8: {  	v5 =	vld [tilespmem:s1+$0x4280];
	v3 =	vadd.f32 v3, v4  }
0x2e9: {  	v4 =	vld [tilespmem:s1+$0x4300]  }
0x2ea: {  	[tilespmem:s30+$0xA180] =	vst v3  }
0x2eb: {  	v3 =	vld [tilespmem:s1+$0xA180];
	_ =	sdelay $0x2  }
0x2ec: {  	v4 =	vadd.f32 v4, v5;
	_ =	sdelay $0x1  }
0x2ed: {  	v3 =	vadd.f32 v3, v4;
	_ =	sdelay $0x1  }
0x2ee: {  	s0 =	sor.u32 s26, s26;
	[tilespmem:s1+$0xA180] =	vst v3  }
0x2ef: {  	s0 =	sor.u32 $0x380, s0;
	v3 =	vld [tilespmem:s23+$0x4380]  }
0x2f0: {  	v4 =	vld [tilespmem:s0+$0x4080];
	_ =	sdelay $0x1  }
0x2f1: {  	v5 =	vld [tilespmem:s23+$0xA200];
	_ =	sdelay $0x2  }
0x2f2: {  	v3 =	vadd.f32 v4, v3  }
0x2f3: {  	s26 =	simm.s32 $0x80  }
0x2f4: {  	s31 =	sand.u32 $0x1C00, s26;
	v3 =	vadd.f32 v5, v3  }
0x2f5: {  	s28 =	sor.u32 s28, s31;
	s1 =	sor.u32 s26, s24;
	s24 =	simm.s32 $0x20  }
.LBB2_56:
0x2f6: {  	p0 =	sne.s32 s24, $0x3F0;
	v4 =	vld [tilespmem:s28+$0x4380];
	s0 =	sor.u32 $0x380, s1;
	[tilespmem:s23+$0xA200] =	vst v3  }
0x2f7: {  	s23 =	smov.u32 s28;
	v3 =	vld [tilespmem:s0+$0x4080];
	_ =	sdelay $0x1  }
0x2f8: {  	v5 =	vld [tilespmem:s23+$0xA200];
	_ =	sdelay $0x1  }
.Ltmp27:
0x2f9: {  	(pc) =	sbr.rel @p0 .LBB2_56-.Ltmp27, $4  }
0x2fa: {  	v3 =	vadd.f32 v3, v4  }
0x2fb: {  	s26 =	sadd.s32 $0x80, s26  }
0x2fc: {  	s0 =	sand.u32 $0x70, s24;
	s1 =	sand.u32 $0x1C00, s26;
	v3 =	vadd.f32 v5, v3  }
0x2fd: {  	s28 =	sor.u32 s0, s1;
	s1 =	sor.u32 s26, s24;
	s24 =	sadd.s32 $0x10, s24  }
0x2fe: {  	v4 =	vld [tilespmem:s28+$0x4380];
	s0 =	sor.u32 $0x380, s1;
	[tilespmem:s23+$0xA200] =	vst v3  }
0x2ff: {  	v3 =	vld [tilespmem:s0+$0x4080];
	_ =	sdelay $0x1  }
0x300: {  	v5 =	vld [tilespmem:s28+$0xA200];
	_ =	sdelay $0x2  }
0x301: {  	v3 =	vadd.f32 v3, v4;
	_ =	sdelay $0x1  }
0x302: {  	s24 =	simm.s32 $0x0;
	v3 =	vadd.f32 v5, v3  }
0x303: {  	s26 =	sand.u32 $0x70, s24;
	s0 =	sand.u32 $0x1C00, s24  }
0x304: {  	s23 =	sor.u32 s26, s0;
	[tilespmem:s28+$0xA200] =	vst v3  }
0x305: {  	v4 =	vld [tilespmem:s23+$0x6080]  }
0x306: {  	v5 =	vld [tilespmem:s23+$0x6100];
	_ =	sdelay $0x1  }
0x307: {  	v3 =	vld [tilespmem:s23+$0xA280];
	_ =	sdelay $0x1  }
0x308: {  	s30 =	simm.s32 $0x10;
	s26 =	simm.s32 $0x80  }
0x309: {  	s24 =	sand.u32 $0x70, s30;
	s31 =	sand.u32 $0x1C00, s26;
	v4 =	vadd.f32 v5, v4  }
0x30a: {  	s29 =	simm.s32 $0x20;
	s1 =	sor.u32 s24, s31;
	s28 =	smov.u32 s23  }
.LBB2_58:
0x30b: {  	p0 =	sne.s32 s29, $0x3F0;
	v5 =	vld [tilespmem:s1+$0x6080];
	v3 =	vadd.f32 v3, v4  }
0x30c: {  	v4 =	vld [tilespmem:s1+$0x6100]  }
0x30d: {  	[tilespmem:s28+$0xA280] =	vst v3;
	s28 =	smov.u32 s1  }
.Ltmp28:
0x30e: {  	v3 =	vld [tilespmem:s28+$0xA280];
	(pc) =	sbr.rel @p0 .LBB2_58-.Ltmp28, $4  }
0x30f: {  	_ = 	snop  }
0x310: {  	s26 =	sadd.s32 $0x80, s26  }
0x311: {  	s0 =	sand.u32 $0x70, s29;
	s1 =	sand.u32 $0x1C00, s26;
	v4 =	vadd.f32 v4, v5  }
0x312: {  	s29 =	sadd.s32 $0x10, s29;
	s1 =	sor.u32 s0, s1  }
0x313: {  	v5 =	vld [tilespmem:s1+$0x6080];
	v3 =	vadd.f32 v3, v4  }
0x314: {  	v4 =	vld [tilespmem:s1+$0x6100]  }
0x315: {  	[tilespmem:s28+$0xA280] =	vst v3  }
0x316: {  	v3 =	vld [tilespmem:s1+$0xA280];
	_ =	sdelay $0x2  }
0x317: {  	v4 =	vadd.f32 v4, v5;
	_ =	sdelay $0x1  }
0x318: {  	v3 =	vadd.f32 v3, v4;
	_ =	sdelay $0x1  }
0x319: {  	[tilespmem:s1+$0xA280] =	vst v3  }
0x31a: {  	v4 =	vld [tilespmem:s23+$0x6180]  }
0x31b: {  	v5 =	vld [tilespmem:s23+$0x6200];
	_ =	sdelay $0x1  }
0x31c: {  	v3 =	vld [tilespmem:s23+$0xA300];
	_ =	sdelay $0x1  }
0x31d: {  	s26 =	simm.s32 $0x80  }
0x31e: {  	s0 =	sand.u32 $0x1C00, s26;
	v4 =	vadd.f32 v5, v4  }
0x31f: {  	s24 =	sor.u32 s24, s0;
	s28 =	simm.s32 $0x20  }
.LBB2_60:
0x320: {  	p0 =	sne.s32 s28, $0x3F0;
	v5 =	vld [tilespmem:s24+$0x6180];
	v3 =	vadd.f32 v3, v4  }
0x321: {  	v4 =	vld [tilespmem:s24+$0x6200]  }
0x322: {  	[tilespmem:s23+$0xA300] =	vst v3;
	s23 =	smov.u32 s24  }
.Ltmp29:
0x323: {  	v3 =	vld [tilespmem:s23+$0xA300];
	(pc) =	sbr.rel @p0 .LBB2_60-.Ltmp29, $4  }
0x324: {  	_ = 	snop  }
0x325: {  	s26 =	sadd.s32 $0x80, s26  }
0x326: {  	s0 =	sand.u32 $0x70, s28;
	s1 =	sand.u32 $0x1C00, s26;
	v4 =	vadd.f32 v4, v5  }
0x327: {  	s28 =	sadd.s32 $0x10, s28;
	s24 =	sor.u32 s0, s1  }
0x328: {  	v5 =	vld [tilespmem:s24+$0x6180];
	v3 =	vadd.f32 v3, v4  }
0x329: {  	v4 =	vld [tilespmem:s24+$0x6200]  }
0x32a: {  	[tilespmem:s23+$0xA300] =	vst v3  }
0x32b: {  	v3 =	vld [tilespmem:s24+$0xA300];
	_ =	sdelay $0x2  }
0x32c: {  	v4 =	vadd.f32 v4, v5;
	_ =	sdelay $0x1  }
0x32d: {  	s23 =	simm.s32 $0x0;
	v3 =	vadd.f32 v3, v4  }
0x32e: {  	s0 =	sand.u32 $0x70, s23;
	s1 =	sand.u32 $0x1C00, s23  }
0x32f: {  	s26 =	sor.u32 s0, s1;
	[tilespmem:s24+$0xA300] =	vst v3  }
0x330: {  	v4 =	vld [tilespmem:s26+$0x6280]  }
0x331: {  	v5 =	vld [tilespmem:s26+$0x6300];
	_ =	sdelay $0x1  }
0x332: {  	v3 =	vld [tilespmem:s26+$0xA380];
	_ =	sdelay $0x1  }
0x333: {  	s28 =	simm.s32 $0x80;
	s24 =	simm.s32 $0x10  }
0x334: {  	s31 =	sand.u32 $0x1C00, s28;
	s1 =	sand.u32 $0x70, s24;
	v4 =	vadd.f32 v5, v4  }
0x335: {  	s30 =	simm.s32 $0x20;
	s29 =	smov.u32 s26;
	s1 =	sor.u32 s1, s31  }
.LBB2_62:
0x336: {  	p0 =	sne.s32 s30, $0x3F0;
	v5 =	vld [tilespmem:s1+$0x6280];
	v3 =	vadd.f32 v3, v4  }
0x337: {  	v4 =	vld [tilespmem:s1+$0x6300]  }
0x338: {  	[tilespmem:s29+$0xA380] =	vst v3;
	s29 =	smov.u32 s1  }
.Ltmp30:
0x339: {  	v3 =	vld [tilespmem:s29+$0xA380];
	(pc) =	sbr.rel @p0 .LBB2_62-.Ltmp30, $4  }
0x33a: {  	_ = 	snop  }
0x33b: {  	s28 =	sadd.s32 $0x80, s28  }
0x33c: {  	s0 =	sand.u32 $0x70, s30;
	s1 =	sand.u32 $0x1C00, s28;
	v4 =	vadd.f32 v4, v5  }
0x33d: {  	s30 =	sadd.s32 $0x10, s30;
	s1 =	sor.u32 s0, s1  }
0x33e: {  	v5 =	vld [tilespmem:s1+$0x6280];
	v3 =	vadd.f32 v3, v4  }
0x33f: {  	v63 =	vld [tilespmem:s1+$0x6300]  }
0x340: {  	[tilespmem:s29+$0xA380] =	vst v3  }
0x341: {  	v3 =	vld [tilespmem:s1+$0xA380];
	_ =	sdelay $0x2  }
0x342: {  	v4 =	vadd.f32 v63, v5;
	_ =	sdelay $0x1  }
0x343: {  	v3 =	vadd.f32 v3, v4;
	_ =	sdelay $0x1  }
0x344: {  	s28 =	simm.s32 $0x0;
	[tilespmem:s1+$0xA380] =	vst v3  }
.LBB2_64:
0x345: {  	p0 =	sne.s32 s24, $0x3F0;
	v3 =	vld [tilespmem:s26+$0x6400]  }
0x346: {  	s0 =	sor.u32 s28, s23;
	s23 =	smov.u32 s24;
	v4 =	vld [tilespmem:s26+$0x6380]  }
0x347: {  	s0 =	sor.u32 $0x380, s0  }
0x348: {  	v5 =	vld [tilespmem:s0+$0xA080];
	_ =	sdelay $0x2  }
.Ltmp31:
0x349: {  	v3 =	vadd.f32 v3, v4;
	(pc) =	sbr.rel @p0 .LBB2_64-.Ltmp31, $4  }
0x34a: {  	_ = 	snop  }
0x34b: {  	s28 =	sadd.s32 $0x80, s28;
	v3 =	vadd.f32 v5, v3  }
0x34c: {  	s1 =	sand.u32 $0x70, s24;
	s26 =	sand.u32 $0x1C00, s28  }
0x34d: {  	s24 =	sadd.s32 $0x10, s24;
	s26 =	sor.u32 s1, s26;
	[tilespmem:s0+$0xA080] =	vst v3  }
0x34e: {  	v3 =	vld [tilespmem:s26+$0x6400]  }
0x34f: {  	v4 =	vld [tilespmem:s26+$0x6380];
	s0 =	sor.u32 s28, s23  }
0x350: {  	s0 =	sor.u32 $0x380, s0  }
0x351: {  	v5 =	vld [tilespmem:s0+$0xA080];
	_ =	sdelay $0x2  }
0x352: {  	v3 =	vadd.f32 v3, v4;
	_ =	sdelay $0x1  }
0x353: {  	v3 =	vadd.f32 v5, v3;
	_ =	sdelay $0x1  }
0x354: {  	s23 =	simm.s32 $0x0;
	s1 =	rddreg [dreg:$0xc];
	[tilespmem:s0+$0xA080] =	vst v3  }
0x355: {  	[hbm4b:s1+s23] =	stream.linear.scatter [tilespmem:s17], [sflag:$0x5], $0x2000, $0x38;
	[tilespmem:$0xC080] =	vst v63  }
0x356: {  	_ =	swait.ge [sflag:s25], $0x2000  }
0x357: {  	[sflag:s25] =	ssyncset.done $0x0  }
0x358: {  	[sflag:s25] =	ssyncadd.s32 $0xFFFFE000  }
0x359: {  	v3 =	vld [tilespmem:$0x50];
	_ =	sdelay $0x4  }
0x35a: {  	v4 =	vshll.u32 v3, $0x3  }
0x35b: {  	v3 =	vand.u32 $0x7, v3;
	v4 =	vand.u32 $0xFFFFFFC0, v4  }
0x35c: {  	v3 =	vor.u32 v3, v4  }
0x35d: {  	v4 =	vperm.xlane v3, v0;
	_ =	sdelay $0x1  }
0x35e: {  	v4 =	vadd.s32 v1, v4;
	_ =	sdelay $0x4  }
0x35f: {  	[tilespmem:s9], [sflag:$0x2] =	stream.indirect_vreg.gather [hbm4b:s3+s23], $0x80, v4, vm0, $0xb8;
	[tilespmem:$0xC080] =	vst v63  }
0x360: {  	v3 =	vperm.xlane v3, v2  }
0x361: {  	[tilespmem:s10], [sflag:$0x2] =	stream.indirect_vreg.gather [hbm4b:s5+s23], $0x80, v4, vm0, $0xb8;
	[tilespmem:$0xC080] =	vst v63  }
0x362: {  	v3 =	vadd.s32 v1, v3  }
0x363: {  	[tilespmem:s11], [sflag:$0x2] =	stream.indirect_vreg.gather [hbm4b:s6+s23], $0x80, v4, vm0, $0xb8;
	[tilespmem:$0xC080] =	vst v63  }
0x364: {  	_ = 	snop  }
0x365: {  	[tilespmem:s12], [sflag:$0x2] =	stream.indirect_vreg.gather [hbm4b:s7+s23], $0x80, v4, vm0, $0xb8;
	[tilespmem:$0xC080] =	vst v63  }
0x366: {  	_ = 	snop  }
0x367: {  	[tilespmem:s13], [sflag:$0x2] =	stream.indirect_vreg.gather [hbm4b:s3+s23], $0x80, v3, vm0, $0xb8;
	[tilespmem:$0xC080] =	vst v63  }
0x368: {  	_ = 	snop  }
0x369: {  	[tilespmem:s14], [sflag:$0x2] =	stream.indirect_vreg.gather [hbm4b:s5+s23], $0x80, v3, vm0, $0xb8;
	[tilespmem:$0xC080] =	vst v63  }
0x36a: {  	_ = 	snop  }
0x36b: {  	[tilespmem:s15], [sflag:$0x2] =	stream.indirect_vreg.gather [hbm4b:s6+s23], $0x80, v3, vm0, $0xb8;
	[tilespmem:$0xC080] =	vst v63  }
0x36c: {  	_ = 	snop  }
0x36d: {  	[tilespmem:s16], [sflag:$0x2] =	stream.indirect_vreg.gather [hbm4b:s7+s23], $0x80, v3, vm0, $0xb8;
	[tilespmem:$0xC080] =	vst v63  }
0x36e: {  	s24 =	rddreg [dreg:$0xd]  }
0x36f: {  	[tilespmem:s17], [sflag:$0x4] =	stream.linear.gather [hbm4b:s24+s23], $0x2000, $0x38;
	[tilespmem:$0xC080] =	vst v63  }
0x370: {  	_ =	swait.ge [sflag:s18], $0x4000  }
0x371: {  	[sflag:s18] =	ssyncset.done $0x0  }
0x372: {  	[sflag:s18] =	ssyncadd.s32 $0xFFFFC000  }
0x373: {  	_ =	swait.ge [sflag:s19], $0x2000  }
0x374: {  	s26 =	sand.u32 $0x70, s23;
	s0 =	sand.u32 $0x1C00, s23;
	[sflag:s19] =	ssyncset.done $0x0  }
0x375: {  	s23 =	sor.u32 s26, s0;
	[sflag:s19] =	ssyncadd.s32 $0xFFFFE000  }
0x376: {  	v4 =	vld [tilespmem:s23+$0x80]  }
0x377: {  	v5 =	vld [tilespmem:s23+$0x100];
	_ =	sdelay $0x1  }
0x378: {  	v3 =	vld [tilespmem:s23+$0x8080];
	_ =	sdelay $0x1  }
0x379: {  	s30 =	simm.s32 $0x10;
	s26 =	simm.s32 $0x80  }
0x37a: {  	s24 =	sand.u32 $0x70, s30;
	s31 =	sand.u32 $0x1C00, s26;
	v4 =	vadd.f32 v5, v4  }
0x37b: {  	s29 =	simm.s32 $0x20;
	s28 =	smov.u32 s23;
	s1 =	sor.u32 s24, s31  }
.LBB2_66:
0x37c: {  	p0 =	sne.s32 s29, $0x3F0;
	v5 =	vld [tilespmem:s1+$0x80];
	v3 =	vadd.f32 v3, v4  }
0x37d: {  	v4 =	vld [tilespmem:s1+$0x100]  }
0x37e: {  	[tilespmem:s28+$0x8080] =	vst v3;
	s28 =	smov.u32 s1  }
.Ltmp32:
0x37f: {  	v3 =	vld [tilespmem:s28+$0x8080];
	(pc) =	sbr.rel @p0 .LBB2_66-.Ltmp32, $4  }
0x380: {  	_ = 	snop  }
0x381: {  	s26 =	sadd.s32 $0x80, s26  }
0x382: {  	s0 =	sand.u32 $0x70, s29;
	s1 =	sand.u32 $0x1C00, s26;
	v4 =	vadd.f32 v4, v5  }
0x383: {  	s29 =	sadd.s32 $0x10, s29;
	s1 =	sor.u32 s0, s1  }
0x384: {  	v5 =	vld [tilespmem:s1+$0x80];
	v3 =	vadd.f32 v3, v4  }
0x385: {  	v4 =	vld [tilespmem:s1+$0x100]  }
0x386: {  	[tilespmem:s28+$0x8080] =	vst v3  }
0x387: {  	v3 =	vld [tilespmem:s1+$0x8080];
	_ =	sdelay $0x2  }
0x388: {  	v4 =	vadd.f32 v4, v5;
	_ =	sdelay $0x1  }
0x389: {  	v3 =	vadd.f32 v3, v4;
	_ =	sdelay $0x1  }
0x38a: {  	[tilespmem:s1+$0x8080] =	vst v3  }
0x38b: {  	v4 =	vld [tilespmem:s23+$0x180]  }
0x38c: {  	v5 =	vld [tilespmem:s23+$0x200];
	_ =	sdelay $0x1  }
0x38d: {  	v3 =	vld [tilespmem:s23+$0x8100];
	_ =	sdelay $0x1  }
0x38e: {  	s26 =	simm.s32 $0x80  }
0x38f: {  	s0 =	sand.u32 $0x1C00, s26;
	v4 =	vadd.f32 v5, v4  }
0x390: {  	s24 =	sor.u32 s24, s0;
	s28 =	simm.s32 $0x20  }
.LBB2_68:
0x391: {  	p0 =	sne.s32 s28, $0x3F0;
	v5 =	vld [tilespmem:s24+$0x180];
	v3 =	vadd.f32 v3, v4  }
0x392: {  	v4 =	vld [tilespmem:s24+$0x200]  }
0x393: {  	[tilespmem:s23+$0x8100] =	vst v3;
	s23 =	smov.u32 s24  }
.Ltmp33:
0x394: {  	v3 =	vld [tilespmem:s23+$0x8100];
	(pc) =	sbr.rel @p0 .LBB2_68-.Ltmp33, $4  }
0x395: {  	_ = 	snop  }
0x396: {  	s26 =	sadd.s32 $0x80, s26  }
0x397: {  	s0 =	sand.u32 $0x70, s28;
	s1 =	sand.u32 $0x1C00, s26;
	v4 =	vadd.f32 v4, v5  }
0x398: {  	s28 =	sadd.s32 $0x10, s28;
	s24 =	sor.u32 s0, s1  }
0x399: {  	v5 =	vld [tilespmem:s24+$0x180];
	v3 =	vadd.f32 v3, v4  }
0x39a: {  	v4 =	vld [tilespmem:s24+$0x200]  }
0x39b: {  	[tilespmem:s23+$0x8100] =	vst v3  }
0x39c: {  	v3 =	vld [tilespmem:s24+$0x8100];
	_ =	sdelay $0x2  }
0x39d: {  	v4 =	vadd.f32 v4, v5;
	_ =	sdelay $0x1  }
0x39e: {  	s26 =	simm.s32 $0x0;
	v3 =	vadd.f32 v3, v4  }
0x39f: {  	s0 =	sand.u32 $0x70, s26;
	s1 =	sand.u32 $0x1C00, s26  }
0x3a0: {  	s23 =	sor.u32 s0, s1;
	[tilespmem:s24+$0x8100] =	vst v3  }
0x3a1: {  	v4 =	vld [tilespmem:s23+$0x280]  }
0x3a2: {  	v5 =	vld [tilespmem:s23+$0x300];
	_ =	sdelay $0x1  }
0x3a3: {  	v3 =	vld [tilespmem:s23+$0x8180];
	_ =	sdelay $0x1  }
0x3a4: {  	s29 =	simm.s32 $0x80;
	s24 =	simm.s32 $0x10  }
0x3a5: {  	s1 =	sand.u32 $0x1C00, s29;
	s28 =	sand.u32 $0x70, s24;
	v4 =	vadd.f32 v5, v4  }
0x3a6: {  	s31 =	simm.s32 $0x20;
	s30 =	smov.u32 s23;
	s1 =	sor.u32 s28, s1  }
.LBB2_70:
0x3a7: {  	p0 =	sne.s32 s31, $0x3F0;
	v5 =	vld [tilespmem:s1+$0x280];
	v3 =	vadd.f32 v3, v4  }
0x3a8: {  	v4 =	vld [tilespmem:s1+$0x300]  }
0x3a9: {  	[tilespmem:s30+$0x8180] =	vst v3;
	s30 =	smov.u32 s1  }
.Ltmp34:
0x3aa: {  	v3 =	vld [tilespmem:s30+$0x8180];
	(pc) =	sbr.rel @p0 .LBB2_70-.Ltmp34, $4  }
0x3ab: {  	_ = 	snop  }
0x3ac: {  	s29 =	sadd.s32 $0x80, s29  }
0x3ad: {  	s0 =	sand.u32 $0x70, s31;
	s1 =	sand.u32 $0x1C00, s29;
	v4 =	vadd.f32 v4, v5  }
0x3ae: {  	s31 =	sadd.s32 $0x10, s31;
	s1 =	sor.u32 s0, s1  }
0x3af: {  	v5 =	vld [tilespmem:s1+$0x280];
	v3 =	vadd.f32 v3, v4  }
0x3b0: {  	v4 =	vld [tilespmem:s1+$0x300]  }
0x3b1: {  	[tilespmem:s30+$0x8180] =	vst v3  }
0x3b2: {  	v3 =	vld [tilespmem:s1+$0x8180];
	_ =	sdelay $0x2  }
0x3b3: {  	v4 =	vadd.f32 v4, v5;
	_ =	sdelay $0x1  }
0x3b4: {  	v3 =	vadd.f32 v3, v4;
	_ =	sdelay $0x1  }
0x3b5: {  	s0 =	sor.u32 s26, s26;
	[tilespmem:s1+$0x8180] =	vst v3  }
0x3b6: {  	s0 =	sor.u32 $0x380, s0;
	v3 =	vld [tilespmem:s23+$0x380]  }
0x3b7: {  	v4 =	vld [tilespmem:s0+$0x80];
	_ =	sdelay $0x1  }
0x3b8: {  	v5 =	vld [tilespmem:s23+$0x8200];
	_ =	sdelay $0x2  }
0x3b9: {  	v3 =	vadd.f32 v4, v3  }
0x3ba: {  	s26 =	simm.s32 $0x80  }
0x3bb: {  	s31 =	sand.u32 $0x1C00, s26;
	v3 =	vadd.f32 v5, v3  }
0x3bc: {  	s28 =	sor.u32 s28, s31;
	s1 =	sor.u32 s26, s24;
	s24 =	simm.s32 $0x20  }
.LBB2_72:
0x3bd: {  	p0 =	sne.s32 s24, $0x3F0;
	v4 =	vld [tilespmem:s28+$0x380];
	s0 =	sor.u32 $0x380, s1;
	[tilespmem:s23+$0x8200] =	vst v3  }
0x3be: {  	s23 =	smov.u32 s28;
	v3 =	vld [tilespmem:s0+$0x80];
	_ =	sdelay $0x1  }
0x3bf: {  	v5 =	vld [tilespmem:s23+$0x8200];
	_ =	sdelay $0x1  }
.Ltmp35:
0x3c0: {  	(pc) =	sbr.rel @p0 .LBB2_72-.Ltmp35, $4  }
0x3c1: {  	v3 =	vadd.f32 v3, v4  }
0x3c2: {  	s26 =	sadd.s32 $0x80, s26  }
0x3c3: {  	s0 =	sand.u32 $0x70, s24;
	s1 =	sand.u32 $0x1C00, s26;
	v3 =	vadd.f32 v5, v3  }
0x3c4: {  	s28 =	sor.u32 s0, s1;
	s1 =	sor.u32 s26, s24;
	s24 =	sadd.s32 $0x10, s24  }
0x3c5: {  	v4 =	vld [tilespmem:s28+$0x380];
	s0 =	sor.u32 $0x380, s1;
	[tilespmem:s23+$0x8200] =	vst v3  }
0x3c6: {  	v3 =	vld [tilespmem:s0+$0x80];
	_ =	sdelay $0x1  }
0x3c7: {  	v5 =	vld [tilespmem:s28+$0x8200];
	_ =	sdelay $0x2  }
0x3c8: {  	v3 =	vadd.f32 v3, v4;
	_ =	sdelay $0x1  }
0x3c9: {  	s24 =	simm.s32 $0x0;
	v3 =	vadd.f32 v5, v3  }
0x3ca: {  	s26 =	sand.u32 $0x70, s24;
	s0 =	sand.u32 $0x1C00, s24  }
0x3cb: {  	s23 =	sor.u32 s26, s0;
	[tilespmem:s28+$0x8200] =	vst v3  }
0x3cc: {  	v4 =	vld [tilespmem:s23+$0x2080]  }
0x3cd: {  	v5 =	vld [tilespmem:s23+$0x2100];
	_ =	sdelay $0x1  }
0x3ce: {  	v3 =	vld [tilespmem:s23+$0x8280];
	_ =	sdelay $0x1  }
0x3cf: {  	s30 =	simm.s32 $0x10;
	s26 =	simm.s32 $0x80  }
0x3d0: {  	s24 =	sand.u32 $0x70, s30;
	s31 =	sand.u32 $0x1C00, s26;
	v4 =	vadd.f32 v5, v4  }
0x3d1: {  	s29 =	simm.s32 $0x20;
	s1 =	sor.u32 s24, s31;
	s28 =	smov.u32 s23  }
.LBB2_74:
0x3d2: {  	p0 =	sne.s32 s29, $0x3F0;
	v5 =	vld [tilespmem:s1+$0x2080];
	v3 =	vadd.f32 v3, v4  }
0x3d3: {  	v4 =	vld [tilespmem:s1+$0x2100]  }
0x3d4: {  	[tilespmem:s28+$0x8280] =	vst v3;
	s28 =	smov.u32 s1  }
.Ltmp36:
0x3d5: {  	v3 =	vld [tilespmem:s28+$0x8280];
	(pc) =	sbr.rel @p0 .LBB2_74-.Ltmp36, $4  }
0x3d6: {  	_ = 	snop  }
0x3d7: {  	s26 =	sadd.s32 $0x80, s26  }
0x3d8: {  	s0 =	sand.u32 $0x70, s29;
	s1 =	sand.u32 $0x1C00, s26;
	v4 =	vadd.f32 v4, v5  }
0x3d9: {  	s29 =	sadd.s32 $0x10, s29;
	s1 =	sor.u32 s0, s1  }
0x3da: {  	v5 =	vld [tilespmem:s1+$0x2080];
	v3 =	vadd.f32 v3, v4  }
0x3db: {  	v4 =	vld [tilespmem:s1+$0x2100]  }
0x3dc: {  	[tilespmem:s28+$0x8280] =	vst v3  }
0x3dd: {  	v3 =	vld [tilespmem:s1+$0x8280];
	_ =	sdelay $0x2  }
0x3de: {  	v4 =	vadd.f32 v4, v5;
	_ =	sdelay $0x1  }
0x3df: {  	v3 =	vadd.f32 v3, v4;
	_ =	sdelay $0x1  }
0x3e0: {  	[tilespmem:s1+$0x8280] =	vst v3  }
0x3e1: {  	v4 =	vld [tilespmem:s23+$0x2180]  }
0x3e2: {  	v5 =	vld [tilespmem:s23+$0x2200];
	_ =	sdelay $0x1  }
0x3e3: {  	v3 =	vld [tilespmem:s23+$0x8300];
	_ =	sdelay $0x1  }
0x3e4: {  	s26 =	simm.s32 $0x80  }
0x3e5: {  	s0 =	sand.u32 $0x1C00, s26;
	v4 =	vadd.f32 v5, v4  }
0x3e6: {  	s24 =	sor.u32 s24, s0;
	s28 =	simm.s32 $0x20  }
.LBB2_76:
0x3e7: {  	p0 =	sne.s32 s28, $0x3F0;
	v5 =	vld [tilespmem:s24+$0x2180];
	v3 =	vadd.f32 v3, v4  }
0x3e8: {  	v4 =	vld [tilespmem:s24+$0x2200]  }
0x3e9: {  	[tilespmem:s23+$0x8300] =	vst v3;
	s23 =	smov.u32 s24  }
.Ltmp37:
0x3ea: {  	v3 =	vld [tilespmem:s23+$0x8300];
	(pc) =	sbr.rel @p0 .LBB2_76-.Ltmp37, $4  }
0x3eb: {  	_ = 	snop  }
0x3ec: {  	s26 =	sadd.s32 $0x80, s26  }
0x3ed: {  	s0 =	sand.u32 $0x70, s28;
	s1 =	sand.u32 $0x1C00, s26;
	v4 =	vadd.f32 v4, v5  }
0x3ee: {  	s28 =	sadd.s32 $0x10, s28;
	s24 =	sor.u32 s0, s1  }
0x3ef: {  	v5 =	vld [tilespmem:s24+$0x2180];
	v3 =	vadd.f32 v3, v4  }
0x3f0: {  	v4 =	vld [tilespmem:s24+$0x2200]  }
0x3f1: {  	[tilespmem:s23+$0x8300] =	vst v3  }
0x3f2: {  	v3 =	vld [tilespmem:s24+$0x8300];
	_ =	sdelay $0x2  }
0x3f3: {  	v4 =	vadd.f32 v4, v5;
	_ =	sdelay $0x1  }
0x3f4: {  	s23 =	simm.s32 $0x0;
	v3 =	vadd.f32 v3, v4  }
0x3f5: {  	s0 =	sand.u32 $0x70, s23;
	s1 =	sand.u32 $0x1C00, s23  }
0x3f6: {  	s26 =	sor.u32 s0, s1;
	[tilespmem:s24+$0x8300] =	vst v3  }
0x3f7: {  	v4 =	vld [tilespmem:s26+$0x2280]  }
0x3f8: {  	v5 =	vld [tilespmem:s26+$0x2300];
	_ =	sdelay $0x1  }
0x3f9: {  	v3 =	vld [tilespmem:s26+$0x8380];
	_ =	sdelay $0x1  }
0x3fa: {  	s28 =	simm.s32 $0x80;
	s24 =	simm.s32 $0x10  }
0x3fb: {  	s31 =	sand.u32 $0x1C00, s28;
	s1 =	sand.u32 $0x70, s24;
	v4 =	vadd.f32 v5, v4  }
0x3fc: {  	s30 =	simm.s32 $0x20;
	s29 =	smov.u32 s26;
	s1 =	sor.u32 s1, s31  }
.LBB2_78:
0x3fd: {  	p0 =	sne.s32 s30, $0x3F0;
	v5 =	vld [tilespmem:s1+$0x2280];
	v3 =	vadd.f32 v3, v4  }
0x3fe: {  	v4 =	vld [tilespmem:s1+$0x2300]  }
0x3ff: {  	[tilespmem:s29+$0x8380] =	vst v3;
	s29 =	smov.u32 s1  }
.Ltmp38:
0x400: {  	v3 =	vld [tilespmem:s29+$0x8380];
	(pc) =	sbr.rel @p0 .LBB2_78-.Ltmp38, $4  }
0x401: {  	_ = 	snop  }
0x402: {  	s28 =	sadd.s32 $0x80, s28  }
0x403: {  	s0 =	sand.u32 $0x70, s30;
	s1 =	sand.u32 $0x1C00, s28;
	v4 =	vadd.f32 v4, v5  }
0x404: {  	s30 =	sadd.s32 $0x10, s30;
	s1 =	sor.u32 s0, s1  }
0x405: {  	v5 =	vld [tilespmem:s1+$0x2280];
	v3 =	vadd.f32 v3, v4  }
0x406: {  	v63 =	vld [tilespmem:s1+$0x2300]  }
0x407: {  	[tilespmem:s29+$0x8380] =	vst v3  }
0x408: {  	v3 =	vld [tilespmem:s1+$0x8380];
	_ =	sdelay $0x2  }
0x409: {  	v4 =	vadd.f32 v63, v5;
	_ =	sdelay $0x1  }
0x40a: {  	v3 =	vadd.f32 v3, v4;
	_ =	sdelay $0x1  }
0x40b: {  	s28 =	simm.s32 $0x0;
	[tilespmem:s1+$0x8380] =	vst v3  }
.LBB2_80:
0x40c: {  	p0 =	sne.s32 s24, $0x3F0;
	v3 =	vld [tilespmem:s26+$0x2400]  }
0x40d: {  	s0 =	sor.u32 s28, s23;
	s23 =	smov.u32 s24;
	v4 =	vld [tilespmem:s26+$0x2380]  }
0x40e: {  	s0 =	sor.u32 $0x380, s0  }
0x40f: {  	v5 =	vld [tilespmem:s0+$0x8080];
	_ =	sdelay $0x2  }
.Ltmp39:
0x410: {  	v3 =	vadd.f32 v3, v4;
	(pc) =	sbr.rel @p0 .LBB2_80-.Ltmp39, $4  }
0x411: {  	_ = 	snop  }
0x412: {  	s28 =	sadd.s32 $0x80, s28;
	v3 =	vadd.f32 v5, v3  }
0x413: {  	s1 =	sand.u32 $0x70, s24;
	s26 =	sand.u32 $0x1C00, s28  }
0x414: {  	s24 =	sadd.s32 $0x10, s24;
	s26 =	sor.u32 s1, s26;
	[tilespmem:s0+$0x8080] =	vst v3  }
0x415: {  	v3 =	vld [tilespmem:s26+$0x2400]  }
0x416: {  	v4 =	vld [tilespmem:s26+$0x2380];
	s0 =	sor.u32 s28, s23  }
0x417: {  	s0 =	sor.u32 $0x380, s0  }
0x418: {  	v5 =	vld [tilespmem:s0+$0x8080];
	_ =	sdelay $0x2  }
0x419: {  	v3 =	vadd.f32 v3, v4;
	_ =	sdelay $0x1  }
0x41a: {  	v3 =	vadd.f32 v5, v3;
	_ =	sdelay $0x1  }
0x41b: {  	s1 =	rddreg [dreg:$0xe];
	[tilespmem:s0+$0x8080] =	vst v3;
	s0 =	simm.s32 $0x0  }
0x41c: {  	[hbm4b:s1+s0] =	stream.linear.scatter [tilespmem:s8], [sflag:$0x5], $0x2000, $0x38;
	[tilespmem:$0xC080] =	vst v63  }
0x41d: {  	_ =	swait.ge [sflag:s25], $0x2000  }
0x41e: {  	[sflag:s25] =	ssyncset.done $0x0  }
0x41f: {  	[sflag:s25] =	ssyncadd.s32 $0xFFFFE000  }
0x420: {  	v3 =	vld [tilespmem:$0x60];
	_ =	sdelay $0x4  }
0x421: {  	v4 =	vshll.u32 v3, $0x3  }
0x422: {  	v3 =	vand.u32 $0x7, v3;
	v4 =	vand.u32 $0xFFFFFFC0, v4  }
0x423: {  	v3 =	vor.u32 v3, v4  }
0x424: {  	v4 =	vperm.xlane v3, v0;
	_ =	sdelay $0x1  }
0x425: {  	v4 =	vadd.s32 v1, v4;
	_ =	sdelay $0x3  }
0x426: {  	s31 =	simm.s32 $0x80  }
0x427: {  	[tilespmem:s31], [sflag:$0x1] =	stream.indirect_vreg.gather [hbm4b:s3+s0], $0x80, v4, vm0, $0xb8;
	[tilespmem:$0xC080] =	vst v63  }
0x428: {  	s23 =	simm.s32 $0x880;
	v3 =	vperm.xlane v3, v2  }
0x429: {  	[tilespmem:s23], [sflag:$0x1] =	stream.indirect_vreg.gather [hbm4b:s5+s0], $0x80, v4, vm0, $0xb8;
	[tilespmem:$0xC080] =	vst v63  }
0x42a: {  	s24 =	simm.s32 $0x1080;
	v3 =	vadd.s32 v1, v3  }
0x42b: {  	[tilespmem:s24], [sflag:$0x1] =	stream.indirect_vreg.gather [hbm4b:s6+s0], $0x80, v4, vm0, $0xb8;
	[tilespmem:$0xC080] =	vst v63  }
0x42c: {  	s26 =	simm.s32 $0x1880  }
0x42d: {  	[tilespmem:s26], [sflag:$0x1] =	stream.indirect_vreg.gather [hbm4b:s7+s0], $0x80, v4, vm0, $0xb8;
	[tilespmem:$0xC080] =	vst v63  }
0x42e: {  	s30 =	simm.s32 $0x2080  }
0x42f: {  	[tilespmem:s30], [sflag:$0x1] =	stream.indirect_vreg.gather [hbm4b:s3+s0], $0x80, v3, vm0, $0xb8;
	[tilespmem:$0xC080] =	vst v63  }
0x430: {  	s31 =	simm.s32 $0x2880  }
0x431: {  	[tilespmem:s31], [sflag:$0x1] =	stream.indirect_vreg.gather [hbm4b:s5+s0], $0x80, v3, vm0, $0xb8;
	[tilespmem:$0xC080] =	vst v63  }
0x432: {  	s23 =	simm.s32 $0x3080  }
0x433: {  	[tilespmem:s23], [sflag:$0x1] =	stream.indirect_vreg.gather [hbm4b:s6+s0], $0x80, v3, vm0, $0xb8;
	[tilespmem:$0xC080] =	vst v63  }
0x434: {  	_ = 	snop  }
0x435: {  	[tilespmem:s4], [sflag:$0x1] =	stream.indirect_vreg.gather [hbm4b:s7+s0], $0x80, v3, vm0, $0xb8;
	[tilespmem:$0xC080] =	vst v63  }
0x436: {  	s24 =	rddreg [dreg:$0xf]  }
0x437: {  	[tilespmem:s8], [sflag:$0x3] =	stream.linear.gather [hbm4b:s24+s0], $0x2000, $0x38;
	[tilespmem:$0xC080] =	vst v63  }
0x438: {  	_ =	swait.ge [sflag:s20], $0x4000  }
0x439: {  	[sflag:s20] =	ssyncset.done $0x0  }
0x43a: {  	[sflag:s20] =	ssyncadd.s32 $0xFFFFC000  }
0x43b: {  	_ =	swait.ge [sflag:s21], $0x2000  }
0x43c: {  	s26 =	sand.u32 $0x70, s0;
	s0 =	sand.u32 $0x1C00, s0;
	[sflag:s21] =	ssyncset.done $0x0  }
0x43d: {  	s23 =	sor.u32 s26, s0;
	[sflag:s21] =	ssyncadd.s32 $0xFFFFE000  }
0x43e: {  	v4 =	vld [tilespmem:s23+$0x4080]  }
0x43f: {  	v5 =	vld [tilespmem:s23+$0x4100];
	_ =	sdelay $0x1  }
0x440: {  	v3 =	vld [tilespmem:s23+$0xA080];
	_ =	sdelay $0x1  }
0x441: {  	s30 =	simm.s32 $0x10;
	s26 =	simm.s32 $0x80  }
0x442: {  	s24 =	sand.u32 $0x70, s30;
	s31 =	sand.u32 $0x1C00, s26;
	v4 =	vadd.f32 v5, v4  }
0x443: {  	s29 =	simm.s32 $0x20;
	s28 =	smov.u32 s23;
	s1 =	sor.u32 s24, s31  }
.LBB2_82:
0x444: {  	p0 =	sne.s32 s29, $0x3F0;
	v5 =	vld [tilespmem:s1+$0x4080];
	v3 =	vadd.f32 v3, v4  }
0x445: {  	v4 =	vld [tilespmem:s1+$0x4100]  }
0x446: {  	[tilespmem:s28+$0xA080] =	vst v3;
	s28 =	smov.u32 s1  }
.Ltmp40:
0x447: {  	v3 =	vld [tilespmem:s28+$0xA080];
	(pc) =	sbr.rel @p0 .LBB2_82-.Ltmp40, $4  }
0x448: {  	_ = 	snop  }
0x449: {  	s26 =	sadd.s32 $0x80, s26  }
0x44a: {  	s0 =	sand.u32 $0x70, s29;
	s1 =	sand.u32 $0x1C00, s26;
	v4 =	vadd.f32 v4, v5  }
0x44b: {  	s29 =	sadd.s32 $0x10, s29;
	s1 =	sor.u32 s0, s1  }
0x44c: {  	v5 =	vld [tilespmem:s1+$0x4080];
	v3 =	vadd.f32 v3, v4  }
0x44d: {  	v4 =	vld [tilespmem:s1+$0x4100]  }
0x44e: {  	[tilespmem:s28+$0xA080] =	vst v3  }
0x44f: {  	v3 =	vld [tilespmem:s1+$0xA080];
	_ =	sdelay $0x2  }
0x450: {  	v4 =	vadd.f32 v4, v5;
	_ =	sdelay $0x1  }
0x451: {  	v3 =	vadd.f32 v3, v4;
	_ =	sdelay $0x1  }
0x452: {  	[tilespmem:s1+$0xA080] =	vst v3  }
0x453: {  	v4 =	vld [tilespmem:s23+$0x4180]  }
0x454: {  	v5 =	vld [tilespmem:s23+$0x4200];
	_ =	sdelay $0x1  }
0x455: {  	v3 =	vld [tilespmem:s23+$0xA100];
	_ =	sdelay $0x1  }
0x456: {  	s26 =	simm.s32 $0x80  }
0x457: {  	s0 =	sand.u32 $0x1C00, s26;
	v4 =	vadd.f32 v5, v4  }
0x458: {  	s24 =	sor.u32 s24, s0;
	s28 =	simm.s32 $0x20  }
.LBB2_84:
0x459: {  	p0 =	sne.s32 s28, $0x3F0;
	v5 =	vld [tilespmem:s24+$0x4180];
	v3 =	vadd.f32 v3, v4  }
0x45a: {  	v4 =	vld [tilespmem:s24+$0x4200]  }
0x45b: {  	[tilespmem:s23+$0xA100] =	vst v3;
	s23 =	smov.u32 s24  }
.Ltmp41:
0x45c: {  	v3 =	vld [tilespmem:s23+$0xA100];
	(pc) =	sbr.rel @p0 .LBB2_84-.Ltmp41, $4  }
0x45d: {  	_ = 	snop  }
0x45e: {  	s26 =	sadd.s32 $0x80, s26  }
0x45f: {  	s0 =	sand.u32 $0x70, s28;
	s1 =	sand.u32 $0x1C00, s26;
	v4 =	vadd.f32 v4, v5  }
0x460: {  	s28 =	sadd.s32 $0x10, s28;
	s24 =	sor.u32 s0, s1  }
0x461: {  	v5 =	vld [tilespmem:s24+$0x4180];
	v3 =	vadd.f32 v3, v4  }
0x462: {  	v4 =	vld [tilespmem:s24+$0x4200]  }
0x463: {  	[tilespmem:s23+$0xA100] =	vst v3  }
0x464: {  	v3 =	vld [tilespmem:s24+$0xA100];
	_ =	sdelay $0x2  }
0x465: {  	v4 =	vadd.f32 v4, v5;
	_ =	sdelay $0x1  }
0x466: {  	s26 =	simm.s32 $0x0;
	v3 =	vadd.f32 v3, v4  }
0x467: {  	s0 =	sand.u32 $0x70, s26;
	s1 =	sand.u32 $0x1C00, s26  }
0x468: {  	s23 =	sor.u32 s0, s1;
	[tilespmem:s24+$0xA100] =	vst v3  }
0x469: {  	v4 =	vld [tilespmem:s23+$0x4280]  }
0x46a: {  	v5 =	vld [tilespmem:s23+$0x4300];
	_ =	sdelay $0x1  }
0x46b: {  	v3 =	vld [tilespmem:s23+$0xA180];
	_ =	sdelay $0x1  }
0x46c: {  	s29 =	simm.s32 $0x80;
	s24 =	simm.s32 $0x10  }
0x46d: {  	s1 =	sand.u32 $0x1C00, s29;
	s28 =	sand.u32 $0x70, s24;
	v4 =	vadd.f32 v5, v4  }
0x46e: {  	s31 =	simm.s32 $0x20;
	s30 =	smov.u32 s23;
	s1 =	sor.u32 s28, s1  }
.LBB2_86:
0x46f: {  	p0 =	sne.s32 s31, $0x3F0;
	v5 =	vld [tilespmem:s1+$0x4280];
	v3 =	vadd.f32 v3, v4  }
0x470: {  	v4 =	vld [tilespmem:s1+$0x4300]  }
0x471: {  	[tilespmem:s30+$0xA180] =	vst v3;
	s30 =	smov.u32 s1  }
.Ltmp42:
0x472: {  	v3 =	vld [tilespmem:s30+$0xA180];
	(pc) =	sbr.rel @p0 .LBB2_86-.Ltmp42, $4  }
0x473: {  	_ = 	snop  }
0x474: {  	s29 =	sadd.s32 $0x80, s29  }
0x475: {  	s0 =	sand.u32 $0x70, s31;
	s1 =	sand.u32 $0x1C00, s29;
	v4 =	vadd.f32 v4, v5  }
0x476: {  	s31 =	sadd.s32 $0x10, s31;
	s1 =	sor.u32 s0, s1  }
0x477: {  	v5 =	vld [tilespmem:s1+$0x4280];
	v3 =	vadd.f32 v3, v4  }
0x478: {  	v4 =	vld [tilespmem:s1+$0x4300]  }
0x479: {  	[tilespmem:s30+$0xA180] =	vst v3  }
0x47a: {  	v3 =	vld [tilespmem:s1+$0xA180];
	_ =	sdelay $0x2  }
0x47b: {  	v4 =	vadd.f32 v4, v5;
	_ =	sdelay $0x1  }
0x47c: {  	v3 =	vadd.f32 v3, v4;
	_ =	sdelay $0x1  }
0x47d: {  	s0 =	sor.u32 s26, s26;
	[tilespmem:s1+$0xA180] =	vst v3  }
0x47e: {  	s0 =	sor.u32 $0x380, s0;
	v3 =	vld [tilespmem:s23+$0x4380]  }
0x47f: {  	v4 =	vld [tilespmem:s0+$0x4080];
	_ =	sdelay $0x1  }
0x480: {  	v5 =	vld [tilespmem:s23+$0xA200];
	_ =	sdelay $0x2  }
0x481: {  	v3 =	vadd.f32 v4, v3  }
0x482: {  	s26 =	simm.s32 $0x80  }
0x483: {  	s31 =	sand.u32 $0x1C00, s26;
	v3 =	vadd.f32 v5, v3  }
0x484: {  	s28 =	sor.u32 s28, s31;
	s1 =	sor.u32 s26, s24;
	s24 =	simm.s32 $0x20  }
.LBB2_88:
0x485: {  	p0 =	sne.s32 s24, $0x3F0;
	v4 =	vld [tilespmem:s28+$0x4380];
	s0 =	sor.u32 $0x380, s1;
	[tilespmem:s23+$0xA200] =	vst v3  }
0x486: {  	s23 =	smov.u32 s28;
	v3 =	vld [tilespmem:s0+$0x4080];
	_ =	sdelay $0x1  }
0x487: {  	v5 =	vld [tilespmem:s23+$0xA200];
	_ =	sdelay $0x1  }
.Ltmp43:
0x488: {  	(pc) =	sbr.rel @p0 .LBB2_88-.Ltmp43, $4  }
0x489: {  	v3 =	vadd.f32 v3, v4  }
0x48a: {  	s26 =	sadd.s32 $0x80, s26  }
0x48b: {  	s0 =	sand.u32 $0x70, s24;
	s1 =	sand.u32 $0x1C00, s26;
	v3 =	vadd.f32 v5, v3  }
0x48c: {  	s28 =	sor.u32 s0, s1;
	s1 =	sor.u32 s26, s24;
	s24 =	sadd.s32 $0x10, s24  }
0x48d: {  	v4 =	vld [tilespmem:s28+$0x4380];
	s0 =	sor.u32 $0x380, s1;
	[tilespmem:s23+$0xA200] =	vst v3  }
0x48e: {  	v3 =	vld [tilespmem:s0+$0x4080];
	_ =	sdelay $0x1  }
0x48f: {  	v5 =	vld [tilespmem:s28+$0xA200];
	_ =	sdelay $0x2  }
0x490: {  	v3 =	vadd.f32 v3, v4;
	_ =	sdelay $0x1  }
0x491: {  	s24 =	simm.s32 $0x0;
	v3 =	vadd.f32 v5, v3  }
0x492: {  	s26 =	sand.u32 $0x70, s24;
	s0 =	sand.u32 $0x1C00, s24  }
0x493: {  	s23 =	sor.u32 s26, s0;
	[tilespmem:s28+$0xA200] =	vst v3  }
0x494: {  	v4 =	vld [tilespmem:s23+$0x6080]  }
0x495: {  	v5 =	vld [tilespmem:s23+$0x6100];
	_ =	sdelay $0x1  }
0x496: {  	v3 =	vld [tilespmem:s23+$0xA280];
	_ =	sdelay $0x1  }
0x497: {  	s30 =	simm.s32 $0x10;
	s26 =	simm.s32 $0x80  }
0x498: {  	s24 =	sand.u32 $0x70, s30;
	s31 =	sand.u32 $0x1C00, s26;
	v4 =	vadd.f32 v5, v4  }
0x499: {  	s29 =	simm.s32 $0x20;
	s1 =	sor.u32 s24, s31;
	s28 =	smov.u32 s23  }
.LBB2_90:
0x49a: {  	p0 =	sne.s32 s29, $0x3F0;
	v5 =	vld [tilespmem:s1+$0x6080];
	v3 =	vadd.f32 v3, v4  }
0x49b: {  	v4 =	vld [tilespmem:s1+$0x6100]  }
0x49c: {  	[tilespmem:s28+$0xA280] =	vst v3;
	s28 =	smov.u32 s1  }
.Ltmp44:
0x49d: {  	v3 =	vld [tilespmem:s28+$0xA280];
	(pc) =	sbr.rel @p0 .LBB2_90-.Ltmp44, $4  }
0x49e: {  	_ = 	snop  }
0x49f: {  	s26 =	sadd.s32 $0x80, s26  }
0x4a0: {  	s0 =	sand.u32 $0x70, s29;
	s1 =	sand.u32 $0x1C00, s26;
	v4 =	vadd.f32 v4, v5  }
0x4a1: {  	s29 =	sadd.s32 $0x10, s29;
	s1 =	sor.u32 s0, s1  }
0x4a2: {  	v5 =	vld [tilespmem:s1+$0x6080];
	v3 =	vadd.f32 v3, v4  }
0x4a3: {  	v4 =	vld [tilespmem:s1+$0x6100]  }
0x4a4: {  	[tilespmem:s28+$0xA280] =	vst v3  }
0x4a5: {  	v3 =	vld [tilespmem:s1+$0xA280];
	_ =	sdelay $0x2  }
0x4a6: {  	v4 =	vadd.f32 v4, v5;
	_ =	sdelay $0x1  }
0x4a7: {  	v3 =	vadd.f32 v3, v4;
	_ =	sdelay $0x1  }
0x4a8: {  	[tilespmem:s1+$0xA280] =	vst v3  }
0x4a9: {  	v4 =	vld [tilespmem:s23+$0x6180]  }
0x4aa: {  	v5 =	vld [tilespmem:s23+$0x6200];
	_ =	sdelay $0x1  }
0x4ab: {  	v3 =	vld [tilespmem:s23+$0xA300];
	_ =	sdelay $0x1  }
0x4ac: {  	s26 =	simm.s32 $0x80  }
0x4ad: {  	s0 =	sand.u32 $0x1C00, s26;
	v4 =	vadd.f32 v5, v4  }
0x4ae: {  	s24 =	sor.u32 s24, s0;
	s28 =	simm.s32 $0x20  }
.LBB2_92:
0x4af: {  	p0 =	sne.s32 s28, $0x3F0;
	v5 =	vld [tilespmem:s24+$0x6180];
	v3 =	vadd.f32 v3, v4  }
0x4b0: {  	v4 =	vld [tilespmem:s24+$0x6200]  }
0x4b1: {  	[tilespmem:s23+$0xA300] =	vst v3;
	s23 =	smov.u32 s24  }
.Ltmp45:
0x4b2: {  	v3 =	vld [tilespmem:s23+$0xA300];
	(pc) =	sbr.rel @p0 .LBB2_92-.Ltmp45, $4  }
0x4b3: {  	_ = 	snop  }
0x4b4: {  	s26 =	sadd.s32 $0x80, s26  }
0x4b5: {  	s0 =	sand.u32 $0x70, s28;
	s1 =	sand.u32 $0x1C00, s26;
	v4 =	vadd.f32 v4, v5  }
0x4b6: {  	s28 =	sadd.s32 $0x10, s28;
	s24 =	sor.u32 s0, s1  }
0x4b7: {  	v5 =	vld [tilespmem:s24+$0x6180];
	v3 =	vadd.f32 v3, v4  }
0x4b8: {  	v4 =	vld [tilespmem:s24+$0x6200]  }
0x4b9: {  	[tilespmem:s23+$0xA300] =	vst v3  }
0x4ba: {  	v3 =	vld [tilespmem:s24+$0xA300];
	_ =	sdelay $0x2  }
0x4bb: {  	v4 =	vadd.f32 v4, v5;
	_ =	sdelay $0x1  }
0x4bc: {  	s23 =	simm.s32 $0x0;
	v3 =	vadd.f32 v3, v4  }
0x4bd: {  	s0 =	sand.u32 $0x70, s23;
	s1 =	sand.u32 $0x1C00, s23  }
0x4be: {  	s26 =	sor.u32 s0, s1;
	[tilespmem:s24+$0xA300] =	vst v3  }
0x4bf: {  	v4 =	vld [tilespmem:s26+$0x6280]  }
0x4c0: {  	v5 =	vld [tilespmem:s26+$0x6300];
	_ =	sdelay $0x1  }
0x4c1: {  	v3 =	vld [tilespmem:s26+$0xA380];
	_ =	sdelay $0x1  }
0x4c2: {  	s28 =	simm.s32 $0x80;
	s24 =	simm.s32 $0x10  }
0x4c3: {  	s31 =	sand.u32 $0x1C00, s28;
	s1 =	sand.u32 $0x70, s24;
	v4 =	vadd.f32 v5, v4  }
0x4c4: {  	s30 =	simm.s32 $0x20;
	s29 =	smov.u32 s26;
	s1 =	sor.u32 s1, s31  }
.LBB2_94:
0x4c5: {  	p0 =	sne.s32 s30, $0x3F0;
	v5 =	vld [tilespmem:s1+$0x6280];
	v3 =	vadd.f32 v3, v4  }
0x4c6: {  	v4 =	vld [tilespmem:s1+$0x6300]  }
0x4c7: {  	[tilespmem:s29+$0xA380] =	vst v3;
	s29 =	smov.u32 s1  }
.Ltmp46:
0x4c8: {  	v3 =	vld [tilespmem:s29+$0xA380];
	(pc) =	sbr.rel @p0 .LBB2_94-.Ltmp46, $4  }
0x4c9: {  	_ = 	snop  }
0x4ca: {  	s28 =	sadd.s32 $0x80, s28  }
0x4cb: {  	s0 =	sand.u32 $0x70, s30;
	s1 =	sand.u32 $0x1C00, s28;
	v4 =	vadd.f32 v4, v5  }
0x4cc: {  	s30 =	sadd.s32 $0x10, s30;
	s1 =	sor.u32 s0, s1  }
0x4cd: {  	v5 =	vld [tilespmem:s1+$0x6280];
	v3 =	vadd.f32 v3, v4  }
0x4ce: {  	v63 =	vld [tilespmem:s1+$0x6300]  }
0x4cf: {  	[tilespmem:s29+$0xA380] =	vst v3  }
0x4d0: {  	v3 =	vld [tilespmem:s1+$0xA380];
	_ =	sdelay $0x2  }
0x4d1: {  	v4 =	vadd.f32 v63, v5;
	_ =	sdelay $0x1  }
0x4d2: {  	v3 =	vadd.f32 v3, v4;
	_ =	sdelay $0x1  }
0x4d3: {  	s28 =	simm.s32 $0x0;
	[tilespmem:s1+$0xA380] =	vst v3  }
.LBB2_96:
0x4d4: {  	p0 =	sne.s32 s24, $0x3F0;
	v3 =	vld [tilespmem:s26+$0x6400]  }
0x4d5: {  	s0 =	sor.u32 s28, s23;
	s23 =	smov.u32 s24;
	v4 =	vld [tilespmem:s26+$0x6380]  }
0x4d6: {  	s0 =	sor.u32 $0x380, s0  }
0x4d7: {  	v5 =	vld [tilespmem:s0+$0xA080];
	_ =	sdelay $0x2  }
.Ltmp47:
0x4d8: {  	v3 =	vadd.f32 v3, v4;
	(pc) =	sbr.rel @p0 .LBB2_96-.Ltmp47, $4  }
0x4d9: {  	_ = 	snop  }
0x4da: {  	s28 =	sadd.s32 $0x80, s28;
	v3 =	vadd.f32 v5, v3  }
0x4db: {  	s1 =	sand.u32 $0x70, s24;
	s26 =	sand.u32 $0x1C00, s28  }
0x4dc: {  	s24 =	sadd.s32 $0x10, s24;
	s26 =	sor.u32 s1, s26;
	[tilespmem:s0+$0xA080] =	vst v3  }
0x4dd: {  	v3 =	vld [tilespmem:s26+$0x6400]  }
0x4de: {  	v4 =	vld [tilespmem:s26+$0x6380];
	s0 =	sor.u32 s28, s23  }
0x4df: {  	s0 =	sor.u32 $0x380, s0  }
0x4e0: {  	v5 =	vld [tilespmem:s0+$0xA080];
	_ =	sdelay $0x2  }
0x4e1: {  	v3 =	vadd.f32 v3, v4;
	_ =	sdelay $0x1  }
0x4e2: {  	v3 =	vadd.f32 v5, v3;
	_ =	sdelay $0x1  }
0x4e3: {  	s23 =	simm.s32 $0x0;
	s1 =	rddreg [dreg:$0x10];
	[tilespmem:s0+$0xA080] =	vst v3  }
0x4e4: {  	[hbm4b:s1+s23] =	stream.linear.scatter [tilespmem:s17], [sflag:$0x5], $0x2000, $0x38;
	[tilespmem:$0xC080] =	vst v63  }
0x4e5: {  	_ =	swait.ge [sflag:s25], $0x2000  }
0x4e6: {  	[sflag:s25] =	ssyncset.done $0x0  }
0x4e7: {  	[sflag:s25] =	ssyncadd.s32 $0xFFFFE000  }
0x4e8: {  	v3 =	vld [tilespmem:$0x70];
	_ =	sdelay $0x4  }
0x4e9: {  	v4 =	vshll.u32 v3, $0x3  }
0x4ea: {  	v3 =	vand.u32 $0x7, v3;
	v4 =	vand.u32 $0xFFFFFFC0, v4  }
0x4eb: {  	v3 =	vor.u32 v3, v4  }
0x4ec: {  	v4 =	vperm.xlane v3, v0;
	_ =	sdelay $0x1  }
0x4ed: {  	v4 =	vadd.s32 v1, v4;
	_ =	sdelay $0x4  }
0x4ee: {  	[tilespmem:s9], [sflag:$0x2] =	stream.indirect_vreg.gather [hbm4b:s3+s23], $0x80, v4, vm0, $0xb8;
	[tilespmem:$0xC080] =	vst v63  }
0x4ef: {  	v3 =	vperm.xlane v3, v2  }
0x4f0: {  	[tilespmem:s10], [sflag:$0x2] =	stream.indirect_vreg.gather [hbm4b:s5+s23], $0x80, v4, vm0, $0xb8;
	[tilespmem:$0xC080] =	vst v63  }
0x4f1: {  	v3 =	vadd.s32 v1, v3  }
0x4f2: {  	[tilespmem:s11], [sflag:$0x2] =	stream.indirect_vreg.gather [hbm4b:s6+s23], $0x80, v4, vm0, $0xb8;
	[tilespmem:$0xC080] =	vst v63  }
0x4f3: {  	_ = 	snop  }
0x4f4: {  	[tilespmem:s12], [sflag:$0x2] =	stream.indirect_vreg.gather [hbm4b:s7+s23], $0x80, v4, vm0, $0xb8;
	[tilespmem:$0xC080] =	vst v63  }
0x4f5: {  	_ = 	snop  }
0x4f6: {  	[tilespmem:s13], [sflag:$0x2] =	stream.indirect_vreg.gather [hbm4b:s3+s23], $0x80, v3, vm0, $0xb8;
	[tilespmem:$0xC080] =	vst v63  }
0x4f7: {  	_ = 	snop  }
0x4f8: {  	[tilespmem:s14], [sflag:$0x2] =	stream.indirect_vreg.gather [hbm4b:s5+s23], $0x80, v3, vm0, $0xb8;
	[tilespmem:$0xC080] =	vst v63  }
0x4f9: {  	_ = 	snop  }
0x4fa: {  	[tilespmem:s15], [sflag:$0x2] =	stream.indirect_vreg.gather [hbm4b:s6+s23], $0x80, v3, vm0, $0xb8;
	[tilespmem:$0xC080] =	vst v63  }
0x4fb: {  	_ = 	snop  }
0x4fc: {  	[tilespmem:s16], [sflag:$0x2] =	stream.indirect_vreg.gather [hbm4b:s7+s23], $0x80, v3, vm0, $0xb8;
	[tilespmem:$0xC080] =	vst v63  }
0x4fd: {  	s24 =	rddreg [dreg:$0x11]  }
0x4fe: {  	[tilespmem:s17], [sflag:$0x4] =	stream.linear.gather [hbm4b:s24+s23], $0x2000, $0x38;
	[tilespmem:$0xC080] =	vst v63  }
0x4ff: {  	_ =	swait.ge [sflag:s18], $0x4000  }
0x500: {  	[sflag:s18] =	ssyncset.done $0x0  }
0x501: {  	[sflag:s18] =	ssyncadd.s32 $0xFFFFC000  }
0x502: {  	_ =	swait.ge [sflag:s19], $0x2000  }
0x503: {  	s26 =	sand.u32 $0x70, s23;
	s0 =	sand.u32 $0x1C00, s23;
	[sflag:s19] =	ssyncset.done $0x0  }
0x504: {  	s23 =	sor.u32 s26, s0;
	[sflag:s19] =	ssyncadd.s32 $0xFFFFE000  }
0x505: {  	v4 =	vld [tilespmem:s23+$0x80]  }
0x506: {  	v5 =	vld [tilespmem:s23+$0x100];
	_ =	sdelay $0x1  }
0x507: {  	v3 =	vld [tilespmem:s23+$0x8080];
	_ =	sdelay $0x1  }
0x508: {  	s30 =	simm.s32 $0x10;
	s26 =	simm.s32 $0x80  }
0x509: {  	s24 =	sand.u32 $0x70, s30;
	s31 =	sand.u32 $0x1C00, s26;
	v4 =	vadd.f32 v5, v4  }
0x50a: {  	s29 =	simm.s32 $0x20;
	s28 =	smov.u32 s23;
	s1 =	sor.u32 s24, s31  }
.LBB2_98:
0x50b: {  	p0 =	sne.s32 s29, $0x3F0;
	v5 =	vld [tilespmem:s1+$0x80];
	v3 =	vadd.f32 v3, v4  }
0x50c: {  	v4 =	vld [tilespmem:s1+$0x100]  }
0x50d: {  	[tilespmem:s28+$0x8080] =	vst v3;
	s28 =	smov.u32 s1  }
.Ltmp48:
0x50e: {  	v3 =	vld [tilespmem:s28+$0x8080];
	(pc) =	sbr.rel @p0 .LBB2_98-.Ltmp48, $4  }
0x50f: {  	_ = 	snop  }
0x510: {  	s26 =	sadd.s32 $0x80, s26  }
0x511: {  	s0 =	sand.u32 $0x70, s29;
	s1 =	sand.u32 $0x1C00, s26;
	v4 =	vadd.f32 v4, v5  }
0x512: {  	s29 =	sadd.s32 $0x10, s29;
	s1 =	sor.u32 s0, s1  }
0x513: {  	v5 =	vld [tilespmem:s1+$0x80];
	v3 =	vadd.f32 v3, v4  }
0x514: {  	v4 =	vld [tilespmem:s1+$0x100]  }
0x515: {  	[tilespmem:s28+$0x8080] =	vst v3  }
0x516: {  	v3 =	vld [tilespmem:s1+$0x8080];
	_ =	sdelay $0x2  }
0x517: {  	v4 =	vadd.f32 v4, v5;
	_ =	sdelay $0x1  }
0x518: {  	v3 =	vadd.f32 v3, v4;
	_ =	sdelay $0x1  }
0x519: {  	[tilespmem:s1+$0x8080] =	vst v3  }
0x51a: {  	v4 =	vld [tilespmem:s23+$0x180]  }
0x51b: {  	v5 =	vld [tilespmem:s23+$0x200];
	_ =	sdelay $0x1  }
0x51c: {  	v3 =	vld [tilespmem:s23+$0x8100];
	_ =	sdelay $0x1  }
0x51d: {  	s26 =	simm.s32 $0x80  }
0x51e: {  	s0 =	sand.u32 $0x1C00, s26;
	v4 =	vadd.f32 v5, v4  }
0x51f: {  	s24 =	sor.u32 s24, s0;
	s28 =	simm.s32 $0x20  }
.LBB2_100:
0x520: {  	p0 =	sne.s32 s28, $0x3F0;
	v5 =	vld [tilespmem:s24+$0x180];
	v3 =	vadd.f32 v3, v4  }
0x521: {  	v4 =	vld [tilespmem:s24+$0x200]  }
0x522: {  	[tilespmem:s23+$0x8100] =	vst v3;
	s23 =	smov.u32 s24  }
.Ltmp49:
0x523: {  	v3 =	vld [tilespmem:s23+$0x8100];
	(pc) =	sbr.rel @p0 .LBB2_100-.Ltmp49, $4  }
0x524: {  	_ = 	snop  }
0x525: {  	s26 =	sadd.s32 $0x80, s26  }
0x526: {  	s0 =	sand.u32 $0x70, s28;
	s1 =	sand.u32 $0x1C00, s26;
	v4 =	vadd.f32 v4, v5  }
0x527: {  	s28 =	sadd.s32 $0x10, s28;
	s24 =	sor.u32 s0, s1  }
0x528: {  	v5 =	vld [tilespmem:s24+$0x180];
	v3 =	vadd.f32 v3, v4  }
0x529: {  	v4 =	vld [tilespmem:s24+$0x200]  }
0x52a: {  	[tilespmem:s23+$0x8100] =	vst v3  }
0x52b: {  	v3 =	vld [tilespmem:s24+$0x8100];
	_ =	sdelay $0x2  }
0x52c: {  	v4 =	vadd.f32 v4, v5;
	_ =	sdelay $0x1  }
0x52d: {  	s26 =	simm.s32 $0x0;
	v3 =	vadd.f32 v3, v4  }
0x52e: {  	s0 =	sand.u32 $0x70, s26;
	s1 =	sand.u32 $0x1C00, s26  }
0x52f: {  	s23 =	sor.u32 s0, s1;
	[tilespmem:s24+$0x8100] =	vst v3  }
0x530: {  	v4 =	vld [tilespmem:s23+$0x280]  }
0x531: {  	v5 =	vld [tilespmem:s23+$0x300];
	_ =	sdelay $0x1  }
0x532: {  	v3 =	vld [tilespmem:s23+$0x8180];
	_ =	sdelay $0x1  }
0x533: {  	s29 =	simm.s32 $0x80;
	s24 =	simm.s32 $0x10  }
0x534: {  	s1 =	sand.u32 $0x1C00, s29;
	s28 =	sand.u32 $0x70, s24;
	v4 =	vadd.f32 v5, v4  }
0x535: {  	s31 =	simm.s32 $0x20;
	s30 =	smov.u32 s23;
	s1 =	sor.u32 s28, s1  }
.LBB2_102:
0x536: {  	p0 =	sne.s32 s31, $0x3F0;
	v5 =	vld [tilespmem:s1+$0x280];
	v3 =	vadd.f32 v3, v4  }
0x537: {  	v4 =	vld [tilespmem:s1+$0x300]  }
0x538: {  	[tilespmem:s30+$0x8180] =	vst v3;
	s30 =	smov.u32 s1  }
.Ltmp50:
0x539: {  	v3 =	vld [tilespmem:s30+$0x8180];
	(pc) =	sbr.rel @p0 .LBB2_102-.Ltmp50, $4  }
0x53a: {  	_ = 	snop  }
0x53b: {  	s29 =	sadd.s32 $0x80, s29  }
0x53c: {  	s0 =	sand.u32 $0x70, s31;
	s1 =	sand.u32 $0x1C00, s29;
	v4 =	vadd.f32 v4, v5  }
0x53d: {  	s31 =	sadd.s32 $0x10, s31;
	s1 =	sor.u32 s0, s1  }
0x53e: {  	v5 =	vld [tilespmem:s1+$0x280];
	v3 =	vadd.f32 v3, v4  }
0x53f: {  	v4 =	vld [tilespmem:s1+$0x300]  }
0x540: {  	[tilespmem:s30+$0x8180] =	vst v3  }
0x541: {  	v3 =	vld [tilespmem:s1+$0x8180];
	_ =	sdelay $0x2  }
0x542: {  	v4 =	vadd.f32 v4, v5;
	_ =	sdelay $0x1  }
0x543: {  	v3 =	vadd.f32 v3, v4;
	_ =	sdelay $0x1  }
0x544: {  	s0 =	sor.u32 s26, s26;
	[tilespmem:s1+$0x8180] =	vst v3  }
0x545: {  	s0 =	sor.u32 $0x380, s0;
	v3 =	vld [tilespmem:s23+$0x380]  }
0x546: {  	v4 =	vld [tilespmem:s0+$0x80];
	_ =	sdelay $0x1  }
0x547: {  	v5 =	vld [tilespmem:s23+$0x8200];
	_ =	sdelay $0x2  }
0x548: {  	v3 =	vadd.f32 v4, v3  }
0x549: {  	s26 =	simm.s32 $0x80  }
0x54a: {  	s31 =	sand.u32 $0x1C00, s26;
	v3 =	vadd.f32 v5, v3  }
0x54b: {  	s28 =	sor.u32 s28, s31;
	s1 =	sor.u32 s26, s24;
	s24 =	simm.s32 $0x20  }
.LBB2_104:
0x54c: {  	p0 =	sne.s32 s24, $0x3F0;
	v4 =	vld [tilespmem:s28+$0x380];
	s0 =	sor.u32 $0x380, s1;
	[tilespmem:s23+$0x8200] =	vst v3  }
0x54d: {  	s23 =	smov.u32 s28;
	v3 =	vld [tilespmem:s0+$0x80];
	_ =	sdelay $0x1  }
0x54e: {  	v5 =	vld [tilespmem:s23+$0x8200];
	_ =	sdelay $0x1  }
.Ltmp51:
0x54f: {  	(pc) =	sbr.rel @p0 .LBB2_104-.Ltmp51, $4  }
0x550: {  	v3 =	vadd.f32 v3, v4  }
0x551: {  	s26 =	sadd.s32 $0x80, s26  }
0x552: {  	s0 =	sand.u32 $0x70, s24;
	s1 =	sand.u32 $0x1C00, s26;
	v3 =	vadd.f32 v5, v3  }
0x553: {  	s28 =	sor.u32 s0, s1;
	s1 =	sor.u32 s26, s24;
	s24 =	sadd.s32 $0x10, s24  }
0x554: {  	v4 =	vld [tilespmem:s28+$0x380];
	s0 =	sor.u32 $0x380, s1;
	[tilespmem:s23+$0x8200] =	vst v3  }
0x555: {  	v3 =	vld [tilespmem:s0+$0x80];
	_ =	sdelay $0x1  }
0x556: {  	v5 =	vld [tilespmem:s28+$0x8200];
	_ =	sdelay $0x2  }
0x557: {  	v3 =	vadd.f32 v3, v4;
	_ =	sdelay $0x1  }
0x558: {  	s24 =	simm.s32 $0x0;
	v3 =	vadd.f32 v5, v3  }
0x559: {  	s26 =	sand.u32 $0x70, s24;
	s0 =	sand.u32 $0x1C00, s24  }
0x55a: {  	s23 =	sor.u32 s26, s0;
	[tilespmem:s28+$0x8200] =	vst v3  }
0x55b: {  	v4 =	vld [tilespmem:s23+$0x2080]  }
0x55c: {  	v5 =	vld [tilespmem:s23+$0x2100];
	_ =	sdelay $0x1  }
0x55d: {  	v3 =	vld [tilespmem:s23+$0x8280];
	_ =	sdelay $0x1  }
0x55e: {  	s30 =	simm.s32 $0x10;
	s26 =	simm.s32 $0x80  }
0x55f: {  	s24 =	sand.u32 $0x70, s30;
	s31 =	sand.u32 $0x1C00, s26;
	v4 =	vadd.f32 v5, v4  }
0x560: {  	s29 =	simm.s32 $0x20;
	s1 =	sor.u32 s24, s31;
	s28 =	smov.u32 s23  }
.LBB2_106:
0x561: {  	p0 =	sne.s32 s29, $0x3F0;
	v5 =	vld [tilespmem:s1+$0x2080];
	v3 =	vadd.f32 v3, v4  }
0x562: {  	v4 =	vld [tilespmem:s1+$0x2100]  }
0x563: {  	[tilespmem:s28+$0x8280] =	vst v3;
	s28 =	smov.u32 s1  }
.Ltmp52:
0x564: {  	v3 =	vld [tilespmem:s28+$0x8280];
	(pc) =	sbr.rel @p0 .LBB2_106-.Ltmp52, $4  }
0x565: {  	_ = 	snop  }
0x566: {  	s26 =	sadd.s32 $0x80, s26  }
0x567: {  	s0 =	sand.u32 $0x70, s29;
	s1 =	sand.u32 $0x1C00, s26;
	v4 =	vadd.f32 v4, v5  }
0x568: {  	s29 =	sadd.s32 $0x10, s29;
	s1 =	sor.u32 s0, s1  }
0x569: {  	v5 =	vld [tilespmem:s1+$0x2080];
	v3 =	vadd.f32 v3, v4  }
0x56a: {  	v4 =	vld [tilespmem:s1+$0x2100]  }
0x56b: {  	[tilespmem:s28+$0x8280] =	vst v3  }
0x56c: {  	v3 =	vld [tilespmem:s1+$0x8280];
	_ =	sdelay $0x2  }
0x56d: {  	v4 =	vadd.f32 v4, v5;
	_ =	sdelay $0x1  }
0x56e: {  	v3 =	vadd.f32 v3, v4;
	_ =	sdelay $0x1  }
0x56f: {  	[tilespmem:s1+$0x8280] =	vst v3  }
0x570: {  	v4 =	vld [tilespmem:s23+$0x2180]  }
0x571: {  	v5 =	vld [tilespmem:s23+$0x2200];
	_ =	sdelay $0x1  }
0x572: {  	v3 =	vld [tilespmem:s23+$0x8300];
	_ =	sdelay $0x1  }
0x573: {  	s26 =	simm.s32 $0x80  }
0x574: {  	s0 =	sand.u32 $0x1C00, s26;
	v4 =	vadd.f32 v5, v4  }
0x575: {  	s24 =	sor.u32 s24, s0;
	s28 =	simm.s32 $0x20  }
.LBB2_108:
0x576: {  	p0 =	sne.s32 s28, $0x3F0;
	v5 =	vld [tilespmem:s24+$0x2180];
	v3 =	vadd.f32 v3, v4  }
0x577: {  	v4 =	vld [tilespmem:s24+$0x2200]  }
0x578: {  	[tilespmem:s23+$0x8300] =	vst v3;
	s23 =	smov.u32 s24  }
.Ltmp53:
0x579: {  	v3 =	vld [tilespmem:s23+$0x8300];
	(pc) =	sbr.rel @p0 .LBB2_108-.Ltmp53, $4  }
0x57a: {  	_ = 	snop  }
0x57b: {  	s26 =	sadd.s32 $0x80, s26  }
0x57c: {  	s0 =	sand.u32 $0x70, s28;
	s1 =	sand.u32 $0x1C00, s26;
	v4 =	vadd.f32 v4, v5  }
0x57d: {  	s28 =	sadd.s32 $0x10, s28;
	s24 =	sor.u32 s0, s1  }
0x57e: {  	v5 =	vld [tilespmem:s24+$0x2180];
	v3 =	vadd.f32 v3, v4  }
0x57f: {  	v4 =	vld [tilespmem:s24+$0x2200]  }
0x580: {  	[tilespmem:s23+$0x8300] =	vst v3  }
0x581: {  	v3 =	vld [tilespmem:s24+$0x8300];
	_ =	sdelay $0x2  }
0x582: {  	v4 =	vadd.f32 v4, v5;
	_ =	sdelay $0x1  }
0x583: {  	s23 =	simm.s32 $0x0;
	v3 =	vadd.f32 v3, v4  }
0x584: {  	s0 =	sand.u32 $0x70, s23;
	s1 =	sand.u32 $0x1C00, s23  }
0x585: {  	s26 =	sor.u32 s0, s1;
	[tilespmem:s24+$0x8300] =	vst v3  }
0x586: {  	v4 =	vld [tilespmem:s26+$0x2280]  }
0x587: {  	v5 =	vld [tilespmem:s26+$0x2300];
	_ =	sdelay $0x1  }
0x588: {  	v3 =	vld [tilespmem:s26+$0x8380];
	_ =	sdelay $0x1  }
0x589: {  	s28 =	simm.s32 $0x80;
	s24 =	simm.s32 $0x10  }
0x58a: {  	s31 =	sand.u32 $0x1C00, s28;
	s1 =	sand.u32 $0x70, s24;
	v4 =	vadd.f32 v5, v4  }
0x58b: {  	s30 =	simm.s32 $0x20;
	s29 =	smov.u32 s26;
	s1 =	sor.u32 s1, s31  }
.LBB2_110:
0x58c: {  	p0 =	sne.s32 s30, $0x3F0;
	v5 =	vld [tilespmem:s1+$0x2280];
	v3 =	vadd.f32 v3, v4  }
0x58d: {  	v4 =	vld [tilespmem:s1+$0x2300]  }
0x58e: {  	[tilespmem:s29+$0x8380] =	vst v3;
	s29 =	smov.u32 s1  }
.Ltmp54:
0x58f: {  	v3 =	vld [tilespmem:s29+$0x8380];
	(pc) =	sbr.rel @p0 .LBB2_110-.Ltmp54, $4  }
0x590: {  	_ = 	snop  }
0x591: {  	s28 =	sadd.s32 $0x80, s28  }
0x592: {  	s0 =	sand.u32 $0x70, s30;
	s1 =	sand.u32 $0x1C00, s28;
	v4 =	vadd.f32 v4, v5  }
0x593: {  	s30 =	sadd.s32 $0x10, s30;
	s1 =	sor.u32 s0, s1  }
0x594: {  	v5 =	vld [tilespmem:s1+$0x2280];
	v3 =	vadd.f32 v3, v4  }
0x595: {  	v63 =	vld [tilespmem:s1+$0x2300]  }
0x596: {  	[tilespmem:s29+$0x8380] =	vst v3  }
0x597: {  	v3 =	vld [tilespmem:s1+$0x8380];
	_ =	sdelay $0x2  }
0x598: {  	v4 =	vadd.f32 v63, v5;
	_ =	sdelay $0x1  }
0x599: {  	v3 =	vadd.f32 v3, v4;
	_ =	sdelay $0x1  }
0x59a: {  	s28 =	simm.s32 $0x0;
	[tilespmem:s1+$0x8380] =	vst v3  }
.LBB2_112:
0x59b: {  	p0 =	sne.s32 s24, $0x3F0;
	v3 =	vld [tilespmem:s26+$0x2400]  }
0x59c: {  	s0 =	sor.u32 s28, s23;
	s23 =	smov.u32 s24;
	v4 =	vld [tilespmem:s26+$0x2380]  }
0x59d: {  	s0 =	sor.u32 $0x380, s0  }
0x59e: {  	v5 =	vld [tilespmem:s0+$0x8080];
	_ =	sdelay $0x2  }
.Ltmp55:
0x59f: {  	v3 =	vadd.f32 v3, v4;
	(pc) =	sbr.rel @p0 .LBB2_112-.Ltmp55, $4  }
0x5a0: {  	_ = 	snop  }
0x5a1: {  	s28 =	sadd.s32 $0x80, s28;
	v3 =	vadd.f32 v5, v3  }
0x5a2: {  	s1 =	sand.u32 $0x70, s24;
	s26 =	sand.u32 $0x1C00, s28  }
0x5a3: {  	s24 =	sadd.s32 $0x10, s24;
	s26 =	sor.u32 s1, s26;
	[tilespmem:s0+$0x8080] =	vst v3  }
0x5a4: {  	v3 =	vld [tilespmem:s26+$0x2400]  }
0x5a5: {  	v4 =	vld [tilespmem:s26+$0x2380];
	s0 =	sor.u32 s28, s23  }
0x5a6: {  	s0 =	sor.u32 $0x380, s0  }
0x5a7: {  	v5 =	vld [tilespmem:s0+$0x8080];
	_ =	sdelay $0x2  }
0x5a8: {  	v3 =	vadd.f32 v3, v4;
	_ =	sdelay $0x1  }
0x5a9: {  	v3 =	vadd.f32 v5, v3;
	_ =	sdelay $0x1  }
0x5aa: {  	s24 =	simm.s32 $0x0;
	s1 =	rddreg [dreg:$0x12];
	[tilespmem:s0+$0x8080] =	vst v3  }
0x5ab: {  	[hbm4b:s1+s24] =	stream.linear.scatter [tilespmem:s8], [sflag:$0x5], $0x2000, $0x38;
	[tilespmem:$0xC080] =	vst v63  }
0x5ac: {  	_ =	swait.ge [sflag:s25], $0x2000  }
0x5ad: {  	[sflag:s25] =	ssyncset.done $0x0  }
0x5ae: {  	[sflag:s25] =	ssyncadd.s32 $0xFFFFE000  }
0x5af: {  	_ =	swait.ge [sflag:s20], $0x4000  }
0x5b0: {  	[sflag:s20] =	ssyncset.done $0x0  }
0x5b1: {  	[sflag:s20] =	ssyncadd.s32 $0xFFFFC000  }
0x5b2: {  	_ =	swait.ge [sflag:s21], $0x2000  }
0x5b3: {  	s26 =	sand.u32 $0x70, s24;
	s0 =	sand.u32 $0x1C00, s24;
	[sflag:s21] =	ssyncset.done $0x0  }
0x5b4: {  	s23 =	sor.u32 s26, s0;
	[sflag:s21] =	ssyncadd.s32 $0xFFFFE000  }
0x5b5: {  	v4 =	vld [tilespmem:s23+$0x4080]  }
0x5b6: {  	v5 =	vld [tilespmem:s23+$0x4100];
	_ =	sdelay $0x1  }
0x5b7: {  	v3 =	vld [tilespmem:s23+$0xA080];
	_ =	sdelay $0x1  }
0x5b8: {  	s30 =	simm.s32 $0x10;
	s26 =	simm.s32 $0x80  }
0x5b9: {  	s24 =	sand.u32 $0x70, s30;
	s31 =	sand.u32 $0x1C00, s26;
	v4 =	vadd.f32 v5, v4  }
0x5ba: {  	s29 =	simm.s32 $0x20;
	s28 =	smov.u32 s23;
	s1 =	sor.u32 s24, s31  }
.LBB2_114:
0x5bb: {  	p0 =	sne.s32 s29, $0x3F0;
	v5 =	vld [tilespmem:s1+$0x4080];
	v3 =	vadd.f32 v3, v4  }
0x5bc: {  	v4 =	vld [tilespmem:s1+$0x4100]  }
0x5bd: {  	[tilespmem:s28+$0xA080] =	vst v3;
	s28 =	smov.u32 s1  }
.Ltmp56:
0x5be: {  	v3 =	vld [tilespmem:s28+$0xA080];
	(pc) =	sbr.rel @p0 .LBB2_114-.Ltmp56, $4  }
0x5bf: {  	_ = 	snop  }
0x5c0: {  	s26 =	sadd.s32 $0x80, s26  }
0x5c1: {  	s0 =	sand.u32 $0x70, s29;
	s1 =	sand.u32 $0x1C00, s26;
	v4 =	vadd.f32 v4, v5  }
0x5c2: {  	s29 =	sadd.s32 $0x10, s29;
	s1 =	sor.u32 s0, s1  }
0x5c3: {  	v5 =	vld [tilespmem:s1+$0x4080];
	v3 =	vadd.f32 v3, v4  }
0x5c4: {  	v4 =	vld [tilespmem:s1+$0x4100]  }
0x5c5: {  	[tilespmem:s28+$0xA080] =	vst v3  }
0x5c6: {  	v3 =	vld [tilespmem:s1+$0xA080];
	_ =	sdelay $0x2  }
0x5c7: {  	v4 =	vadd.f32 v4, v5;
	_ =	sdelay $0x1  }
0x5c8: {  	v3 =	vadd.f32 v3, v4;
	_ =	sdelay $0x1  }
0x5c9: {  	[tilespmem:s1+$0xA080] =	vst v3  }
0x5ca: {  	v4 =	vld [tilespmem:s23+$0x4180]  }
0x5cb: {  	v5 =	vld [tilespmem:s23+$0x4200];
	_ =	sdelay $0x1  }
0x5cc: {  	v3 =	vld [tilespmem:s23+$0xA100];
	_ =	sdelay $0x1  }
0x5cd: {  	s26 =	simm.s32 $0x80  }
0x5ce: {  	s0 =	sand.u32 $0x1C00, s26;
	v4 =	vadd.f32 v5, v4  }
0x5cf: {  	s24 =	sor.u32 s24, s0;
	s28 =	simm.s32 $0x20  }
.LBB2_116:
0x5d0: {  	p0 =	sne.s32 s28, $0x3F0;
	v5 =	vld [tilespmem:s24+$0x4180];
	v3 =	vadd.f32 v3, v4  }
0x5d1: {  	v4 =	vld [tilespmem:s24+$0x4200]  }
0x5d2: {  	[tilespmem:s23+$0xA100] =	vst v3;
	s23 =	smov.u32 s24  }
.Ltmp57:
0x5d3: {  	v3 =	vld [tilespmem:s23+$0xA100];
	(pc) =	sbr.rel @p0 .LBB2_116-.Ltmp57, $4  }
0x5d4: {  	_ = 	snop  }
0x5d5: {  	s26 =	sadd.s32 $0x80, s26  }
0x5d6: {  	s0 =	sand.u32 $0x70, s28;
	s1 =	sand.u32 $0x1C00, s26;
	v4 =	vadd.f32 v4, v5  }
0x5d7: {  	s28 =	sadd.s32 $0x10, s28;
	s24 =	sor.u32 s0, s1  }
0x5d8: {  	v5 =	vld [tilespmem:s24+$0x4180];
	v3 =	vadd.f32 v3, v4  }
0x5d9: {  	v4 =	vld [tilespmem:s24+$0x4200]  }
0x5da: {  	[tilespmem:s23+$0xA100] =	vst v3  }
0x5db: {  	v3 =	vld [tilespmem:s24+$0xA100];
	_ =	sdelay $0x2  }
0x5dc: {  	v4 =	vadd.f32 v4, v5;
	_ =	sdelay $0x1  }
0x5dd: {  	s26 =	simm.s32 $0x0;
	v3 =	vadd.f32 v3, v4  }
0x5de: {  	s0 =	sand.u32 $0x70, s26;
	s1 =	sand.u32 $0x1C00, s26  }
0x5df: {  	s23 =	sor.u32 s0, s1;
	[tilespmem:s24+$0xA100] =	vst v3  }
0x5e0: {  	v4 =	vld [tilespmem:s23+$0x4280]  }
0x5e1: {  	v5 =	vld [tilespmem:s23+$0x4300];
	_ =	sdelay $0x1  }
0x5e2: {  	v3 =	vld [tilespmem:s23+$0xA180];
	_ =	sdelay $0x1  }
0x5e3: {  	s29 =	simm.s32 $0x80;
	s24 =	simm.s32 $0x10  }
0x5e4: {  	s1 =	sand.u32 $0x1C00, s29;
	s28 =	sand.u32 $0x70, s24;
	v4 =	vadd.f32 v5, v4  }
0x5e5: {  	s31 =	simm.s32 $0x20;
	s30 =	smov.u32 s23;
	s1 =	sor.u32 s28, s1  }
.LBB2_118:
0x5e6: {  	p0 =	sne.s32 s31, $0x3F0;
	v5 =	vld [tilespmem:s1+$0x4280];
	v3 =	vadd.f32 v3, v4  }
0x5e7: {  	v4 =	vld [tilespmem:s1+$0x4300]  }
0x5e8: {  	[tilespmem:s30+$0xA180] =	vst v3;
	s30 =	smov.u32 s1  }
.Ltmp58:
0x5e9: {  	v3 =	vld [tilespmem:s30+$0xA180];
	(pc) =	sbr.rel @p0 .LBB2_118-.Ltmp58, $4  }
0x5ea: {  	_ = 	snop  }
0x5eb: {  	s29 =	sadd.s32 $0x80, s29  }
0x5ec: {  	s0 =	sand.u32 $0x70, s31;
	s1 =	sand.u32 $0x1C00, s29;
	v4 =	vadd.f32 v4, v5  }
0x5ed: {  	s31 =	sadd.s32 $0x10, s31;
	s1 =	sor.u32 s0, s1  }
0x5ee: {  	v5 =	vld [tilespmem:s1+$0x4280];
	v3 =	vadd.f32 v3, v4  }
0x5ef: {  	v4 =	vld [tilespmem:s1+$0x4300]  }
0x5f0: {  	[tilespmem:s30+$0xA180] =	vst v3  }
0x5f1: {  	v3 =	vld [tilespmem:s1+$0xA180];
	_ =	sdelay $0x2  }
0x5f2: {  	v4 =	vadd.f32 v4, v5;
	_ =	sdelay $0x1  }
0x5f3: {  	v3 =	vadd.f32 v3, v4;
	_ =	sdelay $0x1  }
0x5f4: {  	s0 =	sor.u32 s26, s26;
	[tilespmem:s1+$0xA180] =	vst v3  }
0x5f5: {  	s0 =	sor.u32 $0x380, s0;
	v3 =	vld [tilespmem:s23+$0x4380]  }
0x5f6: {  	v4 =	vld [tilespmem:s0+$0x4080];
	_ =	sdelay $0x1  }
0x5f7: {  	v5 =	vld [tilespmem:s23+$0xA200];
	_ =	sdelay $0x2  }
0x5f8: {  	v3 =	vadd.f32 v4, v3  }
0x5f9: {  	s26 =	simm.s32 $0x80  }
0x5fa: {  	s31 =	sand.u32 $0x1C00, s26;
	v3 =	vadd.f32 v5, v3  }
0x5fb: {  	s28 =	sor.u32 s28, s31;
	s1 =	sor.u32 s26, s24;
	s24 =	simm.s32 $0x20  }
.LBB2_120:
0x5fc: {  	p0 =	sne.s32 s24, $0x3F0;
	v4 =	vld [tilespmem:s28+$0x4380];
	s0 =	sor.u32 $0x380, s1;
	[tilespmem:s23+$0xA200] =	vst v3  }
0x5fd: {  	s23 =	smov.u32 s28;
	v3 =	vld [tilespmem:s0+$0x4080];
	_ =	sdelay $0x1  }
0x5fe: {  	v5 =	vld [tilespmem:s23+$0xA200];
	_ =	sdelay $0x1  }
.Ltmp59:
0x5ff: {  	(pc) =	sbr.rel @p0 .LBB2_120-.Ltmp59, $4  }
0x600: {  	v3 =	vadd.f32 v3, v4  }
0x601: {  	s26 =	sadd.s32 $0x80, s26  }
0x602: {  	s0 =	sand.u32 $0x70, s24;
	s1 =	sand.u32 $0x1C00, s26;
	v3 =	vadd.f32 v5, v3  }
0x603: {  	s28 =	sor.u32 s0, s1;
	s1 =	sor.u32 s26, s24;
	s24 =	sadd.s32 $0x10, s24  }
0x604: {  	v4 =	vld [tilespmem:s28+$0x4380];
	s0 =	sor.u32 $0x380, s1;
	[tilespmem:s23+$0xA200] =	vst v3  }
0x605: {  	v3 =	vld [tilespmem:s0+$0x4080];
	_ =	sdelay $0x1  }
0x606: {  	v5 =	vld [tilespmem:s28+$0xA200];
	_ =	sdelay $0x2  }
0x607: {  	v3 =	vadd.f32 v3, v4;
	_ =	sdelay $0x1  }
0x608: {  	s24 =	simm.s32 $0x0;
	v3 =	vadd.f32 v5, v3  }
0x609: {  	s26 =	sand.u32 $0x70, s24;
	s0 =	sand.u32 $0x1C00, s24  }
0x60a: {  	s23 =	sor.u32 s26, s0;
	[tilespmem:s28+$0xA200] =	vst v3  }
0x60b: {  	v4 =	vld [tilespmem:s23+$0x6080]  }
0x60c: {  	v5 =	vld [tilespmem:s23+$0x6100];
	_ =	sdelay $0x1  }
0x60d: {  	v3 =	vld [tilespmem:s23+$0xA280];
	_ =	sdelay $0x1  }
0x60e: {  	s30 =	simm.s32 $0x10;
	s26 =	simm.s32 $0x80  }
0x60f: {  	s24 =	sand.u32 $0x70, s30;
	s31 =	sand.u32 $0x1C00, s26;
	v4 =	vadd.f32 v5, v4  }
0x610: {  	s29 =	simm.s32 $0x20;
	s1 =	sor.u32 s24, s31;
	s28 =	smov.u32 s23  }
.LBB2_122:
0x611: {  	p0 =	sne.s32 s29, $0x3F0;
	v5 =	vld [tilespmem:s1+$0x6080];
	v3 =	vadd.f32 v3, v4  }
0x612: {  	v4 =	vld [tilespmem:s1+$0x6100]  }
0x613: {  	[tilespmem:s28+$0xA280] =	vst v3;
	s28 =	smov.u32 s1  }
.Ltmp60:
0x614: {  	v3 =	vld [tilespmem:s28+$0xA280];
	(pc) =	sbr.rel @p0 .LBB2_122-.Ltmp60, $4  }
0x615: {  	_ = 	snop  }
0x616: {  	s26 =	sadd.s32 $0x80, s26  }
0x617: {  	s0 =	sand.u32 $0x70, s29;
	s1 =	sand.u32 $0x1C00, s26;
	v4 =	vadd.f32 v4, v5  }
0x618: {  	s29 =	sadd.s32 $0x10, s29;
	s1 =	sor.u32 s0, s1  }
0x619: {  	v5 =	vld [tilespmem:s1+$0x6080];
	v3 =	vadd.f32 v3, v4  }
0x61a: {  	v4 =	vld [tilespmem:s1+$0x6100]  }
0x61b: {  	[tilespmem:s28+$0xA280] =	vst v3  }
0x61c: {  	v3 =	vld [tilespmem:s1+$0xA280];
	_ =	sdelay $0x2  }
0x61d: {  	v4 =	vadd.f32 v4, v5;
	_ =	sdelay $0x1  }
0x61e: {  	v3 =	vadd.f32 v3, v4;
	_ =	sdelay $0x1  }
0x61f: {  	[tilespmem:s1+$0xA280] =	vst v3  }
0x620: {  	v4 =	vld [tilespmem:s23+$0x6180]  }
0x621: {  	v5 =	vld [tilespmem:s23+$0x6200];
	_ =	sdelay $0x1  }
0x622: {  	v3 =	vld [tilespmem:s23+$0xA300];
	_ =	sdelay $0x1  }
0x623: {  	s26 =	simm.s32 $0x80  }
0x624: {  	s0 =	sand.u32 $0x1C00, s26;
	v4 =	vadd.f32 v5, v4  }
0x625: {  	s24 =	sor.u32 s24, s0;
	s28 =	simm.s32 $0x20  }
.LBB2_124:
0x626: {  	p0 =	sne.s32 s28, $0x3F0;
	v5 =	vld [tilespmem:s24+$0x6180];
	v3 =	vadd.f32 v3, v4  }
0x627: {  	v4 =	vld [tilespmem:s24+$0x6200]  }
0x628: {  	[tilespmem:s23+$0xA300] =	vst v3;
	s23 =	smov.u32 s24  }
.Ltmp61:
0x629: {  	v3 =	vld [tilespmem:s23+$0xA300];
	(pc) =	sbr.rel @p0 .LBB2_124-.Ltmp61, $4  }
0x62a: {  	_ = 	snop  }
0x62b: {  	s26 =	sadd.s32 $0x80, s26  }
0x62c: {  	s0 =	sand.u32 $0x70, s28;
	s1 =	sand.u32 $0x1C00, s26;
	v4 =	vadd.f32 v4, v5  }
0x62d: {  	s28 =	sadd.s32 $0x10, s28;
	s24 =	sor.u32 s0, s1  }
0x62e: {  	v5 =	vld [tilespmem:s24+$0x6180];
	v3 =	vadd.f32 v3, v4  }
0x62f: {  	v4 =	vld [tilespmem:s24+$0x6200]  }
0x630: {  	[tilespmem:s23+$0xA300] =	vst v3  }
0x631: {  	v3 =	vld [tilespmem:s24+$0xA300];
	_ =	sdelay $0x2  }
0x632: {  	v4 =	vadd.f32 v4, v5;
	_ =	sdelay $0x1  }
0x633: {  	s23 =	simm.s32 $0x0;
	v3 =	vadd.f32 v3, v4  }
0x634: {  	s0 =	sand.u32 $0x70, s23;
	s1 =	sand.u32 $0x1C00, s23  }
0x635: {  	s26 =	sor.u32 s0, s1;
	[tilespmem:s24+$0xA300] =	vst v3  }
0x636: {  	v4 =	vld [tilespmem:s26+$0x6280]  }
0x637: {  	v5 =	vld [tilespmem:s26+$0x6300];
	_ =	sdelay $0x1  }
0x638: {  	v3 =	vld [tilespmem:s26+$0xA380];
	_ =	sdelay $0x1  }
0x639: {  	s28 =	simm.s32 $0x80;
	s24 =	simm.s32 $0x10  }
0x63a: {  	s31 =	sand.u32 $0x1C00, s28;
	s1 =	sand.u32 $0x70, s24;
	v4 =	vadd.f32 v5, v4  }
0x63b: {  	s30 =	simm.s32 $0x20;
	s29 =	smov.u32 s26;
	s1 =	sor.u32 s1, s31  }
.LBB2_126:
0x63c: {  	p0 =	sne.s32 s30, $0x3F0;
	v5 =	vld [tilespmem:s1+$0x6280];
	v3 =	vadd.f32 v3, v4  }
0x63d: {  	v4 =	vld [tilespmem:s1+$0x6300]  }
0x63e: {  	[tilespmem:s29+$0xA380] =	vst v3;
	s29 =	smov.u32 s1  }
.Ltmp62:
0x63f: {  	v3 =	vld [tilespmem:s29+$0xA380];
	(pc) =	sbr.rel @p0 .LBB2_126-.Ltmp62, $4  }
0x640: {  	_ = 	snop  }
0x641: {  	s28 =	sadd.s32 $0x80, s28  }
0x642: {  	s0 =	sand.u32 $0x70, s30;
	s1 =	sand.u32 $0x1C00, s28;
	v4 =	vadd.f32 v4, v5  }
0x643: {  	s30 =	sadd.s32 $0x10, s30;
	s1 =	sor.u32 s0, s1  }
0x644: {  	v5 =	vld [tilespmem:s1+$0x6280];
	v3 =	vadd.f32 v3, v4  }
0x645: {  	v63 =	vld [tilespmem:s1+$0x6300]  }
0x646: {  	[tilespmem:s29+$0xA380] =	vst v3  }
0x647: {  	v3 =	vld [tilespmem:s1+$0xA380];
	_ =	sdelay $0x2  }
0x648: {  	v4 =	vadd.f32 v63, v5;
	_ =	sdelay $0x1  }
0x649: {  	v3 =	vadd.f32 v3, v4;
	_ =	sdelay $0x1  }
0x64a: {  	s28 =	simm.s32 $0x0;
	[tilespmem:s1+$0xA380] =	vst v3  }
.LBB2_128:
0x64b: {  	p0 =	sne.s32 s24, $0x3F0;
	v3 =	vld [tilespmem:s26+$0x6400]  }
0x64c: {  	s0 =	sor.u32 s28, s23;
	s23 =	smov.u32 s24;
	v4 =	vld [tilespmem:s26+$0x6380]  }
0x64d: {  	s0 =	sor.u32 $0x380, s0  }
0x64e: {  	v5 =	vld [tilespmem:s0+$0xA080];
	_ =	sdelay $0x2  }
.Ltmp63:
0x64f: {  	v3 =	vadd.f32 v3, v4;
	(pc) =	sbr.rel @p0 .LBB2_128-.Ltmp63, $4  }
0x650: {  	_ = 	snop  }
0x651: {  	s28 =	sadd.s32 $0x80, s28;
	v3 =	vadd.f32 v5, v3  }
0x652: {  	s1 =	sand.u32 $0x70, s24;
	s26 =	sand.u32 $0x1C00, s28  }
0x653: {  	s24 =	sadd.s32 $0x10, s24;
	s26 =	sor.u32 s1, s26;
	[tilespmem:s0+$0xA080] =	vst v3  }
0x654: {  	v3 =	vld [tilespmem:s26+$0x6400]  }
0x655: {  	v4 =	vld [tilespmem:s26+$0x6380];
	s0 =	sor.u32 s28, s23  }
0x656: {  	s0 =	sor.u32 $0x380, s0  }
0x657: {  	v5 =	vld [tilespmem:s0+$0xA080];
	_ =	sdelay $0x2  }
0x658: {  	v3 =	vadd.f32 v3, v4;
	_ =	sdelay $0x1  }
0x659: {  	v3 =	vadd.f32 v5, v3;
	_ =	sdelay $0x1  }
0x65a: {  	s30 =	rddreg [dreg:$0x13];
	[tilespmem:s0+$0xA080] =	vst v3  }
0x65b: {  	[hbm4b:s30+s2] =	stream.linear.scatter [tilespmem:s17], [sflag:$0x5], $0x2000, $0x38;
	[tilespmem:$0xC080] =	vst v63  }
0x65c: {  	_ =	swait.ge [sflag:s25], $0x2000  }
0x65d: {  	s22 =	sadd.s32 $0x1, s22;
	s31 =	rddreg [dreg:$0x14]  }
0x65e: {  	p0 =	sne.s32 s22, s31  }
.Ltmp64:
0x65f: {  	_ = 	snop;
	(pc) =	sbr.rel @p0 .LBB2_1-.Ltmp64, $3  }
0x660: {  	_ =	sdelay $0x1  }
0x661: {  	[sflag:s25] =	ssyncset.done $0x0  }
0x662: {  	[sflag:s25] =	ssyncadd.s32 $0xFFFFE000  }
0x663: {  	_ =	sfence.sel $0x180000  }
0x664: {  	[bflag:$0x0] =	sbarrier.arrive $0xFFFF  }
0x665: {  	_ =	strace $0x90000050  }
0x666: {  	s0 =	stileid.u32;
	[bflag:$0x2] =	sbarrier.arrive $0xFFFF  }
0x667: {  	p0 =	sne.s32 s0, $0x0;
	s0 =	rddreg [dreg:$0x2]  }
0x668: {  	s0 =	sadd.s32 @!p0 $0x100000, s0  }
0x669: {  	[sflag:s0] =	ssyncadd.tile.s32 @!p0 $0x1;
	_ =	shalt  }
.Lfunc_end2:
_tile_overlayer_lowered:
.L_overlay_start_2:
0x66a: {  	(tag) =	ssettag $0x2  }
0x66b: {  	s0 =	rddreg [dreg:$0x0];
	s2 =	stileid.u32  }
0x66c: {  	s1 =	rddreg [dreg:$0x1];
	p0 =	sne.s32 s2, $0x0  }
0x66d: {  	s3 =	rddreg [dreg:$0x2];
	[bflag:$0x3] =	sbarrier.arrive $0xFFFF;
	s2 =	simm.s32 @!p0 $0x1C05  }
0x66e: {  	[timem:s3], [sflag:s2] =	dma.local @!p0 [hbm:s0], s1  }
0x66f: {  	s0 =	simm.s32 @!p0 $0x5  }
0x670: {  	_ =	swait.ge @!p0 [sflag:s0], s1  }
0x671: {  	s1 =	ssub.s32 @!p0 $0x0, s1;
	[sflag:s0] =	ssyncset.done @!p0 $0x0  }
0x672: {  	[sflag:s0] =	ssyncadd.s32 @!p0 s1  }
0x673: {  	[bflag:$0x3] =	sbarrier.arrive $0xFFFF  }
0x674: {  	_ =	shalt  }

</sc_bundles>
